<compile_context>
chip_gen: v7x
topology: tpu7x:2x2x1
jax: 0.10.2.dev20260603
libtpu: 0.0.44.dev20260713+nightly
codegen_flags: <defaults>
</compile_context>

<pallas_src>
import functools

import jax
import jax.numpy as jnp
from jax import lax
from jax.experimental import pallas as pl
from jax.experimental.pallas import tpu as pltpu
from jax.experimental.pallas import tpu_sc as plsc

_EPS = 1e-06



def _ln_body(x_ref, enc_ref, w_ref, b_ref, o_ref):
    y = x_ref[0] + enc_ref[...]
    mean = jnp.mean(y, axis=-1, keepdims=True)
    yc = y - mean
    var = jnp.mean(yc * yc, axis=-1, keepdims=True)
    o_ref[0] = yc * jax.lax.rsqrt(var + _EPS) * w_ref[...] + b_ref[...]


def _ln_body_split(xa_ref, xb_ref, enca_ref, encb_ref, w_ref, b_ref, o_ref):
    hb = xa_ref.shape[1]
    w = w_ref[...]
    b = b_ref[...]
    for x_ref, enc_ref, lo in ((xa_ref, enca_ref, 0), (xb_ref, encb_ref, hb)):
        y = x_ref[0] + enc_ref[...]
        mean = jnp.mean(y, axis=-1, keepdims=True)
        yc = y - mean
        var = jnp.mean(yc * yc, axis=-1, keepdims=True)
        o_ref[0, pl.ds(lo, hb), :] = (
            yc * jax.lax.rsqrt(var + _EPS) * w + b)


@functools.partial(jax.jit, static_argnames=("bs",))
def _tempo_enc_tc_split(x, enc_table, ln_w, ln_b, bs=2048):
    batch, seq, n_attr = x.shape
    enc = enc_table[:seq]
    w2 = ln_w.reshape(1, n_attr)
    b2 = ln_b.reshape(1, n_attr)
    hb = bs // 2
    grid = (seq // bs, batch)
    return pl.pallas_call(
        _ln_body_split,
        grid=grid,
        in_specs=[
            pl.BlockSpec((1, hb, n_attr), lambda s, b: (b, 2 * s, 0)),
            pl.BlockSpec((1, hb, n_attr), lambda s, b: (b, 2 * s + 1, 0)),
            pl.BlockSpec((hb, n_attr), lambda s, b: (2 * s, 0)),
            pl.BlockSpec((hb, n_attr), lambda s, b: (2 * s + 1, 0)),
            pl.BlockSpec((1, n_attr), lambda s, b: (0, 0)),
            pl.BlockSpec((1, n_attr), lambda s, b: (0, 0)),
        ],
        out_specs=pl.BlockSpec((1, bs, n_attr), lambda s, b: (b, s, 0)),
        out_shape=jax.ShapeDtypeStruct(x.shape, x.dtype),
        compiler_params=pltpu.CompilerParams(
            dimension_semantics=("arbitrary", "arbitrary"),
        ),
    )(x, x, enc, enc, w2, b2)


@functools.partial(jax.jit, static_argnames=("bs",))
def _tempo_enc_tc(x, enc_table, ln_w, ln_b, bs=2048):
    batch, seq, n_attr = x.shape
    enc = enc_table[:seq]
    w2 = ln_w.reshape(1, n_attr)
    b2 = ln_b.reshape(1, n_attr)
    grid = (seq // bs, batch)
    return pl.pallas_call(
        _ln_body,
        grid=grid,
        in_specs=[
            pl.BlockSpec((1, bs, n_attr), lambda s, b: (b, s, 0)),
            pl.BlockSpec((bs, n_attr), lambda s, b: (s, 0)),
            pl.BlockSpec((1, n_attr), lambda s, b: (0, 0)),
            pl.BlockSpec((1, n_attr), lambda s, b: (0, 0)),
        ],
        out_specs=pl.BlockSpec((1, bs, n_attr), lambda s, b: (b, s, 0)),
        out_shape=jax.ShapeDtypeStruct(x.shape, x.dtype),
        compiler_params=pltpu.CompilerParams(
            dimension_semantics=("arbitrary", "arbitrary"),
        ),
    )(x, enc, w2, b2)


def _ln_body2d(x_ref, enc_ref, w_ref, b_ref, o_ref):
    y = x_ref[...] + enc_ref[...]
    mean = jnp.mean(y, axis=-1, keepdims=True)
    yc = y - mean
    var = jnp.mean(yc * yc, axis=-1, keepdims=True)
    o_ref[...] = yc * jax.lax.rsqrt(var + _EPS) * w_ref[...] + b_ref[...]


def _tc_rows(x2, enc, w2, b2, n_tc_rows, seq, n_attr, bs):
    eb = seq // bs
    return pl.pallas_call(
        _ln_body2d,
        grid=(n_tc_rows // bs,),
        in_specs=[
            pl.BlockSpec((bs, n_attr), lambda s: (s, 0)),
            pl.BlockSpec((bs, n_attr), lambda s, _eb=eb: (s % _eb, 0)),
            pl.BlockSpec((1, n_attr), lambda s: (0, 0)),
            pl.BlockSpec((1, n_attr), lambda s: (0, 0)),
        ],
        out_specs=pl.BlockSpec((bs, n_attr), lambda s: (s, 0)),
        out_shape=jax.ShapeDtypeStruct((n_tc_rows, n_attr), jnp.float32),
        compiler_params=pltpu.CompilerParams(
            dimension_semantics=("arbitrary",),
        ),
    )(x2[:n_tc_rows], enc, w2, b2)



_L = 16


def _newton_rsqrt(v):
    i = plsc.bitcast(v, jnp.int32)
    g = plsc.bitcast(jnp.int32(0x5F3759DF) - (i >> 1), jnp.float32)
    for _ in range(3):
        g = g * (1.5 - 0.5 * v * g * g)
    return g


def _sc_body(row_start, rows_per_worker, chunk_rows, n_attr, seq,
             x_hbm, enc_hbm, w_hbm, b_hbm, out_hbm,
             xv0, encv0, xv1, encv1, wv, bv,
             lsem0, lsem1, ssem0, ssem1):
    info = plsc.get_sparse_core_info()
    nc = info.num_cores
    wid = lax.axis_index("s") * nc + lax.axis_index("c")
    out0 = wid * rows_per_worker
    row0 = row_start + out0
    enc0 = lax.rem(row0, seq)
    pltpu.sync_copy(w_hbm, wv)
    pltpu.sync_copy(b_hbm, bv)

    n_chunks_feat = n_attr // _L
    inv_n = 1.0 / n_attr
    n_chunks = rows_per_worker // chunk_rows
    assert n_chunks % 2 == 0 and n_chunks >= 4
    bufs = ((xv0, encv0, lsem0, ssem0), (xv1, encv1, lsem1, ssem1))

    def fetch(c, b):
        xv, encv, lsem, _ = bufs[b]
        base = row0 + c * chunk_rows
        ebase = enc0 + c * chunk_rows
        pltpu.async_copy(x_hbm.at[pl.ds(base, chunk_rows)], xv, lsem)
        pltpu.async_copy(enc_hbm.at[pl.ds(ebase, chunk_rows)], encv, lsem)

    def drain_store(b):
        xv, _, _, ssem = bufs[b]
        pltpu.make_async_copy(
            xv, out_hbm.at[pl.ds(0, chunk_rows)], ssem).wait()

    def compute_store(c, b):
        xv, encv, lsem, ssem = bufs[b]
        pltpu.make_async_copy(x_hbm.at[pl.ds(0, chunk_rows)], xv, lsem).wait()
        pltpu.make_async_copy(
            enc_hbm.at[pl.ds(0, chunk_rows)], encv, lsem).wait()

        def row_body(r, _):
            s = jnp.zeros((_L,), jnp.float32)
            sq = jnp.zeros((_L,), jnp.float32)
            for i in range(n_chunks_feat):
                y = xv[r, pl.ds(i * _L, _L)] + encv[r, pl.ds(i * _L, _L)]
                xv[r, pl.ds(i * _L, _L)] = y
                s = s + y
                sq = sq + y * y
            mean = jnp.sum(s) * inv_n
            var = jnp.sum(sq) * inv_n - mean * mean
            mean_v = jnp.full((_L,), mean, jnp.float32)
            inv_v = _newton_rsqrt(jnp.full((_L,), var + _EPS, jnp.float32))
            scale = inv_v
            for i in range(n_chunks_feat):
                y = xv[r, pl.ds(i * _L, _L)]
                xv[r, pl.ds(i * _L, _L)] = (
                    (y - mean_v) * scale * wv[pl.ds(i * _L, _L)]
                    + bv[pl.ds(i * _L, _L)])
            return 0

        lax.fori_loop(0, chunk_rows, row_body, 0)
        base = out0 + c * chunk_rows
        pltpu.async_copy(xv, out_hbm.at[pl.ds(base, chunk_rows)], ssem)

    fetch(0, 0)
    fetch(1, 1)

    def pair_body(p, _):
        c = p * 2
        for b in range(2):
            compute_store(c + b, b)

            @pl.when(c + b + 2 < n_chunks)
            def _():
                drain_store(b)
                fetch(c + b + 2, b)

            _ = _
        return 0

    lax.fori_loop(0, n_chunks // 2, pair_body, 0)
    drain_store(0)
    drain_store(1)


def _sc_rows(x2, enc, ln_w, ln_b, row_start, n_sc_rows, seq, n_attr,
             chunk_rows=16):
    info = plsc.get_sparse_core_info()
    n_workers = info.num_cores * info.num_subcores
    rows_per_worker = n_sc_rows // n_workers

    mesh = plsc.VectorSubcoreMesh(core_axis_name="c", subcore_axis_name="s")
    body = functools.partial(
        _sc_body, row_start, rows_per_worker, chunk_rows, n_attr, seq)
    return pl.kernel(
        body,
        mesh=mesh,
        out_type=jax.ShapeDtypeStruct((n_sc_rows, n_attr), jnp.float32),
        compiler_params=pltpu.CompilerParams(needs_layout_passes=False),
        scratch_types=[
            pltpu.VMEM((chunk_rows, n_attr), jnp.float32),
            pltpu.VMEM((chunk_rows, n_attr), jnp.float32),
            pltpu.VMEM((chunk_rows, n_attr), jnp.float32),
            pltpu.VMEM((chunk_rows, n_attr), jnp.float32),
            pltpu.VMEM((n_attr,), jnp.float32),
            pltpu.VMEM((n_attr,), jnp.float32),
            pltpu.SemaphoreType.DMA,
            pltpu.SemaphoreType.DMA,
            pltpu.SemaphoreType.DMA,
            pltpu.SemaphoreType.DMA,
        ],
    )(x2, enc, ln_w, ln_b)


_TC_BS = 2048


@jax.jit
def _tempo_enc_2d(x, enc_table, ln_w, ln_b):
    batch, seq, n_attr = x.shape
    n_rows = batch * seq
    x2 = x.reshape(n_rows, n_attr)
    enc = enc_table[:seq]
    w2 = ln_w.reshape(1, n_attr)
    b2 = ln_b.reshape(1, n_attr)
    out = _tc_rows(x2, enc, w2, b2, n_rows, seq, n_attr, _TC_BS)
    return out.reshape(batch, seq, n_attr)


@jax.jit
def _tempo_enc_sc_full(x, enc_table, ln_w, ln_b):
    batch, seq, n_attr = x.shape
    n_rows = batch * seq
    x2 = x.reshape(n_rows, n_attr)
    enc = enc_table[:seq]
    out = _sc_rows(x2, enc, ln_w, ln_b, 0, n_rows, seq, n_attr)
    return out.reshape(batch, seq, n_attr)


def kernel(x, enc_table, ln_w, ln_b):
    return _tempo_enc_sc_full(x, enc_table, ln_w, ln_b)

# --- scband reference (transcript-rebuilt; emitter-appended) ---
"""Pipeline reference for scband-tempo-enc-16887811408396 (READ-ONLY COPY).

The authoritative reference and input builder live on the scoring server;
editing this copy changes nothing except your own understanding.
"""

import jax, jax.numpy as jnp
import numpy as np

N_TIME = 32768
N_ATTR = 1024
BATCH = 4
SEQ = 8192
EPS = 1e-06

def setup_inputs(seed: int = 0) -> dict:
    key = jax.random.key(seed)
    k1, k2 = jax.random.split(key, 2)
    x = jax.random.normal(k1, (BATCH, SEQ, N_ATTR), dtype=jnp.float32)
    enc_table = jax.random.normal(k2, (N_TIME, N_ATTR), dtype=jnp.float32) * 0.02
    ln_w = jnp.ones((N_ATTR,), dtype=jnp.float32)
    ln_b = jnp.zeros((N_ATTR,), dtype=jnp.float32)
    return {"x": x, "enc_table": enc_table, "ln_w": ln_w, "ln_b": ln_b}

def reference(x, enc_table, ln_w, ln_b):
    # TempoEnc.forward with start=0, t_left=None
    length = x.shape[-2]
    idx = jnp.arange(0, length)
    enc = jnp.take(enc_table, idx, axis=0)  # embedding lookup
    y = x + enc
    # LayerNorm(n_attr, eps=1e-6), biased variance as in torch
    mean = jnp.mean(y, axis=-1, keepdims=True)
    var = jnp.mean(jnp.square(y - mean), axis=-1, keepdims=True)
    yn = (y - mean) / jnp.sqrt(var + EPS)
    return yn * ln_w + ln_b

if __name__ == "__main__":
    import jax
    _d = setup_inputs()
    print(jax.jit(kernel)(*tuple(_d.values())))

</pallas_src>

<mosaic_0001>
#map = affine_map<(d0, d1) -> (0, 0)>
#map1 = affine_map<(d0, d1) -> (0)>
module attributes {stable_mosaic.version = 14 : i64} {
  func.func @_sc_body(%arg0: i32, %arg1: i32, %arg2: memref<32768x1024xf32, #tpu.memory_space<hbm>>, %arg3: memref<8192x1024xf32, #tpu.memory_space<hbm>>, %arg4: memref<1024xf32, #tpu.memory_space<hbm>>, %arg5: memref<1024xf32, #tpu.memory_space<hbm>>, %arg6: memref<32768x1024xf32, #tpu.memory_space<hbm>>, %arg7: memref<16x1024xf32, #tpu.memory_space<vmem>>, %arg8: memref<16x1024xf32, #tpu.memory_space<vmem>>, %arg9: memref<16x1024xf32, #tpu.memory_space<vmem>>, %arg10: memref<16x1024xf32, #tpu.memory_space<vmem>>, %arg11: memref<1024xf32, #tpu.memory_space<vmem>>, %arg12: memref<1024xf32, #tpu.memory_space<vmem>>, %arg13: memref<!tpu.dma_semaphore, #tpu.memory_space<semaphore_mem>>, %arg14: memref<!tpu.dma_semaphore, #tpu.memory_space<semaphore_mem>>, %arg15: memref<!tpu.dma_semaphore, #tpu.memory_space<semaphore_mem>>, %arg16: memref<!tpu.dma_semaphore, #tpu.memory_space<semaphore_mem>>) attributes {dimension_semantics = [#tpu.dimension_semantics<core_parallel>, #tpu.dimension_semantics<subcore_parallel>], iteration_bounds = array<i64: 2, 16>, scalar_prefetch = 0 : i64, scratch_operands = 10 : i64, tpu.core_type = #tpu.core_type<sc_vector_subcore>, window_params = [{transform_indices = #map}, {transform_indices = #map}, {transform_indices = #map1}, {transform_indices = #map1}, {transform_indices = #map}]} {
    %mul3A = arith.constant 2 : i32
    %mul3A_0 = arith.muli %arg1, %mul3A : i32
    %add3A = arith.addi %mul3A_0, %arg0 : i32
    %mul3A_1 = arith.constant 1024 : i32
    %mul3A_2 = arith.muli %add3A, %mul3A_1 : i32
    %add3A_3 = arith.constant 0 : i32
    %add3A_4 = arith.addi %add3A_3, %mul3A_2 : i32
    %rem3A = arith.constant 8192 : i32
    %rem3A_5 = arith.remsi %add3A_4, %rem3A : i32
    "tpu.region"() ({
      %run_scoped3A = tpu.sem_alloc : memref<!tpu.dma_semaphore, #tpu.memory_space<semaphore_mem>>
      tpu.enqueue_dma source(%arg4 : memref<1024xf32, #tpu.memory_space<hbm>>) target(%arg11 : memref<1024xf32, #tpu.memory_space<vmem>>) target_semaphore(%run_scoped3A : memref<!tpu.dma_semaphore, #tpu.memory_space<semaphore_mem>>)
      tpu.wait_dma2 semaphore(%run_scoped3A : memref<!tpu.dma_semaphore, #tpu.memory_space<semaphore_mem>>) src(%arg4 : memref<1024xf32, #tpu.memory_space<hbm>>) dst(%arg11 : memref<1024xf32, #tpu.memory_space<vmem>>)
      tpu.yield
    }) : () -> ()
    "tpu.region"() ({
      %run_scoped3A = tpu.sem_alloc : memref<!tpu.dma_semaphore, #tpu.memory_space<semaphore_mem>>
      tpu.enqueue_dma source(%arg5 : memref<1024xf32, #tpu.memory_space<hbm>>) target(%arg12 : memref<1024xf32, #tpu.memory_space<vmem>>) target_semaphore(%run_scoped3A : memref<!tpu.dma_semaphore, #tpu.memory_space<semaphore_mem>>)
      tpu.wait_dma2 semaphore(%run_scoped3A : memref<!tpu.dma_semaphore, #tpu.memory_space<semaphore_mem>>) src(%arg5 : memref<1024xf32, #tpu.memory_space<hbm>>) dst(%arg12 : memref<1024xf32, #tpu.memory_space<vmem>>)
      tpu.yield
    }) : () -> ()
    %add3A_6 = arith.constant 0 : i32
    %add3A_7 = arith.addi %add3A_4, %add3A_6 : i32
    %add3A_8 = arith.constant 0 : i32
    %add3A_9 = arith.addi %rem3A_5, %add3A_8 : i32
    %dma_start3A = arith.constant 0 : i32
    %dma_start3A_10 = tpu.memref_slice %arg2[%add3A_7, %dma_start3A] : memref<32768x1024xf32, #tpu.memory_space<hbm>> -> memref<16x1024xf32, #tpu.memory_space<hbm>>
    %dma_start3A_11 = arith.constant 0 : i32
    %dma_start3A_12 = tpu.memref_slice %arg2[%add3A_7, %dma_start3A_11] : memref<32768x1024xf32, #tpu.memory_space<hbm>> -> memref<16x1024xf32, #tpu.memory_space<hbm>>
    tpu.enqueue_dma source(%dma_start3A_12 : memref<16x1024xf32, #tpu.memory_space<hbm>>) target(%arg7 : memref<16x1024xf32, #tpu.memory_space<vmem>>) target_semaphore(%arg13 : memref<!tpu.dma_semaphore, #tpu.memory_space<semaphore_mem>>)
    %dma_start3A_13 = arith.constant 0 : i32
    %dma_start3A_14 = tpu.memref_slice %arg3[%add3A_9, %dma_start3A_13] : memref<8192x1024xf32, #tpu.memory_space<hbm>> -> memref<16x1024xf32, #tpu.memory_space<hbm>>
    %dma_start3A_15 = arith.constant 0 : i32
    %dma_start3A_16 = tpu.memref_slice %arg3[%add3A_9, %dma_start3A_15] : memref<8192x1024xf32, #tpu.memory_space<hbm>> -> memref<16x1024xf32, #tpu.memory_space<hbm>>
    tpu.enqueue_dma source(%dma_start3A_16 : memref<16x1024xf32, #tpu.memory_space<hbm>>) target(%arg8 : memref<16x1024xf32, #tpu.memory_space<vmem>>) target_semaphore(%arg13 : memref<!tpu.dma_semaphore, #tpu.memory_space<semaphore_mem>>)
    %add3A_17 = arith.constant 16 : i32
    %add3A_18 = arith.addi %add3A_4, %add3A_17 : i32
    %add3A_19 = arith.constant 16 : i32
    %add3A_20 = arith.addi %rem3A_5, %add3A_19 : i32
    %dma_start3A_21 = arith.constant 0 : i32
    %dma_start3A_22 = tpu.memref_slice %arg2[%add3A_18, %dma_start3A_21] : memref<32768x1024xf32, #tpu.memory_space<hbm>> -> memref<16x1024xf32, #tpu.memory_space<hbm>>
    %dma_start3A_23 = arith.constant 0 : i32
    %dma_start3A_24 = tpu.memref_slice %arg2[%add3A_18, %dma_start3A_23] : memref<32768x1024xf32, #tpu.memory_space<hbm>> -> memref<16x1024xf32, #tpu.memory_space<hbm>>
    tpu.enqueue_dma source(%dma_start3A_24 : memref<16x1024xf32, #tpu.memory_space<hbm>>) target(%arg9 : memref<16x1024xf32, #tpu.memory_space<vmem>>) target_semaphore(%arg14 : memref<!tpu.dma_semaphore, #tpu.memory_space<semaphore_mem>>)
    %dma_start3A_25 = arith.constant 0 : i32
    %dma_start3A_26 = tpu.memref_slice %arg3[%add3A_20, %dma_start3A_25] : memref<8192x1024xf32, #tpu.memory_space<hbm>> -> memref<16x1024xf32, #tpu.memory_space<hbm>>
    %dma_start3A_27 = arith.constant 0 : i32
    %dma_start3A_28 = tpu.memref_slice %arg3[%add3A_20, %dma_start3A_27] : memref<8192x1024xf32, #tpu.memory_space<hbm>> -> memref<16x1024xf32, #tpu.memory_space<hbm>>
    tpu.enqueue_dma source(%dma_start3A_28 : memref<16x1024xf32, #tpu.memory_space<hbm>>) target(%arg10 : memref<16x1024xf32, #tpu.memory_space<vmem>>) target_semaphore(%arg14 : memref<!tpu.dma_semaphore, #tpu.memory_space<semaphore_mem>>)
    %scan3A = arith.constant 0 : i32
    %scan3A_29 = arith.constant 0 : i32
    %scan3A_30 = arith.constant 32 : i32
    %scan3A_31 = arith.addi %scan3A_29, %scan3A_30 : i32
    %scan3A_32 = arith.constant 1 : i32
    %scan3A_33 = scf.for %scan3A_46 = %scan3A_29 to %scan3A_31 step %scan3A_32 iter_args(%scan3A_47 = %scan3A) -> (i32)  : i32 {
      %mul3A_48 = arith.constant 2 : i32
      %mul3A_49 = arith.muli %scan3A_46, %mul3A_48 : i32
      %add3A_50 = arith.constant 0 : i32
      %add3A_51 = arith.addi %mul3A_49, %add3A_50 : i32
      %dma_wait3A_52 = arith.constant 0 : i32
      %dma_wait3A_53 = arith.constant 0 : i32
      %dma_wait3A_54 = tpu.memref_slice %arg2[%dma_wait3A_52, %dma_wait3A_53] : memref<32768x1024xf32, #tpu.memory_space<hbm>> -> memref<16x1024xf32, #tpu.memory_space<hbm>>
      %dma_wait3A_55 = arith.constant 0 : i32
      %dma_wait3A_56 = arith.constant 0 : i32
      %dma_wait3A_57 = tpu.memref_slice %arg2[%dma_wait3A_55, %dma_wait3A_56] : memref<32768x1024xf32, #tpu.memory_space<hbm>> -> memref<16x1024xf32, #tpu.memory_space<hbm>>
      tpu.wait_dma2 semaphore(%arg13 : memref<!tpu.dma_semaphore, #tpu.memory_space<semaphore_mem>>) src(%dma_wait3A_57 : memref<16x1024xf32, #tpu.memory_space<hbm>>) dst(%arg7 : memref<16x1024xf32, #tpu.memory_space<vmem>>)
      %dma_wait3A_58 = arith.constant 0 : i32
      %dma_wait3A_59 = arith.constant 0 : i32
      %dma_wait3A_60 = tpu.memref_slice %arg3[%dma_wait3A_58, %dma_wait3A_59] : memref<8192x1024xf32, #tpu.memory_space<hbm>> -> memref<16x1024xf32, #tpu.memory_space<hbm>>
      %dma_wait3A_61 = arith.constant 0 : i32
      %dma_wait3A_62 = arith.constant 0 : i32
      %dma_wait3A_63 = tpu.memref_slice %arg3[%dma_wait3A_61, %dma_wait3A_62] : memref<8192x1024xf32, #tpu.memory_space<hbm>> -> memref<16x1024xf32, #tpu.memory_space<hbm>>
      tpu.wait_dma2 semaphore(%arg13 : memref<!tpu.dma_semaphore, #tpu.memory_space<semaphore_mem>>) src(%dma_wait3A_63 : memref<16x1024xf32, #tpu.memory_space<hbm>>) dst(%arg8 : memref<16x1024xf32, #tpu.memory_space<vmem>>)
      %scan3A_64 = arith.constant 0 : i32
      %scan3A_65 = arith.constant 0 : i32
      %scan3A_66 = arith.constant 16 : i32
      %scan3A_67 = arith.addi %scan3A_65, %scan3A_66 : i32
      %scan3A_68 = arith.constant 1 : i32
      %scan3A_69 = scf.for %scan3A_122 = %scan3A_65 to %scan3A_67 step %scan3A_68 iter_args(%scan3A_123 = %scan3A_64) -> (i32)  : i32 {
        %broadcast_in_dim3A = arith.constant 0.000000e+00 : f32
        %broadcast_in_dim3A_124 = vector.broadcast %broadcast_in_dim3A : f32 to vector<16xf32>
        %broadcast_in_dim3A_125 = arith.constant 0.000000e+00 : f32
        %broadcast_in_dim3A_126 = vector.broadcast %broadcast_in_dim3A_125 : f32 to vector<16xf32>
        %get3A = arith.index_cast %scan3A_122 : i32 to index
        %get3A_127 = arith.constant 0 : index
        %get3A_128 = tpu.vector_load %arg7[%get3A, %get3A_127] {strides = array<i32>} : memref<16x1024xf32, #tpu.memory_space<vmem>>, vector<16xf32>,
        %get3A_129 = arith.index_cast %scan3A_122 : i32 to index
        %get3A_130 = arith.constant 0 : index
        %get3A_131 = tpu.vector_load %arg8[%get3A_129, %get3A_130] {strides = array<i32>} : memref<16x1024xf32, #tpu.memory_space<vmem>>, vector<16xf32>,
        %add3A_132 = arith.addf %get3A_128, %get3A_131 : vector<16xf32>
        %swap3A = arith.index_cast %scan3A_122 : i32 to index
        %swap3A_133 = arith.constant 0 : index
        %swap3A_134 = tpu.vector_load %arg7[%swap3A, %swap3A_133] {strides = array<i32>} : memref<16x1024xf32, #tpu.memory_space<vmem>>, vector<16xf32>,
        tpu.vector_store %arg7[%swap3A, %swap3A_133], %add3A_132 {strides = array<i32>} : memref<16x1024xf32, #tpu.memory_space<vmem>>, vector<16xf32>,
        %add3A_135 = arith.addf %broadcast_in_dim3A_124, %add3A_132 : vector<16xf32>
        %mul3A_136 = arith.mulf %add3A_132, %add3A_132 : vector<16xf32>
        %add3A_137 = arith.addf %broadcast_in_dim3A_126, %mul3A_136 : vector<16xf32>
        %get3A_138 = arith.index_cast %scan3A_122 : i32 to index
        %get3A_139 = arith.constant 16 : index
        %get3A_140 = tpu.vector_load %arg7[%get3A_138, %get3A_139] {strides = array<i32>} : memref<16x1024xf32, #tpu.memory_space<vmem>>, vector<16xf32>,
        %get3A_141 = arith.index_cast %scan3A_122 : i32 to index
        %get3A_142 = arith.constant 16 : index
        %get3A_143 = tpu.vector_load %arg8[%get3A_141, %get3A_142] {strides = array<i32>} : memref<16x1024xf32, #tpu.memory_space<vmem>>, vector<16xf32>,
        %add3A_144 = arith.addf %get3A_140, %get3A_143 : vector<16xf32>
        %swap3A_145 = arith.index_cast %scan3A_122 : i32 to index
        %swap3A_146 = arith.constant 16 : index
        %swap3A_147 = tpu.vector_load %arg7[%swap3A_145, %swap3A_146] {strides = array<i32>} : memref<16x1024xf32, #tpu.memory_space<vmem>>, vector<16xf32>,
        tpu.vector_store %arg7[%swap3A_145, %swap3A_146], %add3A_144 {strides = array<i32>} : memref<16x1024xf32, #tpu.memory_space<vmem>>, vector<16xf32>,
        %add3A_148 = arith.addf %add3A_135, %add3A_144 : vector<16xf32>
        %mul3A_149 = arith.mulf %add3A_144, %add3A_144 : vector<16xf32>
        %add3A_150 = arith.addf %add3A_137, %mul3A_149 : vector<16xf32>
        %get3A_151 = arith.index_cast %scan3A_122 : i32 to index
        %get3A_152 = arith.constant 32 : index
        %get3A_153 = tpu.vector_load %arg7[%get3A_151, %get3A_152] {strides = array<i32>} : memref<16x1024xf32, #tpu.memory_space<vmem>>, vector<16xf32>,
        %get3A_154 = arith.index_cast %scan3A_122 : i32 to index
        %get3A_155 = arith.constant 32 : index
        %get3A_156 = tpu.vector_load %arg8[%get3A_154, %get3A_155] {strides = array<i32>} : memref<16x1024xf32, #tpu.memory_space<vmem>>, vector<16xf32>,
        %add3A_157 = arith.addf %get3A_153, %get3A_156 : vector<16xf32>
        %swap3A_158 = arith.index_cast %scan3A_122 : i32 to index
        %swap3A_159 = arith.constant 32 : index
        %swap3A_160 = tpu.vector_load %arg7[%swap3A_158, %swap3A_159] {strides = array<i32>} : memref<16x1024xf32, #tpu.memory_space<vmem>>, vector<16xf32>,
        tpu.vector_store %arg7[%swap3A_158, %swap3A_159], %add3A_157 {strides = array<i32>} : memref<16x1024xf32, #tpu.memory_space<vmem>>, vector<16xf32>,
        %add3A_161 = arith.addf %add3A_148, %add3A_157 : vector<16xf32>
        %mul3A_162 = arith.mulf %add3A_157, %add3A_157 : vector<16xf32>
        %add3A_163 = arith.addf %add3A_150, %mul3A_162 : vector<16xf32>
        %get3A_164 = arith.index_cast %scan3A_122 : i32 to index
        %get3A_165 = arith.constant 48 : index
        %get3A_166 = tpu.vector_load %arg7[%get3A_164, %get3A_165] {strides = array<i32>} : memref<16x1024xf32, #tpu.memory_space<vmem>>, vector<16xf32>,
        %get3A_167 = arith.index_cast %scan3A_122 : i32 to index
        %get3A_168 = arith.constant 48 : index
        %get3A_169 = tpu.vector_load %arg8[%get3A_167, %get3A_168] {strides = array<i32>} : memref<16x1024xf32, #tpu.memory_space<vmem>>, vector<16xf32>,
        %add3A_170 = arith.addf %get3A_166, %get3A_169 : vector<16xf32>
        %swap3A_171 = arith.index_cast %scan3A_122 : i32 to index
        %swap3A_172 = arith.constant 48 : index
        %swap3A_173 = tpu.vector_load %arg7[%swap3A_171, %swap3A_172] {strides = array<i32>} : memref<16x1024xf32, #tpu.memory_space<vmem>>, vector<16xf32>,
        tpu.vector_store %arg7[%swap3A_171, %swap3A_172], %add3A_170 {strides = array<i32>} : memref<16x1024xf32, #tpu.memory_space<vmem>>, vector<16xf32>,
        %add3A_174 = arith.addf %add3A_161, %add3A_170 : vector<16xf32>
        %mul3A_175 = arith.mulf %add3A_170, %add3A_170 : vector<16xf32>
        %add3A_176 = arith.addf %add3A_163, %mul3A_175 : vector<16xf32>
        %get3A_177 = arith.index_cast %scan3A_122 : i32 to index
        %get3A_178 = arith.constant 64 : index
        %get3A_179 = tpu.vector_load %arg7[%get3A_177, %get3A_178] {strides = array<i32>} : memref<16x1024xf32, #tpu.memory_space<vmem>>, vector<16xf32>,
        %get3A_180 = arith.index_cast %scan3A_122 : i32 to index
        %get3A_181 = arith.constant 64 : index
        %get3A_182 = tpu.vector_load %arg8[%get3A_180, %get3A_181] {strides = array<i32>} : memref<16x1024xf32, #tpu.memory_space<vmem>>, vector<16xf32>,
        %add3A_183 = arith.addf %get3A_179, %get3A_182 : vector<16xf32>
        %swap3A_184 = arith.index_cast %scan3A_122 : i32 to index
        %swap3A_185 = arith.constant 64 : index
        %swap3A_186 = tpu.vector_load %arg7[%swap3A_184, %swap3A_185] {strides = array<i32>} : memref<16x1024xf32, #tpu.memory_space<vmem>>, vector<16xf32>,
        tpu.vector_store %arg7[%swap3A_184, %swap3A_185], %add3A_183 {strides = array<i32>} : memref<16x1024xf32, #tpu.memory_space<vmem>>, vector<16xf32>,
        %add3A_187 = arith.addf %add3A_174, %add3A_183 : vector<16xf32>
        %mul3A_188 = arith.mulf %add3A_183, %add3A_183 : vector<16xf32>
        %add3A_189 = arith.addf %add3A_176, %mul3A_188 : vector<16xf32>
        %get3A_190 = arith.index_cast %scan3A_122 : i32 to index
        %get3A_191 = arith.constant 80 : index
        %get3A_192 = tpu.vector_load %arg7[%get3A_190, %get3A_191] {strides = array<i32>} : memref<16x1024xf32, #tpu.memory_space<vmem>>, vector<16xf32>,
        %get3A_193 = arith.index_cast %scan3A_122 : i32 to index
        %get3A_194 = arith.constant 80 : index
        %get3A_195 = tpu.vector_load %arg8[%get3A_193, %get3A_194] {strides = array<i32>} : memref<16x1024xf32, #tpu.memory_space<vmem>>, vector<16xf32>,
        %add3A_196 = arith.addf %get3A_192, %get3A_195 : vector<16xf32>
        %swap3A_197 = arith.index_cast %scan3A_122 : i32 to index
        %swap3A_198 = arith.constant 80 : index
        %swap3A_199 = tpu.vector_load %arg7[%swap3A_197, %swap3A_198] {strides = array<i32>} : memref<16x1024xf32, #tpu.memory_space<vmem>>, vector<16xf32>,
        tpu.vector_store %arg7[%swap3A_197, %swap3A_198], %add3A_196 {strides = array<i32>} : memref<16x1024xf32, #tpu.memory_space<vmem>>, vector<16xf32>,
        %add3A_200 = arith.addf %add3A_187, %add3A_196 : vector<16xf32>
        %mul3A_201 = arith.mulf %add3A_196, %add3A_196 : vector<16xf32>
        %add3A_202 = arith.addf %add3A_189, %mul3A_201 : vector<16xf32>
        %get3A_203 = arith.index_cast %scan3A_122 : i32 to index
        %get3A_204 = arith.constant 96 : index
        %get3A_205 = tpu.vector_load %arg7[%get3A_203, %get3A_204] {strides = array<i32>} : memref<16x1024xf32, #tpu.memory_space<vmem>>, vector<16xf32>,
        %get3A_206 = arith.index_cast %scan3A_122 : i32 to index
        %get3A_207 = arith.constant 96 : index
        %get3A_208 = tpu.vector_load %arg8[%get3A_206, %get3A_207] {strides = array<i32>} : memref<16x1024xf32, #tpu.memory_space<vmem>>, vector<16xf32>,
        %add3A_209 = arith.addf %get3A_205, %get3A_208 : vector<16xf32>
        %swap3A_210 = arith.index_cast %scan3A_122 : i32 to index
        %swap3A_211 = arith.constant 96 : index
        %swap3A_212 = tpu.vector_load %arg7[%swap3A_210, %swap3A_211] {strides = array<i32>} : memref<16x1024xf32, #tpu.memory_space<vmem>>, vector<16xf32>,
        tpu.vector_store %arg7[%swap3A_210, %swap3A_211], %add3A_209 {strides = array<i32>} : memref<16x1024xf32, #tpu.memory_space<vmem>>, vector<16xf32>,
        %add3A_213 = arith.addf %add3A_200, %add3A_209 : vector<16xf32>
        %mul3A_214 = arith.mulf %add3A_209, %add3A_209 : vector<16xf32>
        %add3A_215 = arith.addf %add3A_202, %mul3A_214 : vector<16xf32>
        %get3A_216 = arith.index_cast %scan3A_122 : i32 to index
        %get3A_217 = arith.constant 112 : index
        %get3A_218 = tpu.vector_load %arg7[%get3A_216, %get3A_217] {strides = array<i32>} : memref<16x1024xf32, #tpu.memory_space<vmem>>, vector<16xf32>,
        %get3A_219 = arith.index_cast %scan3A_122 : i32 to index
        %get3A_220 = arith.constant 112 : index
        %get3A_221 = tpu.vector_load %arg8[%get3A_219, %get3A_220] {strides = array<i32>} : memref<16x1024xf32, #tpu.memory_space<vmem>>, vector<16xf32>,
        %add3A_222 = arith.addf %get3A_218, %get3A_221 : vector<16xf32>
        %swap3A_223 = arith.index_cast %scan3A_122 : i32 to index
        %swap3A_224 = arith.constant 112 : index
        %swap3A_225 = tpu.vector_load %arg7[%swap3A_223, %swap3A_224] {strides = array<i32>} : memref<16x1024xf32, #tpu.memory_space<vmem>>, vector<16xf32>,
        tpu.vector_store %arg7[%swap3A_223, %swap3A_224], %add3A_222 {strides = array<i32>} : memref<16x1024xf32, #tpu.memory_space<vmem>>, vector<16xf32>,
        %add3A_226 = arith.addf %add3A_213, %add3A_222 : vector<16xf32>
        %mul3A_227 = arith.mulf %add3A_222, %add3A_222 : vector<16xf32>
        %add3A_228 = arith.addf %add3A_215, %mul3A_227 : vector<16xf32>
        %get3A_229 = arith.index_cast %scan3A_122 : i32 to index
        %get3A_230 = arith.constant 128 : index
        %get3A_231 = tpu.vector_load %arg7[%get3A_229, %get3A_230] {strides = array<i32>} : memref<16x1024xf32, #tpu.memory_space<vmem>>, vector<16xf32>,
        %get3A_232 = arith.index_cast %scan3A_122 : i32 to index
        %get3A_233 = arith.constant 128 : index
        %get3A_234 = tpu.vector_load %arg8[%get3A_232, %get3A_233] {strides = array<i32>} : memref<16x1024xf32, #tpu.memory_space<vmem>>, vector<16xf32>,
        %add3A_235 = arith.addf %get3A_231, %get3A_234 : vector<16xf32>
        %swap3A_236 = arith.index_cast %scan3A_122 : i32 to index
        %swap3A_237 = arith.constant 128 : index
        %swap3A_238 = tpu.vector_load %arg7[%swap3A_236, %swap3A_237] {strides = array<i32>} : memref<16x1024xf32, #tpu.memory_space<vmem>>, vector<16xf32>,
        tpu.vector_store %arg7[%swap3A_236, %swap3A_237], %add3A_235 {strides = array<i32>} : memref<16x1024xf32, #tpu.memory_space<vmem>>, vector<16xf32>,
        %add3A_239 = arith.addf %add3A_226, %add3A_235 : vector<16xf32>
        %mul3A_240 = arith.mulf %add3A_235, %add3A_235 : vector<16xf32>
        %add3A_241 = arith.addf %add3A_228, %mul3A_240 : vector<16xf32>
        %get3A_242 = arith.index_cast %scan3A_122 : i32 to index
        %get3A_243 = arith.constant 144 : index
        %get3A_244 = tpu.vector_load %arg7[%get3A_242, %get3A_243] {strides = array<i32>} : memref<16x1024xf32, #tpu.memory_space<vmem>>, vector<16xf32>,
        %get3A_245 = arith.index_cast %scan3A_122 : i32 to index
        %get3A_246 = arith.constant 144 : index
        %get3A_247 = tpu.vector_load %arg8[%get3A_245, %get3A_246] {strides = array<i32>} : memref<16x1024xf32, #tpu.memory_space<vmem>>, vector<16xf32>,
        %add3A_248 = arith.addf %get3A_244, %get3A_247 : vector<16xf32>
        %swap3A_249 = arith.index_cast %scan3A_122 : i32 to index
        %swap3A_250 = arith.constant 144 : index
        %swap3A_251 = tpu.vector_load %arg7[%swap3A_249, %swap3A_250] {strides = array<i32>} : memref<16x1024xf32, #tpu.memory_space<vmem>>, vector<16xf32>,
        tpu.vector_store %arg7[%swap3A_249, %swap3A_250], %add3A_248 {strides = array<i32>} : memref<16x1024xf32, #tpu.memory_space<vmem>>, vector<16xf32>,
        %add3A_252 = arith.addf %add3A_239, %add3A_248 : vector<16xf32>
        %mul3A_253 = arith.mulf %add3A_248, %add3A_248 : vector<16xf32>
        %add3A_254 = arith.addf %add3A_241, %mul3A_253 : vector<16xf32>
        %get3A_255 = arith.index_cast %scan3A_122 : i32 to index
        %get3A_256 = arith.constant 160 : index
        %get3A_257 = tpu.vector_load %arg7[%get3A_255, %get3A_256] {strides = array<i32>} : memref<16x1024xf32, #tpu.memory_space<vmem>>, vector<16xf32>,
        %get3A_258 = arith.index_cast %scan3A_122 : i32 to index
        %get3A_259 = arith.constant 160 : index
        %get3A_260 = tpu.vector_load %arg8[%get3A_258, %get3A_259] {strides = array<i32>} : memref<16x1024xf32, #tpu.memory_space<vmem>>, vector<16xf32>,
        %add3A_261 = arith.addf %get3A_257, %get3A_260 : vector<16xf32>
        %swap3A_262 = arith.index_cast %scan3A_122 : i32 to index
        %swap3A_263 = arith.constant 160 : index
        %swap3A_264 = tpu.vector_load %arg7[%swap3A_262, %swap3A_263] {strides = array<i32>} : memref<16x1024xf32, #tpu.memory_space<vmem>>, vector<16xf32>,
        tpu.vector_store %arg7[%swap3A_262, %swap3A_263], %add3A_261 {strides = array<i32>} : memref<16x1024xf32, #tpu.memory_space<vmem>>, vector<16xf32>,
        %add3A_265 = arith.addf %add3A_252, %add3A_261 : vector<16xf32>
        %mul3A_266 = arith.mulf %add3A_261, %add3A_261 : vector<16xf32>
        %add3A_267 = arith.addf %add3A_254, %mul3A_266 : vector<16xf32>
        %get3A_268 = arith.index_cast %scan3A_122 : i32 to index
        %get3A_269 = arith.constant 176 : index
        %get3A_270 = tpu.vector_load %arg7[%get3A_268, %get3A_269] {strides = array<i32>} : memref<16x1024xf32, #tpu.memory_space<vmem>>, vector<16xf32>,
        %get3A_271 = arith.index_cast %scan3A_122 : i32 to index
        %get3A_272 = arith.constant 176 : index
        %get3A_273 = tpu.vector_load %arg8[%get3A_271, %get3A_272] {strides = array<i32>} : memref<16x1024xf32, #tpu.memory_space<vmem>>, vector<16xf32>,
        %add3A_274 = arith.addf %get3A_270, %get3A_273 : vector<16xf32>
        %swap3A_275 = arith.index_cast %scan3A_122 : i32 to index
        %swap3A_276 = arith.constant 176 : index
        %swap3A_277 = tpu.vector_load %arg7[%swap3A_275, %swap3A_276] {strides = array<i32>} : memref<16x1024xf32, #tpu.memory_space<vmem>>, vector<16xf32>,
        tpu.vector_store %arg7[%swap3A_275, %swap3A_276], %add3A_274 {strides = array<i32>} : memref<16x1024xf32, #tpu.memory_space<vmem>>, vector<16xf32>,
        %add3A_278 = arith.addf %add3A_265, %add3A_274 : vector<16xf32>
        %mul3A_279 = arith.mulf %add3A_274, %add3A_274 : vector<16xf32>
        %add3A_280 = arith.addf %add3A_267, %mul3A_279 : vector<16xf32>
        %get3A_281 = arith.index_cast %scan3A_122 : i32 to index
        %get3A_282 = arith.constant 192 : index
        %get3A_283 = tpu.vector_load %arg7[%get3A_281, %get3A_282] {strides = array<i32>} : memref<16x1024xf32, #tpu.memory_space<vmem>>, vector<16xf32>,
        %get3A_284 = arith.index_cast %scan3A_122 : i32 to index
        %get3A_285 = arith.constant 192 : index
        %get3A_286 = tpu.vector_load %arg8[%get3A_284, %get3A_285] {strides = array<i32>} : memref<16x1024xf32, #tpu.memory_space<vmem>>, vector<16xf32>,
        %add3A_287 = arith.addf %get3A_283, %get3A_286 : vector<16xf32>
        %swap3A_288 = arith.index_cast %scan3A_122 : i32 to index
        %swap3A_289 = arith.constant 192 : index
        %swap3A_290 = tpu.vector_load %arg7[%swap3A_288, %swap3A_289] {strides = array<i32>} : memref<16x1024xf32, #tpu.memory_space<vmem>>, vector<16xf32>,
        tpu.vector_store %arg7[%swap3A_288, %swap3A_289], %add3A_287 {strides = array<i32>} : memref<16x1024xf32, #tpu.memory_space<vmem>>, vector<16xf32>,
        %add3A_291 = arith.addf %add3A_278, %add3A_287 : vector<16xf32>
        %mul3A_292 = arith.mulf %add3A_287, %add3A_287 : vector<16xf32>
        %add3A_293 = arith.addf %add3A_280, %mul3A_292 : vector<16xf32>
        %get3A_294 = arith.index_cast %scan3A_122 : i32 to index
        %get3A_295 = arith.constant 208 : index
        %get3A_296 = tpu.vector_load %arg7[%get3A_294, %get3A_295] {strides = array<i32>} : memref<16x1024xf32, #tpu.memory_space<vmem>>, vector<16xf32>,
        %get3A_297 = arith.index_cast %scan3A_122 : i32 to index
        %get3A_298 = arith.constant 208 : index
        %get3A_299 = tpu.vector_load %arg8[%get3A_297, %get3A_298] {strides = array<i32>} : memref<16x1024xf32, #tpu.memory_space<vmem>>, vector<16xf32>,
        %add3A_300 = arith.addf %get3A_296, %get3A_299 : vector<16xf32>
        %swap3A_301 = arith.index_cast %scan3A_122 : i32 to index
        %swap3A_302 = arith.constant 208 : index
        %swap3A_303 = tpu.vector_load %arg7[%swap3A_301, %swap3A_302] {strides = array<i32>} : memref<16x1024xf32, #tpu.memory_space<vmem>>, vector<16xf32>,
        tpu.vector_store %arg7[%swap3A_301, %swap3A_302], %add3A_300 {strides = array<i32>} : memref<16x1024xf32, #tpu.memory_space<vmem>>, vector<16xf32>,
        %add3A_304 = arith.addf %add3A_291, %add3A_300 : vector<16xf32>
        %mul3A_305 = arith.mulf %add3A_300, %add3A_300 : vector<16xf32>
        %add3A_306 = arith.addf %add3A_293, %mul3A_305 : vector<16xf32>
        %get3A_307 = arith.index_cast %scan3A_122 : i32 to index
        %get3A_308 = arith.constant 224 : index
        %get3A_309 = tpu.vector_load %arg7[%get3A_307, %get3A_308] {strides = array<i32>} : memref<16x1024xf32, #tpu.memory_space<vmem>>, vector<16xf32>,
        %get3A_310 = arith.index_cast %scan3A_122 : i32 to index
        %get3A_311 = arith.constant 224 : index
        %get3A_312 = tpu.vector_load %arg8[%get3A_310, %get3A_311] {strides = array<i32>} : memref<16x1024xf32, #tpu.memory_space<vmem>>, vector<16xf32>,
        %add3A_313 = arith.addf %get3A_309, %get3A_312 : vector<16xf32>
        %swap3A_314 = arith.index_cast %scan3A_122 : i32 to index
        %swap3A_315 = arith.constant 224 : index
        %swap3A_316 = tpu.vector_load %arg7[%swap3A_314, %swap3A_315] {strides = array<i32>} : memref<16x1024xf32, #tpu.memory_space<vmem>>, vector<16xf32>,
        tpu.vector_store %arg7[%swap3A_314, %swap3A_315], %add3A_313 {strides = array<i32>} : memref<16x1024xf32, #tpu.memory_space<vmem>>, vector<16xf32>,
        %add3A_317 = arith.addf %add3A_304, %add3A_313 : vector<16xf32>
        %mul3A_318 = arith.mulf %add3A_313, %add3A_313 : vector<16xf32>
        %add3A_319 = arith.addf %add3A_306, %mul3A_318 : vector<16xf32>
        %get3A_320 = arith.index_cast %scan3A_122 : i32 to index
        %get3A_321 = arith.constant 240 : index
        %get3A_322 = tpu.vector_load %arg7[%get3A_320, %get3A_321] {strides = array<i32>} : memref<16x1024xf32, #tpu.memory_space<vmem>>, vector<16xf32>,
        %get3A_323 = arith.index_cast %scan3A_122 : i32 to index
        %get3A_324 = arith.constant 240 : index
        %get3A_325 = tpu.vector_load %arg8[%get3A_323, %get3A_324] {strides = array<i32>} : memref<16x1024xf32, #tpu.memory_space<vmem>>, vector<16xf32>,
        %add3A_326 = arith.addf %get3A_322, %get3A_325 : vector<16xf32>
        %swap3A_327 = arith.index_cast %scan3A_122 : i32 to index
        %swap3A_328 = arith.constant 240 : index
        %swap3A_329 = tpu.vector_load %arg7[%swap3A_327, %swap3A_328] {strides = array<i32>} : memref<16x1024xf32, #tpu.memory_space<vmem>>, vector<16xf32>,
        tpu.vector_store %arg7[%swap3A_327, %swap3A_328], %add3A_326 {strides = array<i32>} : memref<16x1024xf32, #tpu.memory_space<vmem>>, vector<16xf32>,
        %add3A_330 = arith.addf %add3A_317, %add3A_326 : vector<16xf32>
        %mul3A_331 = arith.mulf %add3A_326, %add3A_326 : vector<16xf32>
        %add3A_332 = arith.addf %add3A_319, %mul3A_331 : vector<16xf32>
        %get3A_333 = arith.index_cast %scan3A_122 : i32 to index
        %get3A_334 = arith.constant 256 : index
        %get3A_335 = tpu.vector_load %arg7[%get3A_333, %get3A_334] {strides = array<i32>} : memref<16x1024xf32, #tpu.memory_space<vmem>>, vector<16xf32>,
        %get3A_336 = arith.index_cast %scan3A_122 : i32 to index
        %get3A_337 = arith.constant 256 : index
        %get3A_338 = tpu.vector_load %arg8[%get3A_336, %get3A_337] {strides = array<i32>} : memref<16x1024xf32, #tpu.memory_space<vmem>>, vector<16xf32>,
        %add3A_339 = arith.addf %get3A_335, %get3A_338 : vector<16xf32>
        %swap3A_340 = arith.index_cast %scan3A_122 : i32 to index
        %swap3A_341 = arith.constant 256 : index
        %swap3A_342 = tpu.vector_load %arg7[%swap3A_340, %swap3A_341] {strides = array<i32>} : memref<16x1024xf32, #tpu.memory_space<vmem>>, vector<16xf32>,
        tpu.vector_store %arg7[%swap3A_340, %swap3A_341], %add3A_339 {strides = array<i32>} : memref<16x1024xf32, #tpu.memory_space<vmem>>, vector<16xf32>,
        %add3A_343 = arith.addf %add3A_330, %add3A_339 : vector<16xf32>
        %mul3A_344 = arith.mulf %add3A_339, %add3A_339 : vector<16xf32>
        %add3A_345 = arith.addf %add3A_332, %mul3A_344 : vector<16xf32>
        %get3A_346 = arith.index_cast %scan3A_122 : i32 to index
        %get3A_347 = arith.constant 272 : index
        %get3A_348 = tpu.vector_load %arg7[%get3A_346, %get3A_347] {strides = array<i32>} : memref<16x1024xf32, #tpu.memory_space<vmem>>, vector<16xf32>,
        %get3A_349 = arith.index_cast %scan3A_122 : i32 to index
        %get3A_350 = arith.constant 272 : index
        %get3A_351 = tpu.vector_load %arg8[%get3A_349, %get3A_350] {strides = array<i32>} : memref<16x1024xf32, #tpu.memory_space<vmem>>, vector<16xf32>,
        %add3A_352 = arith.addf %get3A_348, %get3A_351 : vector<16xf32>
        %swap3A_353 = arith.index_cast %scan3A_122 : i32 to index
        %swap3A_354 = arith.constant 272 : index
        %swap3A_355 = tpu.vector_load %arg7[%swap3A_353, %swap3A_354] {strides = array<i32>} : memref<16x1024xf32, #tpu.memory_space<vmem>>, vector<16xf32>,
        tpu.vector_store %arg7[%swap3A_353, %swap3A_354], %add3A_352 {strides = array<i32>} : memref<16x1024xf32, #tpu.memory_space<vmem>>, vector<16xf32>,
        %add3A_356 = arith.addf %add3A_343, %add3A_352 : vector<16xf32>
        %mul3A_357 = arith.mulf %add3A_352, %add3A_352 : vector<16xf32>
        %add3A_358 = arith.addf %add3A_345, %mul3A_357 : vector<16xf32>
        %get3A_359 = arith.index_cast %scan3A_122 : i32 to index
        %get3A_360 = arith.constant 288 : index
        %get3A_361 = tpu.vector_load %arg7[%get3A_359, %get3A_360] {strides = array<i32>} : memref<16x1024xf32, #tpu.memory_space<vmem>>, vector<16xf32>,
        %get3A_362 = arith.index_cast %scan3A_122 : i32 to index
        %get3A_363 = arith.constant 288 : index
        %get3A_364 = tpu.vector_load %arg8[%get3A_362, %get3A_363] {strides = array<i32>} : memref<16x1024xf32, #tpu.memory_space<vmem>>, vector<16xf32>,
        %add3A_365 = arith.addf %get3A_361, %get3A_364 : vector<16xf32>
        %swap3A_366 = arith.index_cast %scan3A_122 : i32 to index
        %swap3A_367 = arith.constant 288 : index
        %swap3A_368 = tpu.vector_load %arg7[%swap3A_366, %swap3A_367] {strides = array<i32>} : memref<16x1024xf32, #tpu.memory_space<vmem>>, vector<16xf32>,
        tpu.vector_store %arg7[%swap3A_366, %swap3A_367], %add3A_365 {strides = array<i32>} : memref<16x1024xf32, #tpu.memory_space<vmem>>, vector<16xf32>,
        %add3A_369 = arith.addf %add3A_356, %add3A_365 : vector<16xf32>
        %mul3A_370 = arith.mulf %add3A_365, %add3A_365 : vector<16xf32>
        %add3A_371 = arith.addf %add3A_358, %mul3A_370 : vector<16xf32>
        %get3A_372 = arith.index_cast %scan3A_122 : i32 to index
        %get3A_373 = arith.constant 304 : index
        %get3A_374 = tpu.vector_load %arg7[%get3A_372, %get3A_373] {strides = array<i32>} : memref<16x1024xf32, #tpu.memory_space<vmem>>, vector<16xf32>,
        %get3A_375 = arith.index_cast %scan3A_122 : i32 to index
        %get3A_376 = arith.constant 304 : index
        %get3A_377 = tpu.vector_load %arg8[%get3A_375, %get3A_376] {strides = array<i32>} : memref<16x1024xf32, #tpu.memory_space<vmem>>, vector<16xf32>,
        %add3A_378 = arith.addf %get3A_374, %get3A_377 : vector<16xf32>
        %swap3A_379 = arith.index_cast %scan3A_122 : i32 to index
        %swap3A_380 = arith.constant 304 : index
        %swap3A_381 = tpu.vector_load %arg7[%swap3A_379, %swap3A_380] {strides = array<i32>} : memref<16x1024xf32, #tpu.memory_space<vmem>>, vector<16xf32>,
        tpu.vector_store %arg7[%swap3A_379, %swap3A_380], %add3A_378 {strides = array<i32>} : memref<16x1024xf32, #tpu.memory_space<vmem>>, vector<16xf32>,
        %add3A_382 = arith.addf %add3A_369, %add3A_378 : vector<16xf32>
        %mul3A_383 = arith.mulf %add3A_378, %add3A_378 : vector<16xf32>
        %add3A_384 = arith.addf %add3A_371, %mul3A_383 : vector<16xf32>
        %get3A_385 = arith.index_cast %scan3A_122 : i32 to index
        %get3A_386 = arith.constant 320 : index
        %get3A_387 = tpu.vector_load %arg7[%get3A_385, %get3A_386] {strides = array<i32>} : memref<16x1024xf32, #tpu.memory_space<vmem>>, vector<16xf32>,
        %get3A_388 = arith.index_cast %scan3A_122 : i32 to index
        %get3A_389 = arith.constant 320 : index
        %get3A_390 = tpu.vector_load %arg8[%get3A_388, %get3A_389] {strides = array<i32>} : memref<16x1024xf32, #tpu.memory_space<vmem>>, vector<16xf32>,
        %add3A_391 = arith.addf %get3A_387, %get3A_390 : vector<16xf32>
        %swap3A_392 = arith.index_cast %scan3A_122 : i32 to index
        %swap3A_393 = arith.constant 320 : index
        %swap3A_394 = tpu.vector_load %arg7[%swap3A_392, %swap3A_393] {strides = array<i32>} : memref<16x1024xf32, #tpu.memory_space<vmem>>, vector<16xf32>,
        tpu.vector_store %arg7[%swap3A_392, %swap3A_393], %add3A_391 {strides = array<i32>} : memref<16x1024xf32, #tpu.memory_space<vmem>>, vector<16xf32>,
        %add3A_395 = arith.addf %add3A_382, %add3A_391 : vector<16xf32>
        %mul3A_396 = arith.mulf %add3A_391, %add3A_391 : vector<16xf32>
        %add3A_397 = arith.addf %add3A_384, %mul3A_396 : vector<16xf32>
        %get3A_398 = arith.index_cast %scan3A_122 : i32 to index
        %get3A_399 = arith.constant 336 : index
        %get3A_400 = tpu.vector_load %arg7[%get3A_398, %get3A_399] {strides = array<i32>} : memref<16x1024xf32, #tpu.memory_space<vmem>>, vector<16xf32>,
        %get3A_401 = arith.index_cast %scan3A_122 : i32 to index
        %get3A_402 = arith.constant 336 : index
        %get3A_403 = tpu.vector_load %arg8[%get3A_401, %get3A_402] {strides = array<i32>} : memref<16x1024xf32, #tpu.memory_space<vmem>>, vector<16xf32>,
        %add3A_404 = arith.addf %get3A_400, %get3A_403 : vector<16xf32>
        %swap3A_405 = arith.index_cast %scan3A_122 : i32 to index
        %swap3A_406 = arith.constant 336 : index
        %swap3A_407 = tpu.vector_load %arg7[%swap3A_405, %swap3A_406] {strides = array<i32>} : memref<16x1024xf32, #tpu.memory_space<vmem>>, vector<16xf32>,
        tpu.vector_store %arg7[%swap3A_405, %swap3A_406], %add3A_404 {strides = array<i32>} : memref<16x1024xf32, #tpu.memory_space<vmem>>, vector<16xf32>,
        %add3A_408 = arith.addf %add3A_395, %add3A_404 : vector<16xf32>
        %mul3A_409 = arith.mulf %add3A_404, %add3A_404 : vector<16xf32>
        %add3A_410 = arith.addf %add3A_397, %mul3A_409 : vector<16xf32>
        %get3A_411 = arith.index_cast %scan3A_122 : i32 to index
        %get3A_412 = arith.constant 352 : index
        %get3A_413 = tpu.vector_load %arg7[%get3A_411, %get3A_412] {strides = array<i32>} : memref<16x1024xf32, #tpu.memory_space<vmem>>, vector<16xf32>,
        %get3A_414 = arith.index_cast %scan3A_122 : i32 to index
        %get3A_415 = arith.constant 352 : index
        %get3A_416 = tpu.vector_load %arg8[%get3A_414, %get3A_415] {strides = array<i32>} : memref<16x1024xf32, #tpu.memory_space<vmem>>, vector<16xf32>,
        %add3A_417 = arith.addf %get3A_413, %get3A_416 : vector<16xf32>
        %swap3A_418 = arith.index_cast %scan3A_122 : i32 to index
        %swap3A_419 = arith.constant 352 : index
        %swap3A_420 = tpu.vector_load %arg7[%swap3A_418, %swap3A_419] {strides = array<i32>} : memref<16x1024xf32, #tpu.memory_space<vmem>>, vector<16xf32>,
        tpu.vector_store %arg7[%swap3A_418, %swap3A_419], %add3A_417 {strides = array<i32>} : memref<16x1024xf32, #tpu.memory_space<vmem>>, vector<16xf32>,
        %add3A_421 = arith.addf %add3A_408, %add3A_417 : vector<16xf32>
        %mul3A_422 = arith.mulf %add3A_417, %add3A_417 : vector<16xf32>
        %add3A_423 = arith.addf %add3A_410, %mul3A_422 : vector<16xf32>
        %get3A_424 = arith.index_cast %scan3A_122 : i32 to index
        %get3A_425 = arith.constant 368 : index
        %get3A_426 = tpu.vector_load %arg7[%get3A_424, %get3A_425] {strides = array<i32>} : memref<16x1024xf32, #tpu.memory_space<vmem>>, vector<16xf32>,
        %get3A_427 = arith.index_cast %scan3A_122 : i32 to index
        %get3A_428 = arith.constant 368 : index
        %get3A_429 = tpu.vector_load %arg8[%get3A_427, %get3A_428] {strides = array<i32>} : memref<16x1024xf32, #tpu.memory_space<vmem>>, vector<16xf32>,
        %add3A_430 = arith.addf %get3A_426, %get3A_429 : vector<16xf32>
        %swap3A_431 = arith.index_cast %scan3A_122 : i32 to index
        %swap3A_432 = arith.constant 368 : index
        %swap3A_433 = tpu.vector_load %arg7[%swap3A_431, %swap3A_432] {strides = array<i32>} : memref<16x1024xf32, #tpu.memory_space<vmem>>, vector<16xf32>,
        tpu.vector_store %arg7[%swap3A_431, %swap3A_432], %add3A_430 {strides = array<i32>} : memref<16x1024xf32, #tpu.memory_space<vmem>>, vector<16xf32>,
        %add3A_434 = arith.addf %add3A_421, %add3A_430 : vector<16xf32>
        %mul3A_435 = arith.mulf %add3A_430, %add3A_430 : vector<16xf32>
        %add3A_436 = arith.addf %add3A_423, %mul3A_435 : vector<16xf32>
        %get3A_437 = arith.index_cast %scan3A_122 : i32 to index
        %get3A_438 = arith.constant 384 : index
        %get3A_439 = tpu.vector_load %arg7[%get3A_437, %get3A_438] {strides = array<i32>} : memref<16x1024xf32, #tpu.memory_space<vmem>>, vector<16xf32>,
        %get3A_440 = arith.index_cast %scan3A_122 : i32 to index
        %get3A_441 = arith.constant 384 : index
        %get3A_442 = tpu.vector_load %arg8[%get3A_440, %get3A_441] {strides = array<i32>} : memref<16x1024xf32, #tpu.memory_space<vmem>>, vector<16xf32>,
        %add3A_443 = arith.addf %get3A_439, %get3A_442 : vector<16xf32>
        %swap3A_444 = arith.index_cast %scan3A_122 : i32 to index
        %swap3A_445 = arith.constant 384 : index
        %swap3A_446 = tpu.vector_load %arg7[%swap3A_444, %swap3A_445] {strides = array<i32>} : memref<16x1024xf32, #tpu.memory_space<vmem>>, vector<16xf32>,
        tpu.vector_store %arg7[%swap3A_444, %swap3A_445], %add3A_443 {strides = array<i32>} : memref<16x1024xf32, #tpu.memory_space<vmem>>, vector<16xf32>,
        %add3A_447 = arith.addf %add3A_434, %add3A_443 : vector<16xf32>
        %mul3A_448 = arith.mulf %add3A_443, %add3A_443 : vector<16xf32>
        %add3A_449 = arith.addf %add3A_436, %mul3A_448 : vector<16xf32>
        %get3A_450 = arith.index_cast %scan3A_122 : i32 to index
        %get3A_451 = arith.constant 400 : index
        %get3A_452 = tpu.vector_load %arg7[%get3A_450, %get3A_451] {strides = array<i32>} : memref<16x1024xf32, #tpu.memory_space<vmem>>, vector<16xf32>,
        %get3A_453 = arith.index_cast %scan3A_122 : i32 to index
        %get3A_454 = arith.constant 400 : index
        %get3A_455 = tpu.vector_load %arg8[%get3A_453, %get3A_454] {strides = array<i32>} : memref<16x1024xf32, #tpu.memory_space<vmem>>, vector<16xf32>,
        %add3A_456 = arith.addf %get3A_452, %get3A_455 : vector<16xf32>
        %swap3A_457 = arith.index_cast %scan3A_122 : i32 to index
        %swap3A_458 = arith.constant 400 : index
        %swap3A_459 = tpu.vector_load %arg7[%swap3A_457, %swap3A_458] {strides = array<i32>} : memref<16x1024xf32, #tpu.memory_space<vmem>>, vector<16xf32>,
        tpu.vector_store %arg7[%swap3A_457, %swap3A_458], %add3A_456 {strides = array<i32>} : memref<16x1024xf32, #tpu.memory_space<vmem>>, vector<16xf32>,
        %add3A_460 = arith.addf %add3A_447, %add3A_456 : vector<16xf32>
        %mul3A_461 = arith.mulf %add3A_456, %add3A_456 : vector<16xf32>
        %add3A_462 = arith.addf %add3A_449, %mul3A_461 : vector<16xf32>
        %get3A_463 = arith.index_cast %scan3A_122 : i32 to index
        %get3A_464 = arith.constant 416 : index
        %get3A_465 = tpu.vector_load %arg7[%get3A_463, %get3A_464] {strides = array<i32>} : memref<16x1024xf32, #tpu.memory_space<vmem>>, vector<16xf32>,
        %get3A_466 = arith.index_cast %scan3A_122 : i32 to index
        %get3A_467 = arith.constant 416 : index
        %get3A_468 = tpu.vector_load %arg8[%get3A_466, %get3A_467] {strides = array<i32>} : memref<16x1024xf32, #tpu.memory_space<vmem>>, vector<16xf32>,
        %add3A_469 = arith.addf %get3A_465, %get3A_468 : vector<16xf32>
        %swap3A_470 = arith.index_cast %scan3A_122 : i32 to index
        %swap3A_471 = arith.constant 416 : index
        %swap3A_472 = tpu.vector_load %arg7[%swap3A_470, %swap3A_471] {strides = array<i32>} : memref<16x1024xf32, #tpu.memory_space<vmem>>, vector<16xf32>,
        tpu.vector_store %arg7[%swap3A_470, %swap3A_471], %add3A_469 {strides = array<i32>} : memref<16x1024xf32, #tpu.memory_space<vmem>>, vector<16xf32>,
        %add3A_473 = arith.addf %add3A_460, %add3A_469 : vector<16xf32>
        %mul3A_474 = arith.mulf %add3A_469, %add3A_469 : vector<16xf32>
        %add3A_475 = arith.addf %add3A_462, %mul3A_474 : vector<16xf32>
        %get3A_476 = arith.index_cast %scan3A_122 : i32 to index
        %get3A_477 = arith.constant 432 : index
        %get3A_478 = tpu.vector_load %arg7[%get3A_476, %get3A_477] {strides = array<i32>} : memref<16x1024xf32, #tpu.memory_space<vmem>>, vector<16xf32>,
        %get3A_479 = arith.index_cast %scan3A_122 : i32 to index
        %get3A_480 = arith.constant 432 : index
        %get3A_481 = tpu.vector_load %arg8[%get3A_479, %get3A_480] {strides = array<i32>} : memref<16x1024xf32, #tpu.memory_space<vmem>>, vector<16xf32>,
        %add3A_482 = arith.addf %get3A_478, %get3A_481 : vector<16xf32>
        %swap3A_483 = arith.index_cast %scan3A_122 : i32 to index
        %swap3A_484 = arith.constant 432 : index
        %swap3A_485 = tpu.vector_load %arg7[%swap3A_483, %swap3A_484] {strides = array<i32>} : memref<16x1024xf32, #tpu.memory_space<vmem>>, vector<16xf32>,
        tpu.vector_store %arg7[%swap3A_483, %swap3A_484], %add3A_482 {strides = array<i32>} : memref<16x1024xf32, #tpu.memory_space<vmem>>, vector<16xf32>,
        %add3A_486 = arith.addf %add3A_473, %add3A_482 : vector<16xf32>
        %mul3A_487 = arith.mulf %add3A_482, %add3A_482 : vector<16xf32>
        %add3A_488 = arith.addf %add3A_475, %mul3A_487 : vector<16xf32>
        %get3A_489 = arith.index_cast %scan3A_122 : i32 to index
        %get3A_490 = arith.constant 448 : index
        %get3A_491 = tpu.vector_load %arg7[%get3A_489, %get3A_490] {strides = array<i32>} : memref<16x1024xf32, #tpu.memory_space<vmem>>, vector<16xf32>,
        %get3A_492 = arith.index_cast %scan3A_122 : i32 to index
        %get3A_493 = arith.constant 448 : index
        %get3A_494 = tpu.vector_load %arg8[%get3A_492, %get3A_493] {strides = array<i32>} : memref<16x1024xf32, #tpu.memory_space<vmem>>, vector<16xf32>,
        %add3A_495 = arith.addf %get3A_491, %get3A_494 : vector<16xf32>
        %swap3A_496 = arith.index_cast %scan3A_122 : i32 to index
        %swap3A_497 = arith.constant 448 : index
        %swap3A_498 = tpu.vector_load %arg7[%swap3A_496, %swap3A_497] {strides = array<i32>} : memref<16x1024xf32, #tpu.memory_space<vmem>>, vector<16xf32>,
        tpu.vector_store %arg7[%swap3A_496, %swap3A_497], %add3A_495 {strides = array<i32>} : memref<16x1024xf32, #tpu.memory_space<vmem>>, vector<16xf32>,
        %add3A_499 = arith.addf %add3A_486, %add3A_495 : vector<16xf32>
        %mul3A_500 = arith.mulf %add3A_495, %add3A_495 : vector<16xf32>
        %add3A_501 = arith.addf %add3A_488, %mul3A_500 : vector<16xf32>
        %get3A_502 = arith.index_cast %scan3A_122 : i32 to index
        %get3A_503 = arith.constant 464 : index
        %get3A_504 = tpu.vector_load %arg7[%get3A_502, %get3A_503] {strides = array<i32>} : memref<16x1024xf32, #tpu.memory_space<vmem>>, vector<16xf32>,
        %get3A_505 = arith.index_cast %scan3A_122 : i32 to index
        %get3A_506 = arith.constant 464 : index
        %get3A_507 = tpu.vector_load %arg8[%get3A_505, %get3A_506] {strides = array<i32>} : memref<16x1024xf32, #tpu.memory_space<vmem>>, vector<16xf32>,
        %add3A_508 = arith.addf %get3A_504, %get3A_507 : vector<16xf32>
        %swap3A_509 = arith.index_cast %scan3A_122 : i32 to index
        %swap3A_510 = arith.constant 464 : index
        %swap3A_511 = tpu.vector_load %arg7[%swap3A_509, %swap3A_510] {strides = array<i32>} : memref<16x1024xf32, #tpu.memory_space<vmem>>, vector<16xf32>,
        tpu.vector_store %arg7[%swap3A_509, %swap3A_510], %add3A_508 {strides = array<i32>} : memref<16x1024xf32, #tpu.memory_space<vmem>>, vector<16xf32>,
        %add3A_512 = arith.addf %add3A_499, %add3A_508 : vector<16xf32>
        %mul3A_513 = arith.mulf %add3A_508, %add3A_508 : vector<16xf32>
        %add3A_514 = arith.addf %add3A_501, %mul3A_513 : vector<16xf32>
        %get3A_515 = arith.index_cast %scan3A_122 : i32 to index
        %get3A_516 = arith.constant 480 : index
        %get3A_517 = tpu.vector_load %arg7[%get3A_515, %get3A_516] {strides = array<i32>} : memref<16x1024xf32, #tpu.memory_space<vmem>>, vector<16xf32>,
        %get3A_518 = arith.index_cast %scan3A_122 : i32 to index
        %get3A_519 = arith.constant 480 : index
        %get3A_520 = tpu.vector_load %arg8[%get3A_518, %get3A_519] {strides = array<i32>} : memref<16x1024xf32, #tpu.memory_space<vmem>>, vector<16xf32>,
        %add3A_521 = arith.addf %get3A_517, %get3A_520 : vector<16xf32>
        %swap3A_522 = arith.index_cast %scan3A_122 : i32 to index
        %swap3A_523 = arith.constant 480 : index
        %swap3A_524 = tpu.vector_load %arg7[%swap3A_522, %swap3A_523] {strides = array<i32>} : memref<16x1024xf32, #tpu.memory_space<vmem>>, vector<16xf32>,
        tpu.vector_store %arg7[%swap3A_522, %swap3A_523], %add3A_521 {strides = array<i32>} : memref<16x1024xf32, #tpu.memory_space<vmem>>, vector<16xf32>,
        %add3A_525 = arith.addf %add3A_512, %add3A_521 : vector<16xf32>
        %mul3A_526 = arith.mulf %add3A_521, %add3A_521 : vector<16xf32>
        %add3A_527 = arith.addf %add3A_514, %mul3A_526 : vector<16xf32>
        %get3A_528 = arith.index_cast %scan3A_122 : i32 to index
        %get3A_529 = arith.constant 496 : index
        %get3A_530 = tpu.vector_load %arg7[%get3A_528, %get3A_529] {strides = array<i32>} : memref<16x1024xf32, #tpu.memory_space<vmem>>, vector<16xf32>,
        %get3A_531 = arith.index_cast %scan3A_122 : i32 to index
        %get3A_532 = arith.constant 496 : index
        %get3A_533 = tpu.vector_load %arg8[%get3A_531, %get3A_532] {strides = array<i32>} : memref<16x1024xf32, #tpu.memory_space<vmem>>, vector<16xf32>,
        %add3A_534 = arith.addf %get3A_530, %get3A_533 : vector<16xf32>
        %swap3A_535 = arith.index_cast %scan3A_122 : i32 to index
        %swap3A_536 = arith.constant 496 : index
        %swap3A_537 = tpu.vector_load %arg7[%swap3A_535, %swap3A_536] {strides = array<i32>} : memref<16x1024xf32, #tpu.memory_space<vmem>>, vector<16xf32>,
        tpu.vector_store %arg7[%swap3A_535, %swap3A_536], %add3A_534 {strides = array<i32>} : memref<16x1024xf32, #tpu.memory_space<vmem>>, vector<16xf32>,
        %add3A_538 = arith.addf %add3A_525, %add3A_534 : vector<16xf32>
        %mul3A_539 = arith.mulf %add3A_534, %add3A_534 : vector<16xf32>
        %add3A_540 = arith.addf %add3A_527, %mul3A_539 : vector<16xf32>
        %get3A_541 = arith.index_cast %scan3A_122 : i32 to index
        %get3A_542 = arith.constant 512 : index
        %get3A_543 = tpu.vector_load %arg7[%get3A_541, %get3A_542] {strides = array<i32>} : memref<16x1024xf32, #tpu.memory_space<vmem>>, vector<16xf32>,
        %get3A_544 = arith.index_cast %scan3A_122 : i32 to index
        %get3A_545 = arith.constant 512 : index
        %get3A_546 = tpu.vector_load %arg8[%get3A_544, %get3A_545] {strides = array<i32>} : memref<16x1024xf32, #tpu.memory_space<vmem>>, vector<16xf32>,
        %add3A_547 = arith.addf %get3A_543, %get3A_546 : vector<16xf32>
        %swap3A_548 = arith.index_cast %scan3A_122 : i32 to index
        %swap3A_549 = arith.constant 512 : index
        %swap3A_550 = tpu.vector_load %arg7[%swap3A_548, %swap3A_549] {strides = array<i32>} : memref<16x1024xf32, #tpu.memory_space<vmem>>, vector<16xf32>,
        tpu.vector_store %arg7[%swap3A_548, %swap3A_549], %add3A_547 {strides = array<i32>} : memref<16x1024xf32, #tpu.memory_space<vmem>>, vector<16xf32>,
        %add3A_551 = arith.addf %add3A_538, %add3A_547 : vector<16xf32>
        %mul3A_552 = arith.mulf %add3A_547, %add3A_547 : vector<16xf32>
        %add3A_553 = arith.addf %add3A_540, %mul3A_552 : vector<16xf32>
        %get3A_554 = arith.index_cast %scan3A_122 : i32 to index
        %get3A_555 = arith.constant 528 : index
        %get3A_556 = tpu.vector_load %arg7[%get3A_554, %get3A_555] {strides = array<i32>} : memref<16x1024xf32, #tpu.memory_space<vmem>>, vector<16xf32>,
        %get3A_557 = arith.index_cast %scan3A_122 : i32 to index
        %get3A_558 = arith.constant 528 : index
        %get3A_559 = tpu.vector_load %arg8[%get3A_557, %get3A_558] {strides = array<i32>} : memref<16x1024xf32, #tpu.memory_space<vmem>>, vector<16xf32>,
        %add3A_560 = arith.addf %get3A_556, %get3A_559 : vector<16xf32>
        %swap3A_561 = arith.index_cast %scan3A_122 : i32 to index
        %swap3A_562 = arith.constant 528 : index
        %swap3A_563 = tpu.vector_load %arg7[%swap3A_561, %swap3A_562] {strides = array<i32>} : memref<16x1024xf32, #tpu.memory_space<vmem>>, vector<16xf32>,
        tpu.vector_store %arg7[%swap3A_561, %swap3A_562], %add3A_560 {strides = array<i32>} : memref<16x1024xf32, #tpu.memory_space<vmem>>, vector<16xf32>,
        %add3A_564 = arith.addf %add3A_551, %add3A_560 : vector<16xf32>
        %mul3A_565 = arith.mulf %add3A_560, %add3A_560 : vector<16xf32>
        %add3A_566 = arith.addf %add3A_553, %mul3A_565 : vector<16xf32>
        %get3A_567 = arith.index_cast %scan3A_122 : i32 to index
        %get3A_568 = arith.constant 544 : index
        %get3A_569 = tpu.vector_load %arg7[%get3A_567, %get3A_568] {strides = array<i32>} : memref<16x1024xf32, #tpu.memory_space<vmem>>, vector<16xf32>,
        %get3A_570 = arith.index_cast %scan3A_122 : i32 to index
        %get3A_571 = arith.constant 544 : index
        %get3A_572 = tpu.vector_load %arg8[%get3A_570, %get3A_571] {strides = array<i32>} : memref<16x1024xf32, #tpu.memory_space<vmem>>, vector<16xf32>,
        %add3A_573 = arith.addf %get3A_569, %get3A_572 : vector<16xf32>
        %swap3A_574 = arith.index_cast %scan3A_122 : i32 to index
        %swap3A_575 = arith.constant 544 : index
        %swap3A_576 = tpu.vector_load %arg7[%swap3A_574, %swap3A_575] {strides = array<i32>} : memref<16x1024xf32, #tpu.memory_space<vmem>>, vector<16xf32>,
        tpu.vector_store %arg7[%swap3A_574, %swap3A_575], %add3A_573 {strides = array<i32>} : memref<16x1024xf32, #tpu.memory_space<vmem>>, vector<16xf32>,
        %add3A_577 = arith.addf %add3A_564, %add3A_573 : vector<16xf32>
        %mul3A_578 = arith.mulf %add3A_573, %add3A_573 : vector<16xf32>
        %add3A_579 = arith.addf %add3A_566, %mul3A_578 : vector<16xf32>
        %get3A_580 = arith.index_cast %scan3A_122 : i32 to index
        %get3A_581 = arith.constant 560 : index
        %get3A_582 = tpu.vector_load %arg7[%get3A_580, %get3A_581] {strides = array<i32>} : memref<16x1024xf32, #tpu.memory_space<vmem>>, vector<16xf32>,
        %get3A_583 = arith.index_cast %scan3A_122 : i32 to index
        %get3A_584 = arith.constant 560 : index
        %get3A_585 = tpu.vector_load %arg8[%get3A_583, %get3A_584] {strides = array<i32>} : memref<16x1024xf32, #tpu.memory_space<vmem>>, vector<16xf32>,
        %add3A_586 = arith.addf %get3A_582, %get3A_585 : vector<16xf32>
        %swap3A_587 = arith.index_cast %scan3A_122 : i32 to index
        %swap3A_588 = arith.constant 560 : index
        %swap3A_589 = tpu.vector_load %arg7[%swap3A_587, %swap3A_588] {strides = array<i32>} : memref<16x1024xf32, #tpu.memory_space<vmem>>, vector<16xf32>,
        tpu.vector_store %arg7[%swap3A_587, %swap3A_588], %add3A_586 {strides = array<i32>} : memref<16x1024xf32, #tpu.memory_space<vmem>>, vector<16xf32>,
        %add3A_590 = arith.addf %add3A_577, %add3A_586 : vector<16xf32>
        %mul3A_591 = arith.mulf %add3A_586, %add3A_586 : vector<16xf32>
        %add3A_592 = arith.addf %add3A_579, %mul3A_591 : vector<16xf32>
        %get3A_593 = arith.index_cast %scan3A_122 : i32 to index
        %get3A_594 = arith.constant 576 : index
        %get3A_595 = tpu.vector_load %arg7[%get3A_593, %get3A_594] {strides = array<i32>} : memref<16x1024xf32, #tpu.memory_space<vmem>>, vector<16xf32>,
        %get3A_596 = arith.index_cast %scan3A_122 : i32 to index
        %get3A_597 = arith.constant 576 : index
        %get3A_598 = tpu.vector_load %arg8[%get3A_596, %get3A_597] {strides = array<i32>} : memref<16x1024xf32, #tpu.memory_space<vmem>>, vector<16xf32>,
        %add3A_599 = arith.addf %get3A_595, %get3A_598 : vector<16xf32>
        %swap3A_600 = arith.index_cast %scan3A_122 : i32 to index
        %swap3A_601 = arith.constant 576 : index
        %swap3A_602 = tpu.vector_load %arg7[%swap3A_600, %swap3A_601] {strides = array<i32>} : memref<16x1024xf32, #tpu.memory_space<vmem>>, vector<16xf32>,
        tpu.vector_store %arg7[%swap3A_600, %swap3A_601], %add3A_599 {strides = array<i32>} : memref<16x1024xf32, #tpu.memory_space<vmem>>, vector<16xf32>,
        %add3A_603 = arith.addf %add3A_590, %add3A_599 : vector<16xf32>
        %mul3A_604 = arith.mulf %add3A_599, %add3A_599 : vector<16xf32>
        %add3A_605 = arith.addf %add3A_592, %mul3A_604 : vector<16xf32>
        %get3A_606 = arith.index_cast %scan3A_122 : i32 to index
        %get3A_607 = arith.constant 592 : index
        %get3A_608 = tpu.vector_load %arg7[%get3A_606, %get3A_607] {strides = array<i32>} : memref<16x1024xf32, #tpu.memory_space<vmem>>, vector<16xf32>,
        %get3A_609 = arith.index_cast %scan3A_122 : i32 to index
        %get3A_610 = arith.constant 592 : index
        %get3A_611 = tpu.vector_load %arg8[%get3A_609, %get3A_610] {strides = array<i32>} : memref<16x1024xf32, #tpu.memory_space<vmem>>, vector<16xf32>,
        %add3A_612 = arith.addf %get3A_608, %get3A_611 : vector<16xf32>
        %swap3A_613 = arith.index_cast %scan3A_122 : i32 to index
        %swap3A_614 = arith.constant 592 : index
        %swap3A_615 = tpu.vector_load %arg7[%swap3A_613, %swap3A_614] {strides = array<i32>} : memref<16x1024xf32, #tpu.memory_space<vmem>>, vector<16xf32>,
        tpu.vector_store %arg7[%swap3A_613, %swap3A_614], %add3A_612 {strides = array<i32>} : memref<16x1024xf32, #tpu.memory_space<vmem>>, vector<16xf32>,
        %add3A_616 = arith.addf %add3A_603, %add3A_612 : vector<16xf32>
        %mul3A_617 = arith.mulf %add3A_612, %add3A_612 : vector<16xf32>
        %add3A_618 = arith.addf %add3A_605, %mul3A_617 : vector<16xf32>
        %get3A_619 = arith.index_cast %scan3A_122 : i32 to index
        %get3A_620 = arith.constant 608 : index
        %get3A_621 = tpu.vector_load %arg7[%get3A_619, %get3A_620] {strides = array<i32>} : memref<16x1024xf32, #tpu.memory_space<vmem>>, vector<16xf32>,
        %get3A_622 = arith.index_cast %scan3A_122 : i32 to index
        %get3A_623 = arith.constant 608 : index
        %get3A_624 = tpu.vector_load %arg8[%get3A_622, %get3A_623] {strides = array<i32>} : memref<16x1024xf32, #tpu.memory_space<vmem>>, vector<16xf32>,
        %add3A_625 = arith.addf %get3A_621, %get3A_624 : vector<16xf32>
        %swap3A_626 = arith.index_cast %scan3A_122 : i32 to index
        %swap3A_627 = arith.constant 608 : index
        %swap3A_628 = tpu.vector_load %arg7[%swap3A_626, %swap3A_627] {strides = array<i32>} : memref<16x1024xf32, #tpu.memory_space<vmem>>, vector<16xf32>,
        tpu.vector_store %arg7[%swap3A_626, %swap3A_627], %add3A_625 {strides = array<i32>} : memref<16x1024xf32, #tpu.memory_space<vmem>>, vector<16xf32>,
        %add3A_629 = arith.addf %add3A_616, %add3A_625 : vector<16xf32>
        %mul3A_630 = arith.mulf %add3A_625, %add3A_625 : vector<16xf32>
        %add3A_631 = arith.addf %add3A_618, %mul3A_630 : vector<16xf32>
        %get3A_632 = arith.index_cast %scan3A_122 : i32 to index
        %get3A_633 = arith.constant 624 : index
        %get3A_634 = tpu.vector_load %arg7[%get3A_632, %get3A_633] {strides = array<i32>} : memref<16x1024xf32, #tpu.memory_space<vmem>>, vector<16xf32>,
        %get3A_635 = arith.index_cast %scan3A_122 : i32 to index
        %get3A_636 = arith.constant 624 : index
        %get3A_637 = tpu.vector_load %arg8[%get3A_635, %get3A_636] {strides = array<i32>} : memref<16x1024xf32, #tpu.memory_space<vmem>>, vector<16xf32>,
        %add3A_638 = arith.addf %get3A_634, %get3A_637 : vector<16xf32>
        %swap3A_639 = arith.index_cast %scan3A_122 : i32 to index
        %swap3A_640 = arith.constant 624 : index
        %swap3A_641 = tpu.vector_load %arg7[%swap3A_639, %swap3A_640] {strides = array<i32>} : memref<16x1024xf32, #tpu.memory_space<vmem>>, vector<16xf32>,
        tpu.vector_store %arg7[%swap3A_639, %swap3A_640], %add3A_638 {strides = array<i32>} : memref<16x1024xf32, #tpu.memory_space<vmem>>, vector<16xf32>,
        %add3A_642 = arith.addf %add3A_629, %add3A_638 : vector<16xf32>
        %mul3A_643 = arith.mulf %add3A_638, %add3A_638 : vector<16xf32>
        %add3A_644 = arith.addf %add3A_631, %mul3A_643 : vector<16xf32>
        %get3A_645 = arith.index_cast %scan3A_122 : i32 to index
        %get3A_646 = arith.constant 640 : index
        %get3A_647 = tpu.vector_load %arg7[%get3A_645, %get3A_646] {strides = array<i32>} : memref<16x1024xf32, #tpu.memory_space<vmem>>, vector<16xf32>,
        %get3A_648 = arith.index_cast %scan3A_122 : i32 to index
        %get3A_649 = arith.constant 640 : index
        %get3A_650 = tpu.vector_load %arg8[%get3A_648, %get3A_649] {strides = array<i32>} : memref<16x1024xf32, #tpu.memory_space<vmem>>, vector<16xf32>,
        %add3A_651 = arith.addf %get3A_647, %get3A_650 : vector<16xf32>
        %swap3A_652 = arith.index_cast %scan3A_122 : i32 to index
        %swap3A_653 = arith.constant 640 : index
        %swap3A_654 = tpu.vector_load %arg7[%swap3A_652, %swap3A_653] {strides = array<i32>} : memref<16x1024xf32, #tpu.memory_space<vmem>>, vector<16xf32>,
        tpu.vector_store %arg7[%swap3A_652, %swap3A_653], %add3A_651 {strides = array<i32>} : memref<16x1024xf32, #tpu.memory_space<vmem>>, vector<16xf32>,
        %add3A_655 = arith.addf %add3A_642, %add3A_651 : vector<16xf32>
        %mul3A_656 = arith.mulf %add3A_651, %add3A_651 : vector<16xf32>
        %add3A_657 = arith.addf %add3A_644, %mul3A_656 : vector<16xf32>
        %get3A_658 = arith.index_cast %scan3A_122 : i32 to index
        %get3A_659 = arith.constant 656 : index
        %get3A_660 = tpu.vector_load %arg7[%get3A_658, %get3A_659] {strides = array<i32>} : memref<16x1024xf32, #tpu.memory_space<vmem>>, vector<16xf32>,
        %get3A_661 = arith.index_cast %scan3A_122 : i32 to index
        %get3A_662 = arith.constant 656 : index
        %get3A_663 = tpu.vector_load %arg8[%get3A_661, %get3A_662] {strides = array<i32>} : memref<16x1024xf32, #tpu.memory_space<vmem>>, vector<16xf32>,
        %add3A_664 = arith.addf %get3A_660, %get3A_663 : vector<16xf32>
        %swap3A_665 = arith.index_cast %scan3A_122 : i32 to index
        %swap3A_666 = arith.constant 656 : index
        %swap3A_667 = tpu.vector_load %arg7[%swap3A_665, %swap3A_666] {strides = array<i32>} : memref<16x1024xf32, #tpu.memory_space<vmem>>, vector<16xf32>,
        tpu.vector_store %arg7[%swap3A_665, %swap3A_666], %add3A_664 {strides = array<i32>} : memref<16x1024xf32, #tpu.memory_space<vmem>>, vector<16xf32>,
        %add3A_668 = arith.addf %add3A_655, %add3A_664 : vector<16xf32>
        %mul3A_669 = arith.mulf %add3A_664, %add3A_664 : vector<16xf32>
        %add3A_670 = arith.addf %add3A_657, %mul3A_669 : vector<16xf32>
        %get3A_671 = arith.index_cast %scan3A_122 : i32 to index
        %get3A_672 = arith.constant 672 : index
        %get3A_673 = tpu.vector_load %arg7[%get3A_671, %get3A_672] {strides = array<i32>} : memref<16x1024xf32, #tpu.memory_space<vmem>>, vector<16xf32>,
        %get3A_674 = arith.index_cast %scan3A_122 : i32 to index
        %get3A_675 = arith.constant 672 : index
        %get3A_676 = tpu.vector_load %arg8[%get3A_674, %get3A_675] {strides = array<i32>} : memref<16x1024xf32, #tpu.memory_space<vmem>>, vector<16xf32>,
        %add3A_677 = arith.addf %get3A_673, %get3A_676 : vector<16xf32>
        %swap3A_678 = arith.index_cast %scan3A_122 : i32 to index
        %swap3A_679 = arith.constant 672 : index
        %swap3A_680 = tpu.vector_load %arg7[%swap3A_678, %swap3A_679] {strides = array<i32>} : memref<16x1024xf32, #tpu.memory_space<vmem>>, vector<16xf32>,
        tpu.vector_store %arg7[%swap3A_678, %swap3A_679], %add3A_677 {strides = array<i32>} : memref<16x1024xf32, #tpu.memory_space<vmem>>, vector<16xf32>,
        %add3A_681 = arith.addf %add3A_668, %add3A_677 : vector<16xf32>
        %mul3A_682 = arith.mulf %add3A_677, %add3A_677 : vector<16xf32>
        %add3A_683 = arith.addf %add3A_670, %mul3A_682 : vector<16xf32>
        %get3A_684 = arith.index_cast %scan3A_122 : i32 to index
        %get3A_685 = arith.constant 688 : index
        %get3A_686 = tpu.vector_load %arg7[%get3A_684, %get3A_685] {strides = array<i32>} : memref<16x1024xf32, #tpu.memory_space<vmem>>, vector<16xf32>,
        %get3A_687 = arith.index_cast %scan3A_122 : i32 to index
        %get3A_688 = arith.constant 688 : index
        %get3A_689 = tpu.vector_load %arg8[%get3A_687, %get3A_688] {strides = array<i32>} : memref<16x1024xf32, #tpu.memory_space<vmem>>, vector<16xf32>,
        %add3A_690 = arith.addf %get3A_686, %get3A_689 : vector<16xf32>
        %swap3A_691 = arith.index_cast %scan3A_122 : i32 to index
        %swap3A_692 = arith.constant 688 : index
        %swap3A_693 = tpu.vector_load %arg7[%swap3A_691, %swap3A_692] {strides = array<i32>} : memref<16x1024xf32, #tpu.memory_space<vmem>>, vector<16xf32>,
        tpu.vector_store %arg7[%swap3A_691, %swap3A_692], %add3A_690 {strides = array<i32>} : memref<16x1024xf32, #tpu.memory_space<vmem>>, vector<16xf32>,
        %add3A_694 = arith.addf %add3A_681, %add3A_690 : vector<16xf32>
        %mul3A_695 = arith.mulf %add3A_690, %add3A_690 : vector<16xf32>
        %add3A_696 = arith.addf %add3A_683, %mul3A_695 : vector<16xf32>
        %get3A_697 = arith.index_cast %scan3A_122 : i32 to index
        %get3A_698 = arith.constant 704 : index
        %get3A_699 = tpu.vector_load %arg7[%get3A_697, %get3A_698] {strides = array<i32>} : memref<16x1024xf32, #tpu.memory_space<vmem>>, vector<16xf32>,
        %get3A_700 = arith.index_cast %scan3A_122 : i32 to index
        %get3A_701 = arith.constant 704 : index
        %get3A_702 = tpu.vector_load %arg8[%get3A_700, %get3A_701] {strides = array<i32>} : memref<16x1024xf32, #tpu.memory_space<vmem>>, vector<16xf32>,
        %add3A_703 = arith.addf %get3A_699, %get3A_702 : vector<16xf32>
        %swap3A_704 = arith.index_cast %scan3A_122 : i32 to index
        %swap3A_705 = arith.constant 704 : index
        %swap3A_706 = tpu.vector_load %arg7[%swap3A_704, %swap3A_705] {strides = array<i32>} : memref<16x1024xf32, #tpu.memory_space<vmem>>, vector<16xf32>,
        tpu.vector_store %arg7[%swap3A_704, %swap3A_705], %add3A_703 {strides = array<i32>} : memref<16x1024xf32, #tpu.memory_space<vmem>>, vector<16xf32>,
        %add3A_707 = arith.addf %add3A_694, %add3A_703 : vector<16xf32>
        %mul3A_708 = arith.mulf %add3A_703, %add3A_703 : vector<16xf32>
        %add3A_709 = arith.addf %add3A_696, %mul3A_708 : vector<16xf32>
        %get3A_710 = arith.index_cast %scan3A_122 : i32 to index
        %get3A_711 = arith.constant 720 : index
        %get3A_712 = tpu.vector_load %arg7[%get3A_710, %get3A_711] {strides = array<i32>} : memref<16x1024xf32, #tpu.memory_space<vmem>>, vector<16xf32>,
        %get3A_713 = arith.index_cast %scan3A_122 : i32 to index
        %get3A_714 = arith.constant 720 : index
        %get3A_715 = tpu.vector_load %arg8[%get3A_713, %get3A_714] {strides = array<i32>} : memref<16x1024xf32, #tpu.memory_space<vmem>>, vector<16xf32>,
        %add3A_716 = arith.addf %get3A_712, %get3A_715 : vector<16xf32>
        %swap3A_717 = arith.index_cast %scan3A_122 : i32 to index
        %swap3A_718 = arith.constant 720 : index
        %swap3A_719 = tpu.vector_load %arg7[%swap3A_717, %swap3A_718] {strides = array<i32>} : memref<16x1024xf32, #tpu.memory_space<vmem>>, vector<16xf32>,
        tpu.vector_store %arg7[%swap3A_717, %swap3A_718], %add3A_716 {strides = array<i32>} : memref<16x1024xf32, #tpu.memory_space<vmem>>, vector<16xf32>,
        %add3A_720 = arith.addf %add3A_707, %add3A_716 : vector<16xf32>
        %mul3A_721 = arith.mulf %add3A_716, %add3A_716 : vector<16xf32>
        %add3A_722 = arith.addf %add3A_709, %mul3A_721 : vector<16xf32>
        %get3A_723 = arith.index_cast %scan3A_122 : i32 to index
        %get3A_724 = arith.constant 736 : index
        %get3A_725 = tpu.vector_load %arg7[%get3A_723, %get3A_724] {strides = array<i32>} : memref<16x1024xf32, #tpu.memory_space<vmem>>, vector<16xf32>,
        %get3A_726 = arith.index_cast %scan3A_122 : i32 to index
        %get3A_727 = arith.constant 736 : index
        %get3A_728 = tpu.vector_load %arg8[%get3A_726, %get3A_727] {strides = array<i32>} : memref<16x1024xf32, #tpu.memory_space<vmem>>, vector<16xf32>,
        %add3A_729 = arith.addf %get3A_725, %get3A_728 : vector<16xf32>
        %swap3A_730 = arith.index_cast %scan3A_122 : i32 to index
        %swap3A_731 = arith.constant 736 : index
        %swap3A_732 = tpu.vector_load %arg7[%swap3A_730, %swap3A_731] {strides = array<i32>} : memref<16x1024xf32, #tpu.memory_space<vmem>>, vector<16xf32>,
        tpu.vector_store %arg7[%swap3A_730, %swap3A_731], %add3A_729 {strides = array<i32>} : memref<16x1024xf32, #tpu.memory_space<vmem>>, vector<16xf32>,
        %add3A_733 = arith.addf %add3A_720, %add3A_729 : vector<16xf32>
        %mul3A_734 = arith.mulf %add3A_729, %add3A_729 : vector<16xf32>
        %add3A_735 = arith.addf %add3A_722, %mul3A_734 : vector<16xf32>
        %get3A_736 = arith.index_cast %scan3A_122 : i32 to index
        %get3A_737 = arith.constant 752 : index
        %get3A_738 = tpu.vector_load %arg7[%get3A_736, %get3A_737] {strides = array<i32>} : memref<16x1024xf32, #tpu.memory_space<vmem>>, vector<16xf32>,
        %get3A_739 = arith.index_cast %scan3A_122 : i32 to index
        %get3A_740 = arith.constant 752 : index
        %get3A_741 = tpu.vector_load %arg8[%get3A_739, %get3A_740] {strides = array<i32>} : memref<16x1024xf32, #tpu.memory_space<vmem>>, vector<16xf32>,
        %add3A_742 = arith.addf %get3A_738, %get3A_741 : vector<16xf32>
        %swap3A_743 = arith.index_cast %scan3A_122 : i32 to index
        %swap3A_744 = arith.constant 752 : index
        %swap3A_745 = tpu.vector_load %arg7[%swap3A_743, %swap3A_744] {strides = array<i32>} : memref<16x1024xf32, #tpu.memory_space<vmem>>, vector<16xf32>,
        tpu.vector_store %arg7[%swap3A_743, %swap3A_744], %add3A_742 {strides = array<i32>} : memref<16x1024xf32, #tpu.memory_space<vmem>>, vector<16xf32>,
        %add3A_746 = arith.addf %add3A_733, %add3A_742 : vector<16xf32>
        %mul3A_747 = arith.mulf %add3A_742, %add3A_742 : vector<16xf32>
        %add3A_748 = arith.addf %add3A_735, %mul3A_747 : vector<16xf32>
        %get3A_749 = arith.index_cast %scan3A_122 : i32 to index
        %get3A_750 = arith.constant 768 : index
        %get3A_751 = tpu.vector_load %arg7[%get3A_749, %get3A_750] {strides = array<i32>} : memref<16x1024xf32, #tpu.memory_space<vmem>>, vector<16xf32>,
        %get3A_752 = arith.index_cast %scan3A_122 : i32 to index
        %get3A_753 = arith.constant 768 : index
        %get3A_754 = tpu.vector_load %arg8[%get3A_752, %get3A_753] {strides = array<i32>} : memref<16x1024xf32, #tpu.memory_space<vmem>>, vector<16xf32>,
        %add3A_755 = arith.addf %get3A_751, %get3A_754 : vector<16xf32>
        %swap3A_756 = arith.index_cast %scan3A_122 : i32 to index
        %swap3A_757 = arith.constant 768 : index
        %swap3A_758 = tpu.vector_load %arg7[%swap3A_756, %swap3A_757] {strides = array<i32>} : memref<16x1024xf32, #tpu.memory_space<vmem>>, vector<16xf32>,
        tpu.vector_store %arg7[%swap3A_756, %swap3A_757], %add3A_755 {strides = array<i32>} : memref<16x1024xf32, #tpu.memory_space<vmem>>, vector<16xf32>,
        %add3A_759 = arith.addf %add3A_746, %add3A_755 : vector<16xf32>
        %mul3A_760 = arith.mulf %add3A_755, %add3A_755 : vector<16xf32>
        %add3A_761 = arith.addf %add3A_748, %mul3A_760 : vector<16xf32>
        %get3A_762 = arith.index_cast %scan3A_122 : i32 to index
        %get3A_763 = arith.constant 784 : index
        %get3A_764 = tpu.vector_load %arg7[%get3A_762, %get3A_763] {strides = array<i32>} : memref<16x1024xf32, #tpu.memory_space<vmem>>, vector<16xf32>,
        %get3A_765 = arith.index_cast %scan3A_122 : i32 to index
        %get3A_766 = arith.constant 784 : index
        %get3A_767 = tpu.vector_load %arg8[%get3A_765, %get3A_766] {strides = array<i32>} : memref<16x1024xf32, #tpu.memory_space<vmem>>, vector<16xf32>,
        %add3A_768 = arith.addf %get3A_764, %get3A_767 : vector<16xf32>
        %swap3A_769 = arith.index_cast %scan3A_122 : i32 to index
        %swap3A_770 = arith.constant 784 : index
        %swap3A_771 = tpu.vector_load %arg7[%swap3A_769, %swap3A_770] {strides = array<i32>} : memref<16x1024xf32, #tpu.memory_space<vmem>>, vector<16xf32>,
        tpu.vector_store %arg7[%swap3A_769, %swap3A_770], %add3A_768 {strides = array<i32>} : memref<16x1024xf32, #tpu.memory_space<vmem>>, vector<16xf32>,
        %add3A_772 = arith.addf %add3A_759, %add3A_768 : vector<16xf32>
        %mul3A_773 = arith.mulf %add3A_768, %add3A_768 : vector<16xf32>
        %add3A_774 = arith.addf %add3A_761, %mul3A_773 : vector<16xf32>
        %get3A_775 = arith.index_cast %scan3A_122 : i32 to index
        %get3A_776 = arith.constant 800 : index
        %get3A_777 = tpu.vector_load %arg7[%get3A_775, %get3A_776] {strides = array<i32>} : memref<16x1024xf32, #tpu.memory_space<vmem>>, vector<16xf32>,
        %get3A_778 = arith.index_cast %scan3A_122 : i32 to index
        %get3A_779 = arith.constant 800 : index
        %get3A_780 = tpu.vector_load %arg8[%get3A_778, %get3A_779] {strides = array<i32>} : memref<16x1024xf32, #tpu.memory_space<vmem>>, vector<16xf32>,
        %add3A_781 = arith.addf %get3A_777, %get3A_780 : vector<16xf32>
        %swap3A_782 = arith.index_cast %scan3A_122 : i32 to index
        %swap3A_783 = arith.constant 800 : index
        %swap3A_784 = tpu.vector_load %arg7[%swap3A_782, %swap3A_783] {strides = array<i32>} : memref<16x1024xf32, #tpu.memory_space<vmem>>, vector<16xf32>,
        tpu.vector_store %arg7[%swap3A_782, %swap3A_783], %add3A_781 {strides = array<i32>} : memref<16x1024xf32, #tpu.memory_space<vmem>>, vector<16xf32>,
        %add3A_785 = arith.addf %add3A_772, %add3A_781 : vector<16xf32>
        %mul3A_786 = arith.mulf %add3A_781, %add3A_781 : vector<16xf32>
        %add3A_787 = arith.addf %add3A_774, %mul3A_786 : vector<16xf32>
        %get3A_788 = arith.index_cast %scan3A_122 : i32 to index
        %get3A_789 = arith.constant 816 : index
        %get3A_790 = tpu.vector_load %arg7[%get3A_788, %get3A_789] {strides = array<i32>} : memref<16x1024xf32, #tpu.memory_space<vmem>>, vector<16xf32>,
        %get3A_791 = arith.index_cast %scan3A_122 : i32 to index
        %get3A_792 = arith.constant 816 : index
        %get3A_793 = tpu.vector_load %arg8[%get3A_791, %get3A_792] {strides = array<i32>} : memref<16x1024xf32, #tpu.memory_space<vmem>>, vector<16xf32>,
        %add3A_794 = arith.addf %get3A_790, %get3A_793 : vector<16xf32>
        %swap3A_795 = arith.index_cast %scan3A_122 : i32 to index
        %swap3A_796 = arith.constant 816 : index
        %swap3A_797 = tpu.vector_load %arg7[%swap3A_795, %swap3A_796] {strides = array<i32>} : memref<16x1024xf32, #tpu.memory_space<vmem>>, vector<16xf32>,
        tpu.vector_store %arg7[%swap3A_795, %swap3A_796], %add3A_794 {strides = array<i32>} : memref<16x1024xf32, #tpu.memory_space<vmem>>, vector<16xf32>,
        %add3A_798 = arith.addf %add3A_785, %add3A_794 : vector<16xf32>
        %mul3A_799 = arith.mulf %add3A_794, %add3A_794 : vector<16xf32>
        %add3A_800 = arith.addf %add3A_787, %mul3A_799 : vector<16xf32>
        %get3A_801 = arith.index_cast %scan3A_122 : i32 to index
        %get3A_802 = arith.constant 832 : index
        %get3A_803 = tpu.vector_load %arg7[%get3A_801, %get3A_802] {strides = array<i32>} : memref<16x1024xf32, #tpu.memory_space<vmem>>, vector<16xf32>,
        %get3A_804 = arith.index_cast %scan3A_122 : i32 to index
        %get3A_805 = arith.constant 832 : index
        %get3A_806 = tpu.vector_load %arg8[%get3A_804, %get3A_805] {strides = array<i32>} : memref<16x1024xf32, #tpu.memory_space<vmem>>, vector<16xf32>,
        %add3A_807 = arith.addf %get3A_803, %get3A_806 : vector<16xf32>
        %swap3A_808 = arith.index_cast %scan3A_122 : i32 to index
        %swap3A_809 = arith.constant 832 : index
        %swap3A_810 = tpu.vector_load %arg7[%swap3A_808, %swap3A_809] {strides = array<i32>} : memref<16x1024xf32, #tpu.memory_space<vmem>>, vector<16xf32>,
        tpu.vector_store %arg7[%swap3A_808, %swap3A_809], %add3A_807 {strides = array<i32>} : memref<16x1024xf32, #tpu.memory_space<vmem>>, vector<16xf32>,
        %add3A_811 = arith.addf %add3A_798, %add3A_807 : vector<16xf32>
        %mul3A_812 = arith.mulf %add3A_807, %add3A_807 : vector<16xf32>
        %add3A_813 = arith.addf %add3A_800, %mul3A_812 : vector<16xf32>
        %get3A_814 = arith.index_cast %scan3A_122 : i32 to index
        %get3A_815 = arith.constant 848 : index
        %get3A_816 = tpu.vector_load %arg7[%get3A_814, %get3A_815] {strides = array<i32>} : memref<16x1024xf32, #tpu.memory_space<vmem>>, vector<16xf32>,
        %get3A_817 = arith.index_cast %scan3A_122 : i32 to index
        %get3A_818 = arith.constant 848 : index
        %get3A_819 = tpu.vector_load %arg8[%get3A_817, %get3A_818] {strides = array<i32>} : memref<16x1024xf32, #tpu.memory_space<vmem>>, vector<16xf32>,
        %add3A_820 = arith.addf %get3A_816, %get3A_819 : vector<16xf32>
        %swap3A_821 = arith.index_cast %scan3A_122 : i32 to index
        %swap3A_822 = arith.constant 848 : index
        %swap3A_823 = tpu.vector_load %arg7[%swap3A_821, %swap3A_822] {strides = array<i32>} : memref<16x1024xf32, #tpu.memory_space<vmem>>, vector<16xf32>,
        tpu.vector_store %arg7[%swap3A_821, %swap3A_822], %add3A_820 {strides = array<i32>} : memref<16x1024xf32, #tpu.memory_space<vmem>>, vector<16xf32>,
        %add3A_824 = arith.addf %add3A_811, %add3A_820 : vector<16xf32>
        %mul3A_825 = arith.mulf %add3A_820, %add3A_820 : vector<16xf32>
        %add3A_826 = arith.addf %add3A_813, %mul3A_825 : vector<16xf32>
        %get3A_827 = arith.index_cast %scan3A_122 : i32 to index
        %get3A_828 = arith.constant 864 : index
        %get3A_829 = tpu.vector_load %arg7[%get3A_827, %get3A_828] {strides = array<i32>} : memref<16x1024xf32, #tpu.memory_space<vmem>>, vector<16xf32>,
        %get3A_830 = arith.index_cast %scan3A_122 : i32 to index
        %get3A_831 = arith.constant 864 : index
        %get3A_832 = tpu.vector_load %arg8[%get3A_830, %get3A_831] {strides = array<i32>} : memref<16x1024xf32, #tpu.memory_space<vmem>>, vector<16xf32>,
        %add3A_833 = arith.addf %get3A_829, %get3A_832 : vector<16xf32>
        %swap3A_834 = arith.index_cast %scan3A_122 : i32 to index
        %swap3A_835 = arith.constant 864 : index
        %swap3A_836 = tpu.vector_load %arg7[%swap3A_834, %swap3A_835] {strides = array<i32>} : memref<16x1024xf32, #tpu.memory_space<vmem>>, vector<16xf32>,
        tpu.vector_store %arg7[%swap3A_834, %swap3A_835], %add3A_833 {strides = array<i32>} : memref<16x1024xf32, #tpu.memory_space<vmem>>, vector<16xf32>,
        %add3A_837 = arith.addf %add3A_824, %add3A_833 : vector<16xf32>
        %mul3A_838 = arith.mulf %add3A_833, %add3A_833 : vector<16xf32>
        %add3A_839 = arith.addf %add3A_826, %mul3A_838 : vector<16xf32>
        %get3A_840 = arith.index_cast %scan3A_122 : i32 to index
        %get3A_841 = arith.constant 880 : index
        %get3A_842 = tpu.vector_load %arg7[%get3A_840, %get3A_841] {strides = array<i32>} : memref<16x1024xf32, #tpu.memory_space<vmem>>, vector<16xf32>,
        %get3A_843 = arith.index_cast %scan3A_122 : i32 to index
        %get3A_844 = arith.constant 880 : index
        %get3A_845 = tpu.vector_load %arg8[%get3A_843, %get3A_844] {strides = array<i32>} : memref<16x1024xf32, #tpu.memory_space<vmem>>, vector<16xf32>,
        %add3A_846 = arith.addf %get3A_842, %get3A_845 : vector<16xf32>
        %swap3A_847 = arith.index_cast %scan3A_122 : i32 to index
        %swap3A_848 = arith.constant 880 : index
        %swap3A_849 = tpu.vector_load %arg7[%swap3A_847, %swap3A_848] {strides = array<i32>} : memref<16x1024xf32, #tpu.memory_space<vmem>>, vector<16xf32>,
        tpu.vector_store %arg7[%swap3A_847, %swap3A_848], %add3A_846 {strides = array<i32>} : memref<16x1024xf32, #tpu.memory_space<vmem>>, vector<16xf32>,
        %add3A_850 = arith.addf %add3A_837, %add3A_846 : vector<16xf32>
        %mul3A_851 = arith.mulf %add3A_846, %add3A_846 : vector<16xf32>
        %add3A_852 = arith.addf %add3A_839, %mul3A_851 : vector<16xf32>
        %get3A_853 = arith.index_cast %scan3A_122 : i32 to index
        %get3A_854 = arith.constant 896 : index
        %get3A_855 = tpu.vector_load %arg7[%get3A_853, %get3A_854] {strides = array<i32>} : memref<16x1024xf32, #tpu.memory_space<vmem>>, vector<16xf32>,
        %get3A_856 = arith.index_cast %scan3A_122 : i32 to index
        %get3A_857 = arith.constant 896 : index
        %get3A_858 = tpu.vector_load %arg8[%get3A_856, %get3A_857] {strides = array<i32>} : memref<16x1024xf32, #tpu.memory_space<vmem>>, vector<16xf32>,
        %add3A_859 = arith.addf %get3A_855, %get3A_858 : vector<16xf32>
        %swap3A_860 = arith.index_cast %scan3A_122 : i32 to index
        %swap3A_861 = arith.constant 896 : index
        %swap3A_862 = tpu.vector_load %arg7[%swap3A_860, %swap3A_861] {strides = array<i32>} : memref<16x1024xf32, #tpu.memory_space<vmem>>, vector<16xf32>,
        tpu.vector_store %arg7[%swap3A_860, %swap3A_861], %add3A_859 {strides = array<i32>} : memref<16x1024xf32, #tpu.memory_space<vmem>>, vector<16xf32>,
        %add3A_863 = arith.addf %add3A_850, %add3A_859 : vector<16xf32>
        %mul3A_864 = arith.mulf %add3A_859, %add3A_859 : vector<16xf32>
        %add3A_865 = arith.addf %add3A_852, %mul3A_864 : vector<16xf32>
        %get3A_866 = arith.index_cast %scan3A_122 : i32 to index
        %get3A_867 = arith.constant 912 : index
        %get3A_868 = tpu.vector_load %arg7[%get3A_866, %get3A_867] {strides = array<i32>} : memref<16x1024xf32, #tpu.memory_space<vmem>>, vector<16xf32>,
        %get3A_869 = arith.index_cast %scan3A_122 : i32 to index
        %get3A_870 = arith.constant 912 : index
        %get3A_871 = tpu.vector_load %arg8[%get3A_869, %get3A_870] {strides = array<i32>} : memref<16x1024xf32, #tpu.memory_space<vmem>>, vector<16xf32>,
        %add3A_872 = arith.addf %get3A_868, %get3A_871 : vector<16xf32>
        %swap3A_873 = arith.index_cast %scan3A_122 : i32 to index
        %swap3A_874 = arith.constant 912 : index
        %swap3A_875 = tpu.vector_load %arg7[%swap3A_873, %swap3A_874] {strides = array<i32>} : memref<16x1024xf32, #tpu.memory_space<vmem>>, vector<16xf32>,
        tpu.vector_store %arg7[%swap3A_873, %swap3A_874], %add3A_872 {strides = array<i32>} : memref<16x1024xf32, #tpu.memory_space<vmem>>, vector<16xf32>,
        %add3A_876 = arith.addf %add3A_863, %add3A_872 : vector<16xf32>
        %mul3A_877 = arith.mulf %add3A_872, %add3A_872 : vector<16xf32>
        %add3A_878 = arith.addf %add3A_865, %mul3A_877 : vector<16xf32>
        %get3A_879 = arith.index_cast %scan3A_122 : i32 to index
        %get3A_880 = arith.constant 928 : index
        %get3A_881 = tpu.vector_load %arg7[%get3A_879, %get3A_880] {strides = array<i32>} : memref<16x1024xf32, #tpu.memory_space<vmem>>, vector<16xf32>,
        %get3A_882 = arith.index_cast %scan3A_122 : i32 to index
        %get3A_883 = arith.constant 928 : index
        %get3A_884 = tpu.vector_load %arg8[%get3A_882, %get3A_883] {strides = array<i32>} : memref<16x1024xf32, #tpu.memory_space<vmem>>, vector<16xf32>,
        %add3A_885 = arith.addf %get3A_881, %get3A_884 : vector<16xf32>
        %swap3A_886 = arith.index_cast %scan3A_122 : i32 to index
        %swap3A_887 = arith.constant 928 : index
        %swap3A_888 = tpu.vector_load %arg7[%swap3A_886, %swap3A_887] {strides = array<i32>} : memref<16x1024xf32, #tpu.memory_space<vmem>>, vector<16xf32>,
        tpu.vector_store %arg7[%swap3A_886, %swap3A_887], %add3A_885 {strides = array<i32>} : memref<16x1024xf32, #tpu.memory_space<vmem>>, vector<16xf32>,
        %add3A_889 = arith.addf %add3A_876, %add3A_885 : vector<16xf32>
        %mul3A_890 = arith.mulf %add3A_885, %add3A_885 : vector<16xf32>
        %add3A_891 = arith.addf %add3A_878, %mul3A_890 : vector<16xf32>
        %get3A_892 = arith.index_cast %scan3A_122 : i32 to index
        %get3A_893 = arith.constant 944 : index
        %get3A_894 = tpu.vector_load %arg7[%get3A_892, %get3A_893] {strides = array<i32>} : memref<16x1024xf32, #tpu.memory_space<vmem>>, vector<16xf32>,
        %get3A_895 = arith.index_cast %scan3A_122 : i32 to index
        %get3A_896 = arith.constant 944 : index
        %get3A_897 = tpu.vector_load %arg8[%get3A_895, %get3A_896] {strides = array<i32>} : memref<16x1024xf32, #tpu.memory_space<vmem>>, vector<16xf32>,
        %add3A_898 = arith.addf %get3A_894, %get3A_897 : vector<16xf32>
        %swap3A_899 = arith.index_cast %scan3A_122 : i32 to index
        %swap3A_900 = arith.constant 944 : index
        %swap3A_901 = tpu.vector_load %arg7[%swap3A_899, %swap3A_900] {strides = array<i32>} : memref<16x1024xf32, #tpu.memory_space<vmem>>, vector<16xf32>,
        tpu.vector_store %arg7[%swap3A_899, %swap3A_900], %add3A_898 {strides = array<i32>} : memref<16x1024xf32, #tpu.memory_space<vmem>>, vector<16xf32>,
        %add3A_902 = arith.addf %add3A_889, %add3A_898 : vector<16xf32>
        %mul3A_903 = arith.mulf %add3A_898, %add3A_898 : vector<16xf32>
        %add3A_904 = arith.addf %add3A_891, %mul3A_903 : vector<16xf32>
        %get3A_905 = arith.index_cast %scan3A_122 : i32 to index
        %get3A_906 = arith.constant 960 : index
        %get3A_907 = tpu.vector_load %arg7[%get3A_905, %get3A_906] {strides = array<i32>} : memref<16x1024xf32, #tpu.memory_space<vmem>>, vector<16xf32>,
        %get3A_908 = arith.index_cast %scan3A_122 : i32 to index
        %get3A_909 = arith.constant 960 : index
        %get3A_910 = tpu.vector_load %arg8[%get3A_908, %get3A_909] {strides = array<i32>} : memref<16x1024xf32, #tpu.memory_space<vmem>>, vector<16xf32>,
        %add3A_911 = arith.addf %get3A_907, %get3A_910 : vector<16xf32>
        %swap3A_912 = arith.index_cast %scan3A_122 : i32 to index
        %swap3A_913 = arith.constant 960 : index
        %swap3A_914 = tpu.vector_load %arg7[%swap3A_912, %swap3A_913] {strides = array<i32>} : memref<16x1024xf32, #tpu.memory_space<vmem>>, vector<16xf32>,
        tpu.vector_store %arg7[%swap3A_912, %swap3A_913], %add3A_911 {strides = array<i32>} : memref<16x1024xf32, #tpu.memory_space<vmem>>, vector<16xf32>,
        %add3A_915 = arith.addf %add3A_902, %add3A_911 : vector<16xf32>
        %mul3A_916 = arith.mulf %add3A_911, %add3A_911 : vector<16xf32>
        %add3A_917 = arith.addf %add3A_904, %mul3A_916 : vector<16xf32>
        %get3A_918 = arith.index_cast %scan3A_122 : i32 to index
        %get3A_919 = arith.constant 976 : index
        %get3A_920 = tpu.vector_load %arg7[%get3A_918, %get3A_919] {strides = array<i32>} : memref<16x1024xf32, #tpu.memory_space<vmem>>, vector<16xf32>,
        %get3A_921 = arith.index_cast %scan3A_122 : i32 to index
        %get3A_922 = arith.constant 976 : index
        %get3A_923 = tpu.vector_load %arg8[%get3A_921, %get3A_922] {strides = array<i32>} : memref<16x1024xf32, #tpu.memory_space<vmem>>, vector<16xf32>,
        %add3A_924 = arith.addf %get3A_920, %get3A_923 : vector<16xf32>
        %swap3A_925 = arith.index_cast %scan3A_122 : i32 to index
        %swap3A_926 = arith.constant 976 : index
        %swap3A_927 = tpu.vector_load %arg7[%swap3A_925, %swap3A_926] {strides = array<i32>} : memref<16x1024xf32, #tpu.memory_space<vmem>>, vector<16xf32>,
        tpu.vector_store %arg7[%swap3A_925, %swap3A_926], %add3A_924 {strides = array<i32>} : memref<16x1024xf32, #tpu.memory_space<vmem>>, vector<16xf32>,
        %add3A_928 = arith.addf %add3A_915, %add3A_924 : vector<16xf32>
        %mul3A_929 = arith.mulf %add3A_924, %add3A_924 : vector<16xf32>
        %add3A_930 = arith.addf %add3A_917, %mul3A_929 : vector<16xf32>
        %get3A_931 = arith.index_cast %scan3A_122 : i32 to index
        %get3A_932 = arith.constant 992 : index
        %get3A_933 = tpu.vector_load %arg7[%get3A_931, %get3A_932] {strides = array<i32>} : memref<16x1024xf32, #tpu.memory_space<vmem>>, vector<16xf32>,
        %get3A_934 = arith.index_cast %scan3A_122 : i32 to index
        %get3A_935 = arith.constant 992 : index
        %get3A_936 = tpu.vector_load %arg8[%get3A_934, %get3A_935] {strides = array<i32>} : memref<16x1024xf32, #tpu.memory_space<vmem>>, vector<16xf32>,
        %add3A_937 = arith.addf %get3A_933, %get3A_936 : vector<16xf32>
        %swap3A_938 = arith.index_cast %scan3A_122 : i32 to index
        %swap3A_939 = arith.constant 992 : index
        %swap3A_940 = tpu.vector_load %arg7[%swap3A_938, %swap3A_939] {strides = array<i32>} : memref<16x1024xf32, #tpu.memory_space<vmem>>, vector<16xf32>,
        tpu.vector_store %arg7[%swap3A_938, %swap3A_939], %add3A_937 {strides = array<i32>} : memref<16x1024xf32, #tpu.memory_space<vmem>>, vector<16xf32>,
        %add3A_941 = arith.addf %add3A_928, %add3A_937 : vector<16xf32>
        %mul3A_942 = arith.mulf %add3A_937, %add3A_937 : vector<16xf32>
        %add3A_943 = arith.addf %add3A_930, %mul3A_942 : vector<16xf32>
        %get3A_944 = arith.index_cast %scan3A_122 : i32 to index
        %get3A_945 = arith.constant 1008 : index
        %get3A_946 = tpu.vector_load %arg7[%get3A_944, %get3A_945] {strides = array<i32>} : memref<16x1024xf32, #tpu.memory_space<vmem>>, vector<16xf32>,
        %get3A_947 = arith.index_cast %scan3A_122 : i32 to index
        %get3A_948 = arith.constant 1008 : index
        %get3A_949 = tpu.vector_load %arg8[%get3A_947, %get3A_948] {strides = array<i32>} : memref<16x1024xf32, #tpu.memory_space<vmem>>, vector<16xf32>,
        %add3A_950 = arith.addf %get3A_946, %get3A_949 : vector<16xf32>
        %swap3A_951 = arith.index_cast %scan3A_122 : i32 to index
        %swap3A_952 = arith.constant 1008 : index
        %swap3A_953 = tpu.vector_load %arg7[%swap3A_951, %swap3A_952] {strides = array<i32>} : memref<16x1024xf32, #tpu.memory_space<vmem>>, vector<16xf32>,
        tpu.vector_store %arg7[%swap3A_951, %swap3A_952], %add3A_950 {strides = array<i32>} : memref<16x1024xf32, #tpu.memory_space<vmem>>, vector<16xf32>,
        %add3A_954 = arith.addf %add3A_941, %add3A_950 : vector<16xf32>
        %mul3A_955 = arith.mulf %add3A_950, %add3A_950 : vector<16xf32>
        %add3A_956 = arith.addf %add3A_943, %mul3A_955 : vector<16xf32>
        %reduce_sum3A = arith.constant true
        %reduce_sum3A_957 = vector.broadcast %reduce_sum3A : i1 to vector<16xi1>
        %reduce_sum3A_958 = tpu.scan <sum>, %add3A_954 masked %reduce_sum3A_957 : vector<16xf32>, vector<16xi1> -> vector<16xf32>
        %reduce_sum3A_959 = vector.extract %reduce_sum3A_958[15] : f32 from vector<16xf32>
        %mul3A_960 = arith.constant 9.765625E-4 : f32
        %mul3A_961 = arith.mulf %reduce_sum3A_959, %mul3A_960 : f32
        %reduce_sum3A_962 = arith.constant true
        %reduce_sum3A_963 = vector.broadcast %reduce_sum3A_962 : i1 to vector<16xi1>
        %reduce_sum3A_964 = tpu.scan <sum>, %add3A_956 masked %reduce_sum3A_963 : vector<16xf32>, vector<16xi1> -> vector<16xf32>
        %reduce_sum3A_965 = vector.extract %reduce_sum3A_964[15] : f32 from vector<16xf32>
        %mul3A_966 = arith.constant 9.765625E-4 : f32
        %mul3A_967 = arith.mulf %reduce_sum3A_965, %mul3A_966 : f32
        %mul3A_968 = arith.mulf %mul3A_961, %mul3A_961 : f32
        %sub3A = arith.subf %mul3A_967, %mul3A_968 : f32
        %broadcast_in_dim3A_969 = vector.broadcast %mul3A_961 : f32 to vector<16xf32>
        %add3A_970 = arith.constant 9.99999997E-7 : f32
        %add3A_971 = arith.addf %sub3A, %add3A_970 : f32
        %broadcast_in_dim3A_972 = vector.broadcast %add3A_971 : f32 to vector<16xf32>
        %bitcast3A = vector.bitcast %broadcast_in_dim3A_972 : vector<16xf32> to vector<16xi32>
        %shift_right_arithmetic3A = arith.constant 1 : i32
        %shift_right_arithmetic3A_973 = vector.broadcast %shift_right_arithmetic3A : i32 to vector<16xi32>
        %shift_right_arithmetic3A_974 = arith.shrsi %bitcast3A, %shift_right_arithmetic3A_973 : vector<16xi32>
        %sub3A_975 = arith.constant 1597463007 : i32
        %sub3A_976 = vector.broadcast %sub3A_975 : i32 to vector<16xi32>
        %sub3A_977 = arith.subi %sub3A_976, %shift_right_arithmetic3A_974 : vector<16xi32>
        %bitcast3A_978 = vector.bitcast %sub3A_977 : vector<16xi32> to vector<16xf32>
        %mul3A_979 = arith.constant 5.000000e-01 : f32
        %mul3A_980 = vector.broadcast %mul3A_979 : f32 to vector<16xf32>
        %mul3A_981 = arith.mulf %mul3A_980, %broadcast_in_dim3A_972 : vector<16xf32>
        %mul3A_982 = arith.mulf %mul3A_981, %bitcast3A_978 : vector<16xf32>
        %mul3A_983 = arith.mulf %mul3A_982, %bitcast3A_978 : vector<16xf32>
        %sub3A_984 = arith.constant 1.500000e+00 : f32
        %sub3A_985 = vector.broadcast %sub3A_984 : f32 to vector<16xf32>
        %sub3A_986 = arith.subf %sub3A_985, %mul3A_983 : vector<16xf32>
        %mul3A_987 = arith.mulf %bitcast3A_978, %sub3A_986 : vector<16xf32>
        %mul3A_988 = arith.constant 5.000000e-01 : f32
        %mul3A_989 = vector.broadcast %mul3A_988 : f32 to vector<16xf32>
        %mul3A_990 = arith.mulf %mul3A_989, %broadcast_in_dim3A_972 : vector<16xf32>
        %mul3A_991 = arith.mulf %mul3A_990, %mul3A_987 : vector<16xf32>
        %mul3A_992 = arith.mulf %mul3A_991, %mul3A_987 : vector<16xf32>
        %sub3A_993 = arith.constant 1.500000e+00 : f32
        %sub3A_994 = vector.broadcast %sub3A_993 : f32 to vector<16xf32>
        %sub3A_995 = arith.subf %sub3A_994, %mul3A_992 : vector<16xf32>
        %mul3A_996 = arith.mulf %mul3A_987, %sub3A_995 : vector<16xf32>
        %mul3A_997 = arith.constant 5.000000e-01 : f32
        %mul3A_998 = vector.broadcast %mul3A_997 : f32 to vector<16xf32>
        %mul3A_999 = arith.mulf %mul3A_998, %broadcast_in_dim3A_972 : vector<16xf32>
        %mul3A_1000 = arith.mulf %mul3A_999, %mul3A_996 : vector<16xf32>
        %mul3A_1001 = arith.mulf %mul3A_1000, %mul3A_996 : vector<16xf32>
        %sub3A_1002 = arith.constant 1.500000e+00 : f32
        %sub3A_1003 = vector.broadcast %sub3A_1002 : f32 to vector<16xf32>
        %sub3A_1004 = arith.subf %sub3A_1003, %mul3A_1001 : vector<16xf32>
        %mul3A_1005 = arith.mulf %mul3A_996, %sub3A_1004 : vector<16xf32>
        %get3A_1006 = arith.index_cast %scan3A_122 : i32 to index
        %get3A_1007 = arith.constant 0 : index
        %get3A_1008 = tpu.vector_load %arg7[%get3A_1006, %get3A_1007] {strides = array<i32>} : memref<16x1024xf32, #tpu.memory_space<vmem>>, vector<16xf32>,
        %sub3A_1009 = arith.subf %get3A_1008, %broadcast_in_dim3A_969 : vector<16xf32>
        %mul3A_1010 = arith.mulf %sub3A_1009, %mul3A_1005 : vector<16xf32>
        %get3A_1011 = arith.constant 0 : index
        %get3A_1012 = tpu.vector_load %arg11[%get3A_1011] {strides = array<i32>} : memref<1024xf32, #tpu.memory_space<vmem>>, vector<16xf32>,
        %mul3A_1013 = arith.mulf %mul3A_1010, %get3A_1012 : vector<16xf32>
        %get3A_1014 = arith.constant 0 : index
        %get3A_1015 = tpu.vector_load %arg12[%get3A_1014] {strides = array<i32>} : memref<1024xf32, #tpu.memory_space<vmem>>, vector<16xf32>,
        %add3A_1016 = arith.addf %mul3A_1013, %get3A_1015 : vector<16xf32>
        %swap3A_1017 = arith.index_cast %scan3A_122 : i32 to index
        %swap3A_1018 = arith.constant 0 : index
        %swap3A_1019 = tpu.vector_load %arg7[%swap3A_1017, %swap3A_1018] {strides = array<i32>} : memref<16x1024xf32, #tpu.memory_space<vmem>>, vector<16xf32>,
        tpu.vector_store %arg7[%swap3A_1017, %swap3A_1018], %add3A_1016 {strides = array<i32>} : memref<16x1024xf32, #tpu.memory_space<vmem>>, vector<16xf32>,
        %get3A_1020 = arith.index_cast %scan3A_122 : i32 to index
        %get3A_1021 = arith.constant 16 : index
        %get3A_1022 = tpu.vector_load %arg7[%get3A_1020, %get3A_1021] {strides = array<i32>} : memref<16x1024xf32, #tpu.memory_space<vmem>>, vector<16xf32>,
        %sub3A_1023 = arith.subf %get3A_1022, %broadcast_in_dim3A_969 : vector<16xf32>
        %mul3A_1024 = arith.mulf %sub3A_1023, %mul3A_1005 : vector<16xf32>
        %get3A_1025 = arith.constant 16 : index
        %get3A_1026 = tpu.vector_load %arg11[%get3A_1025] {strides = array<i32>} : memref<1024xf32, #tpu.memory_space<vmem>>, vector<16xf32>,
        %mul3A_1027 = arith.mulf %mul3A_1024, %get3A_1026 : vector<16xf32>
        %get3A_1028 = arith.constant 16 : index
        %get3A_1029 = tpu.vector_load %arg12[%get3A_1028] {strides = array<i32>} : memref<1024xf32, #tpu.memory_space<vmem>>, vector<16xf32>,
        %add3A_1030 = arith.addf %mul3A_1027, %get3A_1029 : vector<16xf32>
        %swap3A_1031 = arith.index_cast %scan3A_122 : i32 to index
        %swap3A_1032 = arith.constant 16 : index
        %swap3A_1033 = tpu.vector_load %arg7[%swap3A_1031, %swap3A_1032] {strides = array<i32>} : memref<16x1024xf32, #tpu.memory_space<vmem>>, vector<16xf32>,
        tpu.vector_store %arg7[%swap3A_1031, %swap3A_1032], %add3A_1030 {strides = array<i32>} : memref<16x1024xf32, #tpu.memory_space<vmem>>, vector<16xf32>,
        %get3A_1034 = arith.index_cast %scan3A_122 : i32 to index
        %get3A_1035 = arith.constant 32 : index
        %get3A_1036 = tpu.vector_load %arg7[%get3A_1034, %get3A_1035] {strides = array<i32>} : memref<16x1024xf32, #tpu.memory_space<vmem>>, vector<16xf32>,
        %sub3A_1037 = arith.subf %get3A_1036, %broadcast_in_dim3A_969 : vector<16xf32>
        %mul3A_1038 = arith.mulf %sub3A_1037, %mul3A_1005 : vector<16xf32>
        %get3A_1039 = arith.constant 32 : index
        %get3A_1040 = tpu.vector_load %arg11[%get3A_1039] {strides = array<i32>} : memref<1024xf32, #tpu.memory_space<vmem>>, vector<16xf32>,
        %mul3A_1041 = arith.mulf %mul3A_1038, %get3A_1040 : vector<16xf32>
        %get3A_1042 = arith.constant 32 : index
        %get3A_1043 = tpu.vector_load %arg12[%get3A_1042] {strides = array<i32>} : memref<1024xf32, #tpu.memory_space<vmem>>, vector<16xf32>,
        %add3A_1044 = arith.addf %mul3A_1041, %get3A_1043 : vector<16xf32>
        %swap3A_1045 = arith.index_cast %scan3A_122 : i32 to index
        %swap3A_1046 = arith.constant 32 : index
        %swap3A_1047 = tpu.vector_load %arg7[%swap3A_1045, %swap3A_1046] {strides = array<i32>} : memref<16x1024xf32, #tpu.memory_space<vmem>>, vector<16xf32>,
        tpu.vector_store %arg7[%swap3A_1045, %swap3A_1046], %add3A_1044 {strides = array<i32>} : memref<16x1024xf32, #tpu.memory_space<vmem>>, vector<16xf32>,
        %get3A_1048 = arith.index_cast %scan3A_122 : i32 to index
        %get3A_1049 = arith.constant 48 : index
        %get3A_1050 = tpu.vector_load %arg7[%get3A_1048, %get3A_1049] {strides = array<i32>} : memref<16x1024xf32, #tpu.memory_space<vmem>>, vector<16xf32>,
        %sub3A_1051 = arith.subf %get3A_1050, %broadcast_in_dim3A_969 : vector<16xf32>
        %mul3A_1052 = arith.mulf %sub3A_1051, %mul3A_1005 : vector<16xf32>
        %get3A_1053 = arith.constant 48 : index
        %get3A_1054 = tpu.vector_load %arg11[%get3A_1053] {strides = array<i32>} : memref<1024xf32, #tpu.memory_space<vmem>>, vector<16xf32>,
        %mul3A_1055 = arith.mulf %mul3A_1052, %get3A_1054 : vector<16xf32>
        %get3A_1056 = arith.constant 48 : index
        %get3A_1057 = tpu.vector_load %arg12[%get3A_1056] {strides = array<i32>} : memref<1024xf32, #tpu.memory_space<vmem>>, vector<16xf32>,
        %add3A_1058 = arith.addf %mul3A_1055, %get3A_1057 : vector<16xf32>
        %swap3A_1059 = arith.index_cast %scan3A_122 : i32 to index
        %swap3A_1060 = arith.constant 48 : index
        %swap3A_1061 = tpu.vector_load %arg7[%swap3A_1059, %swap3A_1060] {strides = array<i32>} : memref<16x1024xf32, #tpu.memory_space<vmem>>, vector<16xf32>,
        tpu.vector_store %arg7[%swap3A_1059, %swap3A_1060], %add3A_1058 {strides = array<i32>} : memref<16x1024xf32, #tpu.memory_space<vmem>>, vector<16xf32>,
        %get3A_1062 = arith.index_cast %scan3A_122 : i32 to index
        %get3A_1063 = arith.constant 64 : index
        %get3A_1064 = tpu.vector_load %arg7[%get3A_1062, %get3A_1063] {strides = array<i32>} : memref<16x1024xf32, #tpu.memory_space<vmem>>, vector<16xf32>,
        %sub3A_1065 = arith.subf %get3A_1064, %broadcast_in_dim3A_969 : vector<16xf32>
        %mul3A_1066 = arith.mulf %sub3A_1065, %mul3A_1005 : vector<16xf32>
        %get3A_1067 = arith.constant 64 : index
        %get3A_1068 = tpu.vector_load %arg11[%get3A_1067] {strides = array<i32>} : memref<1024xf32, #tpu.memory_space<vmem>>, vector<16xf32>,
        %mul3A_1069 = arith.mulf %mul3A_1066, %get3A_1068 : vector<16xf32>
        %get3A_1070 = arith.constant 64 : index
        %get3A_1071 = tpu.vector_load %arg12[%get3A_1070] {strides = array<i32>} : memref<1024xf32, #tpu.memory_space<vmem>>, vector<16xf32>,
        %add3A_1072 = arith.addf %mul3A_1069, %get3A_1071 : vector<16xf32>
        %swap3A_1073 = arith.index_cast %scan3A_122 : i32 to index
        %swap3A_1074 = arith.constant 64 : index
        %swap3A_1075 = tpu.vector_load %arg7[%swap3A_1073, %swap3A_1074] {strides = array<i32>} : memref<16x1024xf32, #tpu.memory_space<vmem>>, vector<16xf32>,
        tpu.vector_store %arg7[%swap3A_1073, %swap3A_1074], %add3A_1072 {strides = array<i32>} : memref<16x1024xf32, #tpu.memory_space<vmem>>, vector<16xf32>,
        %get3A_1076 = arith.index_cast %scan3A_122 : i32 to index
        %get3A_1077 = arith.constant 80 : index
        %get3A_1078 = tpu.vector_load %arg7[%get3A_1076, %get3A_1077] {strides = array<i32>} : memref<16x1024xf32, #tpu.memory_space<vmem>>, vector<16xf32>,
        %sub3A_1079 = arith.subf %get3A_1078, %broadcast_in_dim3A_969 : vector<16xf32>
        %mul3A_1080 = arith.mulf %sub3A_1079, %mul3A_1005 : vector<16xf32>
        %get3A_1081 = arith.constant 80 : index
        %get3A_1082 = tpu.vector_load %arg11[%get3A_1081] {strides = array<i32>} : memref<1024xf32, #tpu.memory_space<vmem>>, vector<16xf32>,
        %mul3A_1083 = arith.mulf %mul3A_1080, %get3A_1082 : vector<16xf32>
        %get3A_1084 = arith.constant 80 : index
        %get3A_1085 = tpu.vector_load %arg12[%get3A_1084] {strides = array<i32>} : memref<1024xf32, #tpu.memory_space<vmem>>, vector<16xf32>,
        %add3A_1086 = arith.addf %mul3A_1083, %get3A_1085 : vector<16xf32>
        %swap3A_1087 = arith.index_cast %scan3A_122 : i32 to index
        %swap3A_1088 = arith.constant 80 : index
        %swap3A_1089 = tpu.vector_load %arg7[%swap3A_1087, %swap3A_1088] {strides = array<i32>} : memref<16x1024xf32, #tpu.memory_space<vmem>>, vector<16xf32>,
        tpu.vector_store %arg7[%swap3A_1087, %swap3A_1088], %add3A_1086 {strides = array<i32>} : memref<16x1024xf32, #tpu.memory_space<vmem>>, vector<16xf32>,
        %get3A_1090 = arith.index_cast %scan3A_122 : i32 to index
        %get3A_1091 = arith.constant 96 : index
        %get3A_1092 = tpu.vector_load %arg7[%get3A_1090, %get3A_1091] {strides = array<i32>} : memref<16x1024xf32, #tpu.memory_space<vmem>>, vector<16xf32>,
        %sub3A_1093 = arith.subf %get3A_1092, %broadcast_in_dim3A_969 : vector<16xf32>
        %mul3A_1094 = arith.mulf %sub3A_1093, %mul3A_1005 : vector<16xf32>
        %get3A_1095 = arith.constant 96 : index
        %get3A_1096 = tpu.vector_load %arg11[%get3A_1095] {strides = array<i32>} : memref<1024xf32, #tpu.memory_space<vmem>>, vector<16xf32>,
        %mul3A_1097 = arith.mulf %mul3A_1094, %get3A_1096 : vector<16xf32>
        %get3A_1098 = arith.constant 96 : index
        %get3A_1099 = tpu.vector_load %arg12[%get3A_1098] {strides = array<i32>} : memref<1024xf32, #tpu.memory_space<vmem>>, vector<16xf32>,
        %add3A_1100 = arith.addf %mul3A_1097, %get3A_1099 : vector<16xf32>
        %swap3A_1101 = arith.index_cast %scan3A_122 : i32 to index
        %swap3A_1102 = arith.constant 96 : index
        %swap3A_1103 = tpu.vector_load %arg7[%swap3A_1101, %swap3A_1102] {strides = array<i32>} : memref<16x1024xf32, #tpu.memory_space<vmem>>, vector<16xf32>,
        tpu.vector_store %arg7[%swap3A_1101, %swap3A_1102], %add3A_1100 {strides = array<i32>} : memref<16x1024xf32, #tpu.memory_space<vmem>>, vector<16xf32>,
        %get3A_1104 = arith.index_cast %scan3A_122 : i32 to index
        %get3A_1105 = arith.constant 112 : index
        %get3A_1106 = tpu.vector_load %arg7[%get3A_1104, %get3A_1105] {strides = array<i32>} : memref<16x1024xf32, #tpu.memory_space<vmem>>, vector<16xf32>,
        %sub3A_1107 = arith.subf %get3A_1106, %broadcast_in_dim3A_969 : vector<16xf32>
        %mul3A_1108 = arith.mulf %sub3A_1107, %mul3A_1005 : vector<16xf32>
        %get3A_1109 = arith.constant 112 : index
        %get3A_1110 = tpu.vector_load %arg11[%get3A_1109] {strides = array<i32>} : memref<1024xf32, #tpu.memory_space<vmem>>, vector<16xf32>,
        %mul3A_1111 = arith.mulf %mul3A_1108, %get3A_1110 : vector<16xf32>
        %get3A_1112 = arith.constant 112 : index
        %get3A_1113 = tpu.vector_load %arg12[%get3A_1112] {strides = array<i32>} : memref<1024xf32, #tpu.memory_space<vmem>>, vector<16xf32>,
        %add3A_1114 = arith.addf %mul3A_1111, %get3A_1113 : vector<16xf32>
        %swap3A_1115 = arith.index_cast %scan3A_122 : i32 to index
        %swap3A_1116 = arith.constant 112 : index
        %swap3A_1117 = tpu.vector_load %arg7[%swap3A_1115, %swap3A_1116] {strides = array<i32>} : memref<16x1024xf32, #tpu.memory_space<vmem>>, vector<16xf32>,
        tpu.vector_store %arg7[%swap3A_1115, %swap3A_1116], %add3A_1114 {strides = array<i32>} : memref<16x1024xf32, #tpu.memory_space<vmem>>, vector<16xf32>,
        %get3A_1118 = arith.index_cast %scan3A_122 : i32 to index
        %get3A_1119 = arith.constant 128 : index
        %get3A_1120 = tpu.vector_load %arg7[%get3A_1118, %get3A_1119] {strides = array<i32>} : memref<16x1024xf32, #tpu.memory_space<vmem>>, vector<16xf32>,
        %sub3A_1121 = arith.subf %get3A_1120, %broadcast_in_dim3A_969 : vector<16xf32>
        %mul3A_1122 = arith.mulf %sub3A_1121, %mul3A_1005 : vector<16xf32>
        %get3A_1123 = arith.constant 128 : index
        %get3A_1124 = tpu.vector_load %arg11[%get3A_1123] {strides = array<i32>} : memref<1024xf32, #tpu.memory_space<vmem>>, vector<16xf32>,
        %mul3A_1125 = arith.mulf %mul3A_1122, %get3A_1124 : vector<16xf32>
        %get3A_1126 = arith.constant 128 : index
        %get3A_1127 = tpu.vector_load %arg12[%get3A_1126] {strides = array<i32>} : memref<1024xf32, #tpu.memory_space<vmem>>, vector<16xf32>,
        %add3A_1128 = arith.addf %mul3A_1125, %get3A_1127 : vector<16xf32>
        %swap3A_1129 = arith.index_cast %scan3A_122 : i32 to index
        %swap3A_1130 = arith.constant 128 : index
        %swap3A_1131 = tpu.vector_load %arg7[%swap3A_1129, %swap3A_1130] {strides = array<i32>} : memref<16x1024xf32, #tpu.memory_space<vmem>>, vector<16xf32>,
        tpu.vector_store %arg7[%swap3A_1129, %swap3A_1130], %add3A_1128 {strides = array<i32>} : memref<16x1024xf32, #tpu.memory_space<vmem>>, vector<16xf32>,
        %get3A_1132 = arith.index_cast %scan3A_122 : i32 to index
        %get3A_1133 = arith.constant 144 : index
        %get3A_1134 = tpu.vector_load %arg7[%get3A_1132, %get3A_1133] {strides = array<i32>} : memref<16x1024xf32, #tpu.memory_space<vmem>>, vector<16xf32>,
        %sub3A_1135 = arith.subf %get3A_1134, %broadcast_in_dim3A_969 : vector<16xf32>
        %mul3A_1136 = arith.mulf %sub3A_1135, %mul3A_1005 : vector<16xf32>
        %get3A_1137 = arith.constant 144 : index
        %get3A_1138 = tpu.vector_load %arg11[%get3A_1137] {strides = array<i32>} : memref<1024xf32, #tpu.memory_space<vmem>>, vector<16xf32>,
        %mul3A_1139 = arith.mulf %mul3A_1136, %get3A_1138 : vector<16xf32>
        %get3A_1140 = arith.constant 144 : index
        %get3A_1141 = tpu.vector_load %arg12[%get3A_1140] {strides = array<i32>} : memref<1024xf32, #tpu.memory_space<vmem>>, vector<16xf32>,
        %add3A_1142 = arith.addf %mul3A_1139, %get3A_1141 : vector<16xf32>
        %swap3A_1143 = arith.index_cast %scan3A_122 : i32 to index
        %swap3A_1144 = arith.constant 144 : index
        %swap3A_1145 = tpu.vector_load %arg7[%swap3A_1143, %swap3A_1144] {strides = array<i32>} : memref<16x1024xf32, #tpu.memory_space<vmem>>, vector<16xf32>,
        tpu.vector_store %arg7[%swap3A_1143, %swap3A_1144], %add3A_1142 {strides = array<i32>} : memref<16x1024xf32, #tpu.memory_space<vmem>>, vector<16xf32>,
        %get3A_1146 = arith.index_cast %scan3A_122 : i32 to index
        %get3A_1147 = arith.constant 160 : index
        %get3A_1148 = tpu.vector_load %arg7[%get3A_1146, %get3A_1147] {strides = array<i32>} : memref<16x1024xf32, #tpu.memory_space<vmem>>, vector<16xf32>,
        %sub3A_1149 = arith.subf %get3A_1148, %broadcast_in_dim3A_969 : vector<16xf32>
        %mul3A_1150 = arith.mulf %sub3A_1149, %mul3A_1005 : vector<16xf32>
        %get3A_1151 = arith.constant 160 : index
        %get3A_1152 = tpu.vector_load %arg11[%get3A_1151] {strides = array<i32>} : memref<1024xf32, #tpu.memory_space<vmem>>, vector<16xf32>,
        %mul3A_1153 = arith.mulf %mul3A_1150, %get3A_1152 : vector<16xf32>
        %get3A_1154 = arith.constant 160 : index
        %get3A_1155 = tpu.vector_load %arg12[%get3A_1154] {strides = array<i32>} : memref<1024xf32, #tpu.memory_space<vmem>>, vector<16xf32>,
        %add3A_1156 = arith.addf %mul3A_1153, %get3A_1155 : vector<16xf32>
        %swap3A_1157 = arith.index_cast %scan3A_122 : i32 to index
        %swap3A_1158 = arith.constant 160 : index
        %swap3A_1159 = tpu.vector_load %arg7[%swap3A_1157, %swap3A_1158] {strides = array<i32>} : memref<16x1024xf32, #tpu.memory_space<vmem>>, vector<16xf32>,
        tpu.vector_store %arg7[%swap3A_1157, %swap3A_1158], %add3A_1156 {strides = array<i32>} : memref<16x1024xf32, #tpu.memory_space<vmem>>, vector<16xf32>,
        %get3A_1160 = arith.index_cast %scan3A_122 : i32 to index
        %get3A_1161 = arith.constant 176 : index
        %get3A_1162 = tpu.vector_load %arg7[%get3A_1160, %get3A_1161] {strides = array<i32>} : memref<16x1024xf32, #tpu.memory_space<vmem>>, vector<16xf32>,
        %sub3A_1163 = arith.subf %get3A_1162, %broadcast_in_dim3A_969 : vector<16xf32>
        %mul3A_1164 = arith.mulf %sub3A_1163, %mul3A_1005 : vector<16xf32>
        %get3A_1165 = arith.constant 176 : index
        %get3A_1166 = tpu.vector_load %arg11[%get3A_1165] {strides = array<i32>} : memref<1024xf32, #tpu.memory_space<vmem>>, vector<16xf32>,
        %mul3A_1167 = arith.mulf %mul3A_1164, %get3A_1166 : vector<16xf32>
        %get3A_1168 = arith.constant 176 : index
        %get3A_1169 = tpu.vector_load %arg12[%get3A_1168] {strides = array<i32>} : memref<1024xf32, #tpu.memory_space<vmem>>, vector<16xf32>,
        %add3A_1170 = arith.addf %mul3A_1167, %get3A_1169 : vector<16xf32>
        %swap3A_1171 = arith.index_cast %scan3A_122 : i32 to index
        %swap3A_1172 = arith.constant 176 : index
        %swap3A_1173 = tpu.vector_load %arg7[%swap3A_1171, %swap3A_1172] {strides = array<i32>} : memref<16x1024xf32, #tpu.memory_space<vmem>>, vector<16xf32>,
        tpu.vector_store %arg7[%swap3A_1171, %swap3A_1172], %add3A_1170 {strides = array<i32>} : memref<16x1024xf32, #tpu.memory_space<vmem>>, vector<16xf32>,
        %get3A_1174 = arith.index_cast %scan3A_122 : i32 to index
        %get3A_1175 = arith.constant 192 : index
        %get3A_1176 = tpu.vector_load %arg7[%get3A_1174, %get3A_1175] {strides = array<i32>} : memref<16x1024xf32, #tpu.memory_space<vmem>>, vector<16xf32>,
        %sub3A_1177 = arith.subf %get3A_1176, %broadcast_in_dim3A_969 : vector<16xf32>
        %mul3A_1178 = arith.mulf %sub3A_1177, %mul3A_1005 : vector<16xf32>
        %get3A_1179 = arith.constant 192 : index
        %get3A_1180 = tpu.vector_load %arg11[%get3A_1179] {strides = array<i32>} : memref<1024xf32, #tpu.memory_space<vmem>>, vector<16xf32>,
        %mul3A_1181 = arith.mulf %mul3A_1178, %get3A_1180 : vector<16xf32>
        %get3A_1182 = arith.constant 192 : index
        %get3A_1183 = tpu.vector_load %arg12[%get3A_1182] {strides = array<i32>} : memref<1024xf32, #tpu.memory_space<vmem>>, vector<16xf32>,
        %add3A_1184 = arith.addf %mul3A_1181, %get3A_1183 : vector<16xf32>
        %swap3A_1185 = arith.index_cast %scan3A_122 : i32 to index
        %swap3A_1186 = arith.constant 192 : index
        %swap3A_1187 = tpu.vector_load %arg7[%swap3A_1185, %swap3A_1186] {strides = array<i32>} : memref<16x1024xf32, #tpu.memory_space<vmem>>, vector<16xf32>,
        tpu.vector_store %arg7[%swap3A_1185, %swap3A_1186], %add3A_1184 {strides = array<i32>} : memref<16x1024xf32, #tpu.memory_space<vmem>>, vector<16xf32>,
        %get3A_1188 = arith.index_cast %scan3A_122 : i32 to index
        %get3A_1189 = arith.constant 208 : index
        %get3A_1190 = tpu.vector_load %arg7[%get3A_1188, %get3A_1189] {strides = array<i32>} : memref<16x1024xf32, #tpu.memory_space<vmem>>, vector<16xf32>,
        %sub3A_1191 = arith.subf %get3A_1190, %broadcast_in_dim3A_969 : vector<16xf32>
        %mul3A_1192 = arith.mulf %sub3A_1191, %mul3A_1005 : vector<16xf32>
        %get3A_1193 = arith.constant 208 : index
        %get3A_1194 = tpu.vector_load %arg11[%get3A_1193] {strides = array<i32>} : memref<1024xf32, #tpu.memory_space<vmem>>, vector<16xf32>,
        %mul3A_1195 = arith.mulf %mul3A_1192, %get3A_1194 : vector<16xf32>
        %get3A_1196 = arith.constant 208 : index
        %get3A_1197 = tpu.vector_load %arg12[%get3A_1196] {strides = array<i32>} : memref<1024xf32, #tpu.memory_space<vmem>>, vector<16xf32>,
        %add3A_1198 = arith.addf %mul3A_1195, %get3A_1197 : vector<16xf32>
        %swap3A_1199 = arith.index_cast %scan3A_122 : i32 to index
        %swap3A_1200 = arith.constant 208 : index
        %swap3A_1201 = tpu.vector_load %arg7[%swap3A_1199, %swap3A_1200] {strides = array<i32>} : memref<16x1024xf32, #tpu.memory_space<vmem>>, vector<16xf32>,
        tpu.vector_store %arg7[%swap3A_1199, %swap3A_1200], %add3A_1198 {strides = array<i32>} : memref<16x1024xf32, #tpu.memory_space<vmem>>, vector<16xf32>,
        %get3A_1202 = arith.index_cast %scan3A_122 : i32 to index
        %get3A_1203 = arith.constant 224 : index
        %get3A_1204 = tpu.vector_load %arg7[%get3A_1202, %get3A_1203] {strides = array<i32>} : memref<16x1024xf32, #tpu.memory_space<vmem>>, vector<16xf32>,
        %sub3A_1205 = arith.subf %get3A_1204, %broadcast_in_dim3A_969 : vector<16xf32>
        %mul3A_1206 = arith.mulf %sub3A_1205, %mul3A_1005 : vector<16xf32>
        %get3A_1207 = arith.constant 224 : index
        %get3A_1208 = tpu.vector_load %arg11[%get3A_1207] {strides = array<i32>} : memref<1024xf32, #tpu.memory_space<vmem>>, vector<16xf32>,
        %mul3A_1209 = arith.mulf %mul3A_1206, %get3A_1208 : vector<16xf32>
        %get3A_1210 = arith.constant 224 : index
        %get3A_1211 = tpu.vector_load %arg12[%get3A_1210] {strides = array<i32>} : memref<1024xf32, #tpu.memory_space<vmem>>, vector<16xf32>,
        %add3A_1212 = arith.addf %mul3A_1209, %get3A_1211 : vector<16xf32>
        %swap3A_1213 = arith.index_cast %scan3A_122 : i32 to index
        %swap3A_1214 = arith.constant 224 : index
        %swap3A_1215 = tpu.vector_load %arg7[%swap3A_1213, %swap3A_1214] {strides = array<i32>} : memref<16x1024xf32, #tpu.memory_space<vmem>>, vector<16xf32>,
        tpu.vector_store %arg7[%swap3A_1213, %swap3A_1214], %add3A_1212 {strides = array<i32>} : memref<16x1024xf32, #tpu.memory_space<vmem>>, vector<16xf32>,
        %get3A_1216 = arith.index_cast %scan3A_122 : i32 to index
        %get3A_1217 = arith.constant 240 : index
        %get3A_1218 = tpu.vector_load %arg7[%get3A_1216, %get3A_1217] {strides = array<i32>} : memref<16x1024xf32, #tpu.memory_space<vmem>>, vector<16xf32>,
        %sub3A_1219 = arith.subf %get3A_1218, %broadcast_in_dim3A_969 : vector<16xf32>
        %mul3A_1220 = arith.mulf %sub3A_1219, %mul3A_1005 : vector<16xf32>
        %get3A_1221 = arith.constant 240 : index
        %get3A_1222 = tpu.vector_load %arg11[%get3A_1221] {strides = array<i32>} : memref<1024xf32, #tpu.memory_space<vmem>>, vector<16xf32>,
        %mul3A_1223 = arith.mulf %mul3A_1220, %get3A_1222 : vector<16xf32>
        %get3A_1224 = arith.constant 240 : index
        %get3A_1225 = tpu.vector_load %arg12[%get3A_1224] {strides = array<i32>} : memref<1024xf32, #tpu.memory_space<vmem>>, vector<16xf32>,
        %add3A_1226 = arith.addf %mul3A_1223, %get3A_1225 : vector<16xf32>
        %swap3A_1227 = arith.index_cast %scan3A_122 : i32 to index
        %swap3A_1228 = arith.constant 240 : index
        %swap3A_1229 = tpu.vector_load %arg7[%swap3A_1227, %swap3A_1228] {strides = array<i32>} : memref<16x1024xf32, #tpu.memory_space<vmem>>, vector<16xf32>,
        tpu.vector_store %arg7[%swap3A_1227, %swap3A_1228], %add3A_1226 {strides = array<i32>} : memref<16x1024xf32, #tpu.memory_space<vmem>>, vector<16xf32>,
        %get3A_1230 = arith.index_cast %scan3A_122 : i32 to index
        %get3A_1231 = arith.constant 256 : index
        %get3A_1232 = tpu.vector_load %arg7[%get3A_1230, %get3A_1231] {strides = array<i32>} : memref<16x1024xf32, #tpu.memory_space<vmem>>, vector<16xf32>,
        %sub3A_1233 = arith.subf %get3A_1232, %broadcast_in_dim3A_969 : vector<16xf32>
        %mul3A_1234 = arith.mulf %sub3A_1233, %mul3A_1005 : vector<16xf32>
        %get3A_1235 = arith.constant 256 : index
        %get3A_1236 = tpu.vector_load %arg11[%get3A_1235] {strides = array<i32>} : memref<1024xf32, #tpu.memory_space<vmem>>, vector<16xf32>,
        %mul3A_1237 = arith.mulf %mul3A_1234, %get3A_1236 : vector<16xf32>
        %get3A_1238 = arith.constant 256 : index
        %get3A_1239 = tpu.vector_load %arg12[%get3A_1238] {strides = array<i32>} : memref<1024xf32, #tpu.memory_space<vmem>>, vector<16xf32>,
        %add3A_1240 = arith.addf %mul3A_1237, %get3A_1239 : vector<16xf32>
        %swap3A_1241 = arith.index_cast %scan3A_122 : i32 to index
        %swap3A_1242 = arith.constant 256 : index
        %swap3A_1243 = tpu.vector_load %arg7[%swap3A_1241, %swap3A_1242] {strides = array<i32>} : memref<16x1024xf32, #tpu.memory_space<vmem>>, vector<16xf32>,
        tpu.vector_store %arg7[%swap3A_1241, %swap3A_1242], %add3A_1240 {strides = array<i32>} : memref<16x1024xf32, #tpu.memory_space<vmem>>, vector<16xf32>,
        %get3A_1244 = arith.index_cast %scan3A_122 : i32 to index
        %get3A_1245 = arith.constant 272 : index
        %get3A_1246 = tpu.vector_load %arg7[%get3A_1244, %get3A_1245] {strides = array<i32>} : memref<16x1024xf32, #tpu.memory_space<vmem>>, vector<16xf32>,
        %sub3A_1247 = arith.subf %get3A_1246, %broadcast_in_dim3A_969 : vector<16xf32>
        %mul3A_1248 = arith.mulf %sub3A_1247, %mul3A_1005 : vector<16xf32>
        %get3A_1249 = arith.constant 272 : index
        %get3A_1250 = tpu.vector_load %arg11[%get3A_1249] {strides = array<i32>} : memref<1024xf32, #tpu.memory_space<vmem>>, vector<16xf32>,
        %mul3A_1251 = arith.mulf %mul3A_1248, %get3A_1250 : vector<16xf32>
        %get3A_1252 = arith.constant 272 : index
        %get3A_1253 = tpu.vector_load %arg12[%get3A_1252] {strides = array<i32>} : memref<1024xf32, #tpu.memory_space<vmem>>, vector<16xf32>,
        %add3A_1254 = arith.addf %mul3A_1251, %get3A_1253 : vector<16xf32>
        %swap3A_1255 = arith.index_cast %scan3A_122 : i32 to index
        %swap3A_1256 = arith.constant 272 : index
        %swap3A_1257 = tpu.vector_load %arg7[%swap3A_1255, %swap3A_1256] {strides = array<i32>} : memref<16x1024xf32, #tpu.memory_space<vmem>>, vector<16xf32>,
        tpu.vector_store %arg7[%swap3A_1255, %swap3A_1256], %add3A_1254 {strides = array<i32>} : memref<16x1024xf32, #tpu.memory_space<vmem>>, vector<16xf32>,
        %get3A_1258 = arith.index_cast %scan3A_122 : i32 to index
        %get3A_1259 = arith.constant 288 : index
        %get3A_1260 = tpu.vector_load %arg7[%get3A_1258, %get3A_1259] {strides = array<i32>} : memref<16x1024xf32, #tpu.memory_space<vmem>>, vector<16xf32>,
        %sub3A_1261 = arith.subf %get3A_1260, %broadcast_in_dim3A_969 : vector<16xf32>
        %mul3A_1262 = arith.mulf %sub3A_1261, %mul3A_1005 : vector<16xf32>
        %get3A_1263 = arith.constant 288 : index
        %get3A_1264 = tpu.vector_load %arg11[%get3A_1263] {strides = array<i32>} : memref<1024xf32, #tpu.memory_space<vmem>>, vector<16xf32>,
        %mul3A_1265 = arith.mulf %mul3A_1262, %get3A_1264 : vector<16xf32>
        %get3A_1266 = arith.constant 288 : index
        %get3A_1267 = tpu.vector_load %arg12[%get3A_1266] {strides = array<i32>} : memref<1024xf32, #tpu.memory_space<vmem>>, vector<16xf32>,
        %add3A_1268 = arith.addf %mul3A_1265, %get3A_1267 : vector<16xf32>
        %swap3A_1269 = arith.index_cast %scan3A_122 : i32 to index
        %swap3A_1270 = arith.constant 288 : index
        %swap3A_1271 = tpu.vector_load %arg7[%swap3A_1269, %swap3A_1270] {strides = array<i32>} : memref<16x1024xf32, #tpu.memory_space<vmem>>, vector<16xf32>,
        tpu.vector_store %arg7[%swap3A_1269, %swap3A_1270], %add3A_1268 {strides = array<i32>} : memref<16x1024xf32, #tpu.memory_space<vmem>>, vector<16xf32>,
        %get3A_1272 = arith.index_cast %scan3A_122 : i32 to index
        %get3A_1273 = arith.constant 304 : index
        %get3A_1274 = tpu.vector_load %arg7[%get3A_1272, %get3A_1273] {strides = array<i32>} : memref<16x1024xf32, #tpu.memory_space<vmem>>, vector<16xf32>,
        %sub3A_1275 = arith.subf %get3A_1274, %broadcast_in_dim3A_969 : vector<16xf32>
        %mul3A_1276 = arith.mulf %sub3A_1275, %mul3A_1005 : vector<16xf32>
        %get3A_1277 = arith.constant 304 : index
        %get3A_1278 = tpu.vector_load %arg11[%get3A_1277] {strides = array<i32>} : memref<1024xf32, #tpu.memory_space<vmem>>, vector<16xf32>,
        %mul3A_1279 = arith.mulf %mul3A_1276, %get3A_1278 : vector<16xf32>
        %get3A_1280 = arith.constant 304 : index
        %get3A_1281 = tpu.vector_load %arg12[%get3A_1280] {strides = array<i32>} : memref<1024xf32, #tpu.memory_space<vmem>>, vector<16xf32>,
        %add3A_1282 = arith.addf %mul3A_1279, %get3A_1281 : vector<16xf32>
        %swap3A_1283 = arith.index_cast %scan3A_122 : i32 to index
        %swap3A_1284 = arith.constant 304 : index
        %swap3A_1285 = tpu.vector_load %arg7[%swap3A_1283, %swap3A_1284] {strides = array<i32>} : memref<16x1024xf32, #tpu.memory_space<vmem>>, vector<16xf32>,
        tpu.vector_store %arg7[%swap3A_1283, %swap3A_1284], %add3A_1282 {strides = array<i32>} : memref<16x1024xf32, #tpu.memory_space<vmem>>, vector<16xf32>,
        %get3A_1286 = arith.index_cast %scan3A_122 : i32 to index
        %get3A_1287 = arith.constant 320 : index
        %get3A_1288 = tpu.vector_load %arg7[%get3A_1286, %get3A_1287] {strides = array<i32>} : memref<16x1024xf32, #tpu.memory_space<vmem>>, vector<16xf32>,
        %sub3A_1289 = arith.subf %get3A_1288, %broadcast_in_dim3A_969 : vector<16xf32>
        %mul3A_1290 = arith.mulf %sub3A_1289, %mul3A_1005 : vector<16xf32>
        %get3A_1291 = arith.constant 320 : index
        %get3A_1292 = tpu.vector_load %arg11[%get3A_1291] {strides = array<i32>} : memref<1024xf32, #tpu.memory_space<vmem>>, vector<16xf32>,
        %mul3A_1293 = arith.mulf %mul3A_1290, %get3A_1292 : vector<16xf32>
        %get3A_1294 = arith.constant 320 : index
        %get3A_1295 = tpu.vector_load %arg12[%get3A_1294] {strides = array<i32>} : memref<1024xf32, #tpu.memory_space<vmem>>, vector<16xf32>,
        %add3A_1296 = arith.addf %mul3A_1293, %get3A_1295 : vector<16xf32>
        %swap3A_1297 = arith.index_cast %scan3A_122 : i32 to index
        %swap3A_1298 = arith.constant 320 : index
        %swap3A_1299 = tpu.vector_load %arg7[%swap3A_1297, %swap3A_1298] {strides = array<i32>} : memref<16x1024xf32, #tpu.memory_space<vmem>>, vector<16xf32>,
        tpu.vector_store %arg7[%swap3A_1297, %swap3A_1298], %add3A_1296 {strides = array<i32>} : memref<16x1024xf32, #tpu.memory_space<vmem>>, vector<16xf32>,
        %get3A_1300 = arith.index_cast %scan3A_122 : i32 to index
        %get3A_1301 = arith.constant 336 : index
        %get3A_1302 = tpu.vector_load %arg7[%get3A_1300, %get3A_1301] {strides = array<i32>} : memref<16x1024xf32, #tpu.memory_space<vmem>>, vector<16xf32>,
        %sub3A_1303 = arith.subf %get3A_1302, %broadcast_in_dim3A_969 : vector<16xf32>
        %mul3A_1304 = arith.mulf %sub3A_1303, %mul3A_1005 : vector<16xf32>
        %get3A_1305 = arith.constant 336 : index
        %get3A_1306 = tpu.vector_load %arg11[%get3A_1305] {strides = array<i32>} : memref<1024xf32, #tpu.memory_space<vmem>>, vector<16xf32>,
        %mul3A_1307 = arith.mulf %mul3A_1304, %get3A_1306 : vector<16xf32>
        %get3A_1308 = arith.constant 336 : index
        %get3A_1309 = tpu.vector_load %arg12[%get3A_1308] {strides = array<i32>} : memref<1024xf32, #tpu.memory_space<vmem>>, vector<16xf32>,
        %add3A_1310 = arith.addf %mul3A_1307, %get3A_1309 : vector<16xf32>
        %swap3A_1311 = arith.index_cast %scan3A_122 : i32 to index
        %swap3A_1312 = arith.constant 336 : index
        %swap3A_1313 = tpu.vector_load %arg7[%swap3A_1311, %swap3A_1312] {strides = array<i32>} : memref<16x1024xf32, #tpu.memory_space<vmem>>, vector<16xf32>,
        tpu.vector_store %arg7[%swap3A_1311, %swap3A_1312], %add3A_1310 {strides = array<i32>} : memref<16x1024xf32, #tpu.memory_space<vmem>>, vector<16xf32>,
        %get3A_1314 = arith.index_cast %scan3A_122 : i32 to index
        %get3A_1315 = arith.constant 352 : index
        %get3A_1316 = tpu.vector_load %arg7[%get3A_1314, %get3A_1315] {strides = array<i32>} : memref<16x1024xf32, #tpu.memory_space<vmem>>, vector<16xf32>,
        %sub3A_1317 = arith.subf %get3A_1316, %broadcast_in_dim3A_969 : vector<16xf32>
        %mul3A_1318 = arith.mulf %sub3A_1317, %mul3A_1005 : vector<16xf32>
        %get3A_1319 = arith.constant 352 : index
        %get3A_1320 = tpu.vector_load %arg11[%get3A_1319] {strides = array<i32>} : memref<1024xf32, #tpu.memory_space<vmem>>, vector<16xf32>,
        %mul3A_1321 = arith.mulf %mul3A_1318, %get3A_1320 : vector<16xf32>
        %get3A_1322 = arith.constant 352 : index
        %get3A_1323 = tpu.vector_load %arg12[%get3A_1322] {strides = array<i32>} : memref<1024xf32, #tpu.memory_space<vmem>>, vector<16xf32>,
        %add3A_1324 = arith.addf %mul3A_1321, %get3A_1323 : vector<16xf32>
        %swap3A_1325 = arith.index_cast %scan3A_122 : i32 to index
        %swap3A_1326 = arith.constant 352 : index
        %swap3A_1327 = tpu.vector_load %arg7[%swap3A_1325, %swap3A_1326] {strides = array<i32>} : memref<16x1024xf32, #tpu.memory_space<vmem>>, vector<16xf32>,
        tpu.vector_store %arg7[%swap3A_1325, %swap3A_1326], %add3A_1324 {strides = array<i32>} : memref<16x1024xf32, #tpu.memory_space<vmem>>, vector<16xf32>,
        %get3A_1328 = arith.index_cast %scan3A_122 : i32 to index
        %get3A_1329 = arith.constant 368 : index
        %get3A_1330 = tpu.vector_load %arg7[%get3A_1328, %get3A_1329] {strides = array<i32>} : memref<16x1024xf32, #tpu.memory_space<vmem>>, vector<16xf32>,
        %sub3A_1331 = arith.subf %get3A_1330, %broadcast_in_dim3A_969 : vector<16xf32>
        %mul3A_1332 = arith.mulf %sub3A_1331, %mul3A_1005 : vector<16xf32>
        %get3A_1333 = arith.constant 368 : index
        %get3A_1334 = tpu.vector_load %arg11[%get3A_1333] {strides = array<i32>} : memref<1024xf32, #tpu.memory_space<vmem>>, vector<16xf32>,
        %mul3A_1335 = arith.mulf %mul3A_1332, %get3A_1334 : vector<16xf32>
        %get3A_1336 = arith.constant 368 : index
        %get3A_1337 = tpu.vector_load %arg12[%get3A_1336] {strides = array<i32>} : memref<1024xf32, #tpu.memory_space<vmem>>, vector<16xf32>,
        %add3A_1338 = arith.addf %mul3A_1335, %get3A_1337 : vector<16xf32>
        %swap3A_1339 = arith.index_cast %scan3A_122 : i32 to index
        %swap3A_1340 = arith.constant 368 : index
        %swap3A_1341 = tpu.vector_load %arg7[%swap3A_1339, %swap3A_1340] {strides = array<i32>} : memref<16x1024xf32, #tpu.memory_space<vmem>>, vector<16xf32>,
        tpu.vector_store %arg7[%swap3A_1339, %swap3A_1340], %add3A_1338 {strides = array<i32>} : memref<16x1024xf32, #tpu.memory_space<vmem>>, vector<16xf32>,
        %get3A_1342 = arith.index_cast %scan3A_122 : i32 to index
        %get3A_1343 = arith.constant 384 : index
        %get3A_1344 = tpu.vector_load %arg7[%get3A_1342, %get3A_1343] {strides = array<i32>} : memref<16x1024xf32, #tpu.memory_space<vmem>>, vector<16xf32>,
        %sub3A_1345 = arith.subf %get3A_1344, %broadcast_in_dim3A_969 : vector<16xf32>
        %mul3A_1346 = arith.mulf %sub3A_1345, %mul3A_1005 : vector<16xf32>
        %get3A_1347 = arith.constant 384 : index
        %get3A_1348 = tpu.vector_load %arg11[%get3A_1347] {strides = array<i32>} : memref<1024xf32, #tpu.memory_space<vmem>>, vector<16xf32>,
        %mul3A_1349 = arith.mulf %mul3A_1346, %get3A_1348 : vector<16xf32>
        %get3A_1350 = arith.constant 384 : index
        %get3A_1351 = tpu.vector_load %arg12[%get3A_1350] {strides = array<i32>} : memref<1024xf32, #tpu.memory_space<vmem>>, vector<16xf32>,
        %add3A_1352 = arith.addf %mul3A_1349, %get3A_1351 : vector<16xf32>
        %swap3A_1353 = arith.index_cast %scan3A_122 : i32 to index
        %swap3A_1354 = arith.constant 384 : index
        %swap3A_1355 = tpu.vector_load %arg7[%swap3A_1353, %swap3A_1354] {strides = array<i32>} : memref<16x1024xf32, #tpu.memory_space<vmem>>, vector<16xf32>,
        tpu.vector_store %arg7[%swap3A_1353, %swap3A_1354], %add3A_1352 {strides = array<i32>} : memref<16x1024xf32, #tpu.memory_space<vmem>>, vector<16xf32>,
        %get3A_1356 = arith.index_cast %scan3A_122 : i32 to index
        %get3A_1357 = arith.constant 400 : index
        %get3A_1358 = tpu.vector_load %arg7[%get3A_1356, %get3A_1357] {strides = array<i32>} : memref<16x1024xf32, #tpu.memory_space<vmem>>, vector<16xf32>,
        %sub3A_1359 = arith.subf %get3A_1358, %broadcast_in_dim3A_969 : vector<16xf32>
        %mul3A_1360 = arith.mulf %sub3A_1359, %mul3A_1005 : vector<16xf32>
        %get3A_1361 = arith.constant 400 : index
        %get3A_1362 = tpu.vector_load %arg11[%get3A_1361] {strides = array<i32>} : memref<1024xf32, #tpu.memory_space<vmem>>, vector<16xf32>,
        %mul3A_1363 = arith.mulf %mul3A_1360, %get3A_1362 : vector<16xf32>
        %get3A_1364 = arith.constant 400 : index
        %get3A_1365 = tpu.vector_load %arg12[%get3A_1364] {strides = array<i32>} : memref<1024xf32, #tpu.memory_space<vmem>>, vector<16xf32>,
        %add3A_1366 = arith.addf %mul3A_1363, %get3A_1365 : vector<16xf32>
        %swap3A_1367 = arith.index_cast %scan3A_122 : i32 to index
        %swap3A_1368 = arith.constant 400 : index
        %swap3A_1369 = tpu.vector_load %arg7[%swap3A_1367, %swap3A_1368] {strides = array<i32>} : memref<16x1024xf32, #tpu.memory_space<vmem>>, vector<16xf32>,
        tpu.vector_store %arg7[%swap3A_1367, %swap3A_1368], %add3A_1366 {strides = array<i32>} : memref<16x1024xf32, #tpu.memory_space<vmem>>, vector<16xf32>,
        %get3A_1370 = arith.index_cast %scan3A_122 : i32 to index
        %get3A_1371 = arith.constant 416 : index
        %get3A_1372 = tpu.vector_load %arg7[%get3A_1370, %get3A_1371] {strides = array<i32>} : memref<16x1024xf32, #tpu.memory_space<vmem>>, vector<16xf32>,
        %sub3A_1373 = arith.subf %get3A_1372, %broadcast_in_dim3A_969 : vector<16xf32>
        %mul3A_1374 = arith.mulf %sub3A_1373, %mul3A_1005 : vector<16xf32>
        %get3A_1375 = arith.constant 416 : index
        %get3A_1376 = tpu.vector_load %arg11[%get3A_1375] {strides = array<i32>} : memref<1024xf32, #tpu.memory_space<vmem>>, vector<16xf32>,
        %mul3A_1377 = arith.mulf %mul3A_1374, %get3A_1376 : vector<16xf32>
        %get3A_1378 = arith.constant 416 : index
        %get3A_1379 = tpu.vector_load %arg12[%get3A_1378] {strides = array<i32>} : memref<1024xf32, #tpu.memory_space<vmem>>, vector<16xf32>,
        %add3A_1380 = arith.addf %mul3A_1377, %get3A_1379 : vector<16xf32>
        %swap3A_1381 = arith.index_cast %scan3A_122 : i32 to index
        %swap3A_1382 = arith.constant 416 : index
        %swap3A_1383 = tpu.vector_load %arg7[%swap3A_1381, %swap3A_1382] {strides = array<i32>} : memref<16x1024xf32, #tpu.memory_space<vmem>>, vector<16xf32>,
        tpu.vector_store %arg7[%swap3A_1381, %swap3A_1382], %add3A_1380 {strides = array<i32>} : memref<16x1024xf32, #tpu.memory_space<vmem>>, vector<16xf32>,
        %get3A_1384 = arith.index_cast %scan3A_122 : i32 to index
        %get3A_1385 = arith.constant 432 : index
        %get3A_1386 = tpu.vector_load %arg7[%get3A_1384, %get3A_1385] {strides = array<i32>} : memref<16x1024xf32, #tpu.memory_space<vmem>>, vector<16xf32>,
        %sub3A_1387 = arith.subf %get3A_1386, %broadcast_in_dim3A_969 : vector<16xf32>
        %mul3A_1388 = arith.mulf %sub3A_1387, %mul3A_1005 : vector<16xf32>
        %get3A_1389 = arith.constant 432 : index
        %get3A_1390 = tpu.vector_load %arg11[%get3A_1389] {strides = array<i32>} : memref<1024xf32, #tpu.memory_space<vmem>>, vector<16xf32>,
        %mul3A_1391 = arith.mulf %mul3A_1388, %get3A_1390 : vector<16xf32>
        %get3A_1392 = arith.constant 432 : index
        %get3A_1393 = tpu.vector_load %arg12[%get3A_1392] {strides = array<i32>} : memref<1024xf32, #tpu.memory_space<vmem>>, vector<16xf32>,
        %add3A_1394 = arith.addf %mul3A_1391, %get3A_1393 : vector<16xf32>
        %swap3A_1395 = arith.index_cast %scan3A_122 : i32 to index
        %swap3A_1396 = arith.constant 432 : index
        %swap3A_1397 = tpu.vector_load %arg7[%swap3A_1395, %swap3A_1396] {strides = array<i32>} : memref<16x1024xf32, #tpu.memory_space<vmem>>, vector<16xf32>,
        tpu.vector_store %arg7[%swap3A_1395, %swap3A_1396], %add3A_1394 {strides = array<i32>} : memref<16x1024xf32, #tpu.memory_space<vmem>>, vector<16xf32>,
        %get3A_1398 = arith.index_cast %scan3A_122 : i32 to index
        %get3A_1399 = arith.constant 448 : index
        %get3A_1400 = tpu.vector_load %arg7[%get3A_1398, %get3A_1399] {strides = array<i32>} : memref<16x1024xf32, #tpu.memory_space<vmem>>, vector<16xf32>,
        %sub3A_1401 = arith.subf %get3A_1400, %broadcast_in_dim3A_969 : vector<16xf32>
        %mul3A_1402 = arith.mulf %sub3A_1401, %mul3A_1005 : vector<16xf32>
        %get3A_1403 = arith.constant 448 : index
        %get3A_1404 = tpu.vector_load %arg11[%get3A_1403] {strides = array<i32>} : memref<1024xf32, #tpu.memory_space<vmem>>, vector<16xf32>,
        %mul3A_1405 = arith.mulf %mul3A_1402, %get3A_1404 : vector<16xf32>
        %get3A_1406 = arith.constant 448 : index
        %get3A_1407 = tpu.vector_load %arg12[%get3A_1406] {strides = array<i32>} : memref<1024xf32, #tpu.memory_space<vmem>>, vector<16xf32>,
        %add3A_1408 = arith.addf %mul3A_1405, %get3A_1407 : vector<16xf32>
        %swap3A_1409 = arith.index_cast %scan3A_122 : i32 to index
        %swap3A_1410 = arith.constant 448 : index
        %swap3A_1411 = tpu.vector_load %arg7[%swap3A_1409, %swap3A_1410] {strides = array<i32>} : memref<16x1024xf32, #tpu.memory_space<vmem>>, vector<16xf32>,
        tpu.vector_store %arg7[%swap3A_1409, %swap3A_1410], %add3A_1408 {strides = array<i32>} : memref<16x1024xf32, #tpu.memory_space<vmem>>, vector<16xf32>,
        %get3A_1412 = arith.index_cast %scan3A_122 : i32 to index
        %get3A_1413 = arith.constant 464 : index
        %get3A_1414 = tpu.vector_load %arg7[%get3A_1412, %get3A_1413] {strides = array<i32>} : memref<16x1024xf32, #tpu.memory_space<vmem>>, vector<16xf32>,
        %sub3A_1415 = arith.subf %get3A_1414, %broadcast_in_dim3A_969 : vector<16xf32>
        %mul3A_1416 = arith.mulf %sub3A_1415, %mul3A_1005 : vector<16xf32>
        %get3A_1417 = arith.constant 464 : index
        %get3A_1418 = tpu.vector_load %arg11[%get3A_1417] {strides = array<i32>} : memref<1024xf32, #tpu.memory_space<vmem>>, vector<16xf32>,
        %mul3A_1419 = arith.mulf %mul3A_1416, %get3A_1418 : vector<16xf32>
        %get3A_1420 = arith.constant 464 : index
        %get3A_1421 = tpu.vector_load %arg12[%get3A_1420] {strides = array<i32>} : memref<1024xf32, #tpu.memory_space<vmem>>, vector<16xf32>,
        %add3A_1422 = arith.addf %mul3A_1419, %get3A_1421 : vector<16xf32>
        %swap3A_1423 = arith.index_cast %scan3A_122 : i32 to index
        %swap3A_1424 = arith.constant 464 : index
        %swap3A_1425 = tpu.vector_load %arg7[%swap3A_1423, %swap3A_1424] {strides = array<i32>} : memref<16x1024xf32, #tpu.memory_space<vmem>>, vector<16xf32>,
        tpu.vector_store %arg7[%swap3A_1423, %swap3A_1424], %add3A_1422 {strides = array<i32>} : memref<16x1024xf32, #tpu.memory_space<vmem>>, vector<16xf32>,
        %get3A_1426 = arith.index_cast %scan3A_122 : i32 to index
        %get3A_1427 = arith.constant 480 : index
        %get3A_1428 = tpu.vector_load %arg7[%get3A_1426, %get3A_1427] {strides = array<i32>} : memref<16x1024xf32, #tpu.memory_space<vmem>>, vector<16xf32>,
        %sub3A_1429 = arith.subf %get3A_1428, %broadcast_in_dim3A_969 : vector<16xf32>
        %mul3A_1430 = arith.mulf %sub3A_1429, %mul3A_1005 : vector<16xf32>
        %get3A_1431 = arith.constant 480 : index
        %get3A_1432 = tpu.vector_load %arg11[%get3A_1431] {strides = array<i32>} : memref<1024xf32, #tpu.memory_space<vmem>>, vector<16xf32>,
        %mul3A_1433 = arith.mulf %mul3A_1430, %get3A_1432 : vector<16xf32>
        %get3A_1434 = arith.constant 480 : index
        %get3A_1435 = tpu.vector_load %arg12[%get3A_1434] {strides = array<i32>} : memref<1024xf32, #tpu.memory_space<vmem>>, vector<16xf32>,
        %add3A_1436 = arith.addf %mul3A_1433, %get3A_1435 : vector<16xf32>
        %swap3A_1437 = arith.index_cast %scan3A_122 : i32 to index
        %swap3A_1438 = arith.constant 480 : index
        %swap3A_1439 = tpu.vector_load %arg7[%swap3A_1437, %swap3A_1438] {strides = array<i32>} : memref<16x1024xf32, #tpu.memory_space<vmem>>, vector<16xf32>,
        tpu.vector_store %arg7[%swap3A_1437, %swap3A_1438], %add3A_1436 {strides = array<i32>} : memref<16x1024xf32, #tpu.memory_space<vmem>>, vector<16xf32>,
        %get3A_1440 = arith.index_cast %scan3A_122 : i32 to index
        %get3A_1441 = arith.constant 496 : index
        %get3A_1442 = tpu.vector_load %arg7[%get3A_1440, %get3A_1441] {strides = array<i32>} : memref<16x1024xf32, #tpu.memory_space<vmem>>, vector<16xf32>,
        %sub3A_1443 = arith.subf %get3A_1442, %broadcast_in_dim3A_969 : vector<16xf32>
        %mul3A_1444 = arith.mulf %sub3A_1443, %mul3A_1005 : vector<16xf32>
        %get3A_1445 = arith.constant 496 : index
        %get3A_1446 = tpu.vector_load %arg11[%get3A_1445] {strides = array<i32>} : memref<1024xf32, #tpu.memory_space<vmem>>, vector<16xf32>,
        %mul3A_1447 = arith.mulf %mul3A_1444, %get3A_1446 : vector<16xf32>
        %get3A_1448 = arith.constant 496 : index
        %get3A_1449 = tpu.vector_load %arg12[%get3A_1448] {strides = array<i32>} : memref<1024xf32, #tpu.memory_space<vmem>>, vector<16xf32>,
        %add3A_1450 = arith.addf %mul3A_1447, %get3A_1449 : vector<16xf32>
        %swap3A_1451 = arith.index_cast %scan3A_122 : i32 to index
        %swap3A_1452 = arith.constant 496 : index
        %swap3A_1453 = tpu.vector_load %arg7[%swap3A_1451, %swap3A_1452] {strides = array<i32>} : memref<16x1024xf32, #tpu.memory_space<vmem>>, vector<16xf32>,
        tpu.vector_store %arg7[%swap3A_1451, %swap3A_1452], %add3A_1450 {strides = array<i32>} : memref<16x1024xf32, #tpu.memory_space<vmem>>, vector<16xf32>,
        %get3A_1454 = arith.index_cast %scan3A_122 : i32 to index
        %get3A_1455 = arith.constant 512 : index
        %get3A_1456 = tpu.vector_load %arg7[%get3A_1454, %get3A_1455] {strides = array<i32>} : memref<16x1024xf32, #tpu.memory_space<vmem>>, vector<16xf32>,
        %sub3A_1457 = arith.subf %get3A_1456, %broadcast_in_dim3A_969 : vector<16xf32>
        %mul3A_1458 = arith.mulf %sub3A_1457, %mul3A_1005 : vector<16xf32>
        %get3A_1459 = arith.constant 512 : index
        %get3A_1460 = tpu.vector_load %arg11[%get3A_1459] {strides = array<i32>} : memref<1024xf32, #tpu.memory_space<vmem>>, vector<16xf32>,
        %mul3A_1461 = arith.mulf %mul3A_1458, %get3A_1460 : vector<16xf32>
        %get3A_1462 = arith.constant 512 : index
        %get3A_1463 = tpu.vector_load %arg12[%get3A_1462] {strides = array<i32>} : memref<1024xf32, #tpu.memory_space<vmem>>, vector<16xf32>,
        %add3A_1464 = arith.addf %mul3A_1461, %get3A_1463 : vector<16xf32>
        %swap3A_1465 = arith.index_cast %scan3A_122 : i32 to index
        %swap3A_1466 = arith.constant 512 : index
        %swap3A_1467 = tpu.vector_load %arg7[%swap3A_1465, %swap3A_1466] {strides = array<i32>} : memref<16x1024xf32, #tpu.memory_space<vmem>>, vector<16xf32>,
        tpu.vector_store %arg7[%swap3A_1465, %swap3A_1466], %add3A_1464 {strides = array<i32>} : memref<16x1024xf32, #tpu.memory_space<vmem>>, vector<16xf32>,
        %get3A_1468 = arith.index_cast %scan3A_122 : i32 to index
        %get3A_1469 = arith.constant 528 : index
        %get3A_1470 = tpu.vector_load %arg7[%get3A_1468, %get3A_1469] {strides = array<i32>} : memref<16x1024xf32, #tpu.memory_space<vmem>>, vector<16xf32>,
        %sub3A_1471 = arith.subf %get3A_1470, %broadcast_in_dim3A_969 : vector<16xf32>
        %mul3A_1472 = arith.mulf %sub3A_1471, %mul3A_1005 : vector<16xf32>
        %get3A_1473 = arith.constant 528 : index
        %get3A_1474 = tpu.vector_load %arg11[%get3A_1473] {strides = array<i32>} : memref<1024xf32, #tpu.memory_space<vmem>>, vector<16xf32>,
        %mul3A_1475 = arith.mulf %mul3A_1472, %get3A_1474 : vector<16xf32>
        %get3A_1476 = arith.constant 528 : index
        %get3A_1477 = tpu.vector_load %arg12[%get3A_1476] {strides = array<i32>} : memref<1024xf32, #tpu.memory_space<vmem>>, vector<16xf32>,
        %add3A_1478 = arith.addf %mul3A_1475, %get3A_1477 : vector<16xf32>
        %swap3A_1479 = arith.index_cast %scan3A_122 : i32 to index
        %swap3A_1480 = arith.constant 528 : index
        %swap3A_1481 = tpu.vector_load %arg7[%swap3A_1479, %swap3A_1480] {strides = array<i32>} : memref<16x1024xf32, #tpu.memory_space<vmem>>, vector<16xf32>,
        tpu.vector_store %arg7[%swap3A_1479, %swap3A_1480], %add3A_1478 {strides = array<i32>} : memref<16x1024xf32, #tpu.memory_space<vmem>>, vector<16xf32>,
        %get3A_1482 = arith.index_cast %scan3A_122 : i32 to index
        %get3A_1483 = arith.constant 544 : index
        %get3A_1484 = tpu.vector_load %arg7[%get3A_1482, %get3A_1483] {strides = array<i32>} : memref<16x1024xf32, #tpu.memory_space<vmem>>, vector<16xf32>,
        %sub3A_1485 = arith.subf %get3A_1484, %broadcast_in_dim3A_969 : vector<16xf32>
        %mul3A_1486 = arith.mulf %sub3A_1485, %mul3A_1005 : vector<16xf32>
        %get3A_1487 = arith.constant 544 : index
        %get3A_1488 = tpu.vector_load %arg11[%get3A_1487] {strides = array<i32>} : memref<1024xf32, #tpu.memory_space<vmem>>, vector<16xf32>,
        %mul3A_1489 = arith.mulf %mul3A_1486, %get3A_1488 : vector<16xf32>
        %get3A_1490 = arith.constant 544 : index
        %get3A_1491 = tpu.vector_load %arg12[%get3A_1490] {strides = array<i32>} : memref<1024xf32, #tpu.memory_space<vmem>>, vector<16xf32>,
        %add3A_1492 = arith.addf %mul3A_1489, %get3A_1491 : vector<16xf32>
        %swap3A_1493 = arith.index_cast %scan3A_122 : i32 to index
        %swap3A_1494 = arith.constant 544 : index
        %swap3A_1495 = tpu.vector_load %arg7[%swap3A_1493, %swap3A_1494] {strides = array<i32>} : memref<16x1024xf32, #tpu.memory_space<vmem>>, vector<16xf32>,
        tpu.vector_store %arg7[%swap3A_1493, %swap3A_1494], %add3A_1492 {strides = array<i32>} : memref<16x1024xf32, #tpu.memory_space<vmem>>, vector<16xf32>,
        %get3A_1496 = arith.index_cast %scan3A_122 : i32 to index
        %get3A_1497 = arith.constant 560 : index
        %get3A_1498 = tpu.vector_load %arg7[%get3A_1496, %get3A_1497] {strides = array<i32>} : memref<16x1024xf32, #tpu.memory_space<vmem>>, vector<16xf32>,
        %sub3A_1499 = arith.subf %get3A_1498, %broadcast_in_dim3A_969 : vector<16xf32>
        %mul3A_1500 = arith.mulf %sub3A_1499, %mul3A_1005 : vector<16xf32>
        %get3A_1501 = arith.constant 560 : index
        %get3A_1502 = tpu.vector_load %arg11[%get3A_1501] {strides = array<i32>} : memref<1024xf32, #tpu.memory_space<vmem>>, vector<16xf32>,
        %mul3A_1503 = arith.mulf %mul3A_1500, %get3A_1502 : vector<16xf32>
        %get3A_1504 = arith.constant 560 : index
        %get3A_1505 = tpu.vector_load %arg12[%get3A_1504] {strides = array<i32>} : memref<1024xf32, #tpu.memory_space<vmem>>, vector<16xf32>,
        %add3A_1506 = arith.addf %mul3A_1503, %get3A_1505 : vector<16xf32>
        %swap3A_1507 = arith.index_cast %scan3A_122 : i32 to index
        %swap3A_1508 = arith.constant 560 : index
        %swap3A_1509 = tpu.vector_load %arg7[%swap3A_1507, %swap3A_1508] {strides = array<i32>} : memref<16x1024xf32, #tpu.memory_space<vmem>>, vector<16xf32>,
        tpu.vector_store %arg7[%swap3A_1507, %swap3A_1508], %add3A_1506 {strides = array<i32>} : memref<16x1024xf32, #tpu.memory_space<vmem>>, vector<16xf32>,
        %get3A_1510 = arith.index_cast %scan3A_122 : i32 to index
        %get3A_1511 = arith.constant 576 : index
        %get3A_1512 = tpu.vector_load %arg7[%get3A_1510, %get3A_1511] {strides = array<i32>} : memref<16x1024xf32, #tpu.memory_space<vmem>>, vector<16xf32>,
        %sub3A_1513 = arith.subf %get3A_1512, %broadcast_in_dim3A_969 : vector<16xf32>
        %mul3A_1514 = arith.mulf %sub3A_1513, %mul3A_1005 : vector<16xf32>
        %get3A_1515 = arith.constant 576 : index
        %get3A_1516 = tpu.vector_load %arg11[%get3A_1515] {strides = array<i32>} : memref<1024xf32, #tpu.memory_space<vmem>>, vector<16xf32>,
        %mul3A_1517 = arith.mulf %mul3A_1514, %get3A_1516 : vector<16xf32>
        %get3A_1518 = arith.constant 576 : index
        %get3A_1519 = tpu.vector_load %arg12[%get3A_1518] {strides = array<i32>} : memref<1024xf32, #tpu.memory_space<vmem>>, vector<16xf32>,
        %add3A_1520 = arith.addf %mul3A_1517, %get3A_1519 : vector<16xf32>
        %swap3A_1521 = arith.index_cast %scan3A_122 : i32 to index
        %swap3A_1522 = arith.constant 576 : index
        %swap3A_1523 = tpu.vector_load %arg7[%swap3A_1521, %swap3A_1522] {strides = array<i32>} : memref<16x1024xf32, #tpu.memory_space<vmem>>, vector<16xf32>,
        tpu.vector_store %arg7[%swap3A_1521, %swap3A_1522], %add3A_1520 {strides = array<i32>} : memref<16x1024xf32, #tpu.memory_space<vmem>>, vector<16xf32>,
        %get3A_1524 = arith.index_cast %scan3A_122 : i32 to index
        %get3A_1525 = arith.constant 592 : index
        %get3A_1526 = tpu.vector_load %arg7[%get3A_1524, %get3A_1525] {strides = array<i32>} : memref<16x1024xf32, #tpu.memory_space<vmem>>, vector<16xf32>,
        %sub3A_1527 = arith.subf %get3A_1526, %broadcast_in_dim3A_969 : vector<16xf32>
        %mul3A_1528 = arith.mulf %sub3A_1527, %mul3A_1005 : vector<16xf32>
        %get3A_1529 = arith.constant 592 : index
        %get3A_1530 = tpu.vector_load %arg11[%get3A_1529] {strides = array<i32>} : memref<1024xf32, #tpu.memory_space<vmem>>, vector<16xf32>,
        %mul3A_1531 = arith.mulf %mul3A_1528, %get3A_1530 : vector<16xf32>
        %get3A_1532 = arith.constant 592 : index
        %get3A_1533 = tpu.vector_load %arg12[%get3A_1532] {strides = array<i32>} : memref<1024xf32, #tpu.memory_space<vmem>>, vector<16xf32>,
        %add3A_1534 = arith.addf %mul3A_1531, %get3A_1533 : vector<16xf32>
        %swap3A_1535 = arith.index_cast %scan3A_122 : i32 to index
        %swap3A_1536 = arith.constant 592 : index
        %swap3A_1537 = tpu.vector_load %arg7[%swap3A_1535, %swap3A_1536] {strides = array<i32>} : memref<16x1024xf32, #tpu.memory_space<vmem>>, vector<16xf32>,
        tpu.vector_store %arg7[%swap3A_1535, %swap3A_1536], %add3A_1534 {strides = array<i32>} : memref<16x1024xf32, #tpu.memory_space<vmem>>, vector<16xf32>,
        %get3A_1538 = arith.index_cast %scan3A_122 : i32 to index
        %get3A_1539 = arith.constant 608 : index
        %get3A_1540 = tpu.vector_load %arg7[%get3A_1538, %get3A_1539] {strides = array<i32>} : memref<16x1024xf32, #tpu.memory_space<vmem>>, vector<16xf32>,
        %sub3A_1541 = arith.subf %get3A_1540, %broadcast_in_dim3A_969 : vector<16xf32>
        %mul3A_1542 = arith.mulf %sub3A_1541, %mul3A_1005 : vector<16xf32>
        %get3A_1543 = arith.constant 608 : index
        %get3A_1544 = tpu.vector_load %arg11[%get3A_1543] {strides = array<i32>} : memref<1024xf32, #tpu.memory_space<vmem>>, vector<16xf32>,
        %mul3A_1545 = arith.mulf %mul3A_1542, %get3A_1544 : vector<16xf32>
        %get3A_1546 = arith.constant 608 : index
        %get3A_1547 = tpu.vector_load %arg12[%get3A_1546] {strides = array<i32>} : memref<1024xf32, #tpu.memory_space<vmem>>, vector<16xf32>,
        %add3A_1548 = arith.addf %mul3A_1545, %get3A_1547 : vector<16xf32>
        %swap3A_1549 = arith.index_cast %scan3A_122 : i32 to index
        %swap3A_1550 = arith.constant 608 : index
        %swap3A_1551 = tpu.vector_load %arg7[%swap3A_1549, %swap3A_1550] {strides = array<i32>} : memref<16x1024xf32, #tpu.memory_space<vmem>>, vector<16xf32>,
        tpu.vector_store %arg7[%swap3A_1549, %swap3A_1550], %add3A_1548 {strides = array<i32>} : memref<16x1024xf32, #tpu.memory_space<vmem>>, vector<16xf32>,
        %get3A_1552 = arith.index_cast %scan3A_122 : i32 to index
        %get3A_1553 = arith.constant 624 : index
        %get3A_1554 = tpu.vector_load %arg7[%get3A_1552, %get3A_1553] {strides = array<i32>} : memref<16x1024xf32, #tpu.memory_space<vmem>>, vector<16xf32>,
        %sub3A_1555 = arith.subf %get3A_1554, %broadcast_in_dim3A_969 : vector<16xf32>
        %mul3A_1556 = arith.mulf %sub3A_1555, %mul3A_1005 : vector<16xf32>
        %get3A_1557 = arith.constant 624 : index
        %get3A_1558 = tpu.vector_load %arg11[%get3A_1557] {strides = array<i32>} : memref<1024xf32, #tpu.memory_space<vmem>>, vector<16xf32>,
        %mul3A_1559 = arith.mulf %mul3A_1556, %get3A_1558 : vector<16xf32>
        %get3A_1560 = arith.constant 624 : index
        %get3A_1561 = tpu.vector_load %arg12[%get3A_1560] {strides = array<i32>} : memref<1024xf32, #tpu.memory_space<vmem>>, vector<16xf32>,
        %add3A_1562 = arith.addf %mul3A_1559, %get3A_1561 : vector<16xf32>
        %swap3A_1563 = arith.index_cast %scan3A_122 : i32 to index
        %swap3A_1564 = arith.constant 624 : index
        %swap3A_1565 = tpu.vector_load %arg7[%swap3A_1563, %swap3A_1564] {strides = array<i32>} : memref<16x1024xf32, #tpu.memory_space<vmem>>, vector<16xf32>,
        tpu.vector_store %arg7[%swap3A_1563, %swap3A_1564], %add3A_1562 {strides = array<i32>} : memref<16x1024xf32, #tpu.memory_space<vmem>>, vector<16xf32>,
        %get3A_1566 = arith.index_cast %scan3A_122 : i32 to index
        %get3A_1567 = arith.constant 640 : index
        %get3A_1568 = tpu.vector_load %arg7[%get3A_1566, %get3A_1567] {strides = array<i32>} : memref<16x1024xf32, #tpu.memory_space<vmem>>, vector<16xf32>,
        %sub3A_1569 = arith.subf %get3A_1568, %broadcast_in_dim3A_969 : vector<16xf32>
        %mul3A_1570 = arith.mulf %sub3A_1569, %mul3A_1005 : vector<16xf32>
        %get3A_1571 = arith.constant 640 : index
        %get3A_1572 = tpu.vector_load %arg11[%get3A_1571] {strides = array<i32>} : memref<1024xf32, #tpu.memory_space<vmem>>, vector<16xf32>,
        %mul3A_1573 = arith.mulf %mul3A_1570, %get3A_1572 : vector<16xf32>
        %get3A_1574 = arith.constant 640 : index
        %get3A_1575 = tpu.vector_load %arg12[%get3A_1574] {strides = array<i32>} : memref<1024xf32, #tpu.memory_space<vmem>>, vector<16xf32>,
        %add3A_1576 = arith.addf %mul3A_1573, %get3A_1575 : vector<16xf32>
        %swap3A_1577 = arith.index_cast %scan3A_122 : i32 to index
        %swap3A_1578 = arith.constant 640 : index
        %swap3A_1579 = tpu.vector_load %arg7[%swap3A_1577, %swap3A_1578] {strides = array<i32>} : memref<16x1024xf32, #tpu.memory_space<vmem>>, vector<16xf32>,
        tpu.vector_store %arg7[%swap3A_1577, %swap3A_1578], %add3A_1576 {strides = array<i32>} : memref<16x1024xf32, #tpu.memory_space<vmem>>, vector<16xf32>,
        %get3A_1580 = arith.index_cast %scan3A_122 : i32 to index
        %get3A_1581 = arith.constant 656 : index
        %get3A_1582 = tpu.vector_load %arg7[%get3A_1580, %get3A_1581] {strides = array<i32>} : memref<16x1024xf32, #tpu.memory_space<vmem>>, vector<16xf32>,
        %sub3A_1583 = arith.subf %get3A_1582, %broadcast_in_dim3A_969 : vector<16xf32>
        %mul3A_1584 = arith.mulf %sub3A_1583, %mul3A_1005 : vector<16xf32>
        %get3A_1585 = arith.constant 656 : index
        %get3A_1586 = tpu.vector_load %arg11[%get3A_1585] {strides = array<i32>} : memref<1024xf32, #tpu.memory_space<vmem>>, vector<16xf32>,
        %mul3A_1587 = arith.mulf %mul3A_1584, %get3A_1586 : vector<16xf32>
        %get3A_1588 = arith.constant 656 : index
        %get3A_1589 = tpu.vector_load %arg12[%get3A_1588] {strides = array<i32>} : memref<1024xf32, #tpu.memory_space<vmem>>, vector<16xf32>,
        %add3A_1590 = arith.addf %mul3A_1587, %get3A_1589 : vector<16xf32>
        %swap3A_1591 = arith.index_cast %scan3A_122 : i32 to index
        %swap3A_1592 = arith.constant 656 : index
        %swap3A_1593 = tpu.vector_load %arg7[%swap3A_1591, %swap3A_1592] {strides = array<i32>} : memref<16x1024xf32, #tpu.memory_space<vmem>>, vector<16xf32>,
        tpu.vector_store %arg7[%swap3A_1591, %swap3A_1592], %add3A_1590 {strides = array<i32>} : memref<16x1024xf32, #tpu.memory_space<vmem>>, vector<16xf32>,
        %get3A_1594 = arith.index_cast %scan3A_122 : i32 to index
        %get3A_1595 = arith.constant 672 : index
        %get3A_1596 = tpu.vector_load %arg7[%get3A_1594, %get3A_1595] {strides = array<i32>} : memref<16x1024xf32, #tpu.memory_space<vmem>>, vector<16xf32>,
        %sub3A_1597 = arith.subf %get3A_1596, %broadcast_in_dim3A_969 : vector<16xf32>
        %mul3A_1598 = arith.mulf %sub3A_1597, %mul3A_1005 : vector<16xf32>
        %get3A_1599 = arith.constant 672 : index
        %get3A_1600 = tpu.vector_load %arg11[%get3A_1599] {strides = array<i32>} : memref<1024xf32, #tpu.memory_space<vmem>>, vector<16xf32>,
        %mul3A_1601 = arith.mulf %mul3A_1598, %get3A_1600 : vector<16xf32>
        %get3A_1602 = arith.constant 672 : index
        %get3A_1603 = tpu.vector_load %arg12[%get3A_1602] {strides = array<i32>} : memref<1024xf32, #tpu.memory_space<vmem>>, vector<16xf32>,
        %add3A_1604 = arith.addf %mul3A_1601, %get3A_1603 : vector<16xf32>
        %swap3A_1605 = arith.index_cast %scan3A_122 : i32 to index
        %swap3A_1606 = arith.constant 672 : index
        %swap3A_1607 = tpu.vector_load %arg7[%swap3A_1605, %swap3A_1606] {strides = array<i32>} : memref<16x1024xf32, #tpu.memory_space<vmem>>, vector<16xf32>,
        tpu.vector_store %arg7[%swap3A_1605, %swap3A_1606], %add3A_1604 {strides = array<i32>} : memref<16x1024xf32, #tpu.memory_space<vmem>>, vector<16xf32>,
        %get3A_1608 = arith.index_cast %scan3A_122 : i32 to index
        %get3A_1609 = arith.constant 688 : index
        %get3A_1610 = tpu.vector_load %arg7[%get3A_1608, %get3A_1609] {strides = array<i32>} : memref<16x1024xf32, #tpu.memory_space<vmem>>, vector<16xf32>,
        %sub3A_1611 = arith.subf %get3A_1610, %broadcast_in_dim3A_969 : vector<16xf32>
        %mul3A_1612 = arith.mulf %sub3A_1611, %mul3A_1005 : vector<16xf32>
        %get3A_1613 = arith.constant 688 : index
        %get3A_1614 = tpu.vector_load %arg11[%get3A_1613] {strides = array<i32>} : memref<1024xf32, #tpu.memory_space<vmem>>, vector<16xf32>,
        %mul3A_1615 = arith.mulf %mul3A_1612, %get3A_1614 : vector<16xf32>
        %get3A_1616 = arith.constant 688 : index
        %get3A_1617 = tpu.vector_load %arg12[%get3A_1616] {strides = array<i32>} : memref<1024xf32, #tpu.memory_space<vmem>>, vector<16xf32>,
        %add3A_1618 = arith.addf %mul3A_1615, %get3A_1617 : vector<16xf32>
        %swap3A_1619 = arith.index_cast %scan3A_122 : i32 to index
        %swap3A_1620 = arith.constant 688 : index
        %swap3A_1621 = tpu.vector_load %arg7[%swap3A_1619, %swap3A_1620] {strides = array<i32>} : memref<16x1024xf32, #tpu.memory_space<vmem>>, vector<16xf32>,
        tpu.vector_store %arg7[%swap3A_1619, %swap3A_1620], %add3A_1618 {strides = array<i32>} : memref<16x1024xf32, #tpu.memory_space<vmem>>, vector<16xf32>,
        %get3A_1622 = arith.index_cast %scan3A_122 : i32 to index
        %get3A_1623 = arith.constant 704 : index
        %get3A_1624 = tpu.vector_load %arg7[%get3A_1622, %get3A_1623] {strides = array<i32>} : memref<16x1024xf32, #tpu.memory_space<vmem>>, vector<16xf32>,
        %sub3A_1625 = arith.subf %get3A_1624, %broadcast_in_dim3A_969 : vector<16xf32>
        %mul3A_1626 = arith.mulf %sub3A_1625, %mul3A_1005 : vector<16xf32>
        %get3A_1627 = arith.constant 704 : index
        %get3A_1628 = tpu.vector_load %arg11[%get3A_1627] {strides = array<i32>} : memref<1024xf32, #tpu.memory_space<vmem>>, vector<16xf32>,
        %mul3A_1629 = arith.mulf %mul3A_1626, %get3A_1628 : vector<16xf32>
        %get3A_1630 = arith.constant 704 : index
        %get3A_1631 = tpu.vector_load %arg12[%get3A_1630] {strides = array<i32>} : memref<1024xf32, #tpu.memory_space<vmem>>, vector<16xf32>,
        %add3A_1632 = arith.addf %mul3A_1629, %get3A_1631 : vector<16xf32>
        %swap3A_1633 = arith.index_cast %scan3A_122 : i32 to index
        %swap3A_1634 = arith.constant 704 : index
        %swap3A_1635 = tpu.vector_load %arg7[%swap3A_1633, %swap3A_1634] {strides = array<i32>} : memref<16x1024xf32, #tpu.memory_space<vmem>>, vector<16xf32>,
        tpu.vector_store %arg7[%swap3A_1633, %swap3A_1634], %add3A_1632 {strides = array<i32>} : memref<16x1024xf32, #tpu.memory_space<vmem>>, vector<16xf32>,
        %get3A_1636 = arith.index_cast %scan3A_122 : i32 to index
        %get3A_1637 = arith.constant 720 : index
        %get3A_1638 = tpu.vector_load %arg7[%get3A_1636, %get3A_1637] {strides = array<i32>} : memref<16x1024xf32, #tpu.memory_space<vmem>>, vector<16xf32>,
        %sub3A_1639 = arith.subf %get3A_1638, %broadcast_in_dim3A_969 : vector<16xf32>
        %mul3A_1640 = arith.mulf %sub3A_1639, %mul3A_1005 : vector<16xf32>
        %get3A_1641 = arith.constant 720 : index
        %get3A_1642 = tpu.vector_load %arg11[%get3A_1641] {strides = array<i32>} : memref<1024xf32, #tpu.memory_space<vmem>>, vector<16xf32>,
        %mul3A_1643 = arith.mulf %mul3A_1640, %get3A_1642 : vector<16xf32>
        %get3A_1644 = arith.constant 720 : index
        %get3A_1645 = tpu.vector_load %arg12[%get3A_1644] {strides = array<i32>} : memref<1024xf32, #tpu.memory_space<vmem>>, vector<16xf32>,
        %add3A_1646 = arith.addf %mul3A_1643, %get3A_1645 : vector<16xf32>
        %swap3A_1647 = arith.index_cast %scan3A_122 : i32 to index
        %swap3A_1648 = arith.constant 720 : index
        %swap3A_1649 = tpu.vector_load %arg7[%swap3A_1647, %swap3A_1648] {strides = array<i32>} : memref<16x1024xf32, #tpu.memory_space<vmem>>, vector<16xf32>,
        tpu.vector_store %arg7[%swap3A_1647, %swap3A_1648], %add3A_1646 {strides = array<i32>} : memref<16x1024xf32, #tpu.memory_space<vmem>>, vector<16xf32>,
        %get3A_1650 = arith.index_cast %scan3A_122 : i32 to index
        %get3A_1651 = arith.constant 736 : index
        %get3A_1652 = tpu.vector_load %arg7[%get3A_1650, %get3A_1651] {strides = array<i32>} : memref<16x1024xf32, #tpu.memory_space<vmem>>, vector<16xf32>,
        %sub3A_1653 = arith.subf %get3A_1652, %broadcast_in_dim3A_969 : vector<16xf32>
        %mul3A_1654 = arith.mulf %sub3A_1653, %mul3A_1005 : vector<16xf32>
        %get3A_1655 = arith.constant 736 : index
        %get3A_1656 = tpu.vector_load %arg11[%get3A_1655] {strides = array<i32>} : memref<1024xf32, #tpu.memory_space<vmem>>, vector<16xf32>,
        %mul3A_1657 = arith.mulf %mul3A_1654, %get3A_1656 : vector<16xf32>
        %get3A_1658 = arith.constant 736 : index
        %get3A_1659 = tpu.vector_load %arg12[%get3A_1658] {strides = array<i32>} : memref<1024xf32, #tpu.memory_space<vmem>>, vector<16xf32>,
        %add3A_1660 = arith.addf %mul3A_1657, %get3A_1659 : vector<16xf32>
        %swap3A_1661 = arith.index_cast %scan3A_122 : i32 to index
        %swap3A_1662 = arith.constant 736 : index
        %swap3A_1663 = tpu.vector_load %arg7[%swap3A_1661, %swap3A_1662] {strides = array<i32>} : memref<16x1024xf32, #tpu.memory_space<vmem>>, vector<16xf32>,
        tpu.vector_store %arg7[%swap3A_1661, %swap3A_1662], %add3A_1660 {strides = array<i32>} : memref<16x1024xf32, #tpu.memory_space<vmem>>, vector<16xf32>,
        %get3A_1664 = arith.index_cast %scan3A_122 : i32 to index
        %get3A_1665 = arith.constant 752 : index
        %get3A_1666 = tpu.vector_load %arg7[%get3A_1664, %get3A_1665] {strides = array<i32>} : memref<16x1024xf32, #tpu.memory_space<vmem>>, vector<16xf32>,
        %sub3A_1667 = arith.subf %get3A_1666, %broadcast_in_dim3A_969 : vector<16xf32>
        %mul3A_1668 = arith.mulf %sub3A_1667, %mul3A_1005 : vector<16xf32>
        %get3A_1669 = arith.constant 752 : index
        %get3A_1670 = tpu.vector_load %arg11[%get3A_1669] {strides = array<i32>} : memref<1024xf32, #tpu.memory_space<vmem>>, vector<16xf32>,
        %mul3A_1671 = arith.mulf %mul3A_1668, %get3A_1670 : vector<16xf32>
        %get3A_1672 = arith.constant 752 : index
        %get3A_1673 = tpu.vector_load %arg12[%get3A_1672] {strides = array<i32>} : memref<1024xf32, #tpu.memory_space<vmem>>, vector<16xf32>,
        %add3A_1674 = arith.addf %mul3A_1671, %get3A_1673 : vector<16xf32>
        %swap3A_1675 = arith.index_cast %scan3A_122 : i32 to index
        %swap3A_1676 = arith.constant 752 : index
        %swap3A_1677 = tpu.vector_load %arg7[%swap3A_1675, %swap3A_1676] {strides = array<i32>} : memref<16x1024xf32, #tpu.memory_space<vmem>>, vector<16xf32>,
        tpu.vector_store %arg7[%swap3A_1675, %swap3A_1676], %add3A_1674 {strides = array<i32>} : memref<16x1024xf32, #tpu.memory_space<vmem>>, vector<16xf32>,
        %get3A_1678 = arith.index_cast %scan3A_122 : i32 to index
        %get3A_1679 = arith.constant 768 : index
        %get3A_1680 = tpu.vector_load %arg7[%get3A_1678, %get3A_1679] {strides = array<i32>} : memref<16x1024xf32, #tpu.memory_space<vmem>>, vector<16xf32>,
        %sub3A_1681 = arith.subf %get3A_1680, %broadcast_in_dim3A_969 : vector<16xf32>
        %mul3A_1682 = arith.mulf %sub3A_1681, %mul3A_1005 : vector<16xf32>
        %get3A_1683 = arith.constant 768 : index
        %get3A_1684 = tpu.vector_load %arg11[%get3A_1683] {strides = array<i32>} : memref<1024xf32, #tpu.memory_space<vmem>>, vector<16xf32>,
        %mul3A_1685 = arith.mulf %mul3A_1682, %get3A_1684 : vector<16xf32>
        %get3A_1686 = arith.constant 768 : index
        %get3A_1687 = tpu.vector_load %arg12[%get3A_1686] {strides = array<i32>} : memref<1024xf32, #tpu.memory_space<vmem>>, vector<16xf32>,
        %add3A_1688 = arith.addf %mul3A_1685, %get3A_1687 : vector<16xf32>
        %swap3A_1689 = arith.index_cast %scan3A_122 : i32 to index
        %swap3A_1690 = arith.constant 768 : index
        %swap3A_1691 = tpu.vector_load %arg7[%swap3A_1689, %swap3A_1690] {strides = array<i32>} : memref<16x1024xf32, #tpu.memory_space<vmem>>, vector<16xf32>,
        tpu.vector_store %arg7[%swap3A_1689, %swap3A_1690], %add3A_1688 {strides = array<i32>} : memref<16x1024xf32, #tpu.memory_space<vmem>>, vector<16xf32>,
        %get3A_1692 = arith.index_cast %scan3A_122 : i32 to index
        %get3A_1693 = arith.constant 784 : index
        %get3A_1694 = tpu.vector_load %arg7[%get3A_1692, %get3A_1693] {strides = array<i32>} : memref<16x1024xf32, #tpu.memory_space<vmem>>, vector<16xf32>,
        %sub3A_1695 = arith.subf %get3A_1694, %broadcast_in_dim3A_969 : vector<16xf32>
        %mul3A_1696 = arith.mulf %sub3A_1695, %mul3A_1005 : vector<16xf32>
        %get3A_1697 = arith.constant 784 : index
        %get3A_1698 = tpu.vector_load %arg11[%get3A_1697] {strides = array<i32>} : memref<1024xf32, #tpu.memory_space<vmem>>, vector<16xf32>,
        %mul3A_1699 = arith.mulf %mul3A_1696, %get3A_1698 : vector<16xf32>
        %get3A_1700 = arith.constant 784 : index
        %get3A_1701 = tpu.vector_load %arg12[%get3A_1700] {strides = array<i32>} : memref<1024xf32, #tpu.memory_space<vmem>>, vector<16xf32>,
        %add3A_1702 = arith.addf %mul3A_1699, %get3A_1701 : vector<16xf32>
        %swap3A_1703 = arith.index_cast %scan3A_122 : i32 to index
        %swap3A_1704 = arith.constant 784 : index
        %swap3A_1705 = tpu.vector_load %arg7[%swap3A_1703, %swap3A_1704] {strides = array<i32>} : memref<16x1024xf32, #tpu.memory_space<vmem>>, vector<16xf32>,
        tpu.vector_store %arg7[%swap3A_1703, %swap3A_1704], %add3A_1702 {strides = array<i32>} : memref<16x1024xf32, #tpu.memory_space<vmem>>, vector<16xf32>,
        %get3A_1706 = arith.index_cast %scan3A_122 : i32 to index
        %get3A_1707 = arith.constant 800 : index
        %get3A_1708 = tpu.vector_load %arg7[%get3A_1706, %get3A_1707] {strides = array<i32>} : memref<16x1024xf32, #tpu.memory_space<vmem>>, vector<16xf32>,
        %sub3A_1709 = arith.subf %get3A_1708, %broadcast_in_dim3A_969 : vector<16xf32>
        %mul3A_1710 = arith.mulf %sub3A_1709, %mul3A_1005 : vector<16xf32>
        %get3A_1711 = arith.constant 800 : index
        %get3A_1712 = tpu.vector_load %arg11[%get3A_1711] {strides = array<i32>} : memref<1024xf32, #tpu.memory_space<vmem>>, vector<16xf32>,
        %mul3A_1713 = arith.mulf %mul3A_1710, %get3A_1712 : vector<16xf32>
        %get3A_1714 = arith.constant 800 : index
        %get3A_1715 = tpu.vector_load %arg12[%get3A_1714] {strides = array<i32>} : memref<1024xf32, #tpu.memory_space<vmem>>, vector<16xf32>,
        %add3A_1716 = arith.addf %mul3A_1713, %get3A_1715 : vector<16xf32>
        %swap3A_1717 = arith.index_cast %scan3A_122 : i32 to index
        %swap3A_1718 = arith.constant 800 : index
        %swap3A_1719 = tpu.vector_load %arg7[%swap3A_1717, %swap3A_1718] {strides = array<i32>} : memref<16x1024xf32, #tpu.memory_space<vmem>>, vector<16xf32>,
        tpu.vector_store %arg7[%swap3A_1717, %swap3A_1718], %add3A_1716 {strides = array<i32>} : memref<16x1024xf32, #tpu.memory_space<vmem>>, vector<16xf32>,
        %get3A_1720 = arith.index_cast %scan3A_122 : i32 to index
        %get3A_1721 = arith.constant 816 : index
        %get3A_1722 = tpu.vector_load %arg7[%get3A_1720, %get3A_1721] {strides = array<i32>} : memref<16x1024xf32, #tpu.memory_space<vmem>>, vector<16xf32>,
        %sub3A_1723 = arith.subf %get3A_1722, %broadcast_in_dim3A_969 : vector<16xf32>
        %mul3A_1724 = arith.mulf %sub3A_1723, %mul3A_1005 : vector<16xf32>
        %get3A_1725 = arith.constant 816 : index
        %get3A_1726 = tpu.vector_load %arg11[%get3A_1725] {strides = array<i32>} : memref<1024xf32, #tpu.memory_space<vmem>>, vector<16xf32>,
        %mul3A_1727 = arith.mulf %mul3A_1724, %get3A_1726 : vector<16xf32>
        %get3A_1728 = arith.constant 816 : index
        %get3A_1729 = tpu.vector_load %arg12[%get3A_1728] {strides = array<i32>} : memref<1024xf32, #tpu.memory_space<vmem>>, vector<16xf32>,
        %add3A_1730 = arith.addf %mul3A_1727, %get3A_1729 : vector<16xf32>
        %swap3A_1731 = arith.index_cast %scan3A_122 : i32 to index
        %swap3A_1732 = arith.constant 816 : index
        %swap3A_1733 = tpu.vector_load %arg7[%swap3A_1731, %swap3A_1732] {strides = array<i32>} : memref<16x1024xf32, #tpu.memory_space<vmem>>, vector<16xf32>,
        tpu.vector_store %arg7[%swap3A_1731, %swap3A_1732], %add3A_1730 {strides = array<i32>} : memref<16x1024xf32, #tpu.memory_space<vmem>>, vector<16xf32>,
        %get3A_1734 = arith.index_cast %scan3A_122 : i32 to index
        %get3A_1735 = arith.constant 832 : index
        %get3A_1736 = tpu.vector_load %arg7[%get3A_1734, %get3A_1735] {strides = array<i32>} : memref<16x1024xf32, #tpu.memory_space<vmem>>, vector<16xf32>,
        %sub3A_1737 = arith.subf %get3A_1736, %broadcast_in_dim3A_969 : vector<16xf32>
        %mul3A_1738 = arith.mulf %sub3A_1737, %mul3A_1005 : vector<16xf32>
        %get3A_1739 = arith.constant 832 : index
        %get3A_1740 = tpu.vector_load %arg11[%get3A_1739] {strides = array<i32>} : memref<1024xf32, #tpu.memory_space<vmem>>, vector<16xf32>,
        %mul3A_1741 = arith.mulf %mul3A_1738, %get3A_1740 : vector<16xf32>
        %get3A_1742 = arith.constant 832 : index
        %get3A_1743 = tpu.vector_load %arg12[%get3A_1742] {strides = array<i32>} : memref<1024xf32, #tpu.memory_space<vmem>>, vector<16xf32>,
        %add3A_1744 = arith.addf %mul3A_1741, %get3A_1743 : vector<16xf32>
        %swap3A_1745 = arith.index_cast %scan3A_122 : i32 to index
        %swap3A_1746 = arith.constant 832 : index
        %swap3A_1747 = tpu.vector_load %arg7[%swap3A_1745, %swap3A_1746] {strides = array<i32>} : memref<16x1024xf32, #tpu.memory_space<vmem>>, vector<16xf32>,
        tpu.vector_store %arg7[%swap3A_1745, %swap3A_1746], %add3A_1744 {strides = array<i32>} : memref<16x1024xf32, #tpu.memory_space<vmem>>, vector<16xf32>,
        %get3A_1748 = arith.index_cast %scan3A_122 : i32 to index
        %get3A_1749 = arith.constant 848 : index
        %get3A_1750 = tpu.vector_load %arg7[%get3A_1748, %get3A_1749] {strides = array<i32>} : memref<16x1024xf32, #tpu.memory_space<vmem>>, vector<16xf32>,
        %sub3A_1751 = arith.subf %get3A_1750, %broadcast_in_dim3A_969 : vector<16xf32>
        %mul3A_1752 = arith.mulf %sub3A_1751, %mul3A_1005 : vector<16xf32>
        %get3A_1753 = arith.constant 848 : index
        %get3A_1754 = tpu.vector_load %arg11[%get3A_1753] {strides = array<i32>} : memref<1024xf32, #tpu.memory_space<vmem>>, vector<16xf32>,
        %mul3A_1755 = arith.mulf %mul3A_1752, %get3A_1754 : vector<16xf32>
        %get3A_1756 = arith.constant 848 : index
        %get3A_1757 = tpu.vector_load %arg12[%get3A_1756] {strides = array<i32>} : memref<1024xf32, #tpu.memory_space<vmem>>, vector<16xf32>,
        %add3A_1758 = arith.addf %mul3A_1755, %get3A_1757 : vector<16xf32>
        %swap3A_1759 = arith.index_cast %scan3A_122 : i32 to index
        %swap3A_1760 = arith.constant 848 : index
        %swap3A_1761 = tpu.vector_load %arg7[%swap3A_1759, %swap3A_1760] {strides = array<i32>} : memref<16x1024xf32, #tpu.memory_space<vmem>>, vector<16xf32>,
        tpu.vector_store %arg7[%swap3A_1759, %swap3A_1760], %add3A_1758 {strides = array<i32>} : memref<16x1024xf32, #tpu.memory_space<vmem>>, vector<16xf32>,
        %get3A_1762 = arith.index_cast %scan3A_122 : i32 to index
        %get3A_1763 = arith.constant 864 : index
        %get3A_1764 = tpu.vector_load %arg7[%get3A_1762, %get3A_1763] {strides = array<i32>} : memref<16x1024xf32, #tpu.memory_space<vmem>>, vector<16xf32>,
        %sub3A_1765 = arith.subf %get3A_1764, %broadcast_in_dim3A_969 : vector<16xf32>
        %mul3A_1766 = arith.mulf %sub3A_1765, %mul3A_1005 : vector<16xf32>
        %get3A_1767 = arith.constant 864 : index
        %get3A_1768 = tpu.vector_load %arg11[%get3A_1767] {strides = array<i32>} : memref<1024xf32, #tpu.memory_space<vmem>>, vector<16xf32>,
        %mul3A_1769 = arith.mulf %mul3A_1766, %get3A_1768 : vector<16xf32>
        %get3A_1770 = arith.constant 864 : index
        %get3A_1771 = tpu.vector_load %arg12[%get3A_1770] {strides = array<i32>} : memref<1024xf32, #tpu.memory_space<vmem>>, vector<16xf32>,
        %add3A_1772 = arith.addf %mul3A_1769, %get3A_1771 : vector<16xf32>
        %swap3A_1773 = arith.index_cast %scan3A_122 : i32 to index
        %swap3A_1774 = arith.constant 864 : index
        %swap3A_1775 = tpu.vector_load %arg7[%swap3A_1773, %swap3A_1774] {strides = array<i32>} : memref<16x1024xf32, #tpu.memory_space<vmem>>, vector<16xf32>,
        tpu.vector_store %arg7[%swap3A_1773, %swap3A_1774], %add3A_1772 {strides = array<i32>} : memref<16x1024xf32, #tpu.memory_space<vmem>>, vector<16xf32>,
        %get3A_1776 = arith.index_cast %scan3A_122 : i32 to index
        %get3A_1777 = arith.constant 880 : index
        %get3A_1778 = tpu.vector_load %arg7[%get3A_1776, %get3A_1777] {strides = array<i32>} : memref<16x1024xf32, #tpu.memory_space<vmem>>, vector<16xf32>,
        %sub3A_1779 = arith.subf %get3A_1778, %broadcast_in_dim3A_969 : vector<16xf32>
        %mul3A_1780 = arith.mulf %sub3A_1779, %mul3A_1005 : vector<16xf32>
        %get3A_1781 = arith.constant 880 : index
        %get3A_1782 = tpu.vector_load %arg11[%get3A_1781] {strides = array<i32>} : memref<1024xf32, #tpu.memory_space<vmem>>, vector<16xf32>,
        %mul3A_1783 = arith.mulf %mul3A_1780, %get3A_1782 : vector<16xf32>
        %get3A_1784 = arith.constant 880 : index
        %get3A_1785 = tpu.vector_load %arg12[%get3A_1784] {strides = array<i32>} : memref<1024xf32, #tpu.memory_space<vmem>>, vector<16xf32>,
        %add3A_1786 = arith.addf %mul3A_1783, %get3A_1785 : vector<16xf32>
        %swap3A_1787 = arith.index_cast %scan3A_122 : i32 to index
        %swap3A_1788 = arith.constant 880 : index
        %swap3A_1789 = tpu.vector_load %arg7[%swap3A_1787, %swap3A_1788] {strides = array<i32>} : memref<16x1024xf32, #tpu.memory_space<vmem>>, vector<16xf32>,
        tpu.vector_store %arg7[%swap3A_1787, %swap3A_1788], %add3A_1786 {strides = array<i32>} : memref<16x1024xf32, #tpu.memory_space<vmem>>, vector<16xf32>,
        %get3A_1790 = arith.index_cast %scan3A_122 : i32 to index
        %get3A_1791 = arith.constant 896 : index
        %get3A_1792 = tpu.vector_load %arg7[%get3A_1790, %get3A_1791] {strides = array<i32>} : memref<16x1024xf32, #tpu.memory_space<vmem>>, vector<16xf32>,
        %sub3A_1793 = arith.subf %get3A_1792, %broadcast_in_dim3A_969 : vector<16xf32>
        %mul3A_1794 = arith.mulf %sub3A_1793, %mul3A_1005 : vector<16xf32>
        %get3A_1795 = arith.constant 896 : index
        %get3A_1796 = tpu.vector_load %arg11[%get3A_1795] {strides = array<i32>} : memref<1024xf32, #tpu.memory_space<vmem>>, vector<16xf32>,
        %mul3A_1797 = arith.mulf %mul3A_1794, %get3A_1796 : vector<16xf32>
        %get3A_1798 = arith.constant 896 : index
        %get3A_1799 = tpu.vector_load %arg12[%get3A_1798] {strides = array<i32>} : memref<1024xf32, #tpu.memory_space<vmem>>, vector<16xf32>,
        %add3A_1800 = arith.addf %mul3A_1797, %get3A_1799 : vector<16xf32>
        %swap3A_1801 = arith.index_cast %scan3A_122 : i32 to index
        %swap3A_1802 = arith.constant 896 : index
        %swap3A_1803 = tpu.vector_load %arg7[%swap3A_1801, %swap3A_1802] {strides = array<i32>} : memref<16x1024xf32, #tpu.memory_space<vmem>>, vector<16xf32>,
        tpu.vector_store %arg7[%swap3A_1801, %swap3A_1802], %add3A_1800 {strides = array<i32>} : memref<16x1024xf32, #tpu.memory_space<vmem>>, vector<16xf32>,
        %get3A_1804 = arith.index_cast %scan3A_122 : i32 to index
        %get3A_1805 = arith.constant 912 : index
        %get3A_1806 = tpu.vector_load %arg7[%get3A_1804, %get3A_1805] {strides = array<i32>} : memref<16x1024xf32, #tpu.memory_space<vmem>>, vector<16xf32>,
        %sub3A_1807 = arith.subf %get3A_1806, %broadcast_in_dim3A_969 : vector<16xf32>
        %mul3A_1808 = arith.mulf %sub3A_1807, %mul3A_1005 : vector<16xf32>
        %get3A_1809 = arith.constant 912 : index
        %get3A_1810 = tpu.vector_load %arg11[%get3A_1809] {strides = array<i32>} : memref<1024xf32, #tpu.memory_space<vmem>>, vector<16xf32>,
        %mul3A_1811 = arith.mulf %mul3A_1808, %get3A_1810 : vector<16xf32>
        %get3A_1812 = arith.constant 912 : index
        %get3A_1813 = tpu.vector_load %arg12[%get3A_1812] {strides = array<i32>} : memref<1024xf32, #tpu.memory_space<vmem>>, vector<16xf32>,
        %add3A_1814 = arith.addf %mul3A_1811, %get3A_1813 : vector<16xf32>
        %swap3A_1815 = arith.index_cast %scan3A_122 : i32 to index
        %swap3A_1816 = arith.constant 912 : index
        %swap3A_1817 = tpu.vector_load %arg7[%swap3A_1815, %swap3A_1816] {strides = array<i32>} : memref<16x1024xf32, #tpu.memory_space<vmem>>, vector<16xf32>,
        tpu.vector_store %arg7[%swap3A_1815, %swap3A_1816], %add3A_1814 {strides = array<i32>} : memref<16x1024xf32, #tpu.memory_space<vmem>>, vector<16xf32>,
        %get3A_1818 = arith.index_cast %scan3A_122 : i32 to index
        %get3A_1819 = arith.constant 928 : index
        %get3A_1820 = tpu.vector_load %arg7[%get3A_1818, %get3A_1819] {strides = array<i32>} : memref<16x1024xf32, #tpu.memory_space<vmem>>, vector<16xf32>,
        %sub3A_1821 = arith.subf %get3A_1820, %broadcast_in_dim3A_969 : vector<16xf32>
        %mul3A_1822 = arith.mulf %sub3A_1821, %mul3A_1005 : vector<16xf32>
        %get3A_1823 = arith.constant 928 : index
        %get3A_1824 = tpu.vector_load %arg11[%get3A_1823] {strides = array<i32>} : memref<1024xf32, #tpu.memory_space<vmem>>, vector<16xf32>,
        %mul3A_1825 = arith.mulf %mul3A_1822, %get3A_1824 : vector<16xf32>
        %get3A_1826 = arith.constant 928 : index
        %get3A_1827 = tpu.vector_load %arg12[%get3A_1826] {strides = array<i32>} : memref<1024xf32, #tpu.memory_space<vmem>>, vector<16xf32>,
        %add3A_1828 = arith.addf %mul3A_1825, %get3A_1827 : vector<16xf32>
        %swap3A_1829 = arith.index_cast %scan3A_122 : i32 to index
        %swap3A_1830 = arith.constant 928 : index
        %swap3A_1831 = tpu.vector_load %arg7[%swap3A_1829, %swap3A_1830] {strides = array<i32>} : memref<16x1024xf32, #tpu.memory_space<vmem>>, vector<16xf32>,
        tpu.vector_store %arg7[%swap3A_1829, %swap3A_1830], %add3A_1828 {strides = array<i32>} : memref<16x1024xf32, #tpu.memory_space<vmem>>, vector<16xf32>,
        %get3A_1832 = arith.index_cast %scan3A_122 : i32 to index
        %get3A_1833 = arith.constant 944 : index
        %get3A_1834 = tpu.vector_load %arg7[%get3A_1832, %get3A_1833] {strides = array<i32>} : memref<16x1024xf32, #tpu.memory_space<vmem>>, vector<16xf32>,
        %sub3A_1835 = arith.subf %get3A_1834, %broadcast_in_dim3A_969 : vector<16xf32>
        %mul3A_1836 = arith.mulf %sub3A_1835, %mul3A_1005 : vector<16xf32>
        %get3A_1837 = arith.constant 944 : index
        %get3A_1838 = tpu.vector_load %arg11[%get3A_1837] {strides = array<i32>} : memref<1024xf32, #tpu.memory_space<vmem>>, vector<16xf32>,
        %mul3A_1839 = arith.mulf %mul3A_1836, %get3A_1838 : vector<16xf32>
        %get3A_1840 = arith.constant 944 : index
        %get3A_1841 = tpu.vector_load %arg12[%get3A_1840] {strides = array<i32>} : memref<1024xf32, #tpu.memory_space<vmem>>, vector<16xf32>,
        %add3A_1842 = arith.addf %mul3A_1839, %get3A_1841 : vector<16xf32>
        %swap3A_1843 = arith.index_cast %scan3A_122 : i32 to index
        %swap3A_1844 = arith.constant 944 : index
        %swap3A_1845 = tpu.vector_load %arg7[%swap3A_1843, %swap3A_1844] {strides = array<i32>} : memref<16x1024xf32, #tpu.memory_space<vmem>>, vector<16xf32>,
        tpu.vector_store %arg7[%swap3A_1843, %swap3A_1844], %add3A_1842 {strides = array<i32>} : memref<16x1024xf32, #tpu.memory_space<vmem>>, vector<16xf32>,
        %get3A_1846 = arith.index_cast %scan3A_122 : i32 to index
        %get3A_1847 = arith.constant 960 : index
        %get3A_1848 = tpu.vector_load %arg7[%get3A_1846, %get3A_1847] {strides = array<i32>} : memref<16x1024xf32, #tpu.memory_space<vmem>>, vector<16xf32>,
        %sub3A_1849 = arith.subf %get3A_1848, %broadcast_in_dim3A_969 : vector<16xf32>
        %mul3A_1850 = arith.mulf %sub3A_1849, %mul3A_1005 : vector<16xf32>
        %get3A_1851 = arith.constant 960 : index
        %get3A_1852 = tpu.vector_load %arg11[%get3A_1851] {strides = array<i32>} : memref<1024xf32, #tpu.memory_space<vmem>>, vector<16xf32>,
        %mul3A_1853 = arith.mulf %mul3A_1850, %get3A_1852 : vector<16xf32>
        %get3A_1854 = arith.constant 960 : index
        %get3A_1855 = tpu.vector_load %arg12[%get3A_1854] {strides = array<i32>} : memref<1024xf32, #tpu.memory_space<vmem>>, vector<16xf32>,
        %add3A_1856 = arith.addf %mul3A_1853, %get3A_1855 : vector<16xf32>
        %swap3A_1857 = arith.index_cast %scan3A_122 : i32 to index
        %swap3A_1858 = arith.constant 960 : index
        %swap3A_1859 = tpu.vector_load %arg7[%swap3A_1857, %swap3A_1858] {strides = array<i32>} : memref<16x1024xf32, #tpu.memory_space<vmem>>, vector<16xf32>,
        tpu.vector_store %arg7[%swap3A_1857, %swap3A_1858], %add3A_1856 {strides = array<i32>} : memref<16x1024xf32, #tpu.memory_space<vmem>>, vector<16xf32>,
        %get3A_1860 = arith.index_cast %scan3A_122 : i32 to index
        %get3A_1861 = arith.constant 976 : index
        %get3A_1862 = tpu.vector_load %arg7[%get3A_1860, %get3A_1861] {strides = array<i32>} : memref<16x1024xf32, #tpu.memory_space<vmem>>, vector<16xf32>,
        %sub3A_1863 = arith.subf %get3A_1862, %broadcast_in_dim3A_969 : vector<16xf32>
        %mul3A_1864 = arith.mulf %sub3A_1863, %mul3A_1005 : vector<16xf32>
        %get3A_1865 = arith.constant 976 : index
        %get3A_1866 = tpu.vector_load %arg11[%get3A_1865] {strides = array<i32>} : memref<1024xf32, #tpu.memory_space<vmem>>, vector<16xf32>,
        %mul3A_1867 = arith.mulf %mul3A_1864, %get3A_1866 : vector<16xf32>
        %get3A_1868 = arith.constant 976 : index
        %get3A_1869 = tpu.vector_load %arg12[%get3A_1868] {strides = array<i32>} : memref<1024xf32, #tpu.memory_space<vmem>>, vector<16xf32>,
        %add3A_1870 = arith.addf %mul3A_1867, %get3A_1869 : vector<16xf32>
        %swap3A_1871 = arith.index_cast %scan3A_122 : i32 to index
        %swap3A_1872 = arith.constant 976 : index
        %swap3A_1873 = tpu.vector_load %arg7[%swap3A_1871, %swap3A_1872] {strides = array<i32>} : memref<16x1024xf32, #tpu.memory_space<vmem>>, vector<16xf32>,
        tpu.vector_store %arg7[%swap3A_1871, %swap3A_1872], %add3A_1870 {strides = array<i32>} : memref<16x1024xf32, #tpu.memory_space<vmem>>, vector<16xf32>,
        %get3A_1874 = arith.index_cast %scan3A_122 : i32 to index
        %get3A_1875 = arith.constant 992 : index
        %get3A_1876 = tpu.vector_load %arg7[%get3A_1874, %get3A_1875] {strides = array<i32>} : memref<16x1024xf32, #tpu.memory_space<vmem>>, vector<16xf32>,
        %sub3A_1877 = arith.subf %get3A_1876, %broadcast_in_dim3A_969 : vector<16xf32>
        %mul3A_1878 = arith.mulf %sub3A_1877, %mul3A_1005 : vector<16xf32>
        %get3A_1879 = arith.constant 992 : index
        %get3A_1880 = tpu.vector_load %arg11[%get3A_1879] {strides = array<i32>} : memref<1024xf32, #tpu.memory_space<vmem>>, vector<16xf32>,
        %mul3A_1881 = arith.mulf %mul3A_1878, %get3A_1880 : vector<16xf32>
        %get3A_1882 = arith.constant 992 : index
        %get3A_1883 = tpu.vector_load %arg12[%get3A_1882] {strides = array<i32>} : memref<1024xf32, #tpu.memory_space<vmem>>, vector<16xf32>,
        %add3A_1884 = arith.addf %mul3A_1881, %get3A_1883 : vector<16xf32>
        %swap3A_1885 = arith.index_cast %scan3A_122 : i32 to index
        %swap3A_1886 = arith.constant 992 : index
        %swap3A_1887 = tpu.vector_load %arg7[%swap3A_1885, %swap3A_1886] {strides = array<i32>} : memref<16x1024xf32, #tpu.memory_space<vmem>>, vector<16xf32>,
        tpu.vector_store %arg7[%swap3A_1885, %swap3A_1886], %add3A_1884 {strides = array<i32>} : memref<16x1024xf32, #tpu.memory_space<vmem>>, vector<16xf32>,
        %get3A_1888 = arith.index_cast %scan3A_122 : i32 to index
        %get3A_1889 = arith.constant 1008 : index
        %get3A_1890 = tpu.vector_load %arg7[%get3A_1888, %get3A_1889] {strides = array<i32>} : memref<16x1024xf32, #tpu.memory_space<vmem>>, vector<16xf32>,
        %sub3A_1891 = arith.subf %get3A_1890, %broadcast_in_dim3A_969 : vector<16xf32>
        %mul3A_1892 = arith.mulf %sub3A_1891, %mul3A_1005 : vector<16xf32>
        %get3A_1893 = arith.constant 1008 : index
        %get3A_1894 = tpu.vector_load %arg11[%get3A_1893] {strides = array<i32>} : memref<1024xf32, #tpu.memory_space<vmem>>, vector<16xf32>,
        %mul3A_1895 = arith.mulf %mul3A_1892, %get3A_1894 : vector<16xf32>
        %get3A_1896 = arith.constant 1008 : index
        %get3A_1897 = tpu.vector_load %arg12[%get3A_1896] {strides = array<i32>} : memref<1024xf32, #tpu.memory_space<vmem>>, vector<16xf32>,
        %add3A_1898 = arith.addf %mul3A_1895, %get3A_1897 : vector<16xf32>
        %swap3A_1899 = arith.index_cast %scan3A_122 : i32 to index
        %swap3A_1900 = arith.constant 1008 : index
        %swap3A_1901 = tpu.vector_load %arg7[%swap3A_1899, %swap3A_1900] {strides = array<i32>} : memref<16x1024xf32, #tpu.memory_space<vmem>>, vector<16xf32>,
        tpu.vector_store %arg7[%swap3A_1899, %swap3A_1900], %add3A_1898 {strides = array<i32>} : memref<16x1024xf32, #tpu.memory_space<vmem>>, vector<16xf32>,
        %scan3A_1902 = arith.constant 0 : i32
        scf.yield %scan3A_1902 : i32
      }
      %scan3A_70 = arith.constant 16 : i32
      %mul3A_71 = arith.constant 16 : i32
      %mul3A_72 = arith.muli %add3A_51, %mul3A_71 : i32
      %add3A_73 = arith.addi %mul3A_2, %mul3A_72 : i32
      %dma_start3A_74 = arith.constant 0 : i32
      %dma_start3A_75 = tpu.memref_slice %arg6[%add3A_73, %dma_start3A_74] : memref<32768x1024xf32, #tpu.memory_space<hbm>> -> memref<16x1024xf32, #tpu.memory_space<hbm>>
      %dma_start3A_76 = arith.constant 0 : i32
      %dma_start3A_77 = tpu.memref_slice %arg6[%add3A_73, %dma_start3A_76] : memref<32768x1024xf32, #tpu.memory_space<hbm>> -> memref<16x1024xf32, #tpu.memory_space<hbm>>
      tpu.enqueue_dma source(%arg7 : memref<16x1024xf32, #tpu.memory_space<vmem>>) target(%dma_start3A_77 : memref<16x1024xf32, #tpu.memory_space<hbm>>) target_semaphore(%arg15 : memref<!tpu.dma_semaphore, #tpu.memory_space<semaphore_mem>>)
      %add3A_78 = arith.constant 0 : i32
      %add3A_79 = arith.addi %mul3A_49, %add3A_78 : i32
      %add3A_80 = arith.constant 2 : i32
      %add3A_81 = arith.addi %add3A_79, %add3A_80 : i32
      %lt3A = arith.constant 64 : i32
      %lt3A_82 = arith.cmpi slt, %add3A_81, %lt3A : i32
      %convert_element_type3A = arith.extui %lt3A_82 : i1 to i32
      %cond3A = arith.constant 0 : i32
      %cond3A_83 = arith.cmpi ne, %convert_element_type3A, %cond3A : i32
      scf.if %cond3A_83 {
        %dma_wait3A_122 = arith.constant 0 : i32
        %dma_wait3A_123 = arith.constant 0 : i32
        %dma_wait3A_124 = tpu.memref_slice %arg6[%dma_wait3A_122, %dma_wait3A_123] : memref<32768x1024xf32, #tpu.memory_space<hbm>> -> memref<16x1024xf32, #tpu.memory_space<hbm>>
        %dma_wait3A_125 = arith.constant 0 : i32
        %dma_wait3A_126 = arith.constant 0 : i32
        %dma_wait3A_127 = tpu.memref_slice %arg6[%dma_wait3A_125, %dma_wait3A_126] : memref<32768x1024xf32, #tpu.memory_space<hbm>> -> memref<16x1024xf32, #tpu.memory_space<hbm>>
        tpu.wait_dma2 semaphore(%arg15 : memref<!tpu.dma_semaphore, #tpu.memory_space<semaphore_mem>>) src(%arg7 : memref<16x1024xf32, #tpu.memory_space<vmem>>) dst(%dma_wait3A_127 : memref<16x1024xf32, #tpu.memory_space<hbm>>)
        %add3A_128 = arith.constant 0 : i32
        %add3A_129 = arith.addi %mul3A_49, %add3A_128 : i32
        %add3A_130 = arith.constant 2 : i32
        %add3A_131 = arith.addi %add3A_129, %add3A_130 : i32
        %mul3A_132 = arith.constant 16 : i32
        %mul3A_133 = arith.muli %add3A_131, %mul3A_132 : i32
        %add3A_134 = arith.addi %add3A_4, %mul3A_133 : i32
        %mul3A_135 = arith.constant 16 : i32
        %mul3A_136 = arith.muli %add3A_131, %mul3A_135 : i32
        %add3A_137 = arith.addi %rem3A_5, %mul3A_136 : i32
        %dma_start3A_138 = arith.constant 0 : i32
        %dma_start3A_139 = tpu.memref_slice %arg2[%add3A_134, %dma_start3A_138] : memref<32768x1024xf32, #tpu.memory_space<hbm>> -> memref<16x1024xf32, #tpu.memory_space<hbm>>
        %dma_start3A_140 = arith.constant 0 : i32
        %dma_start3A_141 = tpu.memref_slice %arg2[%add3A_134, %dma_start3A_140] : memref<32768x1024xf32, #tpu.memory_space<hbm>> -> memref<16x1024xf32, #tpu.memory_space<hbm>>
        tpu.enqueue_dma source(%dma_start3A_141 : memref<16x1024xf32, #tpu.memory_space<hbm>>) target(%arg7 : memref<16x1024xf32, #tpu.memory_space<vmem>>) target_semaphore(%arg13 : memref<!tpu.dma_semaphore, #tpu.memory_space<semaphore_mem>>)
        %dma_start3A_142 = arith.constant 0 : i32
        %dma_start3A_143 = tpu.memref_slice %arg3[%add3A_137, %dma_start3A_142] : memref<8192x1024xf32, #tpu.memory_space<hbm>> -> memref<16x1024xf32, #tpu.memory_space<hbm>>
        %dma_start3A_144 = arith.constant 0 : i32
        %dma_start3A_145 = tpu.memref_slice %arg3[%add3A_137, %dma_start3A_144] : memref<8192x1024xf32, #tpu.memory_space<hbm>> -> memref<16x1024xf32, #tpu.memory_space<hbm>>
        tpu.enqueue_dma source(%dma_start3A_145 : memref<16x1024xf32, #tpu.memory_space<hbm>>) target(%arg8 : memref<16x1024xf32, #tpu.memory_space<vmem>>) target_semaphore(%arg13 : memref<!tpu.dma_semaphore, #tpu.memory_space<semaphore_mem>>)
      } else {
      }
      %add3A_84 = arith.constant 1 : i32
      %add3A_85 = arith.addi %mul3A_49, %add3A_84 : i32
      %dma_wait3A_86 = arith.constant 0 : i32
      %dma_wait3A_87 = arith.constant 0 : i32
      %dma_wait3A_88 = tpu.memref_slice %arg2[%dma_wait3A_86, %dma_wait3A_87] : memref<32768x1024xf32, #tpu.memory_space<hbm>> -> memref<16x1024xf32, #tpu.memory_space<hbm>>
      %dma_wait3A_89 = arith.constant 0 : i32
      %dma_wait3A_90 = arith.constant 0 : i32
      %dma_wait3A_91 = tpu.memref_slice %arg2[%dma_wait3A_89, %dma_wait3A_90] : memref<32768x1024xf32, #tpu.memory_space<hbm>> -> memref<16x1024xf32, #tpu.memory_space<hbm>>
      tpu.wait_dma2 semaphore(%arg14 : memref<!tpu.dma_semaphore, #tpu.memory_space<semaphore_mem>>) src(%dma_wait3A_91 : memref<16x1024xf32, #tpu.memory_space<hbm>>) dst(%arg9 : memref<16x1024xf32, #tpu.memory_space<vmem>>)
      %dma_wait3A_92 = arith.constant 0 : i32
      %dma_wait3A_93 = arith.constant 0 : i32
      %dma_wait3A_94 = tpu.memref_slice %arg3[%dma_wait3A_92, %dma_wait3A_93] : memref<8192x1024xf32, #tpu.memory_space<hbm>> -> memref<16x1024xf32, #tpu.memory_space<hbm>>
      %dma_wait3A_95 = arith.constant 0 : i32
      %dma_wait3A_96 = arith.constant 0 : i32
      %dma_wait3A_97 = tpu.memref_slice %arg3[%dma_wait3A_95, %dma_wait3A_96] : memref<8192x1024xf32, #tpu.memory_space<hbm>> -> memref<16x1024xf32, #tpu.memory_space<hbm>>
      tpu.wait_dma2 semaphore(%arg14 : memref<!tpu.dma_semaphore, #tpu.memory_space<semaphore_mem>>) src(%dma_wait3A_97 : memref<16x1024xf32, #tpu.memory_space<hbm>>) dst(%arg10 : memref<16x1024xf32, #tpu.memory_space<vmem>>)
      %scan3A_98 = arith.constant 0 : i32
      %scan3A_99 = arith.constant 0 : i32
      %scan3A_100 = arith.constant 16 : i32
      %scan3A_101 = arith.addi %scan3A_99, %scan3A_100 : i32
      %scan3A_102 = arith.constant 1 : i32
      %scan3A_103 = scf.for %scan3A_122 = %scan3A_99 to %scan3A_101 step %scan3A_102 iter_args(%scan3A_123 = %scan3A_98) -> (i32)  : i32 {
        %broadcast_in_dim3A = arith.constant 0.000000e+00 : f32
        %broadcast_in_dim3A_124 = vector.broadcast %broadcast_in_dim3A : f32 to vector<16xf32>
        %broadcast_in_dim3A_125 = arith.constant 0.000000e+00 : f32
        %broadcast_in_dim3A_126 = vector.broadcast %broadcast_in_dim3A_125 : f32 to vector<16xf32>
        %get3A = arith.index_cast %scan3A_122 : i32 to index
        %get3A_127 = arith.constant 0 : index
        %get3A_128 = tpu.vector_load %arg9[%get3A, %get3A_127] {strides = array<i32>} : memref<16x1024xf32, #tpu.memory_space<vmem>>, vector<16xf32>,
        %get3A_129 = arith.index_cast %scan3A_122 : i32 to index
        %get3A_130 = arith.constant 0 : index
        %get3A_131 = tpu.vector_load %arg10[%get3A_129, %get3A_130] {strides = array<i32>} : memref<16x1024xf32, #tpu.memory_space<vmem>>, vector<16xf32>,
        %add3A_132 = arith.addf %get3A_128, %get3A_131 : vector<16xf32>
        %swap3A = arith.index_cast %scan3A_122 : i32 to index
        %swap3A_133 = arith.constant 0 : index
        %swap3A_134 = tpu.vector_load %arg9[%swap3A, %swap3A_133] {strides = array<i32>} : memref<16x1024xf32, #tpu.memory_space<vmem>>, vector<16xf32>,
        tpu.vector_store %arg9[%swap3A, %swap3A_133], %add3A_132 {strides = array<i32>} : memref<16x1024xf32, #tpu.memory_space<vmem>>, vector<16xf32>,
        %add3A_135 = arith.addf %broadcast_in_dim3A_124, %add3A_132 : vector<16xf32>
        %mul3A_136 = arith.mulf %add3A_132, %add3A_132 : vector<16xf32>
        %add3A_137 = arith.addf %broadcast_in_dim3A_126, %mul3A_136 : vector<16xf32>
        %get3A_138 = arith.index_cast %scan3A_122 : i32 to index
        %get3A_139 = arith.constant 16 : index
        %get3A_140 = tpu.vector_load %arg9[%get3A_138, %get3A_139] {strides = array<i32>} : memref<16x1024xf32, #tpu.memory_space<vmem>>, vector<16xf32>,
        %get3A_141 = arith.index_cast %scan3A_122 : i32 to index
        %get3A_142 = arith.constant 16 : index
        %get3A_143 = tpu.vector_load %arg10[%get3A_141, %get3A_142] {strides = array<i32>} : memref<16x1024xf32, #tpu.memory_space<vmem>>, vector<16xf32>,
        %add3A_144 = arith.addf %get3A_140, %get3A_143 : vector<16xf32>
        %swap3A_145 = arith.index_cast %scan3A_122 : i32 to index
        %swap3A_146 = arith.constant 16 : index
        %swap3A_147 = tpu.vector_load %arg9[%swap3A_145, %swap3A_146] {strides = array<i32>} : memref<16x1024xf32, #tpu.memory_space<vmem>>, vector<16xf32>,
        tpu.vector_store %arg9[%swap3A_145, %swap3A_146], %add3A_144 {strides = array<i32>} : memref<16x1024xf32, #tpu.memory_space<vmem>>, vector<16xf32>,
        %add3A_148 = arith.addf %add3A_135, %add3A_144 : vector<16xf32>
        %mul3A_149 = arith.mulf %add3A_144, %add3A_144 : vector<16xf32>
        %add3A_150 = arith.addf %add3A_137, %mul3A_149 : vector<16xf32>
        %get3A_151 = arith.index_cast %scan3A_122 : i32 to index
        %get3A_152 = arith.constant 32 : index
        %get3A_153 = tpu.vector_load %arg9[%get3A_151, %get3A_152] {strides = array<i32>} : memref<16x1024xf32, #tpu.memory_space<vmem>>, vector<16xf32>,
        %get3A_154 = arith.index_cast %scan3A_122 : i32 to index
        %get3A_155 = arith.constant 32 : index
        %get3A_156 = tpu.vector_load %arg10[%get3A_154, %get3A_155] {strides = array<i32>} : memref<16x1024xf32, #tpu.memory_space<vmem>>, vector<16xf32>,
        %add3A_157 = arith.addf %get3A_153, %get3A_156 : vector<16xf32>
        %swap3A_158 = arith.index_cast %scan3A_122 : i32 to index
        %swap3A_159 = arith.constant 32 : index
        %swap3A_160 = tpu.vector_load %arg9[%swap3A_158, %swap3A_159] {strides = array<i32>} : memref<16x1024xf32, #tpu.memory_space<vmem>>, vector<16xf32>,
        tpu.vector_store %arg9[%swap3A_158, %swap3A_159], %add3A_157 {strides = array<i32>} : memref<16x1024xf32, #tpu.memory_space<vmem>>, vector<16xf32>,
        %add3A_161 = arith.addf %add3A_148, %add3A_157 : vector<16xf32>
        %mul3A_162 = arith.mulf %add3A_157, %add3A_157 : vector<16xf32>
        %add3A_163 = arith.addf %add3A_150, %mul3A_162 : vector<16xf32>
        %get3A_164 = arith.index_cast %scan3A_122 : i32 to index
        %get3A_165 = arith.constant 48 : index
        %get3A_166 = tpu.vector_load %arg9[%get3A_164, %get3A_165] {strides = array<i32>} : memref<16x1024xf32, #tpu.memory_space<vmem>>, vector<16xf32>,
        %get3A_167 = arith.index_cast %scan3A_122 : i32 to index
        %get3A_168 = arith.constant 48 : index
        %get3A_169 = tpu.vector_load %arg10[%get3A_167, %get3A_168] {strides = array<i32>} : memref<16x1024xf32, #tpu.memory_space<vmem>>, vector<16xf32>,
        %add3A_170 = arith.addf %get3A_166, %get3A_169 : vector<16xf32>
        %swap3A_171 = arith.index_cast %scan3A_122 : i32 to index
        %swap3A_172 = arith.constant 48 : index
        %swap3A_173 = tpu.vector_load %arg9[%swap3A_171, %swap3A_172] {strides = array<i32>} : memref<16x1024xf32, #tpu.memory_space<vmem>>, vector<16xf32>,
        tpu.vector_store %arg9[%swap3A_171, %swap3A_172], %add3A_170 {strides = array<i32>} : memref<16x1024xf32, #tpu.memory_space<vmem>>, vector<16xf32>,
        %add3A_174 = arith.addf %add3A_161, %add3A_170 : vector<16xf32>
        %mul3A_175 = arith.mulf %add3A_170, %add3A_170 : vector<16xf32>
        %add3A_176 = arith.addf %add3A_163, %mul3A_175 : vector<16xf32>
        %get3A_177 = arith.index_cast %scan3A_122 : i32 to index
        %get3A_178 = arith.constant 64 : index
        %get3A_179 = tpu.vector_load %arg9[%get3A_177, %get3A_178] {strides = array<i32>} : memref<16x1024xf32, #tpu.memory_space<vmem>>, vector<16xf32>,
        %get3A_180 = arith.index_cast %scan3A_122 : i32 to index
        %get3A_181 = arith.constant 64 : index
        %get3A_182 = tpu.vector_load %arg10[%get3A_180, %get3A_181] {strides = array<i32>} : memref<16x1024xf32, #tpu.memory_space<vmem>>, vector<16xf32>,
        %add3A_183 = arith.addf %get3A_179, %get3A_182 : vector<16xf32>
        %swap3A_184 = arith.index_cast %scan3A_122 : i32 to index
        %swap3A_185 = arith.constant 64 : index
        %swap3A_186 = tpu.vector_load %arg9[%swap3A_184, %swap3A_185] {strides = array<i32>} : memref<16x1024xf32, #tpu.memory_space<vmem>>, vector<16xf32>,
        tpu.vector_store %arg9[%swap3A_184, %swap3A_185], %add3A_183 {strides = array<i32>} : memref<16x1024xf32, #tpu.memory_space<vmem>>, vector<16xf32>,
        %add3A_187 = arith.addf %add3A_174, %add3A_183 : vector<16xf32>
        %mul3A_188 = arith.mulf %add3A_183, %add3A_183 : vector<16xf32>
        %add3A_189 = arith.addf %add3A_176, %mul3A_188 : vector<16xf32>
        %get3A_190 = arith.index_cast %scan3A_122 : i32 to index
        %get3A_191 = arith.constant 80 : index
        %get3A_192 = tpu.vector_load %arg9[%get3A_190, %get3A_191] {strides = array<i32>} : memref<16x1024xf32, #tpu.memory_space<vmem>>, vector<16xf32>,
        %get3A_193 = arith.index_cast %scan3A_122 : i32 to index
        %get3A_194 = arith.constant 80 : index
        %get3A_195 = tpu.vector_load %arg10[%get3A_193, %get3A_194] {strides = array<i32>} : memref<16x1024xf32, #tpu.memory_space<vmem>>, vector<16xf32>,
        %add3A_196 = arith.addf %get3A_192, %get3A_195 : vector<16xf32>
        %swap3A_197 = arith.index_cast %scan3A_122 : i32 to index
        %swap3A_198 = arith.constant 80 : index
        %swap3A_199 = tpu.vector_load %arg9[%swap3A_197, %swap3A_198] {strides = array<i32>} : memref<16x1024xf32, #tpu.memory_space<vmem>>, vector<16xf32>,
        tpu.vector_store %arg9[%swap3A_197, %swap3A_198], %add3A_196 {strides = array<i32>} : memref<16x1024xf32, #tpu.memory_space<vmem>>, vector<16xf32>,
        %add3A_200 = arith.addf %add3A_187, %add3A_196 : vector<16xf32>
        %mul3A_201 = arith.mulf %add3A_196, %add3A_196 : vector<16xf32>
        %add3A_202 = arith.addf %add3A_189, %mul3A_201 : vector<16xf32>
        %get3A_203 = arith.index_cast %scan3A_122 : i32 to index
        %get3A_204 = arith.constant 96 : index
        %get3A_205 = tpu.vector_load %arg9[%get3A_203, %get3A_204] {strides = array<i32>} : memref<16x1024xf32, #tpu.memory_space<vmem>>, vector<16xf32>,
        %get3A_206 = arith.index_cast %scan3A_122 : i32 to index
        %get3A_207 = arith.constant 96 : index
        %get3A_208 = tpu.vector_load %arg10[%get3A_206, %get3A_207] {strides = array<i32>} : memref<16x1024xf32, #tpu.memory_space<vmem>>, vector<16xf32>,
        %add3A_209 = arith.addf %get3A_205, %get3A_208 : vector<16xf32>
        %swap3A_210 = arith.index_cast %scan3A_122 : i32 to index
        %swap3A_211 = arith.constant 96 : index
        %swap3A_212 = tpu.vector_load %arg9[%swap3A_210, %swap3A_211] {strides = array<i32>} : memref<16x1024xf32, #tpu.memory_space<vmem>>, vector<16xf32>,
        tpu.vector_store %arg9[%swap3A_210, %swap3A_211], %add3A_209 {strides = array<i32>} : memref<16x1024xf32, #tpu.memory_space<vmem>>, vector<16xf32>,
        %add3A_213 = arith.addf %add3A_200, %add3A_209 : vector<16xf32>
        %mul3A_214 = arith.mulf %add3A_209, %add3A_209 : vector<16xf32>
        %add3A_215 = arith.addf %add3A_202, %mul3A_214 : vector<16xf32>
        %get3A_216 = arith.index_cast %scan3A_122 : i32 to index
        %get3A_217 = arith.constant 112 : index
        %get3A_218 = tpu.vector_load %arg9[%get3A_216, %get3A_217] {strides = array<i32>} : memref<16x1024xf32, #tpu.memory_space<vmem>>, vector<16xf32>,
        %get3A_219 = arith.index_cast %scan3A_122 : i32 to index
        %get3A_220 = arith.constant 112 : index
        %get3A_221 = tpu.vector_load %arg10[%get3A_219, %get3A_220] {strides = array<i32>} : memref<16x1024xf32, #tpu.memory_space<vmem>>, vector<16xf32>,
        %add3A_222 = arith.addf %get3A_218, %get3A_221 : vector<16xf32>
        %swap3A_223 = arith.index_cast %scan3A_122 : i32 to index
        %swap3A_224 = arith.constant 112 : index
        %swap3A_225 = tpu.vector_load %arg9[%swap3A_223, %swap3A_224] {strides = array<i32>} : memref<16x1024xf32, #tpu.memory_space<vmem>>, vector<16xf32>,
        tpu.vector_store %arg9[%swap3A_223, %swap3A_224], %add3A_222 {strides = array<i32>} : memref<16x1024xf32, #tpu.memory_space<vmem>>, vector<16xf32>,
        %add3A_226 = arith.addf %add3A_213, %add3A_222 : vector<16xf32>
        %mul3A_227 = arith.mulf %add3A_222, %add3A_222 : vector<16xf32>
        %add3A_228 = arith.addf %add3A_215, %mul3A_227 : vector<16xf32>
        %get3A_229 = arith.index_cast %scan3A_122 : i32 to index
        %get3A_230 = arith.constant 128 : index
        %get3A_231 = tpu.vector_load %arg9[%get3A_229, %get3A_230] {strides = array<i32>} : memref<16x1024xf32, #tpu.memory_space<vmem>>, vector<16xf32>,
        %get3A_232 = arith.index_cast %scan3A_122 : i32 to index
        %get3A_233 = arith.constant 128 : index
        %get3A_234 = tpu.vector_load %arg10[%get3A_232, %get3A_233] {strides = array<i32>} : memref<16x1024xf32, #tpu.memory_space<vmem>>, vector<16xf32>,
        %add3A_235 = arith.addf %get3A_231, %get3A_234 : vector<16xf32>
        %swap3A_236 = arith.index_cast %scan3A_122 : i32 to index
        %swap3A_237 = arith.constant 128 : index
        %swap3A_238 = tpu.vector_load %arg9[%swap3A_236, %swap3A_237] {strides = array<i32>} : memref<16x1024xf32, #tpu.memory_space<vmem>>, vector<16xf32>,
        tpu.vector_store %arg9[%swap3A_236, %swap3A_237], %add3A_235 {strides = array<i32>} : memref<16x1024xf32, #tpu.memory_space<vmem>>, vector<16xf32>,
        %add3A_239 = arith.addf %add3A_226, %add3A_235 : vector<16xf32>
        %mul3A_240 = arith.mulf %add3A_235, %add3A_235 : vector<16xf32>
        %add3A_241 = arith.addf %add3A_228, %mul3A_240 : vector<16xf32>
        %get3A_242 = arith.index_cast %scan3A_122 : i32 to index
        %get3A_243 = arith.constant 144 : index
        %get3A_244 = tpu.vector_load %arg9[%get3A_242, %get3A_243] {strides = array<i32>} : memref<16x1024xf32, #tpu.memory_space<vmem>>, vector<16xf32>,
        %get3A_245 = arith.index_cast %scan3A_122 : i32 to index
        %get3A_246 = arith.constant 144 : index
        %get3A_247 = tpu.vector_load %arg10[%get3A_245, %get3A_246] {strides = array<i32>} : memref<16x1024xf32, #tpu.memory_space<vmem>>, vector<16xf32>,
        %add3A_248 = arith.addf %get3A_244, %get3A_247 : vector<16xf32>
        %swap3A_249 = arith.index_cast %scan3A_122 : i32 to index
        %swap3A_250 = arith.constant 144 : index
        %swap3A_251 = tpu.vector_load %arg9[%swap3A_249, %swap3A_250] {strides = array<i32>} : memref<16x1024xf32, #tpu.memory_space<vmem>>, vector<16xf32>,
        tpu.vector_store %arg9[%swap3A_249, %swap3A_250], %add3A_248 {strides = array<i32>} : memref<16x1024xf32, #tpu.memory_space<vmem>>, vector<16xf32>,
        %add3A_252 = arith.addf %add3A_239, %add3A_248 : vector<16xf32>
        %mul3A_253 = arith.mulf %add3A_248, %add3A_248 : vector<16xf32>
        %add3A_254 = arith.addf %add3A_241, %mul3A_253 : vector<16xf32>
        %get3A_255 = arith.index_cast %scan3A_122 : i32 to index
        %get3A_256 = arith.constant 160 : index
        %get3A_257 = tpu.vector_load %arg9[%get3A_255, %get3A_256] {strides = array<i32>} : memref<16x1024xf32, #tpu.memory_space<vmem>>, vector<16xf32>,
        %get3A_258 = arith.index_cast %scan3A_122 : i32 to index
        %get3A_259 = arith.constant 160 : index
        %get3A_260 = tpu.vector_load %arg10[%get3A_258, %get3A_259] {strides = array<i32>} : memref<16x1024xf32, #tpu.memory_space<vmem>>, vector<16xf32>,
        %add3A_261 = arith.addf %get3A_257, %get3A_260 : vector<16xf32>
        %swap3A_262 = arith.index_cast %scan3A_122 : i32 to index
        %swap3A_263 = arith.constant 160 : index
        %swap3A_264 = tpu.vector_load %arg9[%swap3A_262, %swap3A_263] {strides = array<i32>} : memref<16x1024xf32, #tpu.memory_space<vmem>>, vector<16xf32>,
        tpu.vector_store %arg9[%swap3A_262, %swap3A_263], %add3A_261 {strides = array<i32>} : memref<16x1024xf32, #tpu.memory_space<vmem>>, vector<16xf32>,
        %add3A_265 = arith.addf %add3A_252, %add3A_261 : vector<16xf32>
        %mul3A_266 = arith.mulf %add3A_261, %add3A_261 : vector<16xf32>
        %add3A_267 = arith.addf %add3A_254, %mul3A_266 : vector<16xf32>
        %get3A_268 = arith.index_cast %scan3A_122 : i32 to index
        %get3A_269 = arith.constant 176 : index
        %get3A_270 = tpu.vector_load %arg9[%get3A_268, %get3A_269] {strides = array<i32>} : memref<16x1024xf32, #tpu.memory_space<vmem>>, vector<16xf32>,
        %get3A_271 = arith.index_cast %scan3A_122 : i32 to index
        %get3A_272 = arith.constant 176 : index
        %get3A_273 = tpu.vector_load %arg10[%get3A_271, %get3A_272] {strides = array<i32>} : memref<16x1024xf32, #tpu.memory_space<vmem>>, vector<16xf32>,
        %add3A_274 = arith.addf %get3A_270, %get3A_273 : vector<16xf32>
        %swap3A_275 = arith.index_cast %scan3A_122 : i32 to index
        %swap3A_276 = arith.constant 176 : index
        %swap3A_277 = tpu.vector_load %arg9[%swap3A_275, %swap3A_276] {strides = array<i32>} : memref<16x1024xf32, #tpu.memory_space<vmem>>, vector<16xf32>,
        tpu.vector_store %arg9[%swap3A_275, %swap3A_276], %add3A_274 {strides = array<i32>} : memref<16x1024xf32, #tpu.memory_space<vmem>>, vector<16xf32>,
        %add3A_278 = arith.addf %add3A_265, %add3A_274 : vector<16xf32>
        %mul3A_279 = arith.mulf %add3A_274, %add3A_274 : vector<16xf32>
        %add3A_280 = arith.addf %add3A_267, %mul3A_279 : vector<16xf32>
        %get3A_281 = arith.index_cast %scan3A_122 : i32 to index
        %get3A_282 = arith.constant 192 : index
        %get3A_283 = tpu.vector_load %arg9[%get3A_281, %get3A_282] {strides = array<i32>} : memref<16x1024xf32, #tpu.memory_space<vmem>>, vector<16xf32>,
        %get3A_284 = arith.index_cast %scan3A_122 : i32 to index
        %get3A_285 = arith.constant 192 : index
        %get3A_286 = tpu.vector_load %arg10[%get3A_284, %get3A_285] {strides = array<i32>} : memref<16x1024xf32, #tpu.memory_space<vmem>>, vector<16xf32>,
        %add3A_287 = arith.addf %get3A_283, %get3A_286 : vector<16xf32>
        %swap3A_288 = arith.index_cast %scan3A_122 : i32 to index
        %swap3A_289 = arith.constant 192 : index
        %swap3A_290 = tpu.vector_load %arg9[%swap3A_288, %swap3A_289] {strides = array<i32>} : memref<16x1024xf32, #tpu.memory_space<vmem>>, vector<16xf32>,
        tpu.vector_store %arg9[%swap3A_288, %swap3A_289], %add3A_287 {strides = array<i32>} : memref<16x1024xf32, #tpu.memory_space<vmem>>, vector<16xf32>,
        %add3A_291 = arith.addf %add3A_278, %add3A_287 : vector<16xf32>
        %mul3A_292 = arith.mulf %add3A_287, %add3A_287 : vector<16xf32>
        %add3A_293 = arith.addf %add3A_280, %mul3A_292 : vector<16xf32>
        %get3A_294 = arith.index_cast %scan3A_122 : i32 to index
        %get3A_295 = arith.constant 208 : index
        %get3A_296 = tpu.vector_load %arg9[%get3A_294, %get3A_295] {strides = array<i32>} : memref<16x1024xf32, #tpu.memory_space<vmem>>, vector<16xf32>,
        %get3A_297 = arith.index_cast %scan3A_122 : i32 to index
        %get3A_298 = arith.constant 208 : index
        %get3A_299 = tpu.vector_load %arg10[%get3A_297, %get3A_298] {strides = array<i32>} : memref<16x1024xf32, #tpu.memory_space<vmem>>, vector<16xf32>,
        %add3A_300 = arith.addf %get3A_296, %get3A_299 : vector<16xf32>
        %swap3A_301 = arith.index_cast %scan3A_122 : i32 to index
        %swap3A_302 = arith.constant 208 : index
        %swap3A_303 = tpu.vector_load %arg9[%swap3A_301, %swap3A_302] {strides = array<i32>} : memref<16x1024xf32, #tpu.memory_space<vmem>>, vector<16xf32>,
        tpu.vector_store %arg9[%swap3A_301, %swap3A_302], %add3A_300 {strides = array<i32>} : memref<16x1024xf32, #tpu.memory_space<vmem>>, vector<16xf32>,
        %add3A_304 = arith.addf %add3A_291, %add3A_300 : vector<16xf32>
        %mul3A_305 = arith.mulf %add3A_300, %add3A_300 : vector<16xf32>
        %add3A_306 = arith.addf %add3A_293, %mul3A_305 : vector<16xf32>
        %get3A_307 = arith.index_cast %scan3A_122 : i32 to index
        %get3A_308 = arith.constant 224 : index
        %get3A_309 = tpu.vector_load %arg9[%get3A_307, %get3A_308] {strides = array<i32>} : memref<16x1024xf32, #tpu.memory_space<vmem>>, vector<16xf32>,
        %get3A_310 = arith.index_cast %scan3A_122 : i32 to index
        %get3A_311 = arith.constant 224 : index
        %get3A_312 = tpu.vector_load %arg10[%get3A_310, %get3A_311] {strides = array<i32>} : memref<16x1024xf32, #tpu.memory_space<vmem>>, vector<16xf32>,
        %add3A_313 = arith.addf %get3A_309, %get3A_312 : vector<16xf32>
        %swap3A_314 = arith.index_cast %scan3A_122 : i32 to index
        %swap3A_315 = arith.constant 224 : index
        %swap3A_316 = tpu.vector_load %arg9[%swap3A_314, %swap3A_315] {strides = array<i32>} : memref<16x1024xf32, #tpu.memory_space<vmem>>, vector<16xf32>,
        tpu.vector_store %arg9[%swap3A_314, %swap3A_315], %add3A_313 {strides = array<i32>} : memref<16x1024xf32, #tpu.memory_space<vmem>>, vector<16xf32>,
        %add3A_317 = arith.addf %add3A_304, %add3A_313 : vector<16xf32>
        %mul3A_318 = arith.mulf %add3A_313, %add3A_313 : vector<16xf32>
        %add3A_319 = arith.addf %add3A_306, %mul3A_318 : vector<16xf32>
        %get3A_320 = arith.index_cast %scan3A_122 : i32 to index
        %get3A_321 = arith.constant 240 : index
        %get3A_322 = tpu.vector_load %arg9[%get3A_320, %get3A_321] {strides = array<i32>} : memref<16x1024xf32, #tpu.memory_space<vmem>>, vector<16xf32>,
        %get3A_323 = arith.index_cast %scan3A_122 : i32 to index
        %get3A_324 = arith.constant 240 : index
        %get3A_325 = tpu.vector_load %arg10[%get3A_323, %get3A_324] {strides = array<i32>} : memref<16x1024xf32, #tpu.memory_space<vmem>>, vector<16xf32>,
        %add3A_326 = arith.addf %get3A_322, %get3A_325 : vector<16xf32>
        %swap3A_327 = arith.index_cast %scan3A_122 : i32 to index
        %swap3A_328 = arith.constant 240 : index
        %swap3A_329 = tpu.vector_load %arg9[%swap3A_327, %swap3A_328] {strides = array<i32>} : memref<16x1024xf32, #tpu.memory_space<vmem>>, vector<16xf32>,
        tpu.vector_store %arg9[%swap3A_327, %swap3A_328], %add3A_326 {strides = array<i32>} : memref<16x1024xf32, #tpu.memory_space<vmem>>, vector<16xf32>,
        %add3A_330 = arith.addf %add3A_317, %add3A_326 : vector<16xf32>
        %mul3A_331 = arith.mulf %add3A_326, %add3A_326 : vector<16xf32>
        %add3A_332 = arith.addf %add3A_319, %mul3A_331 : vector<16xf32>
        %get3A_333 = arith.index_cast %scan3A_122 : i32 to index
        %get3A_334 = arith.constant 256 : index
        %get3A_335 = tpu.vector_load %arg9[%get3A_333, %get3A_334] {strides = array<i32>} : memref<16x1024xf32, #tpu.memory_space<vmem>>, vector<16xf32>,
        %get3A_336 = arith.index_cast %scan3A_122 : i32 to index
        %get3A_337 = arith.constant 256 : index
        %get3A_338 = tpu.vector_load %arg10[%get3A_336, %get3A_337] {strides = array<i32>} : memref<16x1024xf32, #tpu.memory_space<vmem>>, vector<16xf32>,
        %add3A_339 = arith.addf %get3A_335, %get3A_338 : vector<16xf32>
        %swap3A_340 = arith.index_cast %scan3A_122 : i32 to index
        %swap3A_341 = arith.constant 256 : index
        %swap3A_342 = tpu.vector_load %arg9[%swap3A_340, %swap3A_341] {strides = array<i32>} : memref<16x1024xf32, #tpu.memory_space<vmem>>, vector<16xf32>,
        tpu.vector_store %arg9[%swap3A_340, %swap3A_341], %add3A_339 {strides = array<i32>} : memref<16x1024xf32, #tpu.memory_space<vmem>>, vector<16xf32>,
        %add3A_343 = arith.addf %add3A_330, %add3A_339 : vector<16xf32>
        %mul3A_344 = arith.mulf %add3A_339, %add3A_339 : vector<16xf32>
        %add3A_345 = arith.addf %add3A_332, %mul3A_344 : vector<16xf32>
        %get3A_346 = arith.index_cast %scan3A_122 : i32 to index
        %get3A_347 = arith.constant 272 : index
        %get3A_348 = tpu.vector_load %arg9[%get3A_346, %get3A_347] {strides = array<i32>} : memref<16x1024xf32, #tpu.memory_space<vmem>>, vector<16xf32>,
        %get3A_349 = arith.index_cast %scan3A_122 : i32 to index
        %get3A_350 = arith.constant 272 : index
        %get3A_351 = tpu.vector_load %arg10[%get3A_349, %get3A_350] {strides = array<i32>} : memref<16x1024xf32, #tpu.memory_space<vmem>>, vector<16xf32>,
        %add3A_352 = arith.addf %get3A_348, %get3A_351 : vector<16xf32>
        %swap3A_353 = arith.index_cast %scan3A_122 : i32 to index
        %swap3A_354 = arith.constant 272 : index
        %swap3A_355 = tpu.vector_load %arg9[%swap3A_353, %swap3A_354] {strides = array<i32>} : memref<16x1024xf32, #tpu.memory_space<vmem>>, vector<16xf32>,
        tpu.vector_store %arg9[%swap3A_353, %swap3A_354], %add3A_352 {strides = array<i32>} : memref<16x1024xf32, #tpu.memory_space<vmem>>, vector<16xf32>,
        %add3A_356 = arith.addf %add3A_343, %add3A_352 : vector<16xf32>
        %mul3A_357 = arith.mulf %add3A_352, %add3A_352 : vector<16xf32>
        %add3A_358 = arith.addf %add3A_345, %mul3A_357 : vector<16xf32>
        %get3A_359 = arith.index_cast %scan3A_122 : i32 to index
        %get3A_360 = arith.constant 288 : index
        %get3A_361 = tpu.vector_load %arg9[%get3A_359, %get3A_360] {strides = array<i32>} : memref<16x1024xf32, #tpu.memory_space<vmem>>, vector<16xf32>,
        %get3A_362 = arith.index_cast %scan3A_122 : i32 to index
        %get3A_363 = arith.constant 288 : index
        %get3A_364 = tpu.vector_load %arg10[%get3A_362, %get3A_363] {strides = array<i32>} : memref<16x1024xf32, #tpu.memory_space<vmem>>, vector<16xf32>,
        %add3A_365 = arith.addf %get3A_361, %get3A_364 : vector<16xf32>
        %swap3A_366 = arith.index_cast %scan3A_122 : i32 to index
        %swap3A_367 = arith.constant 288 : index
        %swap3A_368 = tpu.vector_load %arg9[%swap3A_366, %swap3A_367] {strides = array<i32>} : memref<16x1024xf32, #tpu.memory_space<vmem>>, vector<16xf32>,
        tpu.vector_store %arg9[%swap3A_366, %swap3A_367], %add3A_365 {strides = array<i32>} : memref<16x1024xf32, #tpu.memory_space<vmem>>, vector<16xf32>,
        %add3A_369 = arith.addf %add3A_356, %add3A_365 : vector<16xf32>
        %mul3A_370 = arith.mulf %add3A_365, %add3A_365 : vector<16xf32>
        %add3A_371 = arith.addf %add3A_358, %mul3A_370 : vector<16xf32>
        %get3A_372 = arith.index_cast %scan3A_122 : i32 to index
        %get3A_373 = arith.constant 304 : index
        %get3A_374 = tpu.vector_load %arg9[%get3A_372, %get3A_373] {strides = array<i32>} : memref<16x1024xf32, #tpu.memory_space<vmem>>, vector<16xf32>,
        %get3A_375 = arith.index_cast %scan3A_122 : i32 to index
        %get3A_376 = arith.constant 304 : index
        %get3A_377 = tpu.vector_load %arg10[%get3A_375, %get3A_376] {strides = array<i32>} : memref<16x1024xf32, #tpu.memory_space<vmem>>, vector<16xf32>,
        %add3A_378 = arith.addf %get3A_374, %get3A_377 : vector<16xf32>
        %swap3A_379 = arith.index_cast %scan3A_122 : i32 to index
        %swap3A_380 = arith.constant 304 : index
        %swap3A_381 = tpu.vector_load %arg9[%swap3A_379, %swap3A_380] {strides = array<i32>} : memref<16x1024xf32, #tpu.memory_space<vmem>>, vector<16xf32>,
        tpu.vector_store %arg9[%swap3A_379, %swap3A_380], %add3A_378 {strides = array<i32>} : memref<16x1024xf32, #tpu.memory_space<vmem>>, vector<16xf32>,
        %add3A_382 = arith.addf %add3A_369, %add3A_378 : vector<16xf32>
        %mul3A_383 = arith.mulf %add3A_378, %add3A_378 : vector<16xf32>
        %add3A_384 = arith.addf %add3A_371, %mul3A_383 : vector<16xf32>
        %get3A_385 = arith.index_cast %scan3A_122 : i32 to index
        %get3A_386 = arith.constant 320 : index
        %get3A_387 = tpu.vector_load %arg9[%get3A_385, %get3A_386] {strides = array<i32>} : memref<16x1024xf32, #tpu.memory_space<vmem>>, vector<16xf32>,
        %get3A_388 = arith.index_cast %scan3A_122 : i32 to index
        %get3A_389 = arith.constant 320 : index
        %get3A_390 = tpu.vector_load %arg10[%get3A_388, %get3A_389] {strides = array<i32>} : memref<16x1024xf32, #tpu.memory_space<vmem>>, vector<16xf32>,
        %add3A_391 = arith.addf %get3A_387, %get3A_390 : vector<16xf32>
        %swap3A_392 = arith.index_cast %scan3A_122 : i32 to index
        %swap3A_393 = arith.constant 320 : index
        %swap3A_394 = tpu.vector_load %arg9[%swap3A_392, %swap3A_393] {strides = array<i32>} : memref<16x1024xf32, #tpu.memory_space<vmem>>, vector<16xf32>,
        tpu.vector_store %arg9[%swap3A_392, %swap3A_393], %add3A_391 {strides = array<i32>} : memref<16x1024xf32, #tpu.memory_space<vmem>>, vector<16xf32>,
        %add3A_395 = arith.addf %add3A_382, %add3A_391 : vector<16xf32>
        %mul3A_396 = arith.mulf %add3A_391, %add3A_391 : vector<16xf32>
        %add3A_397 = arith.addf %add3A_384, %mul3A_396 : vector<16xf32>
        %get3A_398 = arith.index_cast %scan3A_122 : i32 to index
        %get3A_399 = arith.constant 336 : index
        %get3A_400 = tpu.vector_load %arg9[%get3A_398, %get3A_399] {strides = array<i32>} : memref<16x1024xf32, #tpu.memory_space<vmem>>, vector<16xf32>,
        %get3A_401 = arith.index_cast %scan3A_122 : i32 to index
        %get3A_402 = arith.constant 336 : index
        %get3A_403 = tpu.vector_load %arg10[%get3A_401, %get3A_402] {strides = array<i32>} : memref<16x1024xf32, #tpu.memory_space<vmem>>, vector<16xf32>,
        %add3A_404 = arith.addf %get3A_400, %get3A_403 : vector<16xf32>
        %swap3A_405 = arith.index_cast %scan3A_122 : i32 to index
        %swap3A_406 = arith.constant 336 : index
        %swap3A_407 = tpu.vector_load %arg9[%swap3A_405, %swap3A_406] {strides = array<i32>} : memref<16x1024xf32, #tpu.memory_space<vmem>>, vector<16xf32>,
        tpu.vector_store %arg9[%swap3A_405, %swap3A_406], %add3A_404 {strides = array<i32>} : memref<16x1024xf32, #tpu.memory_space<vmem>>, vector<16xf32>,
        %add3A_408 = arith.addf %add3A_395, %add3A_404 : vector<16xf32>
        %mul3A_409 = arith.mulf %add3A_404, %add3A_404 : vector<16xf32>
        %add3A_410 = arith.addf %add3A_397, %mul3A_409 : vector<16xf32>
        %get3A_411 = arith.index_cast %scan3A_122 : i32 to index
        %get3A_412 = arith.constant 352 : index
        %get3A_413 = tpu.vector_load %arg9[%get3A_411, %get3A_412] {strides = array<i32>} : memref<16x1024xf32, #tpu.memory_space<vmem>>, vector<16xf32>,
        %get3A_414 = arith.index_cast %scan3A_122 : i32 to index
        %get3A_415 = arith.constant 352 : index
        %get3A_416 = tpu.vector_load %arg10[%get3A_414, %get3A_415] {strides = array<i32>} : memref<16x1024xf32, #tpu.memory_space<vmem>>, vector<16xf32>,
        %add3A_417 = arith.addf %get3A_413, %get3A_416 : vector<16xf32>
        %swap3A_418 = arith.index_cast %scan3A_122 : i32 to index
        %swap3A_419 = arith.constant 352 : index
        %swap3A_420 = tpu.vector_load %arg9[%swap3A_418, %swap3A_419] {strides = array<i32>} : memref<16x1024xf32, #tpu.memory_space<vmem>>, vector<16xf32>,
        tpu.vector_store %arg9[%swap3A_418, %swap3A_419], %add3A_417 {strides = array<i32>} : memref<16x1024xf32, #tpu.memory_space<vmem>>, vector<16xf32>,
        %add3A_421 = arith.addf %add3A_408, %add3A_417 : vector<16xf32>
        %mul3A_422 = arith.mulf %add3A_417, %add3A_417 : vector<16xf32>
        %add3A_423 = arith.addf %add3A_410, %mul3A_422 : vector<16xf32>
        %get3A_424 = arith.index_cast %scan3A_122 : i32 to index
        %get3A_425 = arith.constant 368 : index
        %get3A_426 = tpu.vector_load %arg9[%get3A_424, %get3A_425] {strides = array<i32>} : memref<16x1024xf32, #tpu.memory_space<vmem>>, vector<16xf32>,
        %get3A_427 = arith.index_cast %scan3A_122 : i32 to index
        %get3A_428 = arith.constant 368 : index
        %get3A_429 = tpu.vector_load %arg10[%get3A_427, %get3A_428] {strides = array<i32>} : memref<16x1024xf32, #tpu.memory_space<vmem>>, vector<16xf32>,
        %add3A_430 = arith.addf %get3A_426, %get3A_429 : vector<16xf32>
        %swap3A_431 = arith.index_cast %scan3A_122 : i32 to index
        %swap3A_432 = arith.constant 368 : index
        %swap3A_433 = tpu.vector_load %arg9[%swap3A_431, %swap3A_432] {strides = array<i32>} : memref<16x1024xf32, #tpu.memory_space<vmem>>, vector<16xf32>,
        tpu.vector_store %arg9[%swap3A_431, %swap3A_432], %add3A_430 {strides = array<i32>} : memref<16x1024xf32, #tpu.memory_space<vmem>>, vector<16xf32>,
        %add3A_434 = arith.addf %add3A_421, %add3A_430 : vector<16xf32>
        %mul3A_435 = arith.mulf %add3A_430, %add3A_430 : vector<16xf32>
        %add3A_436 = arith.addf %add3A_423, %mul3A_435 : vector<16xf32>
        %get3A_437 = arith.index_cast %scan3A_122 : i32 to index
        %get3A_438 = arith.constant 384 : index
        %get3A_439 = tpu.vector_load %arg9[%get3A_437, %get3A_438] {strides = array<i32>} : memref<16x1024xf32, #tpu.memory_space<vmem>>, vector<16xf32>,
        %get3A_440 = arith.index_cast %scan3A_122 : i32 to index
        %get3A_441 = arith.constant 384 : index
        %get3A_442 = tpu.vector_load %arg10[%get3A_440, %get3A_441] {strides = array<i32>} : memref<16x1024xf32, #tpu.memory_space<vmem>>, vector<16xf32>,
        %add3A_443 = arith.addf %get3A_439, %get3A_442 : vector<16xf32>
        %swap3A_444 = arith.index_cast %scan3A_122 : i32 to index
        %swap3A_445 = arith.constant 384 : index
        %swap3A_446 = tpu.vector_load %arg9[%swap3A_444, %swap3A_445] {strides = array<i32>} : memref<16x1024xf32, #tpu.memory_space<vmem>>, vector<16xf32>,
        tpu.vector_store %arg9[%swap3A_444, %swap3A_445], %add3A_443 {strides = array<i32>} : memref<16x1024xf32, #tpu.memory_space<vmem>>, vector<16xf32>,
        %add3A_447 = arith.addf %add3A_434, %add3A_443 : vector<16xf32>
        %mul3A_448 = arith.mulf %add3A_443, %add3A_443 : vector<16xf32>
        %add3A_449 = arith.addf %add3A_436, %mul3A_448 : vector<16xf32>
        %get3A_450 = arith.index_cast %scan3A_122 : i32 to index
        %get3A_451 = arith.constant 400 : index
        %get3A_452 = tpu.vector_load %arg9[%get3A_450, %get3A_451] {strides = array<i32>} : memref<16x1024xf32, #tpu.memory_space<vmem>>, vector<16xf32>,
        %get3A_453 = arith.index_cast %scan3A_122 : i32 to index
        %get3A_454 = arith.constant 400 : index
        %get3A_455 = tpu.vector_load %arg10[%get3A_453, %get3A_454] {strides = array<i32>} : memref<16x1024xf32, #tpu.memory_space<vmem>>, vector<16xf32>,
        %add3A_456 = arith.addf %get3A_452, %get3A_455 : vector<16xf32>
        %swap3A_457 = arith.index_cast %scan3A_122 : i32 to index
        %swap3A_458 = arith.constant 400 : index
        %swap3A_459 = tpu.vector_load %arg9[%swap3A_457, %swap3A_458] {strides = array<i32>} : memref<16x1024xf32, #tpu.memory_space<vmem>>, vector<16xf32>,
        tpu.vector_store %arg9[%swap3A_457, %swap3A_458], %add3A_456 {strides = array<i32>} : memref<16x1024xf32, #tpu.memory_space<vmem>>, vector<16xf32>,
        %add3A_460 = arith.addf %add3A_447, %add3A_456 : vector<16xf32>
        %mul3A_461 = arith.mulf %add3A_456, %add3A_456 : vector<16xf32>
        %add3A_462 = arith.addf %add3A_449, %mul3A_461 : vector<16xf32>
        %get3A_463 = arith.index_cast %scan3A_122 : i32 to index
        %get3A_464 = arith.constant 416 : index
        %get3A_465 = tpu.vector_load %arg9[%get3A_463, %get3A_464] {strides = array<i32>} : memref<16x1024xf32, #tpu.memory_space<vmem>>, vector<16xf32>,
        %get3A_466 = arith.index_cast %scan3A_122 : i32 to index
        %get3A_467 = arith.constant 416 : index
        %get3A_468 = tpu.vector_load %arg10[%get3A_466, %get3A_467] {strides = array<i32>} : memref<16x1024xf32, #tpu.memory_space<vmem>>, vector<16xf32>,
        %add3A_469 = arith.addf %get3A_465, %get3A_468 : vector<16xf32>
        %swap3A_470 = arith.index_cast %scan3A_122 : i32 to index
        %swap3A_471 = arith.constant 416 : index
        %swap3A_472 = tpu.vector_load %arg9[%swap3A_470, %swap3A_471] {strides = array<i32>} : memref<16x1024xf32, #tpu.memory_space<vmem>>, vector<16xf32>,
        tpu.vector_store %arg9[%swap3A_470, %swap3A_471], %add3A_469 {strides = array<i32>} : memref<16x1024xf32, #tpu.memory_space<vmem>>, vector<16xf32>,
        %add3A_473 = arith.addf %add3A_460, %add3A_469 : vector<16xf32>
        %mul3A_474 = arith.mulf %add3A_469, %add3A_469 : vector<16xf32>
        %add3A_475 = arith.addf %add3A_462, %mul3A_474 : vector<16xf32>
        %get3A_476 = arith.index_cast %scan3A_122 : i32 to index
        %get3A_477 = arith.constant 432 : index
        %get3A_478 = tpu.vector_load %arg9[%get3A_476, %get3A_477] {strides = array<i32>} : memref<16x1024xf32, #tpu.memory_space<vmem>>, vector<16xf32>,
        %get3A_479 = arith.index_cast %scan3A_122 : i32 to index
        %get3A_480 = arith.constant 432 : index
        %get3A_481 = tpu.vector_load %arg10[%get3A_479, %get3A_480] {strides = array<i32>} : memref<16x1024xf32, #tpu.memory_space<vmem>>, vector<16xf32>,
        %add3A_482 = arith.addf %get3A_478, %get3A_481 : vector<16xf32>
        %swap3A_483 = arith.index_cast %scan3A_122 : i32 to index
        %swap3A_484 = arith.constant 432 : index
        %swap3A_485 = tpu.vector_load %arg9[%swap3A_483, %swap3A_484] {strides = array<i32>} : memref<16x1024xf32, #tpu.memory_space<vmem>>, vector<16xf32>,
        tpu.vector_store %arg9[%swap3A_483, %swap3A_484], %add3A_482 {strides = array<i32>} : memref<16x1024xf32, #tpu.memory_space<vmem>>, vector<16xf32>,
        %add3A_486 = arith.addf %add3A_473, %add3A_482 : vector<16xf32>
        %mul3A_487 = arith.mulf %add3A_482, %add3A_482 : vector<16xf32>
        %add3A_488 = arith.addf %add3A_475, %mul3A_487 : vector<16xf32>
        %get3A_489 = arith.index_cast %scan3A_122 : i32 to index
        %get3A_490 = arith.constant 448 : index
        %get3A_491 = tpu.vector_load %arg9[%get3A_489, %get3A_490] {strides = array<i32>} : memref<16x1024xf32, #tpu.memory_space<vmem>>, vector<16xf32>,
        %get3A_492 = arith.index_cast %scan3A_122 : i32 to index
        %get3A_493 = arith.constant 448 : index
        %get3A_494 = tpu.vector_load %arg10[%get3A_492, %get3A_493] {strides = array<i32>} : memref<16x1024xf32, #tpu.memory_space<vmem>>, vector<16xf32>,
        %add3A_495 = arith.addf %get3A_491, %get3A_494 : vector<16xf32>
        %swap3A_496 = arith.index_cast %scan3A_122 : i32 to index
        %swap3A_497 = arith.constant 448 : index
        %swap3A_498 = tpu.vector_load %arg9[%swap3A_496, %swap3A_497] {strides = array<i32>} : memref<16x1024xf32, #tpu.memory_space<vmem>>, vector<16xf32>,
        tpu.vector_store %arg9[%swap3A_496, %swap3A_497], %add3A_495 {strides = array<i32>} : memref<16x1024xf32, #tpu.memory_space<vmem>>, vector<16xf32>,
        %add3A_499 = arith.addf %add3A_486, %add3A_495 : vector<16xf32>
        %mul3A_500 = arith.mulf %add3A_495, %add3A_495 : vector<16xf32>
        %add3A_501 = arith.addf %add3A_488, %mul3A_500 : vector<16xf32>
        %get3A_502 = arith.index_cast %scan3A_122 : i32 to index
        %get3A_503 = arith.constant 464 : index
        %get3A_504 = tpu.vector_load %arg9[%get3A_502, %get3A_503] {strides = array<i32>} : memref<16x1024xf32, #tpu.memory_space<vmem>>, vector<16xf32>,
        %get3A_505 = arith.index_cast %scan3A_122 : i32 to index
        %get3A_506 = arith.constant 464 : index
        %get3A_507 = tpu.vector_load %arg10[%get3A_505, %get3A_506] {strides = array<i32>} : memref<16x1024xf32, #tpu.memory_space<vmem>>, vector<16xf32>,
        %add3A_508 = arith.addf %get3A_504, %get3A_507 : vector<16xf32>
        %swap3A_509 = arith.index_cast %scan3A_122 : i32 to index
        %swap3A_510 = arith.constant 464 : index
        %swap3A_511 = tpu.vector_load %arg9[%swap3A_509, %swap3A_510] {strides = array<i32>} : memref<16x1024xf32, #tpu.memory_space<vmem>>, vector<16xf32>,
        tpu.vector_store %arg9[%swap3A_509, %swap3A_510], %add3A_508 {strides = array<i32>} : memref<16x1024xf32, #tpu.memory_space<vmem>>, vector<16xf32>,
        %add3A_512 = arith.addf %add3A_499, %add3A_508 : vector<16xf32>
        %mul3A_513 = arith.mulf %add3A_508, %add3A_508 : vector<16xf32>
        %add3A_514 = arith.addf %add3A_501, %mul3A_513 : vector<16xf32>
        %get3A_515 = arith.index_cast %scan3A_122 : i32 to index
        %get3A_516 = arith.constant 480 : index
        %get3A_517 = tpu.vector_load %arg9[%get3A_515, %get3A_516] {strides = array<i32>} : memref<16x1024xf32, #tpu.memory_space<vmem>>, vector<16xf32>,
        %get3A_518 = arith.index_cast %scan3A_122 : i32 to index
        %get3A_519 = arith.constant 480 : index
        %get3A_520 = tpu.vector_load %arg10[%get3A_518, %get3A_519] {strides = array<i32>} : memref<16x1024xf32, #tpu.memory_space<vmem>>, vector<16xf32>,
        %add3A_521 = arith.addf %get3A_517, %get3A_520 : vector<16xf32>
        %swap3A_522 = arith.index_cast %scan3A_122 : i32 to index
        %swap3A_523 = arith.constant 480 : index
        %swap3A_524 = tpu.vector_load %arg9[%swap3A_522, %swap3A_523] {strides = array<i32>} : memref<16x1024xf32, #tpu.memory_space<vmem>>, vector<16xf32>,
        tpu.vector_store %arg9[%swap3A_522, %swap3A_523], %add3A_521 {strides = array<i32>} : memref<16x1024xf32, #tpu.memory_space<vmem>>, vector<16xf32>,
        %add3A_525 = arith.addf %add3A_512, %add3A_521 : vector<16xf32>
        %mul3A_526 = arith.mulf %add3A_521, %add3A_521 : vector<16xf32>
        %add3A_527 = arith.addf %add3A_514, %mul3A_526 : vector<16xf32>
        %get3A_528 = arith.index_cast %scan3A_122 : i32 to index
        %get3A_529 = arith.constant 496 : index
        %get3A_530 = tpu.vector_load %arg9[%get3A_528, %get3A_529] {strides = array<i32>} : memref<16x1024xf32, #tpu.memory_space<vmem>>, vector<16xf32>,
        %get3A_531 = arith.index_cast %scan3A_122 : i32 to index
        %get3A_532 = arith.constant 496 : index
        %get3A_533 = tpu.vector_load %arg10[%get3A_531, %get3A_532] {strides = array<i32>} : memref<16x1024xf32, #tpu.memory_space<vmem>>, vector<16xf32>,
        %add3A_534 = arith.addf %get3A_530, %get3A_533 : vector<16xf32>
        %swap3A_535 = arith.index_cast %scan3A_122 : i32 to index
        %swap3A_536 = arith.constant 496 : index
        %swap3A_537 = tpu.vector_load %arg9[%swap3A_535, %swap3A_536] {strides = array<i32>} : memref<16x1024xf32, #tpu.memory_space<vmem>>, vector<16xf32>,
        tpu.vector_store %arg9[%swap3A_535, %swap3A_536], %add3A_534 {strides = array<i32>} : memref<16x1024xf32, #tpu.memory_space<vmem>>, vector<16xf32>,
        %add3A_538 = arith.addf %add3A_525, %add3A_534 : vector<16xf32>
        %mul3A_539 = arith.mulf %add3A_534, %add3A_534 : vector<16xf32>
        %add3A_540 = arith.addf %add3A_527, %mul3A_539 : vector<16xf32>
        %get3A_541 = arith.index_cast %scan3A_122 : i32 to index
        %get3A_542 = arith.constant 512 : index
        %get3A_543 = tpu.vector_load %arg9[%get3A_541, %get3A_542] {strides = array<i32>} : memref<16x1024xf32, #tpu.memory_space<vmem>>, vector<16xf32>,
        %get3A_544 = arith.index_cast %scan3A_122 : i32 to index
        %get3A_545 = arith.constant 512 : index
        %get3A_546 = tpu.vector_load %arg10[%get3A_544, %get3A_545] {strides = array<i32>} : memref<16x1024xf32, #tpu.memory_space<vmem>>, vector<16xf32>,
        %add3A_547 = arith.addf %get3A_543, %get3A_546 : vector<16xf32>
        %swap3A_548 = arith.index_cast %scan3A_122 : i32 to index
        %swap3A_549 = arith.constant 512 : index
        %swap3A_550 = tpu.vector_load %arg9[%swap3A_548, %swap3A_549] {strides = array<i32>} : memref<16x1024xf32, #tpu.memory_space<vmem>>, vector<16xf32>,
        tpu.vector_store %arg9[%swap3A_548, %swap3A_549], %add3A_547 {strides = array<i32>} : memref<16x1024xf32, #tpu.memory_space<vmem>>, vector<16xf32>,
        %add3A_551 = arith.addf %add3A_538, %add3A_547 : vector<16xf32>
        %mul3A_552 = arith.mulf %add3A_547, %add3A_547 : vector<16xf32>
        %add3A_553 = arith.addf %add3A_540, %mul3A_552 : vector<16xf32>
        %get3A_554 = arith.index_cast %scan3A_122 : i32 to index
        %get3A_555 = arith.constant 528 : index
        %get3A_556 = tpu.vector_load %arg9[%get3A_554, %get3A_555] {strides = array<i32>} : memref<16x1024xf32, #tpu.memory_space<vmem>>, vector<16xf32>,
        %get3A_557 = arith.index_cast %scan3A_122 : i32 to index
        %get3A_558 = arith.constant 528 : index
        %get3A_559 = tpu.vector_load %arg10[%get3A_557, %get3A_558] {strides = array<i32>} : memref<16x1024xf32, #tpu.memory_space<vmem>>, vector<16xf32>,
        %add3A_560 = arith.addf %get3A_556, %get3A_559 : vector<16xf32>
        %swap3A_561 = arith.index_cast %scan3A_122 : i32 to index
        %swap3A_562 = arith.constant 528 : index
        %swap3A_563 = tpu.vector_load %arg9[%swap3A_561, %swap3A_562] {strides = array<i32>} : memref<16x1024xf32, #tpu.memory_space<vmem>>, vector<16xf32>,
        tpu.vector_store %arg9[%swap3A_561, %swap3A_562], %add3A_560 {strides = array<i32>} : memref<16x1024xf32, #tpu.memory_space<vmem>>, vector<16xf32>,
        %add3A_564 = arith.addf %add3A_551, %add3A_560 : vector<16xf32>
        %mul3A_565 = arith.mulf %add3A_560, %add3A_560 : vector<16xf32>
        %add3A_566 = arith.addf %add3A_553, %mul3A_565 : vector<16xf32>
        %get3A_567 = arith.index_cast %scan3A_122 : i32 to index
        %get3A_568 = arith.constant 544 : index
        %get3A_569 = tpu.vector_load %arg9[%get3A_567, %get3A_568] {strides = array<i32>} : memref<16x1024xf32, #tpu.memory_space<vmem>>, vector<16xf32>,
        %get3A_570 = arith.index_cast %scan3A_122 : i32 to index
        %get3A_571 = arith.constant 544 : index
        %get3A_572 = tpu.vector_load %arg10[%get3A_570, %get3A_571] {strides = array<i32>} : memref<16x1024xf32, #tpu.memory_space<vmem>>, vector<16xf32>,
        %add3A_573 = arith.addf %get3A_569, %get3A_572 : vector<16xf32>
        %swap3A_574 = arith.index_cast %scan3A_122 : i32 to index
        %swap3A_575 = arith.constant 544 : index
        %swap3A_576 = tpu.vector_load %arg9[%swap3A_574, %swap3A_575] {strides = array<i32>} : memref<16x1024xf32, #tpu.memory_space<vmem>>, vector<16xf32>,
        tpu.vector_store %arg9[%swap3A_574, %swap3A_575], %add3A_573 {strides = array<i32>} : memref<16x1024xf32, #tpu.memory_space<vmem>>, vector<16xf32>,
        %add3A_577 = arith.addf %add3A_564, %add3A_573 : vector<16xf32>
        %mul3A_578 = arith.mulf %add3A_573, %add3A_573 : vector<16xf32>
        %add3A_579 = arith.addf %add3A_566, %mul3A_578 : vector<16xf32>
        %get3A_580 = arith.index_cast %scan3A_122 : i32 to index
        %get3A_581 = arith.constant 560 : index
        %get3A_582 = tpu.vector_load %arg9[%get3A_580, %get3A_581] {strides = array<i32>} : memref<16x1024xf32, #tpu.memory_space<vmem>>, vector<16xf32>,
        %get3A_583 = arith.index_cast %scan3A_122 : i32 to index
        %get3A_584 = arith.constant 560 : index
        %get3A_585 = tpu.vector_load %arg10[%get3A_583, %get3A_584] {strides = array<i32>} : memref<16x1024xf32, #tpu.memory_space<vmem>>, vector<16xf32>,
        %add3A_586 = arith.addf %get3A_582, %get3A_585 : vector<16xf32>
        %swap3A_587 = arith.index_cast %scan3A_122 : i32 to index
        %swap3A_588 = arith.constant 560 : index
        %swap3A_589 = tpu.vector_load %arg9[%swap3A_587, %swap3A_588] {strides = array<i32>} : memref<16x1024xf32, #tpu.memory_space<vmem>>, vector<16xf32>,
        tpu.vector_store %arg9[%swap3A_587, %swap3A_588], %add3A_586 {strides = array<i32>} : memref<16x1024xf32, #tpu.memory_space<vmem>>, vector<16xf32>,
        %add3A_590 = arith.addf %add3A_577, %add3A_586 : vector<16xf32>
        %mul3A_591 = arith.mulf %add3A_586, %add3A_586 : vector<16xf32>
        %add3A_592 = arith.addf %add3A_579, %mul3A_591 : vector<16xf32>
        %get3A_593 = arith.index_cast %scan3A_122 : i32 to index
        %get3A_594 = arith.constant 576 : index
        %get3A_595 = tpu.vector_load %arg9[%get3A_593, %get3A_594] {strides = array<i32>} : memref<16x1024xf32, #tpu.memory_space<vmem>>, vector<16xf32>,
        %get3A_596 = arith.index_cast %scan3A_122 : i32 to index
        %get3A_597 = arith.constant 576 : index
        %get3A_598 = tpu.vector_load %arg10[%get3A_596, %get3A_597] {strides = array<i32>} : memref<16x1024xf32, #tpu.memory_space<vmem>>, vector<16xf32>,
        %add3A_599 = arith.addf %get3A_595, %get3A_598 : vector<16xf32>
        %swap3A_600 = arith.index_cast %scan3A_122 : i32 to index
        %swap3A_601 = arith.constant 576 : index
        %swap3A_602 = tpu.vector_load %arg9[%swap3A_600, %swap3A_601] {strides = array<i32>} : memref<16x1024xf32, #tpu.memory_space<vmem>>, vector<16xf32>,
        tpu.vector_store %arg9[%swap3A_600, %swap3A_601], %add3A_599 {strides = array<i32>} : memref<16x1024xf32, #tpu.memory_space<vmem>>, vector<16xf32>,
        %add3A_603 = arith.addf %add3A_590, %add3A_599 : vector<16xf32>
        %mul3A_604 = arith.mulf %add3A_599, %add3A_599 : vector<16xf32>
        %add3A_605 = arith.addf %add3A_592, %mul3A_604 : vector<16xf32>
        %get3A_606 = arith.index_cast %scan3A_122 : i32 to index
        %get3A_607 = arith.constant 592 : index
        %get3A_608 = tpu.vector_load %arg9[%get3A_606, %get3A_607] {strides = array<i32>} : memref<16x1024xf32, #tpu.memory_space<vmem>>, vector<16xf32>,
        %get3A_609 = arith.index_cast %scan3A_122 : i32 to index
        %get3A_610 = arith.constant 592 : index
        %get3A_611 = tpu.vector_load %arg10[%get3A_609, %get3A_610] {strides = array<i32>} : memref<16x1024xf32, #tpu.memory_space<vmem>>, vector<16xf32>,
        %add3A_612 = arith.addf %get3A_608, %get3A_611 : vector<16xf32>
        %swap3A_613 = arith.index_cast %scan3A_122 : i32 to index
        %swap3A_614 = arith.constant 592 : index
        %swap3A_615 = tpu.vector_load %arg9[%swap3A_613, %swap3A_614] {strides = array<i32>} : memref<16x1024xf32, #tpu.memory_space<vmem>>, vector<16xf32>,
        tpu.vector_store %arg9[%swap3A_613, %swap3A_614], %add3A_612 {strides = array<i32>} : memref<16x1024xf32, #tpu.memory_space<vmem>>, vector<16xf32>,
        %add3A_616 = arith.addf %add3A_603, %add3A_612 : vector<16xf32>
        %mul3A_617 = arith.mulf %add3A_612, %add3A_612 : vector<16xf32>
        %add3A_618 = arith.addf %add3A_605, %mul3A_617 : vector<16xf32>
        %get3A_619 = arith.index_cast %scan3A_122 : i32 to index
        %get3A_620 = arith.constant 608 : index
        %get3A_621 = tpu.vector_load %arg9[%get3A_619, %get3A_620] {strides = array<i32>} : memref<16x1024xf32, #tpu.memory_space<vmem>>, vector<16xf32>,
        %get3A_622 = arith.index_cast %scan3A_122 : i32 to index
        %get3A_623 = arith.constant 608 : index
        %get3A_624 = tpu.vector_load %arg10[%get3A_622, %get3A_623] {strides = array<i32>} : memref<16x1024xf32, #tpu.memory_space<vmem>>, vector<16xf32>,
        %add3A_625 = arith.addf %get3A_621, %get3A_624 : vector<16xf32>
        %swap3A_626 = arith.index_cast %scan3A_122 : i32 to index
        %swap3A_627 = arith.constant 608 : index
        %swap3A_628 = tpu.vector_load %arg9[%swap3A_626, %swap3A_627] {strides = array<i32>} : memref<16x1024xf32, #tpu.memory_space<vmem>>, vector<16xf32>,
        tpu.vector_store %arg9[%swap3A_626, %swap3A_627], %add3A_625 {strides = array<i32>} : memref<16x1024xf32, #tpu.memory_space<vmem>>, vector<16xf32>,
        %add3A_629 = arith.addf %add3A_616, %add3A_625 : vector<16xf32>
        %mul3A_630 = arith.mulf %add3A_625, %add3A_625 : vector<16xf32>
        %add3A_631 = arith.addf %add3A_618, %mul3A_630 : vector<16xf32>
        %get3A_632 = arith.index_cast %scan3A_122 : i32 to index
        %get3A_633 = arith.constant 624 : index
        %get3A_634 = tpu.vector_load %arg9[%get3A_632, %get3A_633] {strides = array<i32>} : memref<16x1024xf32, #tpu.memory_space<vmem>>, vector<16xf32>,
        %get3A_635 = arith.index_cast %scan3A_122 : i32 to index
        %get3A_636 = arith.constant 624 : index
        %get3A_637 = tpu.vector_load %arg10[%get3A_635, %get3A_636] {strides = array<i32>} : memref<16x1024xf32, #tpu.memory_space<vmem>>, vector<16xf32>,
        %add3A_638 = arith.addf %get3A_634, %get3A_637 : vector<16xf32>
        %swap3A_639 = arith.index_cast %scan3A_122 : i32 to index
        %swap3A_640 = arith.constant 624 : index
        %swap3A_641 = tpu.vector_load %arg9[%swap3A_639, %swap3A_640] {strides = array<i32>} : memref<16x1024xf32, #tpu.memory_space<vmem>>, vector<16xf32>,
        tpu.vector_store %arg9[%swap3A_639, %swap3A_640], %add3A_638 {strides = array<i32>} : memref<16x1024xf32, #tpu.memory_space<vmem>>, vector<16xf32>,
        %add3A_642 = arith.addf %add3A_629, %add3A_638 : vector<16xf32>
        %mul3A_643 = arith.mulf %add3A_638, %add3A_638 : vector<16xf32>
        %add3A_644 = arith.addf %add3A_631, %mul3A_643 : vector<16xf32>
        %get3A_645 = arith.index_cast %scan3A_122 : i32 to index
        %get3A_646 = arith.constant 640 : index
        %get3A_647 = tpu.vector_load %arg9[%get3A_645, %get3A_646] {strides = array<i32>} : memref<16x1024xf32, #tpu.memory_space<vmem>>, vector<16xf32>,
        %get3A_648 = arith.index_cast %scan3A_122 : i32 to index
        %get3A_649 = arith.constant 640 : index
        %get3A_650 = tpu.vector_load %arg10[%get3A_648, %get3A_649] {strides = array<i32>} : memref<16x1024xf32, #tpu.memory_space<vmem>>, vector<16xf32>,
        %add3A_651 = arith.addf %get3A_647, %get3A_650 : vector<16xf32>
        %swap3A_652 = arith.index_cast %scan3A_122 : i32 to index
        %swap3A_653 = arith.constant 640 : index
        %swap3A_654 = tpu.vector_load %arg9[%swap3A_652, %swap3A_653] {strides = array<i32>} : memref<16x1024xf32, #tpu.memory_space<vmem>>, vector<16xf32>,
        tpu.vector_store %arg9[%swap3A_652, %swap3A_653], %add3A_651 {strides = array<i32>} : memref<16x1024xf32, #tpu.memory_space<vmem>>, vector<16xf32>,
        %add3A_655 = arith.addf %add3A_642, %add3A_651 : vector<16xf32>
        %mul3A_656 = arith.mulf %add3A_651, %add3A_651 : vector<16xf32>
        %add3A_657 = arith.addf %add3A_644, %mul3A_656 : vector<16xf32>
        %get3A_658 = arith.index_cast %scan3A_122 : i32 to index
        %get3A_659 = arith.constant 656 : index
        %get3A_660 = tpu.vector_load %arg9[%get3A_658, %get3A_659] {strides = array<i32>} : memref<16x1024xf32, #tpu.memory_space<vmem>>, vector<16xf32>,
        %get3A_661 = arith.index_cast %scan3A_122 : i32 to index
        %get3A_662 = arith.constant 656 : index
        %get3A_663 = tpu.vector_load %arg10[%get3A_661, %get3A_662] {strides = array<i32>} : memref<16x1024xf32, #tpu.memory_space<vmem>>, vector<16xf32>,
        %add3A_664 = arith.addf %get3A_660, %get3A_663 : vector<16xf32>
        %swap3A_665 = arith.index_cast %scan3A_122 : i32 to index
        %swap3A_666 = arith.constant 656 : index
        %swap3A_667 = tpu.vector_load %arg9[%swap3A_665, %swap3A_666] {strides = array<i32>} : memref<16x1024xf32, #tpu.memory_space<vmem>>, vector<16xf32>,
        tpu.vector_store %arg9[%swap3A_665, %swap3A_666], %add3A_664 {strides = array<i32>} : memref<16x1024xf32, #tpu.memory_space<vmem>>, vector<16xf32>,
        %add3A_668 = arith.addf %add3A_655, %add3A_664 : vector<16xf32>
        %mul3A_669 = arith.mulf %add3A_664, %add3A_664 : vector<16xf32>
        %add3A_670 = arith.addf %add3A_657, %mul3A_669 : vector<16xf32>
        %get3A_671 = arith.index_cast %scan3A_122 : i32 to index
        %get3A_672 = arith.constant 672 : index
        %get3A_673 = tpu.vector_load %arg9[%get3A_671, %get3A_672] {strides = array<i32>} : memref<16x1024xf32, #tpu.memory_space<vmem>>, vector<16xf32>,
        %get3A_674 = arith.index_cast %scan3A_122 : i32 to index
        %get3A_675 = arith.constant 672 : index
        %get3A_676 = tpu.vector_load %arg10[%get3A_674, %get3A_675] {strides = array<i32>} : memref<16x1024xf32, #tpu.memory_space<vmem>>, vector<16xf32>,
        %add3A_677 = arith.addf %get3A_673, %get3A_676 : vector<16xf32>
        %swap3A_678 = arith.index_cast %scan3A_122 : i32 to index
        %swap3A_679 = arith.constant 672 : index
        %swap3A_680 = tpu.vector_load %arg9[%swap3A_678, %swap3A_679] {strides = array<i32>} : memref<16x1024xf32, #tpu.memory_space<vmem>>, vector<16xf32>,
        tpu.vector_store %arg9[%swap3A_678, %swap3A_679], %add3A_677 {strides = array<i32>} : memref<16x1024xf32, #tpu.memory_space<vmem>>, vector<16xf32>,
        %add3A_681 = arith.addf %add3A_668, %add3A_677 : vector<16xf32>
        %mul3A_682 = arith.mulf %add3A_677, %add3A_677 : vector<16xf32>
        %add3A_683 = arith.addf %add3A_670, %mul3A_682 : vector<16xf32>
        %get3A_684 = arith.index_cast %scan3A_122 : i32 to index
        %get3A_685 = arith.constant 688 : index
        %get3A_686 = tpu.vector_load %arg9[%get3A_684, %get3A_685] {strides = array<i32>} : memref<16x1024xf32, #tpu.memory_space<vmem>>, vector<16xf32>,
        %get3A_687 = arith.index_cast %scan3A_122 : i32 to index
        %get3A_688 = arith.constant 688 : index
        %get3A_689 = tpu.vector_load %arg10[%get3A_687, %get3A_688] {strides = array<i32>} : memref<16x1024xf32, #tpu.memory_space<vmem>>, vector<16xf32>,
        %add3A_690 = arith.addf %get3A_686, %get3A_689 : vector<16xf32>
        %swap3A_691 = arith.index_cast %scan3A_122 : i32 to index
        %swap3A_692 = arith.constant 688 : index
        %swap3A_693 = tpu.vector_load %arg9[%swap3A_691, %swap3A_692] {strides = array<i32>} : memref<16x1024xf32, #tpu.memory_space<vmem>>, vector<16xf32>,
        tpu.vector_store %arg9[%swap3A_691, %swap3A_692], %add3A_690 {strides = array<i32>} : memref<16x1024xf32, #tpu.memory_space<vmem>>, vector<16xf32>,
        %add3A_694 = arith.addf %add3A_681, %add3A_690 : vector<16xf32>
        %mul3A_695 = arith.mulf %add3A_690, %add3A_690 : vector<16xf32>
        %add3A_696 = arith.addf %add3A_683, %mul3A_695 : vector<16xf32>
        %get3A_697 = arith.index_cast %scan3A_122 : i32 to index
        %get3A_698 = arith.constant 704 : index
        %get3A_699 = tpu.vector_load %arg9[%get3A_697, %get3A_698] {strides = array<i32>} : memref<16x1024xf32, #tpu.memory_space<vmem>>, vector<16xf32>,
        %get3A_700 = arith.index_cast %scan3A_122 : i32 to index
        %get3A_701 = arith.constant 704 : index
        %get3A_702 = tpu.vector_load %arg10[%get3A_700, %get3A_701] {strides = array<i32>} : memref<16x1024xf32, #tpu.memory_space<vmem>>, vector<16xf32>,
        %add3A_703 = arith.addf %get3A_699, %get3A_702 : vector<16xf32>
        %swap3A_704 = arith.index_cast %scan3A_122 : i32 to index
        %swap3A_705 = arith.constant 704 : index
        %swap3A_706 = tpu.vector_load %arg9[%swap3A_704, %swap3A_705] {strides = array<i32>} : memref<16x1024xf32, #tpu.memory_space<vmem>>, vector<16xf32>,
        tpu.vector_store %arg9[%swap3A_704, %swap3A_705], %add3A_703 {strides = array<i32>} : memref<16x1024xf32, #tpu.memory_space<vmem>>, vector<16xf32>,
        %add3A_707 = arith.addf %add3A_694, %add3A_703 : vector<16xf32>
        %mul3A_708 = arith.mulf %add3A_703, %add3A_703 : vector<16xf32>
        %add3A_709 = arith.addf %add3A_696, %mul3A_708 : vector<16xf32>
        %get3A_710 = arith.index_cast %scan3A_122 : i32 to index
        %get3A_711 = arith.constant 720 : index
        %get3A_712 = tpu.vector_load %arg9[%get3A_710, %get3A_711] {strides = array<i32>} : memref<16x1024xf32, #tpu.memory_space<vmem>>, vector<16xf32>,
        %get3A_713 = arith.index_cast %scan3A_122 : i32 to index
        %get3A_714 = arith.constant 720 : index
        %get3A_715 = tpu.vector_load %arg10[%get3A_713, %get3A_714] {strides = array<i32>} : memref<16x1024xf32, #tpu.memory_space<vmem>>, vector<16xf32>,
        %add3A_716 = arith.addf %get3A_712, %get3A_715 : vector<16xf32>
        %swap3A_717 = arith.index_cast %scan3A_122 : i32 to index
        %swap3A_718 = arith.constant 720 : index
        %swap3A_719 = tpu.vector_load %arg9[%swap3A_717, %swap3A_718] {strides = array<i32>} : memref<16x1024xf32, #tpu.memory_space<vmem>>, vector<16xf32>,
        tpu.vector_store %arg9[%swap3A_717, %swap3A_718], %add3A_716 {strides = array<i32>} : memref<16x1024xf32, #tpu.memory_space<vmem>>, vector<16xf32>,
        %add3A_720 = arith.addf %add3A_707, %add3A_716 : vector<16xf32>
        %mul3A_721 = arith.mulf %add3A_716, %add3A_716 : vector<16xf32>
        %add3A_722 = arith.addf %add3A_709, %mul3A_721 : vector<16xf32>
        %get3A_723 = arith.index_cast %scan3A_122 : i32 to index
        %get3A_724 = arith.constant 736 : index
        %get3A_725 = tpu.vector_load %arg9[%get3A_723, %get3A_724] {strides = array<i32>} : memref<16x1024xf32, #tpu.memory_space<vmem>>, vector<16xf32>,
        %get3A_726 = arith.index_cast %scan3A_122 : i32 to index
        %get3A_727 = arith.constant 736 : index
        %get3A_728 = tpu.vector_load %arg10[%get3A_726, %get3A_727] {strides = array<i32>} : memref<16x1024xf32, #tpu.memory_space<vmem>>, vector<16xf32>,
        %add3A_729 = arith.addf %get3A_725, %get3A_728 : vector<16xf32>
        %swap3A_730 = arith.index_cast %scan3A_122 : i32 to index
        %swap3A_731 = arith.constant 736 : index
        %swap3A_732 = tpu.vector_load %arg9[%swap3A_730, %swap3A_731] {strides = array<i32>} : memref<16x1024xf32, #tpu.memory_space<vmem>>, vector<16xf32>,
        tpu.vector_store %arg9[%swap3A_730, %swap3A_731], %add3A_729 {strides = array<i32>} : memref<16x1024xf32, #tpu.memory_space<vmem>>, vector<16xf32>,
        %add3A_733 = arith.addf %add3A_720, %add3A_729 : vector<16xf32>
        %mul3A_734 = arith.mulf %add3A_729, %add3A_729 : vector<16xf32>
        %add3A_735 = arith.addf %add3A_722, %mul3A_734 : vector<16xf32>
        %get3A_736 = arith.index_cast %scan3A_122 : i32 to index
        %get3A_737 = arith.constant 752 : index
        %get3A_738 = tpu.vector_load %arg9[%get3A_736, %get3A_737] {strides = array<i32>} : memref<16x1024xf32, #tpu.memory_space<vmem>>, vector<16xf32>,
        %get3A_739 = arith.index_cast %scan3A_122 : i32 to index
        %get3A_740 = arith.constant 752 : index
        %get3A_741 = tpu.vector_load %arg10[%get3A_739, %get3A_740] {strides = array<i32>} : memref<16x1024xf32, #tpu.memory_space<vmem>>, vector<16xf32>,
        %add3A_742 = arith.addf %get3A_738, %get3A_741 : vector<16xf32>
        %swap3A_743 = arith.index_cast %scan3A_122 : i32 to index
        %swap3A_744 = arith.constant 752 : index
        %swap3A_745 = tpu.vector_load %arg9[%swap3A_743, %swap3A_744] {strides = array<i32>} : memref<16x1024xf32, #tpu.memory_space<vmem>>, vector<16xf32>,
        tpu.vector_store %arg9[%swap3A_743, %swap3A_744], %add3A_742 {strides = array<i32>} : memref<16x1024xf32, #tpu.memory_space<vmem>>, vector<16xf32>,
        %add3A_746 = arith.addf %add3A_733, %add3A_742 : vector<16xf32>
        %mul3A_747 = arith.mulf %add3A_742, %add3A_742 : vector<16xf32>
        %add3A_748 = arith.addf %add3A_735, %mul3A_747 : vector<16xf32>
        %get3A_749 = arith.index_cast %scan3A_122 : i32 to index
        %get3A_750 = arith.constant 768 : index
        %get3A_751 = tpu.vector_load %arg9[%get3A_749, %get3A_750] {strides = array<i32>} : memref<16x1024xf32, #tpu.memory_space<vmem>>, vector<16xf32>,
        %get3A_752 = arith.index_cast %scan3A_122 : i32 to index
        %get3A_753 = arith.constant 768 : index
        %get3A_754 = tpu.vector_load %arg10[%get3A_752, %get3A_753] {strides = array<i32>} : memref<16x1024xf32, #tpu.memory_space<vmem>>, vector<16xf32>,
        %add3A_755 = arith.addf %get3A_751, %get3A_754 : vector<16xf32>
        %swap3A_756 = arith.index_cast %scan3A_122 : i32 to index
        %swap3A_757 = arith.constant 768 : index
        %swap3A_758 = tpu.vector_load %arg9[%swap3A_756, %swap3A_757] {strides = array<i32>} : memref<16x1024xf32, #tpu.memory_space<vmem>>, vector<16xf32>,
        tpu.vector_store %arg9[%swap3A_756, %swap3A_757], %add3A_755 {strides = array<i32>} : memref<16x1024xf32, #tpu.memory_space<vmem>>, vector<16xf32>,
        %add3A_759 = arith.addf %add3A_746, %add3A_755 : vector<16xf32>
        %mul3A_760 = arith.mulf %add3A_755, %add3A_755 : vector<16xf32>
        %add3A_761 = arith.addf %add3A_748, %mul3A_760 : vector<16xf32>
        %get3A_762 = arith.index_cast %scan3A_122 : i32 to index
        %get3A_763 = arith.constant 784 : index
        %get3A_764 = tpu.vector_load %arg9[%get3A_762, %get3A_763] {strides = array<i32>} : memref<16x1024xf32, #tpu.memory_space<vmem>>, vector<16xf32>,
        %get3A_765 = arith.index_cast %scan3A_122 : i32 to index
        %get3A_766 = arith.constant 784 : index
        %get3A_767 = tpu.vector_load %arg10[%get3A_765, %get3A_766] {strides = array<i32>} : memref<16x1024xf32, #tpu.memory_space<vmem>>, vector<16xf32>,
        %add3A_768 = arith.addf %get3A_764, %get3A_767 : vector<16xf32>
        %swap3A_769 = arith.index_cast %scan3A_122 : i32 to index
        %swap3A_770 = arith.constant 784 : index
        %swap3A_771 = tpu.vector_load %arg9[%swap3A_769, %swap3A_770] {strides = array<i32>} : memref<16x1024xf32, #tpu.memory_space<vmem>>, vector<16xf32>,
        tpu.vector_store %arg9[%swap3A_769, %swap3A_770], %add3A_768 {strides = array<i32>} : memref<16x1024xf32, #tpu.memory_space<vmem>>, vector<16xf32>,
        %add3A_772 = arith.addf %add3A_759, %add3A_768 : vector<16xf32>
        %mul3A_773 = arith.mulf %add3A_768, %add3A_768 : vector<16xf32>
        %add3A_774 = arith.addf %add3A_761, %mul3A_773 : vector<16xf32>
        %get3A_775 = arith.index_cast %scan3A_122 : i32 to index
        %get3A_776 = arith.constant 800 : index
        %get3A_777 = tpu.vector_load %arg9[%get3A_775, %get3A_776] {strides = array<i32>} : memref<16x1024xf32, #tpu.memory_space<vmem>>, vector<16xf32>,
        %get3A_778 = arith.index_cast %scan3A_122 : i32 to index
        %get3A_779 = arith.constant 800 : index
        %get3A_780 = tpu.vector_load %arg10[%get3A_778, %get3A_779] {strides = array<i32>} : memref<16x1024xf32, #tpu.memory_space<vmem>>, vector<16xf32>,
        %add3A_781 = arith.addf %get3A_777, %get3A_780 : vector<16xf32>
        %swap3A_782 = arith.index_cast %scan3A_122 : i32 to index
        %swap3A_783 = arith.constant 800 : index
        %swap3A_784 = tpu.vector_load %arg9[%swap3A_782, %swap3A_783] {strides = array<i32>} : memref<16x1024xf32, #tpu.memory_space<vmem>>, vector<16xf32>,
        tpu.vector_store %arg9[%swap3A_782, %swap3A_783], %add3A_781 {strides = array<i32>} : memref<16x1024xf32, #tpu.memory_space<vmem>>, vector<16xf32>,
        %add3A_785 = arith.addf %add3A_772, %add3A_781 : vector<16xf32>
        %mul3A_786 = arith.mulf %add3A_781, %add3A_781 : vector<16xf32>
        %add3A_787 = arith.addf %add3A_774, %mul3A_786 : vector<16xf32>
        %get3A_788 = arith.index_cast %scan3A_122 : i32 to index
        %get3A_789 = arith.constant 816 : index
        %get3A_790 = tpu.vector_load %arg9[%get3A_788, %get3A_789] {strides = array<i32>} : memref<16x1024xf32, #tpu.memory_space<vmem>>, vector<16xf32>,
        %get3A_791 = arith.index_cast %scan3A_122 : i32 to index
        %get3A_792 = arith.constant 816 : index
        %get3A_793 = tpu.vector_load %arg10[%get3A_791, %get3A_792] {strides = array<i32>} : memref<16x1024xf32, #tpu.memory_space<vmem>>, vector<16xf32>,
        %add3A_794 = arith.addf %get3A_790, %get3A_793 : vector<16xf32>
        %swap3A_795 = arith.index_cast %scan3A_122 : i32 to index
        %swap3A_796 = arith.constant 816 : index
        %swap3A_797 = tpu.vector_load %arg9[%swap3A_795, %swap3A_796] {strides = array<i32>} : memref<16x1024xf32, #tpu.memory_space<vmem>>, vector<16xf32>,
        tpu.vector_store %arg9[%swap3A_795, %swap3A_796], %add3A_794 {strides = array<i32>} : memref<16x1024xf32, #tpu.memory_space<vmem>>, vector<16xf32>,
        %add3A_798 = arith.addf %add3A_785, %add3A_794 : vector<16xf32>
        %mul3A_799 = arith.mulf %add3A_794, %add3A_794 : vector<16xf32>
        %add3A_800 = arith.addf %add3A_787, %mul3A_799 : vector<16xf32>
        %get3A_801 = arith.index_cast %scan3A_122 : i32 to index
        %get3A_802 = arith.constant 832 : index
        %get3A_803 = tpu.vector_load %arg9[%get3A_801, %get3A_802] {strides = array<i32>} : memref<16x1024xf32, #tpu.memory_space<vmem>>, vector<16xf32>,
        %get3A_804 = arith.index_cast %scan3A_122 : i32 to index
        %get3A_805 = arith.constant 832 : index
        %get3A_806 = tpu.vector_load %arg10[%get3A_804, %get3A_805] {strides = array<i32>} : memref<16x1024xf32, #tpu.memory_space<vmem>>, vector<16xf32>,
        %add3A_807 = arith.addf %get3A_803, %get3A_806 : vector<16xf32>
        %swap3A_808 = arith.index_cast %scan3A_122 : i32 to index
        %swap3A_809 = arith.constant 832 : index
        %swap3A_810 = tpu.vector_load %arg9[%swap3A_808, %swap3A_809] {strides = array<i32>} : memref<16x1024xf32, #tpu.memory_space<vmem>>, vector<16xf32>,
        tpu.vector_store %arg9[%swap3A_808, %swap3A_809], %add3A_807 {strides = array<i32>} : memref<16x1024xf32, #tpu.memory_space<vmem>>, vector<16xf32>,
        %add3A_811 = arith.addf %add3A_798, %add3A_807 : vector<16xf32>
        %mul3A_812 = arith.mulf %add3A_807, %add3A_807 : vector<16xf32>
        %add3A_813 = arith.addf %add3A_800, %mul3A_812 : vector<16xf32>
        %get3A_814 = arith.index_cast %scan3A_122 : i32 to index
        %get3A_815 = arith.constant 848 : index
        %get3A_816 = tpu.vector_load %arg9[%get3A_814, %get3A_815] {strides = array<i32>} : memref<16x1024xf32, #tpu.memory_space<vmem>>, vector<16xf32>,
        %get3A_817 = arith.index_cast %scan3A_122 : i32 to index
        %get3A_818 = arith.constant 848 : index
        %get3A_819 = tpu.vector_load %arg10[%get3A_817, %get3A_818] {strides = array<i32>} : memref<16x1024xf32, #tpu.memory_space<vmem>>, vector<16xf32>,
        %add3A_820 = arith.addf %get3A_816, %get3A_819 : vector<16xf32>
        %swap3A_821 = arith.index_cast %scan3A_122 : i32 to index
        %swap3A_822 = arith.constant 848 : index
        %swap3A_823 = tpu.vector_load %arg9[%swap3A_821, %swap3A_822] {strides = array<i32>} : memref<16x1024xf32, #tpu.memory_space<vmem>>, vector<16xf32>,
        tpu.vector_store %arg9[%swap3A_821, %swap3A_822], %add3A_820 {strides = array<i32>} : memref<16x1024xf32, #tpu.memory_space<vmem>>, vector<16xf32>,
        %add3A_824 = arith.addf %add3A_811, %add3A_820 : vector<16xf32>
        %mul3A_825 = arith.mulf %add3A_820, %add3A_820 : vector<16xf32>
        %add3A_826 = arith.addf %add3A_813, %mul3A_825 : vector<16xf32>
        %get3A_827 = arith.index_cast %scan3A_122 : i32 to index
        %get3A_828 = arith.constant 864 : index
        %get3A_829 = tpu.vector_load %arg9[%get3A_827, %get3A_828] {strides = array<i32>} : memref<16x1024xf32, #tpu.memory_space<vmem>>, vector<16xf32>,
        %get3A_830 = arith.index_cast %scan3A_122 : i32 to index
        %get3A_831 = arith.constant 864 : index
        %get3A_832 = tpu.vector_load %arg10[%get3A_830, %get3A_831] {strides = array<i32>} : memref<16x1024xf32, #tpu.memory_space<vmem>>, vector<16xf32>,
        %add3A_833 = arith.addf %get3A_829, %get3A_832 : vector<16xf32>
        %swap3A_834 = arith.index_cast %scan3A_122 : i32 to index
        %swap3A_835 = arith.constant 864 : index
        %swap3A_836 = tpu.vector_load %arg9[%swap3A_834, %swap3A_835] {strides = array<i32>} : memref<16x1024xf32, #tpu.memory_space<vmem>>, vector<16xf32>,
        tpu.vector_store %arg9[%swap3A_834, %swap3A_835], %add3A_833 {strides = array<i32>} : memref<16x1024xf32, #tpu.memory_space<vmem>>, vector<16xf32>,
        %add3A_837 = arith.addf %add3A_824, %add3A_833 : vector<16xf32>
        %mul3A_838 = arith.mulf %add3A_833, %add3A_833 : vector<16xf32>
        %add3A_839 = arith.addf %add3A_826, %mul3A_838 : vector<16xf32>
        %get3A_840 = arith.index_cast %scan3A_122 : i32 to index
        %get3A_841 = arith.constant 880 : index
        %get3A_842 = tpu.vector_load %arg9[%get3A_840, %get3A_841] {strides = array<i32>} : memref<16x1024xf32, #tpu.memory_space<vmem>>, vector<16xf32>,
        %get3A_843 = arith.index_cast %scan3A_122 : i32 to index
        %get3A_844 = arith.constant 880 : index
        %get3A_845 = tpu.vector_load %arg10[%get3A_843, %get3A_844] {strides = array<i32>} : memref<16x1024xf32, #tpu.memory_space<vmem>>, vector<16xf32>,
        %add3A_846 = arith.addf %get3A_842, %get3A_845 : vector<16xf32>
        %swap3A_847 = arith.index_cast %scan3A_122 : i32 to index
        %swap3A_848 = arith.constant 880 : index
        %swap3A_849 = tpu.vector_load %arg9[%swap3A_847, %swap3A_848] {strides = array<i32>} : memref<16x1024xf32, #tpu.memory_space<vmem>>, vector<16xf32>,
        tpu.vector_store %arg9[%swap3A_847, %swap3A_848], %add3A_846 {strides = array<i32>} : memref<16x1024xf32, #tpu.memory_space<vmem>>, vector<16xf32>,
        %add3A_850 = arith.addf %add3A_837, %add3A_846 : vector<16xf32>
        %mul3A_851 = arith.mulf %add3A_846, %add3A_846 : vector<16xf32>
        %add3A_852 = arith.addf %add3A_839, %mul3A_851 : vector<16xf32>
        %get3A_853 = arith.index_cast %scan3A_122 : i32 to index
        %get3A_854 = arith.constant 896 : index
        %get3A_855 = tpu.vector_load %arg9[%get3A_853, %get3A_854] {strides = array<i32>} : memref<16x1024xf32, #tpu.memory_space<vmem>>, vector<16xf32>,
        %get3A_856 = arith.index_cast %scan3A_122 : i32 to index
        %get3A_857 = arith.constant 896 : index
        %get3A_858 = tpu.vector_load %arg10[%get3A_856, %get3A_857] {strides = array<i32>} : memref<16x1024xf32, #tpu.memory_space<vmem>>, vector<16xf32>,
        %add3A_859 = arith.addf %get3A_855, %get3A_858 : vector<16xf32>
        %swap3A_860 = arith.index_cast %scan3A_122 : i32 to index
        %swap3A_861 = arith.constant 896 : index
        %swap3A_862 = tpu.vector_load %arg9[%swap3A_860, %swap3A_861] {strides = array<i32>} : memref<16x1024xf32, #tpu.memory_space<vmem>>, vector<16xf32>,
        tpu.vector_store %arg9[%swap3A_860, %swap3A_861], %add3A_859 {strides = array<i32>} : memref<16x1024xf32, #tpu.memory_space<vmem>>, vector<16xf32>,
        %add3A_863 = arith.addf %add3A_850, %add3A_859 : vector<16xf32>
        %mul3A_864 = arith.mulf %add3A_859, %add3A_859 : vector<16xf32>
        %add3A_865 = arith.addf %add3A_852, %mul3A_864 : vector<16xf32>
        %get3A_866 = arith.index_cast %scan3A_122 : i32 to index
        %get3A_867 = arith.constant 912 : index
        %get3A_868 = tpu.vector_load %arg9[%get3A_866, %get3A_867] {strides = array<i32>} : memref<16x1024xf32, #tpu.memory_space<vmem>>, vector<16xf32>,
        %get3A_869 = arith.index_cast %scan3A_122 : i32 to index
        %get3A_870 = arith.constant 912 : index
        %get3A_871 = tpu.vector_load %arg10[%get3A_869, %get3A_870] {strides = array<i32>} : memref<16x1024xf32, #tpu.memory_space<vmem>>, vector<16xf32>,
        %add3A_872 = arith.addf %get3A_868, %get3A_871 : vector<16xf32>
        %swap3A_873 = arith.index_cast %scan3A_122 : i32 to index
        %swap3A_874 = arith.constant 912 : index
        %swap3A_875 = tpu.vector_load %arg9[%swap3A_873, %swap3A_874] {strides = array<i32>} : memref<16x1024xf32, #tpu.memory_space<vmem>>, vector<16xf32>,
        tpu.vector_store %arg9[%swap3A_873, %swap3A_874], %add3A_872 {strides = array<i32>} : memref<16x1024xf32, #tpu.memory_space<vmem>>, vector<16xf32>,
        %add3A_876 = arith.addf %add3A_863, %add3A_872 : vector<16xf32>
        %mul3A_877 = arith.mulf %add3A_872, %add3A_872 : vector<16xf32>
        %add3A_878 = arith.addf %add3A_865, %mul3A_877 : vector<16xf32>
        %get3A_879 = arith.index_cast %scan3A_122 : i32 to index
        %get3A_880 = arith.constant 928 : index
        %get3A_881 = tpu.vector_load %arg9[%get3A_879, %get3A_880] {strides = array<i32>} : memref<16x1024xf32, #tpu.memory_space<vmem>>, vector<16xf32>,
        %get3A_882 = arith.index_cast %scan3A_122 : i32 to index
        %get3A_883 = arith.constant 928 : index
        %get3A_884 = tpu.vector_load %arg10[%get3A_882, %get3A_883] {strides = array<i32>} : memref<16x1024xf32, #tpu.memory_space<vmem>>, vector<16xf32>,
        %add3A_885 = arith.addf %get3A_881, %get3A_884 : vector<16xf32>
        %swap3A_886 = arith.index_cast %scan3A_122 : i32 to index
        %swap3A_887 = arith.constant 928 : index
        %swap3A_888 = tpu.vector_load %arg9[%swap3A_886, %swap3A_887] {strides = array<i32>} : memref<16x1024xf32, #tpu.memory_space<vmem>>, vector<16xf32>,
        tpu.vector_store %arg9[%swap3A_886, %swap3A_887], %add3A_885 {strides = array<i32>} : memref<16x1024xf32, #tpu.memory_space<vmem>>, vector<16xf32>,
        %add3A_889 = arith.addf %add3A_876, %add3A_885 : vector<16xf32>
        %mul3A_890 = arith.mulf %add3A_885, %add3A_885 : vector<16xf32>
        %add3A_891 = arith.addf %add3A_878, %mul3A_890 : vector<16xf32>
        %get3A_892 = arith.index_cast %scan3A_122 : i32 to index
        %get3A_893 = arith.constant 944 : index
        %get3A_894 = tpu.vector_load %arg9[%get3A_892, %get3A_893] {strides = array<i32>} : memref<16x1024xf32, #tpu.memory_space<vmem>>, vector<16xf32>,
        %get3A_895 = arith.index_cast %scan3A_122 : i32 to index
        %get3A_896 = arith.constant 944 : index
        %get3A_897 = tpu.vector_load %arg10[%get3A_895, %get3A_896] {strides = array<i32>} : memref<16x1024xf32, #tpu.memory_space<vmem>>, vector<16xf32>,
        %add3A_898 = arith.addf %get3A_894, %get3A_897 : vector<16xf32>
        %swap3A_899 = arith.index_cast %scan3A_122 : i32 to index
        %swap3A_900 = arith.constant 944 : index
        %swap3A_901 = tpu.vector_load %arg9[%swap3A_899, %swap3A_900] {strides = array<i32>} : memref<16x1024xf32, #tpu.memory_space<vmem>>, vector<16xf32>,
        tpu.vector_store %arg9[%swap3A_899, %swap3A_900], %add3A_898 {strides = array<i32>} : memref<16x1024xf32, #tpu.memory_space<vmem>>, vector<16xf32>,
        %add3A_902 = arith.addf %add3A_889, %add3A_898 : vector<16xf32>
        %mul3A_903 = arith.mulf %add3A_898, %add3A_898 : vector<16xf32>
        %add3A_904 = arith.addf %add3A_891, %mul3A_903 : vector<16xf32>
        %get3A_905 = arith.index_cast %scan3A_122 : i32 to index
        %get3A_906 = arith.constant 960 : index
        %get3A_907 = tpu.vector_load %arg9[%get3A_905, %get3A_906] {strides = array<i32>} : memref<16x1024xf32, #tpu.memory_space<vmem>>, vector<16xf32>,
        %get3A_908 = arith.index_cast %scan3A_122 : i32 to index
        %get3A_909 = arith.constant 960 : index
        %get3A_910 = tpu.vector_load %arg10[%get3A_908, %get3A_909] {strides = array<i32>} : memref<16x1024xf32, #tpu.memory_space<vmem>>, vector<16xf32>,
        %add3A_911 = arith.addf %get3A_907, %get3A_910 : vector<16xf32>
        %swap3A_912 = arith.index_cast %scan3A_122 : i32 to index
        %swap3A_913 = arith.constant 960 : index
        %swap3A_914 = tpu.vector_load %arg9[%swap3A_912, %swap3A_913] {strides = array<i32>} : memref<16x1024xf32, #tpu.memory_space<vmem>>, vector<16xf32>,
        tpu.vector_store %arg9[%swap3A_912, %swap3A_913], %add3A_911 {strides = array<i32>} : memref<16x1024xf32, #tpu.memory_space<vmem>>, vector<16xf32>,
        %add3A_915 = arith.addf %add3A_902, %add3A_911 : vector<16xf32>
        %mul3A_916 = arith.mulf %add3A_911, %add3A_911 : vector<16xf32>
        %add3A_917 = arith.addf %add3A_904, %mul3A_916 : vector<16xf32>
        %get3A_918 = arith.index_cast %scan3A_122 : i32 to index
        %get3A_919 = arith.constant 976 : index
        %get3A_920 = tpu.vector_load %arg9[%get3A_918, %get3A_919] {strides = array<i32>} : memref<16x1024xf32, #tpu.memory_space<vmem>>, vector<16xf32>,
        %get3A_921 = arith.index_cast %scan3A_122 : i32 to index
        %get3A_922 = arith.constant 976 : index
        %get3A_923 = tpu.vector_load %arg10[%get3A_921, %get3A_922] {strides = array<i32>} : memref<16x1024xf32, #tpu.memory_space<vmem>>, vector<16xf32>,
        %add3A_924 = arith.addf %get3A_920, %get3A_923 : vector<16xf32>
        %swap3A_925 = arith.index_cast %scan3A_122 : i32 to index
        %swap3A_926 = arith.constant 976 : index
        %swap3A_927 = tpu.vector_load %arg9[%swap3A_925, %swap3A_926] {strides = array<i32>} : memref<16x1024xf32, #tpu.memory_space<vmem>>, vector<16xf32>,
        tpu.vector_store %arg9[%swap3A_925, %swap3A_926], %add3A_924 {strides = array<i32>} : memref<16x1024xf32, #tpu.memory_space<vmem>>, vector<16xf32>,
        %add3A_928 = arith.addf %add3A_915, %add3A_924 : vector<16xf32>
        %mul3A_929 = arith.mulf %add3A_924, %add3A_924 : vector<16xf32>
        %add3A_930 = arith.addf %add3A_917, %mul3A_929 : vector<16xf32>
        %get3A_931 = arith.index_cast %scan3A_122 : i32 to index
        %get3A_932 = arith.constant 992 : index
        %get3A_933 = tpu.vector_load %arg9[%get3A_931, %get3A_932] {strides = array<i32>} : memref<16x1024xf32, #tpu.memory_space<vmem>>, vector<16xf32>,
        %get3A_934 = arith.index_cast %scan3A_122 : i32 to index
        %get3A_935 = arith.constant 992 : index
        %get3A_936 = tpu.vector_load %arg10[%get3A_934, %get3A_935] {strides = array<i32>} : memref<16x1024xf32, #tpu.memory_space<vmem>>, vector<16xf32>,
        %add3A_937 = arith.addf %get3A_933, %get3A_936 : vector<16xf32>
        %swap3A_938 = arith.index_cast %scan3A_122 : i32 to index
        %swap3A_939 = arith.constant 992 : index
        %swap3A_940 = tpu.vector_load %arg9[%swap3A_938, %swap3A_939] {strides = array<i32>} : memref<16x1024xf32, #tpu.memory_space<vmem>>, vector<16xf32>,
        tpu.vector_store %arg9[%swap3A_938, %swap3A_939], %add3A_937 {strides = array<i32>} : memref<16x1024xf32, #tpu.memory_space<vmem>>, vector<16xf32>,
        %add3A_941 = arith.addf %add3A_928, %add3A_937 : vector<16xf32>
        %mul3A_942 = arith.mulf %add3A_937, %add3A_937 : vector<16xf32>
        %add3A_943 = arith.addf %add3A_930, %mul3A_942 : vector<16xf32>
        %get3A_944 = arith.index_cast %scan3A_122 : i32 to index
        %get3A_945 = arith.constant 1008 : index
        %get3A_946 = tpu.vector_load %arg9[%get3A_944, %get3A_945] {strides = array<i32>} : memref<16x1024xf32, #tpu.memory_space<vmem>>, vector<16xf32>,
        %get3A_947 = arith.index_cast %scan3A_122 : i32 to index
        %get3A_948 = arith.constant 1008 : index
        %get3A_949 = tpu.vector_load %arg10[%get3A_947, %get3A_948] {strides = array<i32>} : memref<16x1024xf32, #tpu.memory_space<vmem>>, vector<16xf32>,
        %add3A_950 = arith.addf %get3A_946, %get3A_949 : vector<16xf32>
        %swap3A_951 = arith.index_cast %scan3A_122 : i32 to index
        %swap3A_952 = arith.constant 1008 : index
        %swap3A_953 = tpu.vector_load %arg9[%swap3A_951, %swap3A_952] {strides = array<i32>} : memref<16x1024xf32, #tpu.memory_space<vmem>>, vector<16xf32>,
        tpu.vector_store %arg9[%swap3A_951, %swap3A_952], %add3A_950 {strides = array<i32>} : memref<16x1024xf32, #tpu.memory_space<vmem>>, vector<16xf32>,
        %add3A_954 = arith.addf %add3A_941, %add3A_950 : vector<16xf32>
        %mul3A_955 = arith.mulf %add3A_950, %add3A_950 : vector<16xf32>
        %add3A_956 = arith.addf %add3A_943, %mul3A_955 : vector<16xf32>
        %reduce_sum3A = arith.constant true
        %reduce_sum3A_957 = vector.broadcast %reduce_sum3A : i1 to vector<16xi1>
        %reduce_sum3A_958 = tpu.scan <sum>, %add3A_954 masked %reduce_sum3A_957 : vector<16xf32>, vector<16xi1> -> vector<16xf32>
        %reduce_sum3A_959 = vector.extract %reduce_sum3A_958[15] : f32 from vector<16xf32>
        %mul3A_960 = arith.constant 9.765625E-4 : f32
        %mul3A_961 = arith.mulf %reduce_sum3A_959, %mul3A_960 : f32
        %reduce_sum3A_962 = arith.constant true
        %reduce_sum3A_963 = vector.broadcast %reduce_sum3A_962 : i1 to vector<16xi1>
        %reduce_sum3A_964 = tpu.scan <sum>, %add3A_956 masked %reduce_sum3A_963 : vector<16xf32>, vector<16xi1> -> vector<16xf32>
        %reduce_sum3A_965 = vector.extract %reduce_sum3A_964[15] : f32 from vector<16xf32>
        %mul3A_966 = arith.constant 9.765625E-4 : f32
        %mul3A_967 = arith.mulf %reduce_sum3A_965, %mul3A_966 : f32
        %mul3A_968 = arith.mulf %mul3A_961, %mul3A_961 : f32
        %sub3A = arith.subf %mul3A_967, %mul3A_968 : f32
        %broadcast_in_dim3A_969 = vector.broadcast %mul3A_961 : f32 to vector<16xf32>
        %add3A_970 = arith.constant 9.99999997E-7 : f32
        %add3A_971 = arith.addf %sub3A, %add3A_970 : f32
        %broadcast_in_dim3A_972 = vector.broadcast %add3A_971 : f32 to vector<16xf32>
        %bitcast3A = vector.bitcast %broadcast_in_dim3A_972 : vector<16xf32> to vector<16xi32>
        %shift_right_arithmetic3A = arith.constant 1 : i32
        %shift_right_arithmetic3A_973 = vector.broadcast %shift_right_arithmetic3A : i32 to vector<16xi32>
        %shift_right_arithmetic3A_974 = arith.shrsi %bitcast3A, %shift_right_arithmetic3A_973 : vector<16xi32>
        %sub3A_975 = arith.constant 1597463007 : i32
        %sub3A_976 = vector.broadcast %sub3A_975 : i32 to vector<16xi32>
        %sub3A_977 = arith.subi %sub3A_976, %shift_right_arithmetic3A_974 : vector<16xi32>
        %bitcast3A_978 = vector.bitcast %sub3A_977 : vector<16xi32> to vector<16xf32>
        %mul3A_979 = arith.constant 5.000000e-01 : f32
        %mul3A_980 = vector.broadcast %mul3A_979 : f32 to vector<16xf32>
        %mul3A_981 = arith.mulf %mul3A_980, %broadcast_in_dim3A_972 : vector<16xf32>
        %mul3A_982 = arith.mulf %mul3A_981, %bitcast3A_978 : vector<16xf32>
        %mul3A_983 = arith.mulf %mul3A_982, %bitcast3A_978 : vector<16xf32>
        %sub3A_984 = arith.constant 1.500000e+00 : f32
        %sub3A_985 = vector.broadcast %sub3A_984 : f32 to vector<16xf32>
        %sub3A_986 = arith.subf %sub3A_985, %mul3A_983 : vector<16xf32>
        %mul3A_987 = arith.mulf %bitcast3A_978, %sub3A_986 : vector<16xf32>
        %mul3A_988 = arith.constant 5.000000e-01 : f32
        %mul3A_989 = vector.broadcast %mul3A_988 : f32 to vector<16xf32>
        %mul3A_990 = arith.mulf %mul3A_989, %broadcast_in_dim3A_972 : vector<16xf32>
        %mul3A_991 = arith.mulf %mul3A_990, %mul3A_987 : vector<16xf32>
        %mul3A_992 = arith.mulf %mul3A_991, %mul3A_987 : vector<16xf32>
        %sub3A_993 = arith.constant 1.500000e+00 : f32
        %sub3A_994 = vector.broadcast %sub3A_993 : f32 to vector<16xf32>
        %sub3A_995 = arith.subf %sub3A_994, %mul3A_992 : vector<16xf32>
        %mul3A_996 = arith.mulf %mul3A_987, %sub3A_995 : vector<16xf32>
        %mul3A_997 = arith.constant 5.000000e-01 : f32
        %mul3A_998 = vector.broadcast %mul3A_997 : f32 to vector<16xf32>
        %mul3A_999 = arith.mulf %mul3A_998, %broadcast_in_dim3A_972 : vector<16xf32>
        %mul3A_1000 = arith.mulf %mul3A_999, %mul3A_996 : vector<16xf32>
        %mul3A_1001 = arith.mulf %mul3A_1000, %mul3A_996 : vector<16xf32>
        %sub3A_1002 = arith.constant 1.500000e+00 : f32
        %sub3A_1003 = vector.broadcast %sub3A_1002 : f32 to vector<16xf32>
        %sub3A_1004 = arith.subf %sub3A_1003, %mul3A_1001 : vector<16xf32>
        %mul3A_1005 = arith.mulf %mul3A_996, %sub3A_1004 : vector<16xf32>
        %get3A_1006 = arith.index_cast %scan3A_122 : i32 to index
        %get3A_1007 = arith.constant 0 : index
        %get3A_1008 = tpu.vector_load %arg9[%get3A_1006, %get3A_1007] {strides = array<i32>} : memref<16x1024xf32, #tpu.memory_space<vmem>>, vector<16xf32>,
        %sub3A_1009 = arith.subf %get3A_1008, %broadcast_in_dim3A_969 : vector<16xf32>
        %mul3A_1010 = arith.mulf %sub3A_1009, %mul3A_1005 : vector<16xf32>
        %get3A_1011 = arith.constant 0 : index
        %get3A_1012 = tpu.vector_load %arg11[%get3A_1011] {strides = array<i32>} : memref<1024xf32, #tpu.memory_space<vmem>>, vector<16xf32>,
        %mul3A_1013 = arith.mulf %mul3A_1010, %get3A_1012 : vector<16xf32>
        %get3A_1014 = arith.constant 0 : index
        %get3A_1015 = tpu.vector_load %arg12[%get3A_1014] {strides = array<i32>} : memref<1024xf32, #tpu.memory_space<vmem>>, vector<16xf32>,
        %add3A_1016 = arith.addf %mul3A_1013, %get3A_1015 : vector<16xf32>
        %swap3A_1017 = arith.index_cast %scan3A_122 : i32 to index
        %swap3A_1018 = arith.constant 0 : index
        %swap3A_1019 = tpu.vector_load %arg9[%swap3A_1017, %swap3A_1018] {strides = array<i32>} : memref<16x1024xf32, #tpu.memory_space<vmem>>, vector<16xf32>,
        tpu.vector_store %arg9[%swap3A_1017, %swap3A_1018], %add3A_1016 {strides = array<i32>} : memref<16x1024xf32, #tpu.memory_space<vmem>>, vector<16xf32>,
        %get3A_1020 = arith.index_cast %scan3A_122 : i32 to index
        %get3A_1021 = arith.constant 16 : index
        %get3A_1022 = tpu.vector_load %arg9[%get3A_1020, %get3A_1021] {strides = array<i32>} : memref<16x1024xf32, #tpu.memory_space<vmem>>, vector<16xf32>,
        %sub3A_1023 = arith.subf %get3A_1022, %broadcast_in_dim3A_969 : vector<16xf32>
        %mul3A_1024 = arith.mulf %sub3A_1023, %mul3A_1005 : vector<16xf32>
        %get3A_1025 = arith.constant 16 : index
        %get3A_1026 = tpu.vector_load %arg11[%get3A_1025] {strides = array<i32>} : memref<1024xf32, #tpu.memory_space<vmem>>, vector<16xf32>,
        %mul3A_1027 = arith.mulf %mul3A_1024, %get3A_1026 : vector<16xf32>
        %get3A_1028 = arith.constant 16 : index
        %get3A_1029 = tpu.vector_load %arg12[%get3A_1028] {strides = array<i32>} : memref<1024xf32, #tpu.memory_space<vmem>>, vector<16xf32>,
        %add3A_1030 = arith.addf %mul3A_1027, %get3A_1029 : vector<16xf32>
        %swap3A_1031 = arith.index_cast %scan3A_122 : i32 to index
        %swap3A_1032 = arith.constant 16 : index
        %swap3A_1033 = tpu.vector_load %arg9[%swap3A_1031, %swap3A_1032] {strides = array<i32>} : memref<16x1024xf32, #tpu.memory_space<vmem>>, vector<16xf32>,
        tpu.vector_store %arg9[%swap3A_1031, %swap3A_1032], %add3A_1030 {strides = array<i32>} : memref<16x1024xf32, #tpu.memory_space<vmem>>, vector<16xf32>,
        %get3A_1034 = arith.index_cast %scan3A_122 : i32 to index
        %get3A_1035 = arith.constant 32 : index
        %get3A_1036 = tpu.vector_load %arg9[%get3A_1034, %get3A_1035] {strides = array<i32>} : memref<16x1024xf32, #tpu.memory_space<vmem>>, vector<16xf32>,
        %sub3A_1037 = arith.subf %get3A_1036, %broadcast_in_dim3A_969 : vector<16xf32>
        %mul3A_1038 = arith.mulf %sub3A_1037, %mul3A_1005 : vector<16xf32>
        %get3A_1039 = arith.constant 32 : index
        %get3A_1040 = tpu.vector_load %arg11[%get3A_1039] {strides = array<i32>} : memref<1024xf32, #tpu.memory_space<vmem>>, vector<16xf32>,
        %mul3A_1041 = arith.mulf %mul3A_1038, %get3A_1040 : vector<16xf32>
        %get3A_1042 = arith.constant 32 : index
        %get3A_1043 = tpu.vector_load %arg12[%get3A_1042] {strides = array<i32>} : memref<1024xf32, #tpu.memory_space<vmem>>, vector<16xf32>,
        %add3A_1044 = arith.addf %mul3A_1041, %get3A_1043 : vector<16xf32>
        %swap3A_1045 = arith.index_cast %scan3A_122 : i32 to index
        %swap3A_1046 = arith.constant 32 : index
        %swap3A_1047 = tpu.vector_load %arg9[%swap3A_1045, %swap3A_1046] {strides = array<i32>} : memref<16x1024xf32, #tpu.memory_space<vmem>>, vector<16xf32>,
        tpu.vector_store %arg9[%swap3A_1045, %swap3A_1046], %add3A_1044 {strides = array<i32>} : memref<16x1024xf32, #tpu.memory_space<vmem>>, vector<16xf32>,
        %get3A_1048 = arith.index_cast %scan3A_122 : i32 to index
        %get3A_1049 = arith.constant 48 : index
        %get3A_1050 = tpu.vector_load %arg9[%get3A_1048, %get3A_1049] {strides = array<i32>} : memref<16x1024xf32, #tpu.memory_space<vmem>>, vector<16xf32>,
        %sub3A_1051 = arith.subf %get3A_1050, %broadcast_in_dim3A_969 : vector<16xf32>
        %mul3A_1052 = arith.mulf %sub3A_1051, %mul3A_1005 : vector<16xf32>
        %get3A_1053 = arith.constant 48 : index
        %get3A_1054 = tpu.vector_load %arg11[%get3A_1053] {strides = array<i32>} : memref<1024xf32, #tpu.memory_space<vmem>>, vector<16xf32>,
        %mul3A_1055 = arith.mulf %mul3A_1052, %get3A_1054 : vector<16xf32>
        %get3A_1056 = arith.constant 48 : index
        %get3A_1057 = tpu.vector_load %arg12[%get3A_1056] {strides = array<i32>} : memref<1024xf32, #tpu.memory_space<vmem>>, vector<16xf32>,
        %add3A_1058 = arith.addf %mul3A_1055, %get3A_1057 : vector<16xf32>
        %swap3A_1059 = arith.index_cast %scan3A_122 : i32 to index
        %swap3A_1060 = arith.constant 48 : index
        %swap3A_1061 = tpu.vector_load %arg9[%swap3A_1059, %swap3A_1060] {strides = array<i32>} : memref<16x1024xf32, #tpu.memory_space<vmem>>, vector<16xf32>,
        tpu.vector_store %arg9[%swap3A_1059, %swap3A_1060], %add3A_1058 {strides = array<i32>} : memref<16x1024xf32, #tpu.memory_space<vmem>>, vector<16xf32>,
        %get3A_1062 = arith.index_cast %scan3A_122 : i32 to index
        %get3A_1063 = arith.constant 64 : index
        %get3A_1064 = tpu.vector_load %arg9[%get3A_1062, %get3A_1063] {strides = array<i32>} : memref<16x1024xf32, #tpu.memory_space<vmem>>, vector<16xf32>,
        %sub3A_1065 = arith.subf %get3A_1064, %broadcast_in_dim3A_969 : vector<16xf32>
        %mul3A_1066 = arith.mulf %sub3A_1065, %mul3A_1005 : vector<16xf32>
        %get3A_1067 = arith.constant 64 : index
        %get3A_1068 = tpu.vector_load %arg11[%get3A_1067] {strides = array<i32>} : memref<1024xf32, #tpu.memory_space<vmem>>, vector<16xf32>,
        %mul3A_1069 = arith.mulf %mul3A_1066, %get3A_1068 : vector<16xf32>
        %get3A_1070 = arith.constant 64 : index
        %get3A_1071 = tpu.vector_load %arg12[%get3A_1070] {strides = array<i32>} : memref<1024xf32, #tpu.memory_space<vmem>>, vector<16xf32>,
        %add3A_1072 = arith.addf %mul3A_1069, %get3A_1071 : vector<16xf32>
        %swap3A_1073 = arith.index_cast %scan3A_122 : i32 to index
        %swap3A_1074 = arith.constant 64 : index
        %swap3A_1075 = tpu.vector_load %arg9[%swap3A_1073, %swap3A_1074] {strides = array<i32>} : memref<16x1024xf32, #tpu.memory_space<vmem>>, vector<16xf32>,
        tpu.vector_store %arg9[%swap3A_1073, %swap3A_1074], %add3A_1072 {strides = array<i32>} : memref<16x1024xf32, #tpu.memory_space<vmem>>, vector<16xf32>,
        %get3A_1076 = arith.index_cast %scan3A_122 : i32 to index
        %get3A_1077 = arith.constant 80 : index
        %get3A_1078 = tpu.vector_load %arg9[%get3A_1076, %get3A_1077] {strides = array<i32>} : memref<16x1024xf32, #tpu.memory_space<vmem>>, vector<16xf32>,
        %sub3A_1079 = arith.subf %get3A_1078, %broadcast_in_dim3A_969 : vector<16xf32>
        %mul3A_1080 = arith.mulf %sub3A_1079, %mul3A_1005 : vector<16xf32>
        %get3A_1081 = arith.constant 80 : index
        %get3A_1082 = tpu.vector_load %arg11[%get3A_1081] {strides = array<i32>} : memref<1024xf32, #tpu.memory_space<vmem>>, vector<16xf32>,
        %mul3A_1083 = arith.mulf %mul3A_1080, %get3A_1082 : vector<16xf32>
        %get3A_1084 = arith.constant 80 : index
        %get3A_1085 = tpu.vector_load %arg12[%get3A_1084] {strides = array<i32>} : memref<1024xf32, #tpu.memory_space<vmem>>, vector<16xf32>,
        %add3A_1086 = arith.addf %mul3A_1083, %get3A_1085 : vector<16xf32>
        %swap3A_1087 = arith.index_cast %scan3A_122 : i32 to index
        %swap3A_1088 = arith.constant 80 : index
        %swap3A_1089 = tpu.vector_load %arg9[%swap3A_1087, %swap3A_1088] {strides = array<i32>} : memref<16x1024xf32, #tpu.memory_space<vmem>>, vector<16xf32>,
        tpu.vector_store %arg9[%swap3A_1087, %swap3A_1088], %add3A_1086 {strides = array<i32>} : memref<16x1024xf32, #tpu.memory_space<vmem>>, vector<16xf32>,
        %get3A_1090 = arith.index_cast %scan3A_122 : i32 to index
        %get3A_1091 = arith.constant 96 : index
        %get3A_1092 = tpu.vector_load %arg9[%get3A_1090, %get3A_1091] {strides = array<i32>} : memref<16x1024xf32, #tpu.memory_space<vmem>>, vector<16xf32>,
        %sub3A_1093 = arith.subf %get3A_1092, %broadcast_in_dim3A_969 : vector<16xf32>
        %mul3A_1094 = arith.mulf %sub3A_1093, %mul3A_1005 : vector<16xf32>
        %get3A_1095 = arith.constant 96 : index
        %get3A_1096 = tpu.vector_load %arg11[%get3A_1095] {strides = array<i32>} : memref<1024xf32, #tpu.memory_space<vmem>>, vector<16xf32>,
        %mul3A_1097 = arith.mulf %mul3A_1094, %get3A_1096 : vector<16xf32>
        %get3A_1098 = arith.constant 96 : index
        %get3A_1099 = tpu.vector_load %arg12[%get3A_1098] {strides = array<i32>} : memref<1024xf32, #tpu.memory_space<vmem>>, vector<16xf32>,
        %add3A_1100 = arith.addf %mul3A_1097, %get3A_1099 : vector<16xf32>
        %swap3A_1101 = arith.index_cast %scan3A_122 : i32 to index
        %swap3A_1102 = arith.constant 96 : index
        %swap3A_1103 = tpu.vector_load %arg9[%swap3A_1101, %swap3A_1102] {strides = array<i32>} : memref<16x1024xf32, #tpu.memory_space<vmem>>, vector<16xf32>,
        tpu.vector_store %arg9[%swap3A_1101, %swap3A_1102], %add3A_1100 {strides = array<i32>} : memref<16x1024xf32, #tpu.memory_space<vmem>>, vector<16xf32>,
        %get3A_1104 = arith.index_cast %scan3A_122 : i32 to index
        %get3A_1105 = arith.constant 112 : index
        %get3A_1106 = tpu.vector_load %arg9[%get3A_1104, %get3A_1105] {strides = array<i32>} : memref<16x1024xf32, #tpu.memory_space<vmem>>, vector<16xf32>,
        %sub3A_1107 = arith.subf %get3A_1106, %broadcast_in_dim3A_969 : vector<16xf32>
        %mul3A_1108 = arith.mulf %sub3A_1107, %mul3A_1005 : vector<16xf32>
        %get3A_1109 = arith.constant 112 : index
        %get3A_1110 = tpu.vector_load %arg11[%get3A_1109] {strides = array<i32>} : memref<1024xf32, #tpu.memory_space<vmem>>, vector<16xf32>,
        %mul3A_1111 = arith.mulf %mul3A_1108, %get3A_1110 : vector<16xf32>
        %get3A_1112 = arith.constant 112 : index
        %get3A_1113 = tpu.vector_load %arg12[%get3A_1112] {strides = array<i32>} : memref<1024xf32, #tpu.memory_space<vmem>>, vector<16xf32>,
        %add3A_1114 = arith.addf %mul3A_1111, %get3A_1113 : vector<16xf32>
        %swap3A_1115 = arith.index_cast %scan3A_122 : i32 to index
        %swap3A_1116 = arith.constant 112 : index
        %swap3A_1117 = tpu.vector_load %arg9[%swap3A_1115, %swap3A_1116] {strides = array<i32>} : memref<16x1024xf32, #tpu.memory_space<vmem>>, vector<16xf32>,
        tpu.vector_store %arg9[%swap3A_1115, %swap3A_1116], %add3A_1114 {strides = array<i32>} : memref<16x1024xf32, #tpu.memory_space<vmem>>, vector<16xf32>,
        %get3A_1118 = arith.index_cast %scan3A_122 : i32 to index
        %get3A_1119 = arith.constant 128 : index
        %get3A_1120 = tpu.vector_load %arg9[%get3A_1118, %get3A_1119] {strides = array<i32>} : memref<16x1024xf32, #tpu.memory_space<vmem>>, vector<16xf32>,
        %sub3A_1121 = arith.subf %get3A_1120, %broadcast_in_dim3A_969 : vector<16xf32>
        %mul3A_1122 = arith.mulf %sub3A_1121, %mul3A_1005 : vector<16xf32>
        %get3A_1123 = arith.constant 128 : index
        %get3A_1124 = tpu.vector_load %arg11[%get3A_1123] {strides = array<i32>} : memref<1024xf32, #tpu.memory_space<vmem>>, vector<16xf32>,
        %mul3A_1125 = arith.mulf %mul3A_1122, %get3A_1124 : vector<16xf32>
        %get3A_1126 = arith.constant 128 : index
        %get3A_1127 = tpu.vector_load %arg12[%get3A_1126] {strides = array<i32>} : memref<1024xf32, #tpu.memory_space<vmem>>, vector<16xf32>,
        %add3A_1128 = arith.addf %mul3A_1125, %get3A_1127 : vector<16xf32>
        %swap3A_1129 = arith.index_cast %scan3A_122 : i32 to index
        %swap3A_1130 = arith.constant 128 : index
        %swap3A_1131 = tpu.vector_load %arg9[%swap3A_1129, %swap3A_1130] {strides = array<i32>} : memref<16x1024xf32, #tpu.memory_space<vmem>>, vector<16xf32>,
        tpu.vector_store %arg9[%swap3A_1129, %swap3A_1130], %add3A_1128 {strides = array<i32>} : memref<16x1024xf32, #tpu.memory_space<vmem>>, vector<16xf32>,
        %get3A_1132 = arith.index_cast %scan3A_122 : i32 to index
        %get3A_1133 = arith.constant 144 : index
        %get3A_1134 = tpu.vector_load %arg9[%get3A_1132, %get3A_1133] {strides = array<i32>} : memref<16x1024xf32, #tpu.memory_space<vmem>>, vector<16xf32>,
        %sub3A_1135 = arith.subf %get3A_1134, %broadcast_in_dim3A_969 : vector<16xf32>
        %mul3A_1136 = arith.mulf %sub3A_1135, %mul3A_1005 : vector<16xf32>
        %get3A_1137 = arith.constant 144 : index
        %get3A_1138 = tpu.vector_load %arg11[%get3A_1137] {strides = array<i32>} : memref<1024xf32, #tpu.memory_space<vmem>>, vector<16xf32>,
        %mul3A_1139 = arith.mulf %mul3A_1136, %get3A_1138 : vector<16xf32>
        %get3A_1140 = arith.constant 144 : index
        %get3A_1141 = tpu.vector_load %arg12[%get3A_1140] {strides = array<i32>} : memref<1024xf32, #tpu.memory_space<vmem>>, vector<16xf32>,
        %add3A_1142 = arith.addf %mul3A_1139, %get3A_1141 : vector<16xf32>
        %swap3A_1143 = arith.index_cast %scan3A_122 : i32 to index
        %swap3A_1144 = arith.constant 144 : index
        %swap3A_1145 = tpu.vector_load %arg9[%swap3A_1143, %swap3A_1144] {strides = array<i32>} : memref<16x1024xf32, #tpu.memory_space<vmem>>, vector<16xf32>,
        tpu.vector_store %arg9[%swap3A_1143, %swap3A_1144], %add3A_1142 {strides = array<i32>} : memref<16x1024xf32, #tpu.memory_space<vmem>>, vector<16xf32>,
        %get3A_1146 = arith.index_cast %scan3A_122 : i32 to index
        %get3A_1147 = arith.constant 160 : index
        %get3A_1148 = tpu.vector_load %arg9[%get3A_1146, %get3A_1147] {strides = array<i32>} : memref<16x1024xf32, #tpu.memory_space<vmem>>, vector<16xf32>,
        %sub3A_1149 = arith.subf %get3A_1148, %broadcast_in_dim3A_969 : vector<16xf32>
        %mul3A_1150 = arith.mulf %sub3A_1149, %mul3A_1005 : vector<16xf32>
        %get3A_1151 = arith.constant 160 : index
        %get3A_1152 = tpu.vector_load %arg11[%get3A_1151] {strides = array<i32>} : memref<1024xf32, #tpu.memory_space<vmem>>, vector<16xf32>,
        %mul3A_1153 = arith.mulf %mul3A_1150, %get3A_1152 : vector<16xf32>
        %get3A_1154 = arith.constant 160 : index
        %get3A_1155 = tpu.vector_load %arg12[%get3A_1154] {strides = array<i32>} : memref<1024xf32, #tpu.memory_space<vmem>>, vector<16xf32>,
        %add3A_1156 = arith.addf %mul3A_1153, %get3A_1155 : vector<16xf32>
        %swap3A_1157 = arith.index_cast %scan3A_122 : i32 to index
        %swap3A_1158 = arith.constant 160 : index
        %swap3A_1159 = tpu.vector_load %arg9[%swap3A_1157, %swap3A_1158] {strides = array<i32>} : memref<16x1024xf32, #tpu.memory_space<vmem>>, vector<16xf32>,
        tpu.vector_store %arg9[%swap3A_1157, %swap3A_1158], %add3A_1156 {strides = array<i32>} : memref<16x1024xf32, #tpu.memory_space<vmem>>, vector<16xf32>,
        %get3A_1160 = arith.index_cast %scan3A_122 : i32 to index
        %get3A_1161 = arith.constant 176 : index
        %get3A_1162 = tpu.vector_load %arg9[%get3A_1160, %get3A_1161] {strides = array<i32>} : memref<16x1024xf32, #tpu.memory_space<vmem>>, vector<16xf32>,
        %sub3A_1163 = arith.subf %get3A_1162, %broadcast_in_dim3A_969 : vector<16xf32>
        %mul3A_1164 = arith.mulf %sub3A_1163, %mul3A_1005 : vector<16xf32>
        %get3A_1165 = arith.constant 176 : index
        %get3A_1166 = tpu.vector_load %arg11[%get3A_1165] {strides = array<i32>} : memref<1024xf32, #tpu.memory_space<vmem>>, vector<16xf32>,
        %mul3A_1167 = arith.mulf %mul3A_1164, %get3A_1166 : vector<16xf32>
        %get3A_1168 = arith.constant 176 : index
        %get3A_1169 = tpu.vector_load %arg12[%get3A_1168] {strides = array<i32>} : memref<1024xf32, #tpu.memory_space<vmem>>, vector<16xf32>,
        %add3A_1170 = arith.addf %mul3A_1167, %get3A_1169 : vector<16xf32>
        %swap3A_1171 = arith.index_cast %scan3A_122 : i32 to index
        %swap3A_1172 = arith.constant 176 : index
        %swap3A_1173 = tpu.vector_load %arg9[%swap3A_1171, %swap3A_1172] {strides = array<i32>} : memref<16x1024xf32, #tpu.memory_space<vmem>>, vector<16xf32>,
        tpu.vector_store %arg9[%swap3A_1171, %swap3A_1172], %add3A_1170 {strides = array<i32>} : memref<16x1024xf32, #tpu.memory_space<vmem>>, vector<16xf32>,
        %get3A_1174 = arith.index_cast %scan3A_122 : i32 to index
        %get3A_1175 = arith.constant 192 : index
        %get3A_1176 = tpu.vector_load %arg9[%get3A_1174, %get3A_1175] {strides = array<i32>} : memref<16x1024xf32, #tpu.memory_space<vmem>>, vector<16xf32>,
        %sub3A_1177 = arith.subf %get3A_1176, %broadcast_in_dim3A_969 : vector<16xf32>
        %mul3A_1178 = arith.mulf %sub3A_1177, %mul3A_1005 : vector<16xf32>
        %get3A_1179 = arith.constant 192 : index
        %get3A_1180 = tpu.vector_load %arg11[%get3A_1179] {strides = array<i32>} : memref<1024xf32, #tpu.memory_space<vmem>>, vector<16xf32>,
        %mul3A_1181 = arith.mulf %mul3A_1178, %get3A_1180 : vector<16xf32>
        %get3A_1182 = arith.constant 192 : index
        %get3A_1183 = tpu.vector_load %arg12[%get3A_1182] {strides = array<i32>} : memref<1024xf32, #tpu.memory_space<vmem>>, vector<16xf32>,
        %add3A_1184 = arith.addf %mul3A_1181, %get3A_1183 : vector<16xf32>
        %swap3A_1185 = arith.index_cast %scan3A_122 : i32 to index
        %swap3A_1186 = arith.constant 192 : index
        %swap3A_1187 = tpu.vector_load %arg9[%swap3A_1185, %swap3A_1186] {strides = array<i32>} : memref<16x1024xf32, #tpu.memory_space<vmem>>, vector<16xf32>,
        tpu.vector_store %arg9[%swap3A_1185, %swap3A_1186], %add3A_1184 {strides = array<i32>} : memref<16x1024xf32, #tpu.memory_space<vmem>>, vector<16xf32>,
        %get3A_1188 = arith.index_cast %scan3A_122 : i32 to index
        %get3A_1189 = arith.constant 208 : index
        %get3A_1190 = tpu.vector_load %arg9[%get3A_1188, %get3A_1189] {strides = array<i32>} : memref<16x1024xf32, #tpu.memory_space<vmem>>, vector<16xf32>,
        %sub3A_1191 = arith.subf %get3A_1190, %broadcast_in_dim3A_969 : vector<16xf32>
        %mul3A_1192 = arith.mulf %sub3A_1191, %mul3A_1005 : vector<16xf32>
        %get3A_1193 = arith.constant 208 : index
        %get3A_1194 = tpu.vector_load %arg11[%get3A_1193] {strides = array<i32>} : memref<1024xf32, #tpu.memory_space<vmem>>, vector<16xf32>,
        %mul3A_1195 = arith.mulf %mul3A_1192, %get3A_1194 : vector<16xf32>
        %get3A_1196 = arith.constant 208 : index
        %get3A_1197 = tpu.vector_load %arg12[%get3A_1196] {strides = array<i32>} : memref<1024xf32, #tpu.memory_space<vmem>>, vector<16xf32>,
        %add3A_1198 = arith.addf %mul3A_1195, %get3A_1197 : vector<16xf32>
        %swap3A_1199 = arith.index_cast %scan3A_122 : i32 to index
        %swap3A_1200 = arith.constant 208 : index
        %swap3A_1201 = tpu.vector_load %arg9[%swap3A_1199, %swap3A_1200] {strides = array<i32>} : memref<16x1024xf32, #tpu.memory_space<vmem>>, vector<16xf32>,
        tpu.vector_store %arg9[%swap3A_1199, %swap3A_1200], %add3A_1198 {strides = array<i32>} : memref<16x1024xf32, #tpu.memory_space<vmem>>, vector<16xf32>,
        %get3A_1202 = arith.index_cast %scan3A_122 : i32 to index
        %get3A_1203 = arith.constant 224 : index
        %get3A_1204 = tpu.vector_load %arg9[%get3A_1202, %get3A_1203] {strides = array<i32>} : memref<16x1024xf32, #tpu.memory_space<vmem>>, vector<16xf32>,
        %sub3A_1205 = arith.subf %get3A_1204, %broadcast_in_dim3A_969 : vector<16xf32>
        %mul3A_1206 = arith.mulf %sub3A_1205, %mul3A_1005 : vector<16xf32>
        %get3A_1207 = arith.constant 224 : index
        %get3A_1208 = tpu.vector_load %arg11[%get3A_1207] {strides = array<i32>} : memref<1024xf32, #tpu.memory_space<vmem>>, vector<16xf32>,
        %mul3A_1209 = arith.mulf %mul3A_1206, %get3A_1208 : vector<16xf32>
        %get3A_1210 = arith.constant 224 : index
        %get3A_1211 = tpu.vector_load %arg12[%get3A_1210] {strides = array<i32>} : memref<1024xf32, #tpu.memory_space<vmem>>, vector<16xf32>,
        %add3A_1212 = arith.addf %mul3A_1209, %get3A_1211 : vector<16xf32>
        %swap3A_1213 = arith.index_cast %scan3A_122 : i32 to index
        %swap3A_1214 = arith.constant 224 : index
        %swap3A_1215 = tpu.vector_load %arg9[%swap3A_1213, %swap3A_1214] {strides = array<i32>} : memref<16x1024xf32, #tpu.memory_space<vmem>>, vector<16xf32>,
        tpu.vector_store %arg9[%swap3A_1213, %swap3A_1214], %add3A_1212 {strides = array<i32>} : memref<16x1024xf32, #tpu.memory_space<vmem>>, vector<16xf32>,
        %get3A_1216 = arith.index_cast %scan3A_122 : i32 to index
        %get3A_1217 = arith.constant 240 : index
        %get3A_1218 = tpu.vector_load %arg9[%get3A_1216, %get3A_1217] {strides = array<i32>} : memref<16x1024xf32, #tpu.memory_space<vmem>>, vector<16xf32>,
        %sub3A_1219 = arith.subf %get3A_1218, %broadcast_in_dim3A_969 : vector<16xf32>
        %mul3A_1220 = arith.mulf %sub3A_1219, %mul3A_1005 : vector<16xf32>
        %get3A_1221 = arith.constant 240 : index
        %get3A_1222 = tpu.vector_load %arg11[%get3A_1221] {strides = array<i32>} : memref<1024xf32, #tpu.memory_space<vmem>>, vector<16xf32>,
        %mul3A_1223 = arith.mulf %mul3A_1220, %get3A_1222 : vector<16xf32>
        %get3A_1224 = arith.constant 240 : index
        %get3A_1225 = tpu.vector_load %arg12[%get3A_1224] {strides = array<i32>} : memref<1024xf32, #tpu.memory_space<vmem>>, vector<16xf32>,
        %add3A_1226 = arith.addf %mul3A_1223, %get3A_1225 : vector<16xf32>
        %swap3A_1227 = arith.index_cast %scan3A_122 : i32 to index
        %swap3A_1228 = arith.constant 240 : index
        %swap3A_1229 = tpu.vector_load %arg9[%swap3A_1227, %swap3A_1228] {strides = array<i32>} : memref<16x1024xf32, #tpu.memory_space<vmem>>, vector<16xf32>,
        tpu.vector_store %arg9[%swap3A_1227, %swap3A_1228], %add3A_1226 {strides = array<i32>} : memref<16x1024xf32, #tpu.memory_space<vmem>>, vector<16xf32>,
        %get3A_1230 = arith.index_cast %scan3A_122 : i32 to index
        %get3A_1231 = arith.constant 256 : index
        %get3A_1232 = tpu.vector_load %arg9[%get3A_1230, %get3A_1231] {strides = array<i32>} : memref<16x1024xf32, #tpu.memory_space<vmem>>, vector<16xf32>,
        %sub3A_1233 = arith.subf %get3A_1232, %broadcast_in_dim3A_969 : vector<16xf32>
        %mul3A_1234 = arith.mulf %sub3A_1233, %mul3A_1005 : vector<16xf32>
        %get3A_1235 = arith.constant 256 : index
        %get3A_1236 = tpu.vector_load %arg11[%get3A_1235] {strides = array<i32>} : memref<1024xf32, #tpu.memory_space<vmem>>, vector<16xf32>,
        %mul3A_1237 = arith.mulf %mul3A_1234, %get3A_1236 : vector<16xf32>
        %get3A_1238 = arith.constant 256 : index
        %get3A_1239 = tpu.vector_load %arg12[%get3A_1238] {strides = array<i32>} : memref<1024xf32, #tpu.memory_space<vmem>>, vector<16xf32>,
        %add3A_1240 = arith.addf %mul3A_1237, %get3A_1239 : vector<16xf32>
        %swap3A_1241 = arith.index_cast %scan3A_122 : i32 to index
        %swap3A_1242 = arith.constant 256 : index
        %swap3A_1243 = tpu.vector_load %arg9[%swap3A_1241, %swap3A_1242] {strides = array<i32>} : memref<16x1024xf32, #tpu.memory_space<vmem>>, vector<16xf32>,
        tpu.vector_store %arg9[%swap3A_1241, %swap3A_1242], %add3A_1240 {strides = array<i32>} : memref<16x1024xf32, #tpu.memory_space<vmem>>, vector<16xf32>,
        %get3A_1244 = arith.index_cast %scan3A_122 : i32 to index
        %get3A_1245 = arith.constant 272 : index
        %get3A_1246 = tpu.vector_load %arg9[%get3A_1244, %get3A_1245] {strides = array<i32>} : memref<16x1024xf32, #tpu.memory_space<vmem>>, vector<16xf32>,
        %sub3A_1247 = arith.subf %get3A_1246, %broadcast_in_dim3A_969 : vector<16xf32>
        %mul3A_1248 = arith.mulf %sub3A_1247, %mul3A_1005 : vector<16xf32>
        %get3A_1249 = arith.constant 272 : index
        %get3A_1250 = tpu.vector_load %arg11[%get3A_1249] {strides = array<i32>} : memref<1024xf32, #tpu.memory_space<vmem>>, vector<16xf32>,
        %mul3A_1251 = arith.mulf %mul3A_1248, %get3A_1250 : vector<16xf32>
        %get3A_1252 = arith.constant 272 : index
        %get3A_1253 = tpu.vector_load %arg12[%get3A_1252] {strides = array<i32>} : memref<1024xf32, #tpu.memory_space<vmem>>, vector<16xf32>,
        %add3A_1254 = arith.addf %mul3A_1251, %get3A_1253 : vector<16xf32>
        %swap3A_1255 = arith.index_cast %scan3A_122 : i32 to index
        %swap3A_1256 = arith.constant 272 : index
        %swap3A_1257 = tpu.vector_load %arg9[%swap3A_1255, %swap3A_1256] {strides = array<i32>} : memref<16x1024xf32, #tpu.memory_space<vmem>>, vector<16xf32>,
        tpu.vector_store %arg9[%swap3A_1255, %swap3A_1256], %add3A_1254 {strides = array<i32>} : memref<16x1024xf32, #tpu.memory_space<vmem>>, vector<16xf32>,
        %get3A_1258 = arith.index_cast %scan3A_122 : i32 to index
        %get3A_1259 = arith.constant 288 : index
        %get3A_1260 = tpu.vector_load %arg9[%get3A_1258, %get3A_1259] {strides = array<i32>} : memref<16x1024xf32, #tpu.memory_space<vmem>>, vector<16xf32>,
        %sub3A_1261 = arith.subf %get3A_1260, %broadcast_in_dim3A_969 : vector<16xf32>
        %mul3A_1262 = arith.mulf %sub3A_1261, %mul3A_1005 : vector<16xf32>
        %get3A_1263 = arith.constant 288 : index
        %get3A_1264 = tpu.vector_load %arg11[%get3A_1263] {strides = array<i32>} : memref<1024xf32, #tpu.memory_space<vmem>>, vector<16xf32>,
        %mul3A_1265 = arith.mulf %mul3A_1262, %get3A_1264 : vector<16xf32>
        %get3A_1266 = arith.constant 288 : index
        %get3A_1267 = tpu.vector_load %arg12[%get3A_1266] {strides = array<i32>} : memref<1024xf32, #tpu.memory_space<vmem>>, vector<16xf32>,
        %add3A_1268 = arith.addf %mul3A_1265, %get3A_1267 : vector<16xf32>
        %swap3A_1269 = arith.index_cast %scan3A_122 : i32 to index
        %swap3A_1270 = arith.constant 288 : index
        %swap3A_1271 = tpu.vector_load %arg9[%swap3A_1269, %swap3A_1270] {strides = array<i32>} : memref<16x1024xf32, #tpu.memory_space<vmem>>, vector<16xf32>,
        tpu.vector_store %arg9[%swap3A_1269, %swap3A_1270], %add3A_1268 {strides = array<i32>} : memref<16x1024xf32, #tpu.memory_space<vmem>>, vector<16xf32>,
        %get3A_1272 = arith.index_cast %scan3A_122 : i32 to index
        %get3A_1273 = arith.constant 304 : index
        %get3A_1274 = tpu.vector_load %arg9[%get3A_1272, %get3A_1273] {strides = array<i32>} : memref<16x1024xf32, #tpu.memory_space<vmem>>, vector<16xf32>,
        %sub3A_1275 = arith.subf %get3A_1274, %broadcast_in_dim3A_969 : vector<16xf32>
        %mul3A_1276 = arith.mulf %sub3A_1275, %mul3A_1005 : vector<16xf32>
        %get3A_1277 = arith.constant 304 : index
        %get3A_1278 = tpu.vector_load %arg11[%get3A_1277] {strides = array<i32>} : memref<1024xf32, #tpu.memory_space<vmem>>, vector<16xf32>,
        %mul3A_1279 = arith.mulf %mul3A_1276, %get3A_1278 : vector<16xf32>
        %get3A_1280 = arith.constant 304 : index
        %get3A_1281 = tpu.vector_load %arg12[%get3A_1280] {strides = array<i32>} : memref<1024xf32, #tpu.memory_space<vmem>>, vector<16xf32>,
        %add3A_1282 = arith.addf %mul3A_1279, %get3A_1281 : vector<16xf32>
        %swap3A_1283 = arith.index_cast %scan3A_122 : i32 to index
        %swap3A_1284 = arith.constant 304 : index
        %swap3A_1285 = tpu.vector_load %arg9[%swap3A_1283, %swap3A_1284] {strides = array<i32>} : memref<16x1024xf32, #tpu.memory_space<vmem>>, vector<16xf32>,
        tpu.vector_store %arg9[%swap3A_1283, %swap3A_1284], %add3A_1282 {strides = array<i32>} : memref<16x1024xf32, #tpu.memory_space<vmem>>, vector<16xf32>,
        %get3A_1286 = arith.index_cast %scan3A_122 : i32 to index
        %get3A_1287 = arith.constant 320 : index
        %get3A_1288 = tpu.vector_load %arg9[%get3A_1286, %get3A_1287] {strides = array<i32>} : memref<16x1024xf32, #tpu.memory_space<vmem>>, vector<16xf32>,
        %sub3A_1289 = arith.subf %get3A_1288, %broadcast_in_dim3A_969 : vector<16xf32>
        %mul3A_1290 = arith.mulf %sub3A_1289, %mul3A_1005 : vector<16xf32>
        %get3A_1291 = arith.constant 320 : index
        %get3A_1292 = tpu.vector_load %arg11[%get3A_1291] {strides = array<i32>} : memref<1024xf32, #tpu.memory_space<vmem>>, vector<16xf32>,
        %mul3A_1293 = arith.mulf %mul3A_1290, %get3A_1292 : vector<16xf32>
        %get3A_1294 = arith.constant 320 : index
        %get3A_1295 = tpu.vector_load %arg12[%get3A_1294] {strides = array<i32>} : memref<1024xf32, #tpu.memory_space<vmem>>, vector<16xf32>,
        %add3A_1296 = arith.addf %mul3A_1293, %get3A_1295 : vector<16xf32>
        %swap3A_1297 = arith.index_cast %scan3A_122 : i32 to index
        %swap3A_1298 = arith.constant 320 : index
        %swap3A_1299 = tpu.vector_load %arg9[%swap3A_1297, %swap3A_1298] {strides = array<i32>} : memref<16x1024xf32, #tpu.memory_space<vmem>>, vector<16xf32>,
        tpu.vector_store %arg9[%swap3A_1297, %swap3A_1298], %add3A_1296 {strides = array<i32>} : memref<16x1024xf32, #tpu.memory_space<vmem>>, vector<16xf32>,
        %get3A_1300 = arith.index_cast %scan3A_122 : i32 to index
        %get3A_1301 = arith.constant 336 : index
        %get3A_1302 = tpu.vector_load %arg9[%get3A_1300, %get3A_1301] {strides = array<i32>} : memref<16x1024xf32, #tpu.memory_space<vmem>>, vector<16xf32>,
        %sub3A_1303 = arith.subf %get3A_1302, %broadcast_in_dim3A_969 : vector<16xf32>
        %mul3A_1304 = arith.mulf %sub3A_1303, %mul3A_1005 : vector<16xf32>
        %get3A_1305 = arith.constant 336 : index
        %get3A_1306 = tpu.vector_load %arg11[%get3A_1305] {strides = array<i32>} : memref<1024xf32, #tpu.memory_space<vmem>>, vector<16xf32>,
        %mul3A_1307 = arith.mulf %mul3A_1304, %get3A_1306 : vector<16xf32>
        %get3A_1308 = arith.constant 336 : index
        %get3A_1309 = tpu.vector_load %arg12[%get3A_1308] {strides = array<i32>} : memref<1024xf32, #tpu.memory_space<vmem>>, vector<16xf32>,
        %add3A_1310 = arith.addf %mul3A_1307, %get3A_1309 : vector<16xf32>
        %swap3A_1311 = arith.index_cast %scan3A_122 : i32 to index
        %swap3A_1312 = arith.constant 336 : index
        %swap3A_1313 = tpu.vector_load %arg9[%swap3A_1311, %swap3A_1312] {strides = array<i32>} : memref<16x1024xf32, #tpu.memory_space<vmem>>, vector<16xf32>,
        tpu.vector_store %arg9[%swap3A_1311, %swap3A_1312], %add3A_1310 {strides = array<i32>} : memref<16x1024xf32, #tpu.memory_space<vmem>>, vector<16xf32>,
        %get3A_1314 = arith.index_cast %scan3A_122 : i32 to index
        %get3A_1315 = arith.constant 352 : index
        %get3A_1316 = tpu.vector_load %arg9[%get3A_1314, %get3A_1315] {strides = array<i32>} : memref<16x1024xf32, #tpu.memory_space<vmem>>, vector<16xf32>,
        %sub3A_1317 = arith.subf %get3A_1316, %broadcast_in_dim3A_969 : vector<16xf32>
        %mul3A_1318 = arith.mulf %sub3A_1317, %mul3A_1005 : vector<16xf32>
        %get3A_1319 = arith.constant 352 : index
        %get3A_1320 = tpu.vector_load %arg11[%get3A_1319] {strides = array<i32>} : memref<1024xf32, #tpu.memory_space<vmem>>, vector<16xf32>,
        %mul3A_1321 = arith.mulf %mul3A_1318, %get3A_1320 : vector<16xf32>
        %get3A_1322 = arith.constant 352 : index
        %get3A_1323 = tpu.vector_load %arg12[%get3A_1322] {strides = array<i32>} : memref<1024xf32, #tpu.memory_space<vmem>>, vector<16xf32>,
        %add3A_1324 = arith.addf %mul3A_1321, %get3A_1323 : vector<16xf32>
        %swap3A_1325 = arith.index_cast %scan3A_122 : i32 to index
        %swap3A_1326 = arith.constant 352 : index
        %swap3A_1327 = tpu.vector_load %arg9[%swap3A_1325, %swap3A_1326] {strides = array<i32>} : memref<16x1024xf32, #tpu.memory_space<vmem>>, vector<16xf32>,
        tpu.vector_store %arg9[%swap3A_1325, %swap3A_1326], %add3A_1324 {strides = array<i32>} : memref<16x1024xf32, #tpu.memory_space<vmem>>, vector<16xf32>,
        %get3A_1328 = arith.index_cast %scan3A_122 : i32 to index
        %get3A_1329 = arith.constant 368 : index
        %get3A_1330 = tpu.vector_load %arg9[%get3A_1328, %get3A_1329] {strides = array<i32>} : memref<16x1024xf32, #tpu.memory_space<vmem>>, vector<16xf32>,
        %sub3A_1331 = arith.subf %get3A_1330, %broadcast_in_dim3A_969 : vector<16xf32>
        %mul3A_1332 = arith.mulf %sub3A_1331, %mul3A_1005 : vector<16xf32>
        %get3A_1333 = arith.constant 368 : index
        %get3A_1334 = tpu.vector_load %arg11[%get3A_1333] {strides = array<i32>} : memref<1024xf32, #tpu.memory_space<vmem>>, vector<16xf32>,
        %mul3A_1335 = arith.mulf %mul3A_1332, %get3A_1334 : vector<16xf32>
        %get3A_1336 = arith.constant 368 : index
        %get3A_1337 = tpu.vector_load %arg12[%get3A_1336] {strides = array<i32>} : memref<1024xf32, #tpu.memory_space<vmem>>, vector<16xf32>,
        %add3A_1338 = arith.addf %mul3A_1335, %get3A_1337 : vector<16xf32>
        %swap3A_1339 = arith.index_cast %scan3A_122 : i32 to index
        %swap3A_1340 = arith.constant 368 : index
        %swap3A_1341 = tpu.vector_load %arg9[%swap3A_1339, %swap3A_1340] {strides = array<i32>} : memref<16x1024xf32, #tpu.memory_space<vmem>>, vector<16xf32>,
        tpu.vector_store %arg9[%swap3A_1339, %swap3A_1340], %add3A_1338 {strides = array<i32>} : memref<16x1024xf32, #tpu.memory_space<vmem>>, vector<16xf32>,
        %get3A_1342 = arith.index_cast %scan3A_122 : i32 to index
        %get3A_1343 = arith.constant 384 : index
        %get3A_1344 = tpu.vector_load %arg9[%get3A_1342, %get3A_1343] {strides = array<i32>} : memref<16x1024xf32, #tpu.memory_space<vmem>>, vector<16xf32>,
        %sub3A_1345 = arith.subf %get3A_1344, %broadcast_in_dim3A_969 : vector<16xf32>
        %mul3A_1346 = arith.mulf %sub3A_1345, %mul3A_1005 : vector<16xf32>
        %get3A_1347 = arith.constant 384 : index
        %get3A_1348 = tpu.vector_load %arg11[%get3A_1347] {strides = array<i32>} : memref<1024xf32, #tpu.memory_space<vmem>>, vector<16xf32>,
        %mul3A_1349 = arith.mulf %mul3A_1346, %get3A_1348 : vector<16xf32>
        %get3A_1350 = arith.constant 384 : index
        %get3A_1351 = tpu.vector_load %arg12[%get3A_1350] {strides = array<i32>} : memref<1024xf32, #tpu.memory_space<vmem>>, vector<16xf32>,
        %add3A_1352 = arith.addf %mul3A_1349, %get3A_1351 : vector<16xf32>
        %swap3A_1353 = arith.index_cast %scan3A_122 : i32 to index
        %swap3A_1354 = arith.constant 384 : index
        %swap3A_1355 = tpu.vector_load %arg9[%swap3A_1353, %swap3A_1354] {strides = array<i32>} : memref<16x1024xf32, #tpu.memory_space<vmem>>, vector<16xf32>,
        tpu.vector_store %arg9[%swap3A_1353, %swap3A_1354], %add3A_1352 {strides = array<i32>} : memref<16x1024xf32, #tpu.memory_space<vmem>>, vector<16xf32>,
        %get3A_1356 = arith.index_cast %scan3A_122 : i32 to index
        %get3A_1357 = arith.constant 400 : index
        %get3A_1358 = tpu.vector_load %arg9[%get3A_1356, %get3A_1357] {strides = array<i32>} : memref<16x1024xf32, #tpu.memory_space<vmem>>, vector<16xf32>,
        %sub3A_1359 = arith.subf %get3A_1358, %broadcast_in_dim3A_969 : vector<16xf32>
        %mul3A_1360 = arith.mulf %sub3A_1359, %mul3A_1005 : vector<16xf32>
        %get3A_1361 = arith.constant 400 : index
        %get3A_1362 = tpu.vector_load %arg11[%get3A_1361] {strides = array<i32>} : memref<1024xf32, #tpu.memory_space<vmem>>, vector<16xf32>,
        %mul3A_1363 = arith.mulf %mul3A_1360, %get3A_1362 : vector<16xf32>
        %get3A_1364 = arith.constant 400 : index
        %get3A_1365 = tpu.vector_load %arg12[%get3A_1364] {strides = array<i32>} : memref<1024xf32, #tpu.memory_space<vmem>>, vector<16xf32>,
        %add3A_1366 = arith.addf %mul3A_1363, %get3A_1365 : vector<16xf32>
        %swap3A_1367 = arith.index_cast %scan3A_122 : i32 to index
        %swap3A_1368 = arith.constant 400 : index
        %swap3A_1369 = tpu.vector_load %arg9[%swap3A_1367, %swap3A_1368] {strides = array<i32>} : memref<16x1024xf32, #tpu.memory_space<vmem>>, vector<16xf32>,
        tpu.vector_store %arg9[%swap3A_1367, %swap3A_1368], %add3A_1366 {strides = array<i32>} : memref<16x1024xf32, #tpu.memory_space<vmem>>, vector<16xf32>,
        %get3A_1370 = arith.index_cast %scan3A_122 : i32 to index
        %get3A_1371 = arith.constant 416 : index
        %get3A_1372 = tpu.vector_load %arg9[%get3A_1370, %get3A_1371] {strides = array<i32>} : memref<16x1024xf32, #tpu.memory_space<vmem>>, vector<16xf32>,
        %sub3A_1373 = arith.subf %get3A_1372, %broadcast_in_dim3A_969 : vector<16xf32>
        %mul3A_1374 = arith.mulf %sub3A_1373, %mul3A_1005 : vector<16xf32>
        %get3A_1375 = arith.constant 416 : index
        %get3A_1376 = tpu.vector_load %arg11[%get3A_1375] {strides = array<i32>} : memref<1024xf32, #tpu.memory_space<vmem>>, vector<16xf32>,
        %mul3A_1377 = arith.mulf %mul3A_1374, %get3A_1376 : vector<16xf32>
        %get3A_1378 = arith.constant 416 : index
        %get3A_1379 = tpu.vector_load %arg12[%get3A_1378] {strides = array<i32>} : memref<1024xf32, #tpu.memory_space<vmem>>, vector<16xf32>,
        %add3A_1380 = arith.addf %mul3A_1377, %get3A_1379 : vector<16xf32>
        %swap3A_1381 = arith.index_cast %scan3A_122 : i32 to index
        %swap3A_1382 = arith.constant 416 : index
        %swap3A_1383 = tpu.vector_load %arg9[%swap3A_1381, %swap3A_1382] {strides = array<i32>} : memref<16x1024xf32, #tpu.memory_space<vmem>>, vector<16xf32>,
        tpu.vector_store %arg9[%swap3A_1381, %swap3A_1382], %add3A_1380 {strides = array<i32>} : memref<16x1024xf32, #tpu.memory_space<vmem>>, vector<16xf32>,
        %get3A_1384 = arith.index_cast %scan3A_122 : i32 to index
        %get3A_1385 = arith.constant 432 : index
        %get3A_1386 = tpu.vector_load %arg9[%get3A_1384, %get3A_1385] {strides = array<i32>} : memref<16x1024xf32, #tpu.memory_space<vmem>>, vector<16xf32>,
        %sub3A_1387 = arith.subf %get3A_1386, %broadcast_in_dim3A_969 : vector<16xf32>
        %mul3A_1388 = arith.mulf %sub3A_1387, %mul3A_1005 : vector<16xf32>
        %get3A_1389 = arith.constant 432 : index
        %get3A_1390 = tpu.vector_load %arg11[%get3A_1389] {strides = array<i32>} : memref<1024xf32, #tpu.memory_space<vmem>>, vector<16xf32>,
        %mul3A_1391 = arith.mulf %mul3A_1388, %get3A_1390 : vector<16xf32>
        %get3A_1392 = arith.constant 432 : index
        %get3A_1393 = tpu.vector_load %arg12[%get3A_1392] {strides = array<i32>} : memref<1024xf32, #tpu.memory_space<vmem>>, vector<16xf32>,
        %add3A_1394 = arith.addf %mul3A_1391, %get3A_1393 : vector<16xf32>
        %swap3A_1395 = arith.index_cast %scan3A_122 : i32 to index
        %swap3A_1396 = arith.constant 432 : index
        %swap3A_1397 = tpu.vector_load %arg9[%swap3A_1395, %swap3A_1396] {strides = array<i32>} : memref<16x1024xf32, #tpu.memory_space<vmem>>, vector<16xf32>,
        tpu.vector_store %arg9[%swap3A_1395, %swap3A_1396], %add3A_1394 {strides = array<i32>} : memref<16x1024xf32, #tpu.memory_space<vmem>>, vector<16xf32>,
        %get3A_1398 = arith.index_cast %scan3A_122 : i32 to index
        %get3A_1399 = arith.constant 448 : index
        %get3A_1400 = tpu.vector_load %arg9[%get3A_1398, %get3A_1399] {strides = array<i32>} : memref<16x1024xf32, #tpu.memory_space<vmem>>, vector<16xf32>,
        %sub3A_1401 = arith.subf %get3A_1400, %broadcast_in_dim3A_969 : vector<16xf32>
        %mul3A_1402 = arith.mulf %sub3A_1401, %mul3A_1005 : vector<16xf32>
        %get3A_1403 = arith.constant 448 : index
        %get3A_1404 = tpu.vector_load %arg11[%get3A_1403] {strides = array<i32>} : memref<1024xf32, #tpu.memory_space<vmem>>, vector<16xf32>,
        %mul3A_1405 = arith.mulf %mul3A_1402, %get3A_1404 : vector<16xf32>
        %get3A_1406 = arith.constant 448 : index
        %get3A_1407 = tpu.vector_load %arg12[%get3A_1406] {strides = array<i32>} : memref<1024xf32, #tpu.memory_space<vmem>>, vector<16xf32>,
        %add3A_1408 = arith.addf %mul3A_1405, %get3A_1407 : vector<16xf32>
        %swap3A_1409 = arith.index_cast %scan3A_122 : i32 to index
        %swap3A_1410 = arith.constant 448 : index
        %swap3A_1411 = tpu.vector_load %arg9[%swap3A_1409, %swap3A_1410] {strides = array<i32>} : memref<16x1024xf32, #tpu.memory_space<vmem>>, vector<16xf32>,
        tpu.vector_store %arg9[%swap3A_1409, %swap3A_1410], %add3A_1408 {strides = array<i32>} : memref<16x1024xf32, #tpu.memory_space<vmem>>, vector<16xf32>,
        %get3A_1412 = arith.index_cast %scan3A_122 : i32 to index
        %get3A_1413 = arith.constant 464 : index
        %get3A_1414 = tpu.vector_load %arg9[%get3A_1412, %get3A_1413] {strides = array<i32>} : memref<16x1024xf32, #tpu.memory_space<vmem>>, vector<16xf32>,
        %sub3A_1415 = arith.subf %get3A_1414, %broadcast_in_dim3A_969 : vector<16xf32>
        %mul3A_1416 = arith.mulf %sub3A_1415, %mul3A_1005 : vector<16xf32>
        %get3A_1417 = arith.constant 464 : index
        %get3A_1418 = tpu.vector_load %arg11[%get3A_1417] {strides = array<i32>} : memref<1024xf32, #tpu.memory_space<vmem>>, vector<16xf32>,
        %mul3A_1419 = arith.mulf %mul3A_1416, %get3A_1418 : vector<16xf32>
        %get3A_1420 = arith.constant 464 : index
        %get3A_1421 = tpu.vector_load %arg12[%get3A_1420] {strides = array<i32>} : memref<1024xf32, #tpu.memory_space<vmem>>, vector<16xf32>,
        %add3A_1422 = arith.addf %mul3A_1419, %get3A_1421 : vector<16xf32>
        %swap3A_1423 = arith.index_cast %scan3A_122 : i32 to index
        %swap3A_1424 = arith.constant 464 : index
        %swap3A_1425 = tpu.vector_load %arg9[%swap3A_1423, %swap3A_1424] {strides = array<i32>} : memref<16x1024xf32, #tpu.memory_space<vmem>>, vector<16xf32>,
        tpu.vector_store %arg9[%swap3A_1423, %swap3A_1424], %add3A_1422 {strides = array<i32>} : memref<16x1024xf32, #tpu.memory_space<vmem>>, vector<16xf32>,
        %get3A_1426 = arith.index_cast %scan3A_122 : i32 to index
        %get3A_1427 = arith.constant 480 : index
        %get3A_1428 = tpu.vector_load %arg9[%get3A_1426, %get3A_1427] {strides = array<i32>} : memref<16x1024xf32, #tpu.memory_space<vmem>>, vector<16xf32>,
        %sub3A_1429 = arith.subf %get3A_1428, %broadcast_in_dim3A_969 : vector<16xf32>
        %mul3A_1430 = arith.mulf %sub3A_1429, %mul3A_1005 : vector<16xf32>
        %get3A_1431 = arith.constant 480 : index
        %get3A_1432 = tpu.vector_load %arg11[%get3A_1431] {strides = array<i32>} : memref<1024xf32, #tpu.memory_space<vmem>>, vector<16xf32>,
        %mul3A_1433 = arith.mulf %mul3A_1430, %get3A_1432 : vector<16xf32>
        %get3A_1434 = arith.constant 480 : index
        %get3A_1435 = tpu.vector_load %arg12[%get3A_1434] {strides = array<i32>} : memref<1024xf32, #tpu.memory_space<vmem>>, vector<16xf32>,
        %add3A_1436 = arith.addf %mul3A_1433, %get3A_1435 : vector<16xf32>
        %swap3A_1437 = arith.index_cast %scan3A_122 : i32 to index
        %swap3A_1438 = arith.constant 480 : index
        %swap3A_1439 = tpu.vector_load %arg9[%swap3A_1437, %swap3A_1438] {strides = array<i32>} : memref<16x1024xf32, #tpu.memory_space<vmem>>, vector<16xf32>,
        tpu.vector_store %arg9[%swap3A_1437, %swap3A_1438], %add3A_1436 {strides = array<i32>} : memref<16x1024xf32, #tpu.memory_space<vmem>>, vector<16xf32>,
        %get3A_1440 = arith.index_cast %scan3A_122 : i32 to index
        %get3A_1441 = arith.constant 496 : index
        %get3A_1442 = tpu.vector_load %arg9[%get3A_1440, %get3A_1441] {strides = array<i32>} : memref<16x1024xf32, #tpu.memory_space<vmem>>, vector<16xf32>,
        %sub3A_1443 = arith.subf %get3A_1442, %broadcast_in_dim3A_969 : vector<16xf32>
        %mul3A_1444 = arith.mulf %sub3A_1443, %mul3A_1005 : vector<16xf32>
        %get3A_1445 = arith.constant 496 : index
        %get3A_1446 = tpu.vector_load %arg11[%get3A_1445] {strides = array<i32>} : memref<1024xf32, #tpu.memory_space<vmem>>, vector<16xf32>,
        %mul3A_1447 = arith.mulf %mul3A_1444, %get3A_1446 : vector<16xf32>
        %get3A_1448 = arith.constant 496 : index
        %get3A_1449 = tpu.vector_load %arg12[%get3A_1448] {strides = array<i32>} : memref<1024xf32, #tpu.memory_space<vmem>>, vector<16xf32>,
        %add3A_1450 = arith.addf %mul3A_1447, %get3A_1449 : vector<16xf32>
        %swap3A_1451 = arith.index_cast %scan3A_122 : i32 to index
        %swap3A_1452 = arith.constant 496 : index
        %swap3A_1453 = tpu.vector_load %arg9[%swap3A_1451, %swap3A_1452] {strides = array<i32>} : memref<16x1024xf32, #tpu.memory_space<vmem>>, vector<16xf32>,
        tpu.vector_store %arg9[%swap3A_1451, %swap3A_1452], %add3A_1450 {strides = array<i32>} : memref<16x1024xf32, #tpu.memory_space<vmem>>, vector<16xf32>,
        %get3A_1454 = arith.index_cast %scan3A_122 : i32 to index
        %get3A_1455 = arith.constant 512 : index
        %get3A_1456 = tpu.vector_load %arg9[%get3A_1454, %get3A_1455] {strides = array<i32>} : memref<16x1024xf32, #tpu.memory_space<vmem>>, vector<16xf32>,
        %sub3A_1457 = arith.subf %get3A_1456, %broadcast_in_dim3A_969 : vector<16xf32>
        %mul3A_1458 = arith.mulf %sub3A_1457, %mul3A_1005 : vector<16xf32>
        %get3A_1459 = arith.constant 512 : index
        %get3A_1460 = tpu.vector_load %arg11[%get3A_1459] {strides = array<i32>} : memref<1024xf32, #tpu.memory_space<vmem>>, vector<16xf32>,
        %mul3A_1461 = arith.mulf %mul3A_1458, %get3A_1460 : vector<16xf32>
        %get3A_1462 = arith.constant 512 : index
        %get3A_1463 = tpu.vector_load %arg12[%get3A_1462] {strides = array<i32>} : memref<1024xf32, #tpu.memory_space<vmem>>, vector<16xf32>,
        %add3A_1464 = arith.addf %mul3A_1461, %get3A_1463 : vector<16xf32>
        %swap3A_1465 = arith.index_cast %scan3A_122 : i32 to index
        %swap3A_1466 = arith.constant 512 : index
        %swap3A_1467 = tpu.vector_load %arg9[%swap3A_1465, %swap3A_1466] {strides = array<i32>} : memref<16x1024xf32, #tpu.memory_space<vmem>>, vector<16xf32>,
        tpu.vector_store %arg9[%swap3A_1465, %swap3A_1466], %add3A_1464 {strides = array<i32>} : memref<16x1024xf32, #tpu.memory_space<vmem>>, vector<16xf32>,
        %get3A_1468 = arith.index_cast %scan3A_122 : i32 to index
        %get3A_1469 = arith.constant 528 : index
        %get3A_1470 = tpu.vector_load %arg9[%get3A_1468, %get3A_1469] {strides = array<i32>} : memref<16x1024xf32, #tpu.memory_space<vmem>>, vector<16xf32>,
        %sub3A_1471 = arith.subf %get3A_1470, %broadcast_in_dim3A_969 : vector<16xf32>
        %mul3A_1472 = arith.mulf %sub3A_1471, %mul3A_1005 : vector<16xf32>
        %get3A_1473 = arith.constant 528 : index
        %get3A_1474 = tpu.vector_load %arg11[%get3A_1473] {strides = array<i32>} : memref<1024xf32, #tpu.memory_space<vmem>>, vector<16xf32>,
        %mul3A_1475 = arith.mulf %mul3A_1472, %get3A_1474 : vector<16xf32>
        %get3A_1476 = arith.constant 528 : index
        %get3A_1477 = tpu.vector_load %arg12[%get3A_1476] {strides = array<i32>} : memref<1024xf32, #tpu.memory_space<vmem>>, vector<16xf32>,
        %add3A_1478 = arith.addf %mul3A_1475, %get3A_1477 : vector<16xf32>
        %swap3A_1479 = arith.index_cast %scan3A_122 : i32 to index
        %swap3A_1480 = arith.constant 528 : index
        %swap3A_1481 = tpu.vector_load %arg9[%swap3A_1479, %swap3A_1480] {strides = array<i32>} : memref<16x1024xf32, #tpu.memory_space<vmem>>, vector<16xf32>,
        tpu.vector_store %arg9[%swap3A_1479, %swap3A_1480], %add3A_1478 {strides = array<i32>} : memref<16x1024xf32, #tpu.memory_space<vmem>>, vector<16xf32>,
        %get3A_1482 = arith.index_cast %scan3A_122 : i32 to index
        %get3A_1483 = arith.constant 544 : index
        %get3A_1484 = tpu.vector_load %arg9[%get3A_1482, %get3A_1483] {strides = array<i32>} : memref<16x1024xf32, #tpu.memory_space<vmem>>, vector<16xf32>,
        %sub3A_1485 = arith.subf %get3A_1484, %broadcast_in_dim3A_969 : vector<16xf32>
        %mul3A_1486 = arith.mulf %sub3A_1485, %mul3A_1005 : vector<16xf32>
        %get3A_1487 = arith.constant 544 : index
        %get3A_1488 = tpu.vector_load %arg11[%get3A_1487] {strides = array<i32>} : memref<1024xf32, #tpu.memory_space<vmem>>, vector<16xf32>,
        %mul3A_1489 = arith.mulf %mul3A_1486, %get3A_1488 : vector<16xf32>
        %get3A_1490 = arith.constant 544 : index
        %get3A_1491 = tpu.vector_load %arg12[%get3A_1490] {strides = array<i32>} : memref<1024xf32, #tpu.memory_space<vmem>>, vector<16xf32>,
        %add3A_1492 = arith.addf %mul3A_1489, %get3A_1491 : vector<16xf32>
        %swap3A_1493 = arith.index_cast %scan3A_122 : i32 to index
        %swap3A_1494 = arith.constant 544 : index
        %swap3A_1495 = tpu.vector_load %arg9[%swap3A_1493, %swap3A_1494] {strides = array<i32>} : memref<16x1024xf32, #tpu.memory_space<vmem>>, vector<16xf32>,
        tpu.vector_store %arg9[%swap3A_1493, %swap3A_1494], %add3A_1492 {strides = array<i32>} : memref<16x1024xf32, #tpu.memory_space<vmem>>, vector<16xf32>,
        %get3A_1496 = arith.index_cast %scan3A_122 : i32 to index
        %get3A_1497 = arith.constant 560 : index
        %get3A_1498 = tpu.vector_load %arg9[%get3A_1496, %get3A_1497] {strides = array<i32>} : memref<16x1024xf32, #tpu.memory_space<vmem>>, vector<16xf32>,
        %sub3A_1499 = arith.subf %get3A_1498, %broadcast_in_dim3A_969 : vector<16xf32>
        %mul3A_1500 = arith.mulf %sub3A_1499, %mul3A_1005 : vector<16xf32>
        %get3A_1501 = arith.constant 560 : index
        %get3A_1502 = tpu.vector_load %arg11[%get3A_1501] {strides = array<i32>} : memref<1024xf32, #tpu.memory_space<vmem>>, vector<16xf32>,
        %mul3A_1503 = arith.mulf %mul3A_1500, %get3A_1502 : vector<16xf32>
        %get3A_1504 = arith.constant 560 : index
        %get3A_1505 = tpu.vector_load %arg12[%get3A_1504] {strides = array<i32>} : memref<1024xf32, #tpu.memory_space<vmem>>, vector<16xf32>,
        %add3A_1506 = arith.addf %mul3A_1503, %get3A_1505 : vector<16xf32>
        %swap3A_1507 = arith.index_cast %scan3A_122 : i32 to index
        %swap3A_1508 = arith.constant 560 : index
        %swap3A_1509 = tpu.vector_load %arg9[%swap3A_1507, %swap3A_1508] {strides = array<i32>} : memref<16x1024xf32, #tpu.memory_space<vmem>>, vector<16xf32>,
        tpu.vector_store %arg9[%swap3A_1507, %swap3A_1508], %add3A_1506 {strides = array<i32>} : memref<16x1024xf32, #tpu.memory_space<vmem>>, vector<16xf32>,
        %get3A_1510 = arith.index_cast %scan3A_122 : i32 to index
        %get3A_1511 = arith.constant 576 : index
        %get3A_1512 = tpu.vector_load %arg9[%get3A_1510, %get3A_1511] {strides = array<i32>} : memref<16x1024xf32, #tpu.memory_space<vmem>>, vector<16xf32>,
        %sub3A_1513 = arith.subf %get3A_1512, %broadcast_in_dim3A_969 : vector<16xf32>
        %mul3A_1514 = arith.mulf %sub3A_1513, %mul3A_1005 : vector<16xf32>
        %get3A_1515 = arith.constant 576 : index
        %get3A_1516 = tpu.vector_load %arg11[%get3A_1515] {strides = array<i32>} : memref<1024xf32, #tpu.memory_space<vmem>>, vector<16xf32>,
        %mul3A_1517 = arith.mulf %mul3A_1514, %get3A_1516 : vector<16xf32>
        %get3A_1518 = arith.constant 576 : index
        %get3A_1519 = tpu.vector_load %arg12[%get3A_1518] {strides = array<i32>} : memref<1024xf32, #tpu.memory_space<vmem>>, vector<16xf32>,
        %add3A_1520 = arith.addf %mul3A_1517, %get3A_1519 : vector<16xf32>
        %swap3A_1521 = arith.index_cast %scan3A_122 : i32 to index
        %swap3A_1522 = arith.constant 576 : index
        %swap3A_1523 = tpu.vector_load %arg9[%swap3A_1521, %swap3A_1522] {strides = array<i32>} : memref<16x1024xf32, #tpu.memory_space<vmem>>, vector<16xf32>,
        tpu.vector_store %arg9[%swap3A_1521, %swap3A_1522], %add3A_1520 {strides = array<i32>} : memref<16x1024xf32, #tpu.memory_space<vmem>>, vector<16xf32>,
        %get3A_1524 = arith.index_cast %scan3A_122 : i32 to index
        %get3A_1525 = arith.constant 592 : index
        %get3A_1526 = tpu.vector_load %arg9[%get3A_1524, %get3A_1525] {strides = array<i32>} : memref<16x1024xf32, #tpu.memory_space<vmem>>, vector<16xf32>,
        %sub3A_1527 = arith.subf %get3A_1526, %broadcast_in_dim3A_969 : vector<16xf32>
        %mul3A_1528 = arith.mulf %sub3A_1527, %mul3A_1005 : vector<16xf32>
        %get3A_1529 = arith.constant 592 : index
        %get3A_1530 = tpu.vector_load %arg11[%get3A_1529] {strides = array<i32>} : memref<1024xf32, #tpu.memory_space<vmem>>, vector<16xf32>,
        %mul3A_1531 = arith.mulf %mul3A_1528, %get3A_1530 : vector<16xf32>
        %get3A_1532 = arith.constant 592 : index
        %get3A_1533 = tpu.vector_load %arg12[%get3A_1532] {strides = array<i32>} : memref<1024xf32, #tpu.memory_space<vmem>>, vector<16xf32>,
        %add3A_1534 = arith.addf %mul3A_1531, %get3A_1533 : vector<16xf32>
        %swap3A_1535 = arith.index_cast %scan3A_122 : i32 to index
        %swap3A_1536 = arith.constant 592 : index
        %swap3A_1537 = tpu.vector_load %arg9[%swap3A_1535, %swap3A_1536] {strides = array<i32>} : memref<16x1024xf32, #tpu.memory_space<vmem>>, vector<16xf32>,
        tpu.vector_store %arg9[%swap3A_1535, %swap3A_1536], %add3A_1534 {strides = array<i32>} : memref<16x1024xf32, #tpu.memory_space<vmem>>, vector<16xf32>,
        %get3A_1538 = arith.index_cast %scan3A_122 : i32 to index
        %get3A_1539 = arith.constant 608 : index
        %get3A_1540 = tpu.vector_load %arg9[%get3A_1538, %get3A_1539] {strides = array<i32>} : memref<16x1024xf32, #tpu.memory_space<vmem>>, vector<16xf32>,
        %sub3A_1541 = arith.subf %get3A_1540, %broadcast_in_dim3A_969 : vector<16xf32>
        %mul3A_1542 = arith.mulf %sub3A_1541, %mul3A_1005 : vector<16xf32>
        %get3A_1543 = arith.constant 608 : index
        %get3A_1544 = tpu.vector_load %arg11[%get3A_1543] {strides = array<i32>} : memref<1024xf32, #tpu.memory_space<vmem>>, vector<16xf32>,
        %mul3A_1545 = arith.mulf %mul3A_1542, %get3A_1544 : vector<16xf32>
        %get3A_1546 = arith.constant 608 : index
        %get3A_1547 = tpu.vector_load %arg12[%get3A_1546] {strides = array<i32>} : memref<1024xf32, #tpu.memory_space<vmem>>, vector<16xf32>,
        %add3A_1548 = arith.addf %mul3A_1545, %get3A_1547 : vector<16xf32>
        %swap3A_1549 = arith.index_cast %scan3A_122 : i32 to index
        %swap3A_1550 = arith.constant 608 : index
        %swap3A_1551 = tpu.vector_load %arg9[%swap3A_1549, %swap3A_1550] {strides = array<i32>} : memref<16x1024xf32, #tpu.memory_space<vmem>>, vector<16xf32>,
        tpu.vector_store %arg9[%swap3A_1549, %swap3A_1550], %add3A_1548 {strides = array<i32>} : memref<16x1024xf32, #tpu.memory_space<vmem>>, vector<16xf32>,
        %get3A_1552 = arith.index_cast %scan3A_122 : i32 to index
        %get3A_1553 = arith.constant 624 : index
        %get3A_1554 = tpu.vector_load %arg9[%get3A_1552, %get3A_1553] {strides = array<i32>} : memref<16x1024xf32, #tpu.memory_space<vmem>>, vector<16xf32>,
        %sub3A_1555 = arith.subf %get3A_1554, %broadcast_in_dim3A_969 : vector<16xf32>
        %mul3A_1556 = arith.mulf %sub3A_1555, %mul3A_1005 : vector<16xf32>
        %get3A_1557 = arith.constant 624 : index
        %get3A_1558 = tpu.vector_load %arg11[%get3A_1557] {strides = array<i32>} : memref<1024xf32, #tpu.memory_space<vmem>>, vector<16xf32>,
        %mul3A_1559 = arith.mulf %mul3A_1556, %get3A_1558 : vector<16xf32>
        %get3A_1560 = arith.constant 624 : index
        %get3A_1561 = tpu.vector_load %arg12[%get3A_1560] {strides = array<i32>} : memref<1024xf32, #tpu.memory_space<vmem>>, vector<16xf32>,
        %add3A_1562 = arith.addf %mul3A_1559, %get3A_1561 : vector<16xf32>
        %swap3A_1563 = arith.index_cast %scan3A_122 : i32 to index
        %swap3A_1564 = arith.constant 624 : index
        %swap3A_1565 = tpu.vector_load %arg9[%swap3A_1563, %swap3A_1564] {strides = array<i32>} : memref<16x1024xf32, #tpu.memory_space<vmem>>, vector<16xf32>,
        tpu.vector_store %arg9[%swap3A_1563, %swap3A_1564], %add3A_1562 {strides = array<i32>} : memref<16x1024xf32, #tpu.memory_space<vmem>>, vector<16xf32>,
        %get3A_1566 = arith.index_cast %scan3A_122 : i32 to index
        %get3A_1567 = arith.constant 640 : index
        %get3A_1568 = tpu.vector_load %arg9[%get3A_1566, %get3A_1567] {strides = array<i32>} : memref<16x1024xf32, #tpu.memory_space<vmem>>, vector<16xf32>,
        %sub3A_1569 = arith.subf %get3A_1568, %broadcast_in_dim3A_969 : vector<16xf32>
        %mul3A_1570 = arith.mulf %sub3A_1569, %mul3A_1005 : vector<16xf32>
        %get3A_1571 = arith.constant 640 : index
        %get3A_1572 = tpu.vector_load %arg11[%get3A_1571] {strides = array<i32>} : memref<1024xf32, #tpu.memory_space<vmem>>, vector<16xf32>,
        %mul3A_1573 = arith.mulf %mul3A_1570, %get3A_1572 : vector<16xf32>
        %get3A_1574 = arith.constant 640 : index
        %get3A_1575 = tpu.vector_load %arg12[%get3A_1574] {strides = array<i32>} : memref<1024xf32, #tpu.memory_space<vmem>>, vector<16xf32>,
        %add3A_1576 = arith.addf %mul3A_1573, %get3A_1575 : vector<16xf32>
        %swap3A_1577 = arith.index_cast %scan3A_122 : i32 to index
        %swap3A_1578 = arith.constant 640 : index
        %swap3A_1579 = tpu.vector_load %arg9[%swap3A_1577, %swap3A_1578] {strides = array<i32>} : memref<16x1024xf32, #tpu.memory_space<vmem>>, vector<16xf32>,
        tpu.vector_store %arg9[%swap3A_1577, %swap3A_1578], %add3A_1576 {strides = array<i32>} : memref<16x1024xf32, #tpu.memory_space<vmem>>, vector<16xf32>,
        %get3A_1580 = arith.index_cast %scan3A_122 : i32 to index
        %get3A_1581 = arith.constant 656 : index
        %get3A_1582 = tpu.vector_load %arg9[%get3A_1580, %get3A_1581] {strides = array<i32>} : memref<16x1024xf32, #tpu.memory_space<vmem>>, vector<16xf32>,
        %sub3A_1583 = arith.subf %get3A_1582, %broadcast_in_dim3A_969 : vector<16xf32>
        %mul3A_1584 = arith.mulf %sub3A_1583, %mul3A_1005 : vector<16xf32>
        %get3A_1585 = arith.constant 656 : index
        %get3A_1586 = tpu.vector_load %arg11[%get3A_1585] {strides = array<i32>} : memref<1024xf32, #tpu.memory_space<vmem>>, vector<16xf32>,
        %mul3A_1587 = arith.mulf %mul3A_1584, %get3A_1586 : vector<16xf32>
        %get3A_1588 = arith.constant 656 : index
        %get3A_1589 = tpu.vector_load %arg12[%get3A_1588] {strides = array<i32>} : memref<1024xf32, #tpu.memory_space<vmem>>, vector<16xf32>,
        %add3A_1590 = arith.addf %mul3A_1587, %get3A_1589 : vector<16xf32>
        %swap3A_1591 = arith.index_cast %scan3A_122 : i32 to index
        %swap3A_1592 = arith.constant 656 : index
        %swap3A_1593 = tpu.vector_load %arg9[%swap3A_1591, %swap3A_1592] {strides = array<i32>} : memref<16x1024xf32, #tpu.memory_space<vmem>>, vector<16xf32>,
        tpu.vector_store %arg9[%swap3A_1591, %swap3A_1592], %add3A_1590 {strides = array<i32>} : memref<16x1024xf32, #tpu.memory_space<vmem>>, vector<16xf32>,
        %get3A_1594 = arith.index_cast %scan3A_122 : i32 to index
        %get3A_1595 = arith.constant 672 : index
        %get3A_1596 = tpu.vector_load %arg9[%get3A_1594, %get3A_1595] {strides = array<i32>} : memref<16x1024xf32, #tpu.memory_space<vmem>>, vector<16xf32>,
        %sub3A_1597 = arith.subf %get3A_1596, %broadcast_in_dim3A_969 : vector<16xf32>
        %mul3A_1598 = arith.mulf %sub3A_1597, %mul3A_1005 : vector<16xf32>
        %get3A_1599 = arith.constant 672 : index
        %get3A_1600 = tpu.vector_load %arg11[%get3A_1599] {strides = array<i32>} : memref<1024xf32, #tpu.memory_space<vmem>>, vector<16xf32>,
        %mul3A_1601 = arith.mulf %mul3A_1598, %get3A_1600 : vector<16xf32>
        %get3A_1602 = arith.constant 672 : index
        %get3A_1603 = tpu.vector_load %arg12[%get3A_1602] {strides = array<i32>} : memref<1024xf32, #tpu.memory_space<vmem>>, vector<16xf32>,
        %add3A_1604 = arith.addf %mul3A_1601, %get3A_1603 : vector<16xf32>
        %swap3A_1605 = arith.index_cast %scan3A_122 : i32 to index
        %swap3A_1606 = arith.constant 672 : index
        %swap3A_1607 = tpu.vector_load %arg9[%swap3A_1605, %swap3A_1606] {strides = array<i32>} : memref<16x1024xf32, #tpu.memory_space<vmem>>, vector<16xf32>,
        tpu.vector_store %arg9[%swap3A_1605, %swap3A_1606], %add3A_1604 {strides = array<i32>} : memref<16x1024xf32, #tpu.memory_space<vmem>>, vector<16xf32>,
        %get3A_1608 = arith.index_cast %scan3A_122 : i32 to index
        %get3A_1609 = arith.constant 688 : index
        %get3A_1610 = tpu.vector_load %arg9[%get3A_1608, %get3A_1609] {strides = array<i32>} : memref<16x1024xf32, #tpu.memory_space<vmem>>, vector<16xf32>,
        %sub3A_1611 = arith.subf %get3A_1610, %broadcast_in_dim3A_969 : vector<16xf32>
        %mul3A_1612 = arith.mulf %sub3A_1611, %mul3A_1005 : vector<16xf32>
        %get3A_1613 = arith.constant 688 : index
        %get3A_1614 = tpu.vector_load %arg11[%get3A_1613] {strides = array<i32>} : memref<1024xf32, #tpu.memory_space<vmem>>, vector<16xf32>,
        %mul3A_1615 = arith.mulf %mul3A_1612, %get3A_1614 : vector<16xf32>
        %get3A_1616 = arith.constant 688 : index
        %get3A_1617 = tpu.vector_load %arg12[%get3A_1616] {strides = array<i32>} : memref<1024xf32, #tpu.memory_space<vmem>>, vector<16xf32>,
        %add3A_1618 = arith.addf %mul3A_1615, %get3A_1617 : vector<16xf32>
        %swap3A_1619 = arith.index_cast %scan3A_122 : i32 to index
        %swap3A_1620 = arith.constant 688 : index
        %swap3A_1621 = tpu.vector_load %arg9[%swap3A_1619, %swap3A_1620] {strides = array<i32>} : memref<16x1024xf32, #tpu.memory_space<vmem>>, vector<16xf32>,
        tpu.vector_store %arg9[%swap3A_1619, %swap3A_1620], %add3A_1618 {strides = array<i32>} : memref<16x1024xf32, #tpu.memory_space<vmem>>, vector<16xf32>,
        %get3A_1622 = arith.index_cast %scan3A_122 : i32 to index
        %get3A_1623 = arith.constant 704 : index
        %get3A_1624 = tpu.vector_load %arg9[%get3A_1622, %get3A_1623] {strides = array<i32>} : memref<16x1024xf32, #tpu.memory_space<vmem>>, vector<16xf32>,
        %sub3A_1625 = arith.subf %get3A_1624, %broadcast_in_dim3A_969 : vector<16xf32>
        %mul3A_1626 = arith.mulf %sub3A_1625, %mul3A_1005 : vector<16xf32>
        %get3A_1627 = arith.constant 704 : index
        %get3A_1628 = tpu.vector_load %arg11[%get3A_1627] {strides = array<i32>} : memref<1024xf32, #tpu.memory_space<vmem>>, vector<16xf32>,
        %mul3A_1629 = arith.mulf %mul3A_1626, %get3A_1628 : vector<16xf32>
        %get3A_1630 = arith.constant 704 : index
        %get3A_1631 = tpu.vector_load %arg12[%get3A_1630] {strides = array<i32>} : memref<1024xf32, #tpu.memory_space<vmem>>, vector<16xf32>,
        %add3A_1632 = arith.addf %mul3A_1629, %get3A_1631 : vector<16xf32>
        %swap3A_1633 = arith.index_cast %scan3A_122 : i32 to index
        %swap3A_1634 = arith.constant 704 : index
        %swap3A_1635 = tpu.vector_load %arg9[%swap3A_1633, %swap3A_1634] {strides = array<i32>} : memref<16x1024xf32, #tpu.memory_space<vmem>>, vector<16xf32>,
        tpu.vector_store %arg9[%swap3A_1633, %swap3A_1634], %add3A_1632 {strides = array<i32>} : memref<16x1024xf32, #tpu.memory_space<vmem>>, vector<16xf32>,
        %get3A_1636 = arith.index_cast %scan3A_122 : i32 to index
        %get3A_1637 = arith.constant 720 : index
        %get3A_1638 = tpu.vector_load %arg9[%get3A_1636, %get3A_1637] {strides = array<i32>} : memref<16x1024xf32, #tpu.memory_space<vmem>>, vector<16xf32>,
        %sub3A_1639 = arith.subf %get3A_1638, %broadcast_in_dim3A_969 : vector<16xf32>
        %mul3A_1640 = arith.mulf %sub3A_1639, %mul3A_1005 : vector<16xf32>
        %get3A_1641 = arith.constant 720 : index
        %get3A_1642 = tpu.vector_load %arg11[%get3A_1641] {strides = array<i32>} : memref<1024xf32, #tpu.memory_space<vmem>>, vector<16xf32>,
        %mul3A_1643 = arith.mulf %mul3A_1640, %get3A_1642 : vector<16xf32>
        %get3A_1644 = arith.constant 720 : index
        %get3A_1645 = tpu.vector_load %arg12[%get3A_1644] {strides = array<i32>} : memref<1024xf32, #tpu.memory_space<vmem>>, vector<16xf32>,
        %add3A_1646 = arith.addf %mul3A_1643, %get3A_1645 : vector<16xf32>
        %swap3A_1647 = arith.index_cast %scan3A_122 : i32 to index
        %swap3A_1648 = arith.constant 720 : index
        %swap3A_1649 = tpu.vector_load %arg9[%swap3A_1647, %swap3A_1648] {strides = array<i32>} : memref<16x1024xf32, #tpu.memory_space<vmem>>, vector<16xf32>,
        tpu.vector_store %arg9[%swap3A_1647, %swap3A_1648], %add3A_1646 {strides = array<i32>} : memref<16x1024xf32, #tpu.memory_space<vmem>>, vector<16xf32>,
        %get3A_1650 = arith.index_cast %scan3A_122 : i32 to index
        %get3A_1651 = arith.constant 736 : index
        %get3A_1652 = tpu.vector_load %arg9[%get3A_1650, %get3A_1651] {strides = array<i32>} : memref<16x1024xf32, #tpu.memory_space<vmem>>, vector<16xf32>,
        %sub3A_1653 = arith.subf %get3A_1652, %broadcast_in_dim3A_969 : vector<16xf32>
        %mul3A_1654 = arith.mulf %sub3A_1653, %mul3A_1005 : vector<16xf32>
        %get3A_1655 = arith.constant 736 : index
        %get3A_1656 = tpu.vector_load %arg11[%get3A_1655] {strides = array<i32>} : memref<1024xf32, #tpu.memory_space<vmem>>, vector<16xf32>,
        %mul3A_1657 = arith.mulf %mul3A_1654, %get3A_1656 : vector<16xf32>
        %get3A_1658 = arith.constant 736 : index
        %get3A_1659 = tpu.vector_load %arg12[%get3A_1658] {strides = array<i32>} : memref<1024xf32, #tpu.memory_space<vmem>>, vector<16xf32>,
        %add3A_1660 = arith.addf %mul3A_1657, %get3A_1659 : vector<16xf32>
        %swap3A_1661 = arith.index_cast %scan3A_122 : i32 to index
        %swap3A_1662 = arith.constant 736 : index
        %swap3A_1663 = tpu.vector_load %arg9[%swap3A_1661, %swap3A_1662] {strides = array<i32>} : memref<16x1024xf32, #tpu.memory_space<vmem>>, vector<16xf32>,
        tpu.vector_store %arg9[%swap3A_1661, %swap3A_1662], %add3A_1660 {strides = array<i32>} : memref<16x1024xf32, #tpu.memory_space<vmem>>, vector<16xf32>,
        %get3A_1664 = arith.index_cast %scan3A_122 : i32 to index
        %get3A_1665 = arith.constant 752 : index
        %get3A_1666 = tpu.vector_load %arg9[%get3A_1664, %get3A_1665] {strides = array<i32>} : memref<16x1024xf32, #tpu.memory_space<vmem>>, vector<16xf32>,
        %sub3A_1667 = arith.subf %get3A_1666, %broadcast_in_dim3A_969 : vector<16xf32>
        %mul3A_1668 = arith.mulf %sub3A_1667, %mul3A_1005 : vector<16xf32>
        %get3A_1669 = arith.constant 752 : index
        %get3A_1670 = tpu.vector_load %arg11[%get3A_1669] {strides = array<i32>} : memref<1024xf32, #tpu.memory_space<vmem>>, vector<16xf32>,
        %mul3A_1671 = arith.mulf %mul3A_1668, %get3A_1670 : vector<16xf32>
        %get3A_1672 = arith.constant 752 : index
        %get3A_1673 = tpu.vector_load %arg12[%get3A_1672] {strides = array<i32>} : memref<1024xf32, #tpu.memory_space<vmem>>, vector<16xf32>,
        %add3A_1674 = arith.addf %mul3A_1671, %get3A_1673 : vector<16xf32>
        %swap3A_1675 = arith.index_cast %scan3A_122 : i32 to index
        %swap3A_1676 = arith.constant 752 : index
        %swap3A_1677 = tpu.vector_load %arg9[%swap3A_1675, %swap3A_1676] {strides = array<i32>} : memref<16x1024xf32, #tpu.memory_space<vmem>>, vector<16xf32>,
        tpu.vector_store %arg9[%swap3A_1675, %swap3A_1676], %add3A_1674 {strides = array<i32>} : memref<16x1024xf32, #tpu.memory_space<vmem>>, vector<16xf32>,
        %get3A_1678 = arith.index_cast %scan3A_122 : i32 to index
        %get3A_1679 = arith.constant 768 : index
        %get3A_1680 = tpu.vector_load %arg9[%get3A_1678, %get3A_1679] {strides = array<i32>} : memref<16x1024xf32, #tpu.memory_space<vmem>>, vector<16xf32>,
        %sub3A_1681 = arith.subf %get3A_1680, %broadcast_in_dim3A_969 : vector<16xf32>
        %mul3A_1682 = arith.mulf %sub3A_1681, %mul3A_1005 : vector<16xf32>
        %get3A_1683 = arith.constant 768 : index
        %get3A_1684 = tpu.vector_load %arg11[%get3A_1683] {strides = array<i32>} : memref<1024xf32, #tpu.memory_space<vmem>>, vector<16xf32>,
        %mul3A_1685 = arith.mulf %mul3A_1682, %get3A_1684 : vector<16xf32>
        %get3A_1686 = arith.constant 768 : index
        %get3A_1687 = tpu.vector_load %arg12[%get3A_1686] {strides = array<i32>} : memref<1024xf32, #tpu.memory_space<vmem>>, vector<16xf32>,
        %add3A_1688 = arith.addf %mul3A_1685, %get3A_1687 : vector<16xf32>
        %swap3A_1689 = arith.index_cast %scan3A_122 : i32 to index
        %swap3A_1690 = arith.constant 768 : index
        %swap3A_1691 = tpu.vector_load %arg9[%swap3A_1689, %swap3A_1690] {strides = array<i32>} : memref<16x1024xf32, #tpu.memory_space<vmem>>, vector<16xf32>,
        tpu.vector_store %arg9[%swap3A_1689, %swap3A_1690], %add3A_1688 {strides = array<i32>} : memref<16x1024xf32, #tpu.memory_space<vmem>>, vector<16xf32>,
        %get3A_1692 = arith.index_cast %scan3A_122 : i32 to index
        %get3A_1693 = arith.constant 784 : index
        %get3A_1694 = tpu.vector_load %arg9[%get3A_1692, %get3A_1693] {strides = array<i32>} : memref<16x1024xf32, #tpu.memory_space<vmem>>, vector<16xf32>,
        %sub3A_1695 = arith.subf %get3A_1694, %broadcast_in_dim3A_969 : vector<16xf32>
        %mul3A_1696 = arith.mulf %sub3A_1695, %mul3A_1005 : vector<16xf32>
        %get3A_1697 = arith.constant 784 : index
        %get3A_1698 = tpu.vector_load %arg11[%get3A_1697] {strides = array<i32>} : memref<1024xf32, #tpu.memory_space<vmem>>, vector<16xf32>,
        %mul3A_1699 = arith.mulf %mul3A_1696, %get3A_1698 : vector<16xf32>
        %get3A_1700 = arith.constant 784 : index
        %get3A_1701 = tpu.vector_load %arg12[%get3A_1700] {strides = array<i32>} : memref<1024xf32, #tpu.memory_space<vmem>>, vector<16xf32>,
        %add3A_1702 = arith.addf %mul3A_1699, %get3A_1701 : vector<16xf32>
        %swap3A_1703 = arith.index_cast %scan3A_122 : i32 to index
        %swap3A_1704 = arith.constant 784 : index
        %swap3A_1705 = tpu.vector_load %arg9[%swap3A_1703, %swap3A_1704] {strides = array<i32>} : memref<16x1024xf32, #tpu.memory_space<vmem>>, vector<16xf32>,
        tpu.vector_store %arg9[%swap3A_1703, %swap3A_1704], %add3A_1702 {strides = array<i32>} : memref<16x1024xf32, #tpu.memory_space<vmem>>, vector<16xf32>,
        %get3A_1706 = arith.index_cast %scan3A_122 : i32 to index
        %get3A_1707 = arith.constant 800 : index
        %get3A_1708 = tpu.vector_load %arg9[%get3A_1706, %get3A_1707] {strides = array<i32>} : memref<16x1024xf32, #tpu.memory_space<vmem>>, vector<16xf32>,
        %sub3A_1709 = arith.subf %get3A_1708, %broadcast_in_dim3A_969 : vector<16xf32>
        %mul3A_1710 = arith.mulf %sub3A_1709, %mul3A_1005 : vector<16xf32>
        %get3A_1711 = arith.constant 800 : index
        %get3A_1712 = tpu.vector_load %arg11[%get3A_1711] {strides = array<i32>} : memref<1024xf32, #tpu.memory_space<vmem>>, vector<16xf32>,
        %mul3A_1713 = arith.mulf %mul3A_1710, %get3A_1712 : vector<16xf32>
        %get3A_1714 = arith.constant 800 : index
        %get3A_1715 = tpu.vector_load %arg12[%get3A_1714] {strides = array<i32>} : memref<1024xf32, #tpu.memory_space<vmem>>, vector<16xf32>,
        %add3A_1716 = arith.addf %mul3A_1713, %get3A_1715 : vector<16xf32>
        %swap3A_1717 = arith.index_cast %scan3A_122 : i32 to index
        %swap3A_1718 = arith.constant 800 : index
        %swap3A_1719 = tpu.vector_load %arg9[%swap3A_1717, %swap3A_1718] {strides = array<i32>} : memref<16x1024xf32, #tpu.memory_space<vmem>>, vector<16xf32>,
        tpu.vector_store %arg9[%swap3A_1717, %swap3A_1718], %add3A_1716 {strides = array<i32>} : memref<16x1024xf32, #tpu.memory_space<vmem>>, vector<16xf32>,
        %get3A_1720 = arith.index_cast %scan3A_122 : i32 to index
        %get3A_1721 = arith.constant 816 : index
        %get3A_1722 = tpu.vector_load %arg9[%get3A_1720, %get3A_1721] {strides = array<i32>} : memref<16x1024xf32, #tpu.memory_space<vmem>>, vector<16xf32>,
        %sub3A_1723 = arith.subf %get3A_1722, %broadcast_in_dim3A_969 : vector<16xf32>
        %mul3A_1724 = arith.mulf %sub3A_1723, %mul3A_1005 : vector<16xf32>
        %get3A_1725 = arith.constant 816 : index
        %get3A_1726 = tpu.vector_load %arg11[%get3A_1725] {strides = array<i32>} : memref<1024xf32, #tpu.memory_space<vmem>>, vector<16xf32>,
        %mul3A_1727 = arith.mulf %mul3A_1724, %get3A_1726 : vector<16xf32>
        %get3A_1728 = arith.constant 816 : index
        %get3A_1729 = tpu.vector_load %arg12[%get3A_1728] {strides = array<i32>} : memref<1024xf32, #tpu.memory_space<vmem>>, vector<16xf32>,
        %add3A_1730 = arith.addf %mul3A_1727, %get3A_1729 : vector<16xf32>
        %swap3A_1731 = arith.index_cast %scan3A_122 : i32 to index
        %swap3A_1732 = arith.constant 816 : index
        %swap3A_1733 = tpu.vector_load %arg9[%swap3A_1731, %swap3A_1732] {strides = array<i32>} : memref<16x1024xf32, #tpu.memory_space<vmem>>, vector<16xf32>,
        tpu.vector_store %arg9[%swap3A_1731, %swap3A_1732], %add3A_1730 {strides = array<i32>} : memref<16x1024xf32, #tpu.memory_space<vmem>>, vector<16xf32>,
        %get3A_1734 = arith.index_cast %scan3A_122 : i32 to index
        %get3A_1735 = arith.constant 832 : index
        %get3A_1736 = tpu.vector_load %arg9[%get3A_1734, %get3A_1735] {strides = array<i32>} : memref<16x1024xf32, #tpu.memory_space<vmem>>, vector<16xf32>,
        %sub3A_1737 = arith.subf %get3A_1736, %broadcast_in_dim3A_969 : vector<16xf32>
        %mul3A_1738 = arith.mulf %sub3A_1737, %mul3A_1005 : vector<16xf32>
        %get3A_1739 = arith.constant 832 : index
        %get3A_1740 = tpu.vector_load %arg11[%get3A_1739] {strides = array<i32>} : memref<1024xf32, #tpu.memory_space<vmem>>, vector<16xf32>,
        %mul3A_1741 = arith.mulf %mul3A_1738, %get3A_1740 : vector<16xf32>
        %get3A_1742 = arith.constant 832 : index
        %get3A_1743 = tpu.vector_load %arg12[%get3A_1742] {strides = array<i32>} : memref<1024xf32, #tpu.memory_space<vmem>>, vector<16xf32>,
        %add3A_1744 = arith.addf %mul3A_1741, %get3A_1743 : vector<16xf32>
        %swap3A_1745 = arith.index_cast %scan3A_122 : i32 to index
        %swap3A_1746 = arith.constant 832 : index
        %swap3A_1747 = tpu.vector_load %arg9[%swap3A_1745, %swap3A_1746] {strides = array<i32>} : memref<16x1024xf32, #tpu.memory_space<vmem>>, vector<16xf32>,
        tpu.vector_store %arg9[%swap3A_1745, %swap3A_1746], %add3A_1744 {strides = array<i32>} : memref<16x1024xf32, #tpu.memory_space<vmem>>, vector<16xf32>,
        %get3A_1748 = arith.index_cast %scan3A_122 : i32 to index
        %get3A_1749 = arith.constant 848 : index
        %get3A_1750 = tpu.vector_load %arg9[%get3A_1748, %get3A_1749] {strides = array<i32>} : memref<16x1024xf32, #tpu.memory_space<vmem>>, vector<16xf32>,
        %sub3A_1751 = arith.subf %get3A_1750, %broadcast_in_dim3A_969 : vector<16xf32>
        %mul3A_1752 = arith.mulf %sub3A_1751, %mul3A_1005 : vector<16xf32>
        %get3A_1753 = arith.constant 848 : index
        %get3A_1754 = tpu.vector_load %arg11[%get3A_1753] {strides = array<i32>} : memref<1024xf32, #tpu.memory_space<vmem>>, vector<16xf32>,
        %mul3A_1755 = arith.mulf %mul3A_1752, %get3A_1754 : vector<16xf32>
        %get3A_1756 = arith.constant 848 : index
        %get3A_1757 = tpu.vector_load %arg12[%get3A_1756] {strides = array<i32>} : memref<1024xf32, #tpu.memory_space<vmem>>, vector<16xf32>,
        %add3A_1758 = arith.addf %mul3A_1755, %get3A_1757 : vector<16xf32>
        %swap3A_1759 = arith.index_cast %scan3A_122 : i32 to index
        %swap3A_1760 = arith.constant 848 : index
        %swap3A_1761 = tpu.vector_load %arg9[%swap3A_1759, %swap3A_1760] {strides = array<i32>} : memref<16x1024xf32, #tpu.memory_space<vmem>>, vector<16xf32>,
        tpu.vector_store %arg9[%swap3A_1759, %swap3A_1760], %add3A_1758 {strides = array<i32>} : memref<16x1024xf32, #tpu.memory_space<vmem>>, vector<16xf32>,
        %get3A_1762 = arith.index_cast %scan3A_122 : i32 to index
        %get3A_1763 = arith.constant 864 : index
        %get3A_1764 = tpu.vector_load %arg9[%get3A_1762, %get3A_1763] {strides = array<i32>} : memref<16x1024xf32, #tpu.memory_space<vmem>>, vector<16xf32>,
        %sub3A_1765 = arith.subf %get3A_1764, %broadcast_in_dim3A_969 : vector<16xf32>
        %mul3A_1766 = arith.mulf %sub3A_1765, %mul3A_1005 : vector<16xf32>
        %get3A_1767 = arith.constant 864 : index
        %get3A_1768 = tpu.vector_load %arg11[%get3A_1767] {strides = array<i32>} : memref<1024xf32, #tpu.memory_space<vmem>>, vector<16xf32>,
        %mul3A_1769 = arith.mulf %mul3A_1766, %get3A_1768 : vector<16xf32>
        %get3A_1770 = arith.constant 864 : index
        %get3A_1771 = tpu.vector_load %arg12[%get3A_1770] {strides = array<i32>} : memref<1024xf32, #tpu.memory_space<vmem>>, vector<16xf32>,
        %add3A_1772 = arith.addf %mul3A_1769, %get3A_1771 : vector<16xf32>
        %swap3A_1773 = arith.index_cast %scan3A_122 : i32 to index
        %swap3A_1774 = arith.constant 864 : index
        %swap3A_1775 = tpu.vector_load %arg9[%swap3A_1773, %swap3A_1774] {strides = array<i32>} : memref<16x1024xf32, #tpu.memory_space<vmem>>, vector<16xf32>,
        tpu.vector_store %arg9[%swap3A_1773, %swap3A_1774], %add3A_1772 {strides = array<i32>} : memref<16x1024xf32, #tpu.memory_space<vmem>>, vector<16xf32>,
        %get3A_1776 = arith.index_cast %scan3A_122 : i32 to index
        %get3A_1777 = arith.constant 880 : index
        %get3A_1778 = tpu.vector_load %arg9[%get3A_1776, %get3A_1777] {strides = array<i32>} : memref<16x1024xf32, #tpu.memory_space<vmem>>, vector<16xf32>,
        %sub3A_1779 = arith.subf %get3A_1778, %broadcast_in_dim3A_969 : vector<16xf32>
        %mul3A_1780 = arith.mulf %sub3A_1779, %mul3A_1005 : vector<16xf32>
        %get3A_1781 = arith.constant 880 : index
        %get3A_1782 = tpu.vector_load %arg11[%get3A_1781] {strides = array<i32>} : memref<1024xf32, #tpu.memory_space<vmem>>, vector<16xf32>,
        %mul3A_1783 = arith.mulf %mul3A_1780, %get3A_1782 : vector<16xf32>
        %get3A_1784 = arith.constant 880 : index
        %get3A_1785 = tpu.vector_load %arg12[%get3A_1784] {strides = array<i32>} : memref<1024xf32, #tpu.memory_space<vmem>>, vector<16xf32>,
        %add3A_1786 = arith.addf %mul3A_1783, %get3A_1785 : vector<16xf32>
        %swap3A_1787 = arith.index_cast %scan3A_122 : i32 to index
        %swap3A_1788 = arith.constant 880 : index
        %swap3A_1789 = tpu.vector_load %arg9[%swap3A_1787, %swap3A_1788] {strides = array<i32>} : memref<16x1024xf32, #tpu.memory_space<vmem>>, vector<16xf32>,
        tpu.vector_store %arg9[%swap3A_1787, %swap3A_1788], %add3A_1786 {strides = array<i32>} : memref<16x1024xf32, #tpu.memory_space<vmem>>, vector<16xf32>,
        %get3A_1790 = arith.index_cast %scan3A_122 : i32 to index
        %get3A_1791 = arith.constant 896 : index
        %get3A_1792 = tpu.vector_load %arg9[%get3A_1790, %get3A_1791] {strides = array<i32>} : memref<16x1024xf32, #tpu.memory_space<vmem>>, vector<16xf32>,
        %sub3A_1793 = arith.subf %get3A_1792, %broadcast_in_dim3A_969 : vector<16xf32>
        %mul3A_1794 = arith.mulf %sub3A_1793, %mul3A_1005 : vector<16xf32>
        %get3A_1795 = arith.constant 896 : index
        %get3A_1796 = tpu.vector_load %arg11[%get3A_1795] {strides = array<i32>} : memref<1024xf32, #tpu.memory_space<vmem>>, vector<16xf32>,
        %mul3A_1797 = arith.mulf %mul3A_1794, %get3A_1796 : vector<16xf32>
        %get3A_1798 = arith.constant 896 : index
        %get3A_1799 = tpu.vector_load %arg12[%get3A_1798] {strides = array<i32>} : memref<1024xf32, #tpu.memory_space<vmem>>, vector<16xf32>,
        %add3A_1800 = arith.addf %mul3A_1797, %get3A_1799 : vector<16xf32>
        %swap3A_1801 = arith.index_cast %scan3A_122 : i32 to index
        %swap3A_1802 = arith.constant 896 : index
        %swap3A_1803 = tpu.vector_load %arg9[%swap3A_1801, %swap3A_1802] {strides = array<i32>} : memref<16x1024xf32, #tpu.memory_space<vmem>>, vector<16xf32>,
        tpu.vector_store %arg9[%swap3A_1801, %swap3A_1802], %add3A_1800 {strides = array<i32>} : memref<16x1024xf32, #tpu.memory_space<vmem>>, vector<16xf32>,
        %get3A_1804 = arith.index_cast %scan3A_122 : i32 to index
        %get3A_1805 = arith.constant 912 : index
        %get3A_1806 = tpu.vector_load %arg9[%get3A_1804, %get3A_1805] {strides = array<i32>} : memref<16x1024xf32, #tpu.memory_space<vmem>>, vector<16xf32>,
        %sub3A_1807 = arith.subf %get3A_1806, %broadcast_in_dim3A_969 : vector<16xf32>
        %mul3A_1808 = arith.mulf %sub3A_1807, %mul3A_1005 : vector<16xf32>
        %get3A_1809 = arith.constant 912 : index
        %get3A_1810 = tpu.vector_load %arg11[%get3A_1809] {strides = array<i32>} : memref<1024xf32, #tpu.memory_space<vmem>>, vector<16xf32>,
        %mul3A_1811 = arith.mulf %mul3A_1808, %get3A_1810 : vector<16xf32>
        %get3A_1812 = arith.constant 912 : index
        %get3A_1813 = tpu.vector_load %arg12[%get3A_1812] {strides = array<i32>} : memref<1024xf32, #tpu.memory_space<vmem>>, vector<16xf32>,
        %add3A_1814 = arith.addf %mul3A_1811, %get3A_1813 : vector<16xf32>
        %swap3A_1815 = arith.index_cast %scan3A_122 : i32 to index
        %swap3A_1816 = arith.constant 912 : index
        %swap3A_1817 = tpu.vector_load %arg9[%swap3A_1815, %swap3A_1816] {strides = array<i32>} : memref<16x1024xf32, #tpu.memory_space<vmem>>, vector<16xf32>,
        tpu.vector_store %arg9[%swap3A_1815, %swap3A_1816], %add3A_1814 {strides = array<i32>} : memref<16x1024xf32, #tpu.memory_space<vmem>>, vector<16xf32>,
        %get3A_1818 = arith.index_cast %scan3A_122 : i32 to index
        %get3A_1819 = arith.constant 928 : index
        %get3A_1820 = tpu.vector_load %arg9[%get3A_1818, %get3A_1819] {strides = array<i32>} : memref<16x1024xf32, #tpu.memory_space<vmem>>, vector<16xf32>,
        %sub3A_1821 = arith.subf %get3A_1820, %broadcast_in_dim3A_969 : vector<16xf32>
        %mul3A_1822 = arith.mulf %sub3A_1821, %mul3A_1005 : vector<16xf32>
        %get3A_1823 = arith.constant 928 : index
        %get3A_1824 = tpu.vector_load %arg11[%get3A_1823] {strides = array<i32>} : memref<1024xf32, #tpu.memory_space<vmem>>, vector<16xf32>,
        %mul3A_1825 = arith.mulf %mul3A_1822, %get3A_1824 : vector<16xf32>
        %get3A_1826 = arith.constant 928 : index
        %get3A_1827 = tpu.vector_load %arg12[%get3A_1826] {strides = array<i32>} : memref<1024xf32, #tpu.memory_space<vmem>>, vector<16xf32>,
        %add3A_1828 = arith.addf %mul3A_1825, %get3A_1827 : vector<16xf32>
        %swap3A_1829 = arith.index_cast %scan3A_122 : i32 to index
        %swap3A_1830 = arith.constant 928 : index
        %swap3A_1831 = tpu.vector_load %arg9[%swap3A_1829, %swap3A_1830] {strides = array<i32>} : memref<16x1024xf32, #tpu.memory_space<vmem>>, vector<16xf32>,
        tpu.vector_store %arg9[%swap3A_1829, %swap3A_1830], %add3A_1828 {strides = array<i32>} : memref<16x1024xf32, #tpu.memory_space<vmem>>, vector<16xf32>,
        %get3A_1832 = arith.index_cast %scan3A_122 : i32 to index
        %get3A_1833 = arith.constant 944 : index
        %get3A_1834 = tpu.vector_load %arg9[%get3A_1832, %get3A_1833] {strides = array<i32>} : memref<16x1024xf32, #tpu.memory_space<vmem>>, vector<16xf32>,
        %sub3A_1835 = arith.subf %get3A_1834, %broadcast_in_dim3A_969 : vector<16xf32>
        %mul3A_1836 = arith.mulf %sub3A_1835, %mul3A_1005 : vector<16xf32>
        %get3A_1837 = arith.constant 944 : index
        %get3A_1838 = tpu.vector_load %arg11[%get3A_1837] {strides = array<i32>} : memref<1024xf32, #tpu.memory_space<vmem>>, vector<16xf32>,
        %mul3A_1839 = arith.mulf %mul3A_1836, %get3A_1838 : vector<16xf32>
        %get3A_1840 = arith.constant 944 : index
        %get3A_1841 = tpu.vector_load %arg12[%get3A_1840] {strides = array<i32>} : memref<1024xf32, #tpu.memory_space<vmem>>, vector<16xf32>,
        %add3A_1842 = arith.addf %mul3A_1839, %get3A_1841 : vector<16xf32>
        %swap3A_1843 = arith.index_cast %scan3A_122 : i32 to index
        %swap3A_1844 = arith.constant 944 : index
        %swap3A_1845 = tpu.vector_load %arg9[%swap3A_1843, %swap3A_1844] {strides = array<i32>} : memref<16x1024xf32, #tpu.memory_space<vmem>>, vector<16xf32>,
        tpu.vector_store %arg9[%swap3A_1843, %swap3A_1844], %add3A_1842 {strides = array<i32>} : memref<16x1024xf32, #tpu.memory_space<vmem>>, vector<16xf32>,
        %get3A_1846 = arith.index_cast %scan3A_122 : i32 to index
        %get3A_1847 = arith.constant 960 : index
        %get3A_1848 = tpu.vector_load %arg9[%get3A_1846, %get3A_1847] {strides = array<i32>} : memref<16x1024xf32, #tpu.memory_space<vmem>>, vector<16xf32>,
        %sub3A_1849 = arith.subf %get3A_1848, %broadcast_in_dim3A_969 : vector<16xf32>
        %mul3A_1850 = arith.mulf %sub3A_1849, %mul3A_1005 : vector<16xf32>
        %get3A_1851 = arith.constant 960 : index
        %get3A_1852 = tpu.vector_load %arg11[%get3A_1851] {strides = array<i32>} : memref<1024xf32, #tpu.memory_space<vmem>>, vector<16xf32>,
        %mul3A_1853 = arith.mulf %mul3A_1850, %get3A_1852 : vector<16xf32>
        %get3A_1854 = arith.constant 960 : index
        %get3A_1855 = tpu.vector_load %arg12[%get3A_1854] {strides = array<i32>} : memref<1024xf32, #tpu.memory_space<vmem>>, vector<16xf32>,
        %add3A_1856 = arith.addf %mul3A_1853, %get3A_1855 : vector<16xf32>
        %swap3A_1857 = arith.index_cast %scan3A_122 : i32 to index
        %swap3A_1858 = arith.constant 960 : index
        %swap3A_1859 = tpu.vector_load %arg9[%swap3A_1857, %swap3A_1858] {strides = array<i32>} : memref<16x1024xf32, #tpu.memory_space<vmem>>, vector<16xf32>,
        tpu.vector_store %arg9[%swap3A_1857, %swap3A_1858], %add3A_1856 {strides = array<i32>} : memref<16x1024xf32, #tpu.memory_space<vmem>>, vector<16xf32>,
        %get3A_1860 = arith.index_cast %scan3A_122 : i32 to index
        %get3A_1861 = arith.constant 976 : index
        %get3A_1862 = tpu.vector_load %arg9[%get3A_1860, %get3A_1861] {strides = array<i32>} : memref<16x1024xf32, #tpu.memory_space<vmem>>, vector<16xf32>,
        %sub3A_1863 = arith.subf %get3A_1862, %broadcast_in_dim3A_969 : vector<16xf32>
        %mul3A_1864 = arith.mulf %sub3A_1863, %mul3A_1005 : vector<16xf32>
        %get3A_1865 = arith.constant 976 : index
        %get3A_1866 = tpu.vector_load %arg11[%get3A_1865] {strides = array<i32>} : memref<1024xf32, #tpu.memory_space<vmem>>, vector<16xf32>,
        %mul3A_1867 = arith.mulf %mul3A_1864, %get3A_1866 : vector<16xf32>
        %get3A_1868 = arith.constant 976 : index
        %get3A_1869 = tpu.vector_load %arg12[%get3A_1868] {strides = array<i32>} : memref<1024xf32, #tpu.memory_space<vmem>>, vector<16xf32>,
        %add3A_1870 = arith.addf %mul3A_1867, %get3A_1869 : vector<16xf32>
        %swap3A_1871 = arith.index_cast %scan3A_122 : i32 to index
        %swap3A_1872 = arith.constant 976 : index
        %swap3A_1873 = tpu.vector_load %arg9[%swap3A_1871, %swap3A_1872] {strides = array<i32>} : memref<16x1024xf32, #tpu.memory_space<vmem>>, vector<16xf32>,
        tpu.vector_store %arg9[%swap3A_1871, %swap3A_1872], %add3A_1870 {strides = array<i32>} : memref<16x1024xf32, #tpu.memory_space<vmem>>, vector<16xf32>,
        %get3A_1874 = arith.index_cast %scan3A_122 : i32 to index
        %get3A_1875 = arith.constant 992 : index
        %get3A_1876 = tpu.vector_load %arg9[%get3A_1874, %get3A_1875] {strides = array<i32>} : memref<16x1024xf32, #tpu.memory_space<vmem>>, vector<16xf32>,
        %sub3A_1877 = arith.subf %get3A_1876, %broadcast_in_dim3A_969 : vector<16xf32>
        %mul3A_1878 = arith.mulf %sub3A_1877, %mul3A_1005 : vector<16xf32>
        %get3A_1879 = arith.constant 992 : index
        %get3A_1880 = tpu.vector_load %arg11[%get3A_1879] {strides = array<i32>} : memref<1024xf32, #tpu.memory_space<vmem>>, vector<16xf32>,
        %mul3A_1881 = arith.mulf %mul3A_1878, %get3A_1880 : vector<16xf32>
        %get3A_1882 = arith.constant 992 : index
        %get3A_1883 = tpu.vector_load %arg12[%get3A_1882] {strides = array<i32>} : memref<1024xf32, #tpu.memory_space<vmem>>, vector<16xf32>,
        %add3A_1884 = arith.addf %mul3A_1881, %get3A_1883 : vector<16xf32>
        %swap3A_1885 = arith.index_cast %scan3A_122 : i32 to index
        %swap3A_1886 = arith.constant 992 : index
        %swap3A_1887 = tpu.vector_load %arg9[%swap3A_1885, %swap3A_1886] {strides = array<i32>} : memref<16x1024xf32, #tpu.memory_space<vmem>>, vector<16xf32>,
        tpu.vector_store %arg9[%swap3A_1885, %swap3A_1886], %add3A_1884 {strides = array<i32>} : memref<16x1024xf32, #tpu.memory_space<vmem>>, vector<16xf32>,
        %get3A_1888 = arith.index_cast %scan3A_122 : i32 to index
        %get3A_1889 = arith.constant 1008 : index
        %get3A_1890 = tpu.vector_load %arg9[%get3A_1888, %get3A_1889] {strides = array<i32>} : memref<16x1024xf32, #tpu.memory_space<vmem>>, vector<16xf32>,
        %sub3A_1891 = arith.subf %get3A_1890, %broadcast_in_dim3A_969 : vector<16xf32>
        %mul3A_1892 = arith.mulf %sub3A_1891, %mul3A_1005 : vector<16xf32>
        %get3A_1893 = arith.constant 1008 : index
        %get3A_1894 = tpu.vector_load %arg11[%get3A_1893] {strides = array<i32>} : memref<1024xf32, #tpu.memory_space<vmem>>, vector<16xf32>,
        %mul3A_1895 = arith.mulf %mul3A_1892, %get3A_1894 : vector<16xf32>
        %get3A_1896 = arith.constant 1008 : index
        %get3A_1897 = tpu.vector_load %arg12[%get3A_1896] {strides = array<i32>} : memref<1024xf32, #tpu.memory_space<vmem>>, vector<16xf32>,
        %add3A_1898 = arith.addf %mul3A_1895, %get3A_1897 : vector<16xf32>
        %swap3A_1899 = arith.index_cast %scan3A_122 : i32 to index
        %swap3A_1900 = arith.constant 1008 : index
        %swap3A_1901 = tpu.vector_load %arg9[%swap3A_1899, %swap3A_1900] {strides = array<i32>} : memref<16x1024xf32, #tpu.memory_space<vmem>>, vector<16xf32>,
        tpu.vector_store %arg9[%swap3A_1899, %swap3A_1900], %add3A_1898 {strides = array<i32>} : memref<16x1024xf32, #tpu.memory_space<vmem>>, vector<16xf32>,
        %scan3A_1902 = arith.constant 0 : i32
        scf.yield %scan3A_1902 : i32
      }
      %scan3A_104 = arith.constant 16 : i32
      %mul3A_105 = arith.constant 16 : i32
      %mul3A_106 = arith.muli %add3A_85, %mul3A_105 : i32
      %add3A_107 = arith.addi %mul3A_2, %mul3A_106 : i32
      %dma_start3A_108 = arith.constant 0 : i32
      %dma_start3A_109 = tpu.memref_slice %arg6[%add3A_107, %dma_start3A_108] : memref<32768x1024xf32, #tpu.memory_space<hbm>> -> memref<16x1024xf32, #tpu.memory_space<hbm>>
      %dma_start3A_110 = arith.constant 0 : i32
      %dma_start3A_111 = tpu.memref_slice %arg6[%add3A_107, %dma_start3A_110] : memref<32768x1024xf32, #tpu.memory_space<hbm>> -> memref<16x1024xf32, #tpu.memory_space<hbm>>
      tpu.enqueue_dma source(%arg9 : memref<16x1024xf32, #tpu.memory_space<vmem>>) target(%dma_start3A_111 : memref<16x1024xf32, #tpu.memory_space<hbm>>) target_semaphore(%arg16 : memref<!tpu.dma_semaphore, #tpu.memory_space<semaphore_mem>>)
      %add3A_112 = arith.constant 1 : i32
      %add3A_113 = arith.addi %mul3A_49, %add3A_112 : i32
      %add3A_114 = arith.constant 2 : i32
      %add3A_115 = arith.addi %add3A_113, %add3A_114 : i32
      %lt3A_116 = arith.constant 64 : i32
      %lt3A_117 = arith.cmpi slt, %add3A_115, %lt3A_116 : i32
      %convert_element_type3A_118 = arith.extui %lt3A_117 : i1 to i32
      %cond3A_119 = arith.constant 0 : i32
      %cond3A_120 = arith.cmpi ne, %convert_element_type3A_118, %cond3A_119 : i32
      scf.if %cond3A_120 {
        %dma_wait3A_122 = arith.constant 0 : i32
        %dma_wait3A_123 = arith.constant 0 : i32
        %dma_wait3A_124 = tpu.memref_slice %arg6[%dma_wait3A_122, %dma_wait3A_123] : memref<32768x1024xf32, #tpu.memory_space<hbm>> -> memref<16x1024xf32, #tpu.memory_space<hbm>>
        %dma_wait3A_125 = arith.constant 0 : i32
        %dma_wait3A_126 = arith.constant 0 : i32
        %dma_wait3A_127 = tpu.memref_slice %arg6[%dma_wait3A_125, %dma_wait3A_126] : memref<32768x1024xf32, #tpu.memory_space<hbm>> -> memref<16x1024xf32, #tpu.memory_space<hbm>>
        tpu.wait_dma2 semaphore(%arg16 : memref<!tpu.dma_semaphore, #tpu.memory_space<semaphore_mem>>) src(%arg9 : memref<16x1024xf32, #tpu.memory_space<vmem>>) dst(%dma_wait3A_127 : memref<16x1024xf32, #tpu.memory_space<hbm>>)
        %add3A_128 = arith.constant 1 : i32
        %add3A_129 = arith.addi %mul3A_49, %add3A_128 : i32
        %add3A_130 = arith.constant 2 : i32
        %add3A_131 = arith.addi %add3A_129, %add3A_130 : i32
        %mul3A_132 = arith.constant 16 : i32
        %mul3A_133 = arith.muli %add3A_131, %mul3A_132 : i32
        %add3A_134 = arith.addi %add3A_4, %mul3A_133 : i32
        %mul3A_135 = arith.constant 16 : i32
        %mul3A_136 = arith.muli %add3A_131, %mul3A_135 : i32
        %add3A_137 = arith.addi %rem3A_5, %mul3A_136 : i32
        %dma_start3A_138 = arith.constant 0 : i32
        %dma_start3A_139 = tpu.memref_slice %arg2[%add3A_134, %dma_start3A_138] : memref<32768x1024xf32, #tpu.memory_space<hbm>> -> memref<16x1024xf32, #tpu.memory_space<hbm>>
        %dma_start3A_140 = arith.constant 0 : i32
        %dma_start3A_141 = tpu.memref_slice %arg2[%add3A_134, %dma_start3A_140] : memref<32768x1024xf32, #tpu.memory_space<hbm>> -> memref<16x1024xf32, #tpu.memory_space<hbm>>
        tpu.enqueue_dma source(%dma_start3A_141 : memref<16x1024xf32, #tpu.memory_space<hbm>>) target(%arg9 : memref<16x1024xf32, #tpu.memory_space<vmem>>) target_semaphore(%arg14 : memref<!tpu.dma_semaphore, #tpu.memory_space<semaphore_mem>>)
        %dma_start3A_142 = arith.constant 0 : i32
        %dma_start3A_143 = tpu.memref_slice %arg3[%add3A_137, %dma_start3A_142] : memref<8192x1024xf32, #tpu.memory_space<hbm>> -> memref<16x1024xf32, #tpu.memory_space<hbm>>
        %dma_start3A_144 = arith.constant 0 : i32
        %dma_start3A_145 = tpu.memref_slice %arg3[%add3A_137, %dma_start3A_144] : memref<8192x1024xf32, #tpu.memory_space<hbm>> -> memref<16x1024xf32, #tpu.memory_space<hbm>>
        tpu.enqueue_dma source(%dma_start3A_145 : memref<16x1024xf32, #tpu.memory_space<hbm>>) target(%arg10 : memref<16x1024xf32, #tpu.memory_space<vmem>>) target_semaphore(%arg14 : memref<!tpu.dma_semaphore, #tpu.memory_space<semaphore_mem>>)
      } else {
      }
      %scan3A_121 = arith.constant 0 : i32
      scf.yield %scan3A_121 : i32
    }
    %scan3A_34 = arith.constant 32 : i32
    %dma_wait3A = arith.constant 0 : i32
    %dma_wait3A_35 = arith.constant 0 : i32
    %dma_wait3A_36 = tpu.memref_slice %arg6[%dma_wait3A, %dma_wait3A_35] : memref<32768x1024xf32, #tpu.memory_space<hbm>> -> memref<16x1024xf32, #tpu.memory_space<hbm>>
    %dma_wait3A_37 = arith.constant 0 : i32
    %dma_wait3A_38 = arith.constant 0 : i32
    %dma_wait3A_39 = tpu.memref_slice %arg6[%dma_wait3A_37, %dma_wait3A_38] : memref<32768x1024xf32, #tpu.memory_space<hbm>> -> memref<16x1024xf32, #tpu.memory_space<hbm>>
    tpu.wait_dma2 semaphore(%arg15 : memref<!tpu.dma_semaphore, #tpu.memory_space<semaphore_mem>>) src(%arg7 : memref<16x1024xf32, #tpu.memory_space<vmem>>) dst(%dma_wait3A_39 : memref<16x1024xf32, #tpu.memory_space<hbm>>)
    %dma_wait3A_40 = arith.constant 0 : i32
    %dma_wait3A_41 = arith.constant 0 : i32
    %dma_wait3A_42 = tpu.memref_slice %arg6[%dma_wait3A_40, %dma_wait3A_41] : memref<32768x1024xf32, #tpu.memory_space<hbm>> -> memref<16x1024xf32, #tpu.memory_space<hbm>>
    %dma_wait3A_43 = arith.constant 0 : i32
    %dma_wait3A_44 = arith.constant 0 : i32
    %dma_wait3A_45 = tpu.memref_slice %arg6[%dma_wait3A_43, %dma_wait3A_44] : memref<32768x1024xf32, #tpu.memory_space<hbm>> -> memref<16x1024xf32, #tpu.memory_space<hbm>>
    tpu.wait_dma2 semaphore(%arg16 : memref<!tpu.dma_semaphore, #tpu.memory_space<semaphore_mem>>) src(%arg9 : memref<16x1024xf32, #tpu.memory_space<vmem>>) dst(%dma_wait3A_45 : memref<16x1024xf32, #tpu.memory_space<hbm>>)
    return
  }
}

</mosaic_0001>

<sc_bundles>
// kernel: _tempo_enc_sc_full.3.cloned.1.call-start
scs
__scs_entry_jumppad:
0x0: {  	(pc) =	sbr.rel $0x88, $3  }
0x1: {  	(tag) =	ssettag $0x0;
	lr =	simm.s32 $0x1  }
0x2: {  	[smem:$0x3F9D] =	sst lr;
	_ =	strace $0xD0000000  }
0x3: {  	_ = 	snop  }
0x4: {  	_ = 	snop  }
0x5: {  	_ = 	snop  }
0x6: {  	_ = 	snop  }
0x7: {  	_ = 	snop  }
__scs_overlays_trampoline_lowered:
0x8: {  	[smem:$0x3FAC] =	sst s0  }
0x9: {  	[smem:$0x3FAD] =	sst s1  }
0xa: {  	[smem:$0x3FAE] =	sst s2  }
0xb: {  	[smem:$0x3FAF] =	sst s3  }
0xc: {  	[smem:$0x3FB0] =	sst s4  }
0xd: {  	[smem:$0x3FB1] =	sst s5  }
0xe: {  	[smem:$0x3FB2] =	sst s6  }
0xf: {  	[smem:$0x3FB3] =	sst s7  }
0x10: {  	[smem:$0x3FB4] =	sst s8  }
0x11: {  	[smem:$0x3FB5] =	sst s9;
	s0 =	simm.s32 @!p0 $0x0  }
0x12: {  	s1 =	sld [smem:$0x3F9B];
	s0 =	simm.s32 @p0 $0x1  }
0x13: {  	[smem:$0x3FB6] =	sst s0;
	s0 =	simm.s32 @!p1 $0x0  }
0x14: {  	s2 =	sld [smem:$0x3F9A];
	s0 =	simm.s32 @p1 $0x1  }
0x15: {  	[smem:$0x3FB7] =	sst s0;
	s0 =	simm.s32 @!p2 $0x0  }
0x16: {  	s3 =	sld [smem:$0x3FDB];
	s0 =	simm.s32 @p2 $0x1  }
0x17: {  	s4 =	simm.s32 $0x1BF5;
	[smem:$0x3FB9] =	sst s0  }
0x18: {  	s0 =	sld [smem:$0x3F9C];
	_ =	swait.ge [sflag:s4], $0x0  }
0x19: {  	s7 =	sld [smem:$0x3F9D]  }
0x1a: {  	s8 =	sadd.s32 $0xFFFFE003, lr  }
0x1b: {  	s9 =	sadd.s32 $0xFFFFFEF7, lr;
	s5 =	simm.s32 $0xFFFFFFFF;
	p2 =	slt.u32 s8, $0xFFFFF086  }
0x1c: {  	p1 =	slt.u32 s9, $0xF7A;
	s5 =	simm.s32 @!p2 $0x0  }
0x1d: {  	s5 =	simm.s32 @p1 $0x1;
	p0 =	seq.s32 s7, s2  }
0x1e: {  	s7 =	smul.u32 @!p0 $0xF7A, s2;
	p2 =	seq.s32 @!p0 s5, $0x0  }
0x1f: {  	s9 =	smul.u32 $0xF7A, s1;
	s8 =	simm.s32 @!p0 $0x1BF5;
	p2 =	por !p2, p0  }
0x20: {  	[sflag:s8] =	ssyncset.s32 @!p0 $0xFFFFF086;
	s6 =	sadd.s32 @!p0 s3, s7;
	s7 =	simm.s32 @!p0 $0x108  }
0x21: {  	s3 =	sadd.s32 s3, s9;
	s6 =	sadd.s32 @!p0 $0x88, s6;
	s7 =	simm.s32 @p2 $0x1082  }
0x22: {  	[simem:s7], [sflag:s8] =	dma.local @!p0 [hbm:s6], $0xF7A  }
0x23: {  	s9 =	sor.u32 $0xD0000000, s2;
	s6 =	simm.s32 $0x108;
	_ =	swait.ge @!p0 [sflag:s8], $0x0  }
0x24: {  	s3 =	sadd.s32 $0x88, s3;
	s6 =	simm.s32 @!p1 $0x1082;
	[sflag:s4] =	ssyncset.s32 $0xFFFFF086  }
0x25: {  	[simem:s6], [sflag:s4] =	dma.local [hbm:s3], $0xF7A  }
0x26: {  	[smem:$0x3F9D] =	sst s1;
	(tag) =	ssettag s2;
	_ =	strace s9  }
0x27: {  	s1 =	sld [smem:$0x3FAD]  }
0x28: {  	s2 =	sld [smem:$0x3FAE]  }
0x29: {  	s4 =	sld [smem:$0x3FB0]  }
0x2a: {  	p0 =	seq.s32 s5, $0x0;
	s5 =	sld [smem:$0x3FB1]  }
0x2b: {  	s6 =	sld [smem:$0x3FB2]  }
0x2c: {  	s7 =	sld [smem:$0x3FB3]  }
0x2d: {  	s3 =	simm.s32 $0x108;
	s8 =	sld [smem:$0x3FB4]  }
0x2e: {  	s3 =	simm.s32 @!p0 $0x1082;
	s9 =	sld [smem:$0x3FB5]  }
0x2f: {  	lr =	sadd.s32 s0, s3;
	s0 =	sld [smem:$0x3FAC]  }
0x30: {  	s3 =	sld [smem:$0x3FAF]  }
0x31: {  	[smem:$0x3FB8] =	sst s10  }
0x32: {  	s10 =	sld [smem:$0x3FB6];
	_ =	sdelay $0x3  }
0x33: {  	p0 =	seq.s32 s10, $0x1;
	s10 =	sld [smem:$0x3FB8];
	_ =	sdelay $0x3  }
0x34: {  	[smem:$0x3FB8] =	sst s10  }
0x35: {  	s10 =	sld [smem:$0x3FB7];
	_ =	sdelay $0x3  }
0x36: {  	p1 =	seq.s32 s10, $0x1;
	s10 =	sld [smem:$0x3FB8];
	_ =	sdelay $0x3  }
0x37: {  	[smem:$0x3FB8] =	sst s10  }
0x38: {  	s10 =	sld [smem:$0x3FB9]  }
0x39: {  	_ = 	snop;
	(pc) =	sbr.ind lr, $3  }
0x3a: {  	_ = 	snop  }
0x3b: {  	_ = 	snop  }
0x3c: {  	p2 =	seq.s32 s10, $0x1;
	s10 =	sld [smem:$0x3FB8]  }
0x3d: {  	_ =	shalt  }
0x3e: {  	_ =	shalt  }
0x3f: {  	_ =	shalt  }
0x40: {  	_ =	shalt  }
0x41: {  	_ =	shalt  }
0x42: {  	_ =	shalt  }
0x43: {  	_ =	shalt  }
0x44: {  	_ =	shalt  }
0x45: {  	_ =	shalt  }
0x46: {  	_ =	shalt  }
0x47: {  	_ =	shalt  }
0x48: {  	_ =	shalt  }
0x49: {  	_ =	shalt  }
0x4a: {  	_ =	shalt  }
0x4b: {  	_ =	shalt  }
0x4c: {  	_ =	shalt  }
0x4d: {  	_ =	shalt  }
0x4e: {  	_ =	shalt  }
0x4f: {  	_ =	shalt  }
0x50: {  	_ =	shalt  }
0x51: {  	_ =	shalt  }
0x52: {  	_ =	shalt  }
0x53: {  	_ =	shalt  }
0x54: {  	_ =	shalt  }
0x55: {  	_ =	shalt  }
0x56: {  	_ =	shalt  }
0x57: {  	_ =	shalt  }
0x58: {  	_ =	shalt  }
0x59: {  	_ =	shalt  }
0x5a: {  	_ =	shalt  }
0x5b: {  	_ =	shalt  }
0x5c: {  	_ =	shalt  }
0x5d: {  	_ =	shalt  }
0x5e: {  	_ =	shalt  }
0x5f: {  	_ =	shalt  }
0x60: {  	_ =	shalt  }
0x61: {  	_ =	shalt  }
0x62: {  	_ =	shalt  }
0x63: {  	_ =	shalt  }
0x64: {  	_ =	shalt  }
0x65: {  	_ =	shalt  }
0x66: {  	_ =	shalt  }
0x67: {  	_ =	shalt  }
0x68: {  	_ =	shalt  }
0x69: {  	_ =	shalt  }
0x6a: {  	_ =	shalt  }
0x6b: {  	_ =	shalt  }
0x6c: {  	_ =	shalt  }
0x6d: {  	_ =	shalt  }
0x6e: {  	_ =	shalt  }
0x6f: {  	_ =	shalt  }
0x70: {  	_ =	shalt  }
0x71: {  	_ =	shalt  }
0x72: {  	_ =	shalt  }
0x73: {  	_ =	shalt  }
0x74: {  	_ =	shalt  }
0x75: {  	_ =	shalt  }
0x76: {  	_ =	shalt  }
0x77: {  	_ =	shalt  }
0x78: {  	_ =	shalt  }
0x79: {  	_ =	shalt  }
0x7a: {  	_ =	shalt  }
0x7b: {  	_ =	shalt  }
0x7c: {  	_ =	shalt  }
0x7d: {  	_ =	shalt  }
0x7e: {  	_ =	shalt  }
0x7f: {  	_ =	shalt  }
0x80: {  	_ =	shalt  }
0x81: {  	_ =	shalt  }
0x82: {  	_ =	shalt  }
0x83: {  	_ =	shalt  }
0x84: {  	_ =	shalt  }
0x85: {  	_ =	shalt  }
0x86: {  	_ =	shalt  }
0x87: {  	_ =	shalt  }
.Lfunc_end0:
.L_simem_size_0:
called_computation_lowered:
.L_overlay_start_0:
0x88: {  	s2 =	sld [smem:$0x3FD9]  }
0x89: {  	s3 =	sld [smem:$0x3FFE];
	_ =	sdelay $0x1  }
0x8a: {  	s1 =	srdreg.scid  }
0x8b: {  	s0 =	sand.u32 $0x1, s1  }
0x8c: {  	s17 =	sshll.u32 s0, $0xA;
	s2 =	sadd.s32 s3, s2  }
0x8d: {  	s2 =	sadd.s32 s2, s17  }
0x8e: {  	[smem:$0x3FC4] =	sst s2  }
0x8f: {  	_ = 	snop  }
0x90: {  	s2 =	sld [smem:$0x3FC9]  }
0x91: {  	s18 =	sld [smem:$0x3FC7]  }
0x92: {  	s4 =	sld [smem:$0x3FC6]  }
0x93: {  	s5 =	sld [smem:$0x3FD0];
	(tm) =	ssettm $0x1  }
0x94: {  	s6 =	sld [smem:$0x3FFB];
	_ =	sdelay $0x3  }
0x95: {  	_ =	strace s6  }
0x96: {  	s6 =	sld [smem:$0x3FFC];
	_ =	sdelay $0x3  }
0x97: {  	_ =	strace s6  }
0x98: {  	s6 =	sld [smem:$0x3FFD];
	_ =	sdelay $0x3  }
0x99: {  	_ =	strace s6  }
0x9a: {  	_ =	strace $0x8FFFFFFF  }
0x9b: {  	s19 =	sld [smem:$0x3FDB];
	_ =	sdelay $0x1  }
0x9c: {  	s7 =	simm.s32 $_scs_section_size  }
0x9d: {  	s8 =	simm.s32 $_size__tile_overlayer_lowered;
	s9 =	simm.s32 $_tile_overlayer_lowered  }
0x9e: {  	s22 =	simm.s32 $0x1BFF;
	s21 =	sshll.u32 s9, $0x1;
	s6 =	sadd.s32 s7, s19  }
0x9f: {  	s10 =	simm.s32 $0x0;
	s20 =	sshll.u32 s8, $0x1;
	s8 =	sadd.s32 s21, s6  }
0xa0: {  	[timem:s10], [sflag:s22] =	dma.local [hbm:s8], s20  }
0xa1: {  	_ =	swait.ge [sflag:s22], s20  }
0xa2: {  	s7 =	ssub.s32 $0x0, s20;
	[sflag:s22] =	ssyncset.done $0x0  }
0xa3: {  	[sflag:s22] =	ssyncadd.s32 s7;
	_ =	sdelay $0x1  }
0xa4: {  	s23 =	simm.s32 $0x1B8B  }
0xa5: {  	_ =	swait.ge [sflag:s23], $0x1  }
0xa6: {  	[sflag:s23] =	ssyncset.done $0x0  }
0xa7: {  	s25 =	simm.s32 $0x1B8E;
	s24 =	sld [smem:$0x3FFE];
	[sflag:s23] =	ssyncadd.s32 $0xFFFFFFFF  }
0xa8: {  	s26 =	simm.s32 $execute0_lowered;
	[smem:$0x3FD2] =	sst s25  }
0xa9: {  	s8 =	sshll.u32 s26, $0x1;
	_ =	strace $0x80000046;
	[dreg:$0x1] =	wrdreg $0xFFFFFFFF  }
0xaa: {  	s28 =	simm.s32 $_size_execute0_lowered;
	s6 =	sadd.s32 s6, s8;
	[dreg:$0x0] =	wrdreg $0x0  }
0xab: {  	s8 =	sshll.u32 s28, $0x1;
	[dreg:$0x2] =	wrdreg s6  }
0xac: {  	[dreg:$0x3] =	wrdreg s8  }
0xad: {  	[dreg:$0x4] =	wrdreg $0xC0  }
0xae: {  	_ =	task [dreg:s10], $0x5FFFF  }
0xaf: {  	[dreg:$0x1] =	wrdreg $0xFFFFFFFF  }
0xb0: {  	[dreg:$0x0] =	wrdreg $0x60  }
0xb1: {  	[dreg:$0x2] =	wrdreg s2  }
0xb2: {  	[dreg:$0x3] =	wrdreg s24  }
0xb3: {  	[dreg:$0x4] =	wrdreg s18  }
0xb4: {  	[dreg:$0x5] =	wrdreg s4  }
0xb5: {  	[dreg:$0x6] =	wrdreg s5  }
0xb6: {  	[dreg:$0x7] =	wrdreg $0x9  }
0xb7: {  	_ =	task.clear_ibuf [dreg:s10], $0x8FFFF;
	_ =	strace $0x90000046  }
0xb8: {  	s29 =	simm.s32 $0x9;
	_ =	strace $0x80000048  }
0xb9: {  	_ =	swait.ge [sflag:s29], $0x1  }
0xba: {  	[sflag:s29] =	ssyncadd.s32 $0xFFFFFFFF  }
0xbb: {  	_ =	strace $0x90000048  }
0xbc: {  	_ =	sfence  }
0xbd: {  	s30 =	sld [smem:$0x0];
	_ =	sdelay $0x2  }
0xbe: {  	s31 =	sshll.u32 s1, $0xD;
	s1 =	sshrl.u32 s1, $0x2  }
0xbf: {  	s3 =	sand.u32 $0x4000, s31;
	s1 =	sadd.s32 s1, s30  }
0xc0: {  	s0 =	sor.u32 s3, s0;
	s1 =	sshll.u32 s1, $0x11  }
0xc1: {  	s0 =	sor.u32 s1, s0  }
0xc2: {  	s0 =	sadd.s32 $0x8F2B, s0  }
0xc3: {  	[sflag:s0] =	ssyncadd.remote.s32 $0x1  }
0xc4: {  	_ =	sfence.sel $0xFFFF  }
0xc5: {  	[dreg:$0x0] =	wrdreg $0xFFFFFFFF;
	(pc) =	sbr.abs _section_cstart, $3  }
0xc6: {  	[dreg:$0x1] =	wrdreg $0xFFFFFFFF  }
0xc7: {  	_ =	task.clear_ibuf [dreg:s10], $0x2FFFF;
	_ =	strace $0x9FFFFFFF  }
0xc8: {  	(tm) =	ssettm $0x7FFFFFFF  }
0xc9: {  	_ =	shalt  }
tec
execute0_lowered:
.L_overlay_start_1:
0x0: {  	(tag) =	ssettag $0x1  }
0x1: {  	s1 =	rddreg [dreg:$0x0]  }
0x2: {  	s0 =	rddreg [dreg:$0x1]  }
0x3: {  	s5 =	rddreg [dreg:$0x4];
	s2 =	srdreg.scid  }
0x4: {  	s6 =	simm.s32 $0x0;
	s3 =	stileid.u32;
	s20 =	simm.s32 $0x8000  }
0x5: {  	s21 =	simm.s32 $0xC000;
	s22 =	simm.s32 $0x1;
	s2 =	sand.u32 $0x1, s2  }
0x6: {  	[smem:$0x7FF] =	sst s6;
	s3 =	sshll.u32 s3, $0xB;
	s4 =	sshll.u32 s2, $0xA  }
0x7: {  	s8 =	sadd.s32 $0x400, s0;
	s28 =	ssub.s32 $0x2, s2;
	s7 =	sor.u32 s4, s3  }
0x8: {  	_ =	strace $0x80000047;
	s2 =	sshrl.u32 s28, $0x1;
	s3 =	sshll.u32 s7, $0x7  }
0x9: {  	s9 =	sand.u32 $0x1C00, s7;
	s0 =	ssub.s32 s28, s2;
	s30 =	sadd.s32 s1, s3  }
.Ltmp0:
0xa: {  	s0 =	smax.u32 s0, $0x1;
	[dreg:$0x6] =	wrdreg s30;
	(pc) =	sbr.rel .LBB2_1-.Ltmp0, $4  }
0xb: {  	s29 =	sshll.u32 s9, $0x7;
	s2 =	sadd.s32 $0x800, s30;
	[dreg:$0xa] =	wrdreg s0  }
0xc: {  	s23 =	simm.s32 $0x2;
	s4 =	sadd.s32 s8, s29;
	[dreg:$0x8] =	wrdreg s2  }
0xd: {  	s25 =	simm.s32 $0x4;
	[dreg:$0x7] =	wrdreg s4;
	s31 =	sadd.s32 $0x800, s4  }
0xe: {  	s26 =	simm.s32 $0x0;
	s14 =	sadd.s32 s5, s3;
	[dreg:$0x9] =	wrdreg s31  }
.LBB2_8:
0xf: {  	s0 =	simm.s32 $0x3  }
0x10: {  	_ =	swait.ge [sflag:s0], $0x4000  }
0x11: {  	[sflag:s0] =	ssyncset.done $0x0  }
0x12: {  	[sflag:s0] =	ssyncadd.s32 $0xFFFFC000  }
0x13: {  	_ =	swait.ge [sflag:s25], $0x4000  }
0x14: {  	s26 =	sadd.s32 $0x1, s26;
	s31 =	rddreg [dreg:$0xa]  }
0x15: {  	p0 =	sne.s32 s26, s31  }
.Ltmp1:
0x16: {  	_ = 	snop;
	(pc) =	sbr.rel @!p0 .LBB2_9-.Ltmp1, $3  }
0x17: {  	_ =	sdelay $0x1  }
0x18: {  	[sflag:s25] =	ssyncset.done $0x0  }
0x19: {  	[sflag:s25] =	ssyncadd.s32 $0xFFFFC000  }
.LBB2_1:
0x1a: {  	s0 =	rddreg [dreg:$0x2];
	s2 =	simm.s32 $0x10000;
	s17 =	simm.s32 $0x5  }
0x1b: {  	[tilespmem:s2], [sflag:$0x5] =	stream.linear.gather [hbm4b:s0+s6], $0x400, $0x38;
	[tilespmem:$0x10800] =	vst v63  }
0x1c: {  	_ =	swait.ge [sflag:s17], $0x400  }
0x1d: {  	[sflag:s17] =	ssyncset.done $0x0  }
0x1e: {  	[sflag:s17] =	ssyncadd.s32 $0xFFFFFC00  }
0x1f: {  	s3 =	simm.s32 $0x10400;
	s18 =	rddreg [dreg:$0x3]  }
0x20: {  	[tilespmem:s3], [sflag:$0x5] =	stream.linear.gather [hbm4b:s18+s6], $0x400, $0x38;
	[tilespmem:$0x10800] =	vst v63  }
0x21: {  	_ =	swait.ge [sflag:s17], $0x400  }
0x22: {  	[sflag:s17] =	ssyncset.done $0x0  }
0x23: {  	s19 =	rddreg [dreg:$0x6];
	[sflag:s17] =	ssyncadd.s32 $0xFFFFFC00  }
0x24: {  	[tilespmem:s6], [sflag:$0x1] =	stream.linear.gather [hbm4b:s19+s6], $0x4000, $0x38;
	[tilespmem:$0x10800] =	vst v63  }
0x25: {  	s29 =	simm.s32 $0x4000;
	s24 =	rddreg [dreg:$0x7]  }
0x26: {  	[tilespmem:s29], [sflag:$0x1] =	stream.linear.gather [hbm4b:s24+s6], $0x4000, $0x38;
	[tilespmem:$0x10800] =	vst v63  }
0x27: {  	s30 =	rddreg [dreg:$0x8]  }
0x28: {  	[tilespmem:s20], [sflag:$0x2] =	stream.linear.gather [hbm4b:s30+s6], $0x4000, $0x38;
	[tilespmem:$0x10800] =	vst v63  }
0x29: {  	s28 =	simm.s32 $0x0;
	s31 =	rddreg [dreg:$0x9]  }
0x2a: {  	[tilespmem:s21], [sflag:$0x2] =	stream.linear.gather [hbm4b:s31+s6], $0x4000, $0x38;
	[tilespmem:$0x10800] =	vst v63  }
.LBB2_2:
0x2b: {  	_ =	swait.ge [sflag:s22], $0x4000  }
0x2c: {  	[sflag:s22] =	ssyncset.done $0x0  }
0x2d: {  	[sflag:s22] =	ssyncadd.s32 $0xFFFFC000  }
0x2e: {  	_ =	swait.ge [sflag:s22], $0x4000  }
0x2f: {  	s29 =	simm.s32 $0x0;
	s30 =	simm.s32 $0xFFFFC000;
	[sflag:s22] =	ssyncset.done $0x0  }
0x30: {  	s31 =	simm.s32 $0x0;
	s0 =	simm.s32 $0x0;
	[sflag:s22] =	ssyncadd.s32 $0xFFFFC000  }
.LBB2_3:
0x31: {  	s2 =	sadd.s32 $0x4000, s30  }
0x32: {  	s3 =	sand.u32 $0x380, s0;
	s2 =	sand.u32 $0x2000, s2  }
0x33: {  	s4 =	sor.u32 s3, s2  }
0x34: {  	v1 =	vld [tilespmem:s4+$0x0]  }
0x35: {  	v2 =	vld [tilespmem:s4+$0x4000]  }
0x36: {  	v3 =	vld [tilespmem:s4+$0x10]  }
0x37: {  	v6 =	vld [tilespmem:s4+$0x4010]  }
0x38: {  	v7 =	vld [tilespmem:s4+$0x20]  }
0x39: {  	v8 =	vld [tilespmem:s4+$0x4020]  }
0x3a: {  	v9 =	vld [tilespmem:s4+$0x30]  }
0x3b: {  	v10 =	vld [tilespmem:s4+$0x4030]  }
0x3c: {  	v11 =	vld [tilespmem:s4+$0x40]  }
0x3d: {  	v12 =	vld [tilespmem:s4+$0x4040]  }
0x3e: {  	v13 =	vld [tilespmem:s4+$0x50]  }
0x3f: {  	v14 =	vld [tilespmem:s4+$0x4050]  }
0x40: {  	v15 =	vld [tilespmem:s4+$0x60]  }
0x41: {  	v16 =	vld [tilespmem:s4+$0x4060]  }
0x42: {  	v17 =	vld [tilespmem:s4+$0x70]  }
0x43: {  	v18 =	vld [tilespmem:s4+$0x4070]  }
0x44: {  	v19 =	vld [tilespmem:s4+$0x400]  }
0x45: {  	v20 =	vld [tilespmem:s4+$0x4400]  }
0x46: {  	v21 =	vld [tilespmem:s4+$0x410]  }
0x47: {  	v22 =	vld [tilespmem:s4+$0x4410]  }
0x48: {  	v23 =	vld [tilespmem:s4+$0x420]  }
0x49: {  	v24 =	vld [tilespmem:s4+$0x4420]  }
0x4a: {  	v25 =	vld [tilespmem:s4+$0x430]  }
0x4b: {  	v26 =	vld [tilespmem:s4+$0x4430]  }
0x4c: {  	v27 =	vld [tilespmem:s4+$0x440]  }
0x4d: {  	v28 =	vld [tilespmem:s4+$0x4440]  }
0x4e: {  	v29 =	vld [tilespmem:s4+$0x450]  }
0x4f: {  	v30 =	vld [tilespmem:s4+$0x4450]  }
0x50: {  	v31 =	vld [tilespmem:s4+$0x460]  }
0x51: {  	v32 =	vld [tilespmem:s4+$0x4460]  }
0x52: {  	v33 =	vld [tilespmem:s4+$0x470]  }
0x53: {  	v34 =	vld [tilespmem:s4+$0x4470]  }
0x54: {  	v35 =	vld [tilespmem:s4+$0x800]  }
0x55: {  	v36 =	vld [tilespmem:s4+$0x4800]  }
0x56: {  	v37 =	vld [tilespmem:s4+$0x810]  }
0x57: {  	v38 =	vld [tilespmem:s4+$0x4810]  }
0x58: {  	v39 =	vld [tilespmem:s4+$0x820]  }
0x59: {  	v40 =	vld [tilespmem:s4+$0x4820]  }
0x5a: {  	v41 =	vld [tilespmem:s4+$0x830]  }
0x5b: {  	v42 =	vld [tilespmem:s4+$0x4830]  }
0x5c: {  	v43 =	vld [tilespmem:s4+$0x840]  }
0x5d: {  	v44 =	vld [tilespmem:s4+$0x4840]  }
0x5e: {  	v45 =	vld [tilespmem:s4+$0x850]  }
0x5f: {  	v46 =	vld [tilespmem:s4+$0x4850]  }
0x60: {  	v47 =	vld [tilespmem:s4+$0x860]  }
0x61: {  	v48 =	vld [tilespmem:s4+$0x4860]  }
0x62: {  	v49 =	vld [tilespmem:s4+$0x870]  }
0x63: {  	v50 =	vld [tilespmem:s4+$0x4870]  }
0x64: {  	v51 =	vld [tilespmem:s4+$0xC00]  }
0x65: {  	v52 =	vld [tilespmem:s4+$0x4C00]  }
0x66: {  	v53 =	vld [tilespmem:s4+$0xC10]  }
0x67: {  	v54 =	vld [tilespmem:s4+$0x4C10]  }
0x68: {  	v55 =	vld [tilespmem:s4+$0xC20]  }
0x69: {  	v4 =	vld [tilespmem:s4+$0xC50]  }
0x6a: {  	v61 =	vld [tilespmem:s4+$0x4C50]  }
0x6b: {  	v0 =	vld [tilespmem:s4+$0xC60]  }
0x6c: {  	v5 =	vld [tilespmem:s4+$0x4C60]  }
0x6d: {  	v2 =	vadd.f32 v2, v1;
	v1 =	vld [tilespmem:s4+$0xC70]  }
0x6e: {  	v8 =	vadd.f32 v8, v7;
	v7 =	vld [tilespmem:s4+$0x4C70]  }
0x6f: {  	v3 =	vadd.f32 v6, v3;
	v6 =	vld [tilespmem:s4+$0x1000]  }
0x70: {  	v11 =	vadd.f32 v12, v11;
	v12 =	vld [tilespmem:s4+$0x5000]  }
0x71: {  	v9 =	vadd.f32 v10, v9;
	v13 =	vadd.f32 v14, v13;
	v14 =	vld [tilespmem:s4+$0x1010]  }
0x72: {  	v15 =	vadd.f32 v16, v15;
	v16 =	vld [tilespmem:s4+$0x5010];
	v62 =	vadd.f32 $0.0e+00, v2  }
0x73: {  	v56 =	vld [tilespmem:s4+$0x4C20];
	v4 =	vadd.f32 v61, v4;
	[tilespmem:s4+$0x0] =	vst v2;
	v2 =	vmul.f32 v2, v2;
	v63 =	vmul.f32 v3, v3  }
0x74: {  	v57 =	vld [tilespmem:s4+$0xC30];
	v5 =	vadd.f32 v5, v0;
	[tilespmem:s4+$0x10] =	vst v3;
	v3 =	vadd.f32 v3, v62  }
0x75: {  	v58 =	vld [tilespmem:s4+$0x4C30];
	[tilespmem:s4+$0x20] =	vst v8;
	v2 =	vadd.f32 v63, v2;
	v62 =	vmul.f32 v8, v8;
	v7 =	vadd.f32 v7, v1  }
0x76: {  	v59 =	vld [tilespmem:s4+$0xC40];
	[tilespmem:s4+$0x30] =	vst v9;
	v0 =	vadd.f32 v12, v6;
	v3 =	vadd.f32 v8, v3  }
0x77: {  	v60 =	vld [tilespmem:s4+$0x4C40];
	[tilespmem:s4+$0x40] =	vst v11;
	v63 =	vmul.f32 v9, v9;
	v1 =	vadd.f32 v16, v14;
	v2 =	vadd.f32 v62, v2  }
0x78: {  	[tilespmem:s4+$0x50] =	vst v13;
	v6 =	vld [tilespmem:s4+$0x5460];
	v8 =	vadd.f32 v18, v17;
	v3 =	vadd.f32 v9, v3  }
0x79: {  	[tilespmem:s4+$0x60] =	vst v15;
	v17 =	vld [tilespmem:s4+$0x1020];
	v18 =	vadd.f32 v20, v19;
	v62 =	vmul.f32 v11, v11;
	v2 =	vadd.f32 v63, v2  }
0x7a: {  	[tilespmem:s4+$0xC50] =	vst v4;
	v19 =	vld [tilespmem:s4+$0x5020];
	v9 =	vadd.f32 v22, v21;
	v3 =	vadd.f32 v11, v3  }
0x7b: {  	[tilespmem:s4+$0xC60] =	vst v5;
	v20 =	vld [tilespmem:s4+$0x1030];
	v21 =	vadd.f32 v24, v23;
	v63 =	vmul.f32 v13, v13;
	v2 =	vadd.f32 v62, v2  }
0x7c: {  	[tilespmem:s4+$0xC70] =	vst v7;
	v22 =	vld [tilespmem:s4+$0x5030];
	v24 =	vadd.f32 v28, v27;
	v3 =	vadd.f32 v13, v3  }
0x7d: {  	[tilespmem:s4+$0x1000] =	vst v0;
	v23 =	vld [tilespmem:s4+$0x1040];
	v27 =	vadd.f32 v32, v31;
	v62 =	vmul.f32 v15, v15;
	v2 =	vadd.f32 v63, v2  }
0x7e: {  	[tilespmem:s4+$0x1010] =	vst v1;
	v28 =	vld [tilespmem:s4+$0x5050];
	v11 =	vadd.f32 v26, v25;
	v3 =	vadd.f32 v15, v3  }
0x7f: {  	[tilespmem:s4+$0x70] =	vst v8;
	v31 =	vld [tilespmem:s4+$0x5060];
	v13 =	vadd.f32 v30, v29;
	v63 =	vmul.f32 v8, v8;
	v2 =	vadd.f32 v62, v2  }
0x80: {  	[tilespmem:s4+$0x400] =	vst v18;
	v32 =	vld [tilespmem:s4+$0x1070];
	v30 =	vadd.f32 v36, v35;
	v3 =	vadd.f32 v8, v3  }
0x81: {  	[tilespmem:s4+$0x410] =	vst v9;
	v25 =	vld [tilespmem:s4+$0x5040];
	v8 =	vadd.f32 v38, v37;
	v2 =	vadd.f32 v63, v2;
	v38 =	vmul.f32 v18, v18  }
0x82: {  	[tilespmem:s4+$0x420] =	vst v21;
	v26 =	vld [tilespmem:s4+$0x1050];
	v36 =	vadd.f32 v44, v43;
	v3 =	vadd.f32 v18, v3  }
0x83: {  	[tilespmem:s4+$0x440] =	vst v24;
	v29 =	vld [tilespmem:s4+$0x1060];
	v18 =	vadd.f32 v42, v41;
	v2 =	vadd.f32 v38, v2;
	v42 =	vmul.f32 v9, v9  }
0x84: {  	[tilespmem:s4+$0x460] =	vst v27;
	v35 =	vld [tilespmem:s4+$0x1400];
	v15 =	vadd.f32 v34, v33;
	v3 =	vadd.f32 v9, v3  }
0x85: {  	[tilespmem:s4+$0x430] =	vst v11;
	v43 =	vld [tilespmem:s4+$0x5420];
	v9 =	vadd.f32 v46, v45;
	v2 =	vadd.f32 v42, v2;
	v46 =	vmul.f32 v21, v21  }
0x86: {  	v44 =	vld [tilespmem:s4+$0x1430];
	[tilespmem:s4+$0x450] =	vst v13;
	v33 =	vadd.f32 v40, v39;
	v3 =	vadd.f32 v21, v3  }
0x87: {  	[tilespmem:s4+$0x800] =	vst v30;
	v34 =	vld [tilespmem:s4+$0x5070];
	v21 =	vadd.f32 v50, v49;
	v2 =	vadd.f32 v46, v2;
	v50 =	vmul.f32 v11, v11  }
0x88: {  	[tilespmem:s4+$0x840] =	vst v36;
	v39 =	vadd.f32 v48, v47;
	v40 =	vld [tilespmem:s4+$0x5410];
	v3 =	vadd.f32 v11, v3  }
0x89: {  	v47 =	vld [tilespmem:s4+$0x1440];
	[tilespmem:s4+$0x470] =	vst v15;
	v11 =	vadd.f32 v54, v53;
	v2 =	vadd.f32 v50, v2;
	v54 =	vmul.f32 v24, v24  }
0x8a: {  	v48 =	vld [tilespmem:s4+$0x1850];
	[tilespmem:s4+$0x820] =	vst v33;
	v24 =	vadd.f32 v24, v3  }
0x8b: {  	v37 =	vld [tilespmem:s4+$0x5400];
	[tilespmem:s4+$0x860] =	vst v39;
	v3 =	vadd.f32 v58, v57;
	v10 =	vadd.f32 v54, v2;
	v58 =	vmul.f32 v13, v13  }
0x8c: {  	[tilespmem:s4+$0x810] =	vst v8;
	v38 =	vld [tilespmem:s4+$0x1410];
	v42 =	vadd.f32 v52, v51  }
0x8d: {  	v62 =	vmul.f32 v27, v27;
	v41 =	vld [tilespmem:s4+$0x1420];
	[tilespmem:s4+$0x830] =	vst v18;
	v13 =	vadd.f32 v13, v24;
	v10 =	vadd.f32 v58, v10  }
0x8e: {  	v45 =	vadd.f32 v56, v55;
	v56 =	vld [tilespmem:s4+$0x5800];
	[tilespmem:s4+$0x850] =	vst v9  }
0x8f: {  	v63 =	vmul.f32 v15, v15;
	[tilespmem:s4+$0xC00] =	vst v42;
	v54 =	vld [tilespmem:s4+$0x1800];
	v13 =	vadd.f32 v27, v13;
	v10 =	vadd.f32 v62, v10  }
0x90: {  	v46 =	vld [tilespmem:s4+$0x5430];
	[tilespmem:s4+$0xC20] =	vst v45;
	v2 =	vadd.f32 v60, v59  }
0x91: {  	v49 =	vld [tilespmem:s4+$0x5440];
	[tilespmem:s4+$0x870] =	vst v21;
	v51 =	vadd.f32 v15, v13;
	v10 =	vadd.f32 v63, v10  }
0x92: {  	v50 =	vld [tilespmem:s4+$0x5450];
	[tilespmem:s4+$0xC10] =	vst v11;
	v15 =	vadd.f32 v19, v17;
	v17 =	vadd.f32 v22, v20  }
0x93: {  	v52 =	vmul.f32 v30, v30;
	[tilespmem:s4+$0xC30] =	vst v3;
	v27 =	vld [tilespmem:s4+$0x1460];
	v20 =	vadd.f32 v25, v23;
	v25 =	vadd.f32 v31, v29  }
0x94: {  	v53 =	vld [tilespmem:s4+$0x5470];
	[tilespmem:s4+$0xC40] =	vst v2;
	v19 =	vadd.f32 v56, v54;
	v12 =	vadd.f32 v30, v51  }
0x95: {  	v55 =	vmul.f32 v8, v8;
	v57 =	vld [tilespmem:s4+$0x1810];
	v10 =	vadd.f32 v52, v10;
	[tilespmem:s4+$0x1020] =	vst v15;
	v30 =	vadd.f32 v37, v35  }
0x96: {  	v60 =	vld [tilespmem:s4+$0x1820];
	[tilespmem:s4+$0x1030] =	vst v17;
	v35 =	vadd.f32 v46, v44;
	v8 =	vadd.f32 v8, v12  }
0x97: {  	v58 =	vmul.f32 v33, v33;
	v62 =	vld [tilespmem:s4+$0x5820];
	[tilespmem:s4+$0x1040] =	vst v20;
	v37 =	vadd.f32 v49, v47;
	v10 =	vadd.f32 v55, v10  }
0x98: {  	v13 =	vld [tilespmem:s4+$0x1470];
	[tilespmem:s4+$0x1060] =	vst v25;
	v6 =	vadd.f32 v6, v27;
	v8 =	vadd.f32 v33, v8  }
0x99: {  	v61 =	vmul.f32 v18, v18;
	v59 =	vld [tilespmem:s4+$0x5810];
	[tilespmem:s4+$0x1800] =	vst v19;
	v12 =	vadd.f32 v28, v26;
	v10 =	vadd.f32 v58, v10  }
0x9a: {  	v24 =	vld [tilespmem:s4+$0x1450];
	v28 =	vadd.f32 v34, v32;
	[tilespmem:s4+$0x1400] =	vst v30;
	v8 =	vadd.f32 v18, v8  }
0x9b: {  	v54 =	vld [tilespmem:s4+$0x1870];
	[tilespmem:s4+$0x1430] =	vst v35;
	v18 =	vadd.f32 v40, v38;
	v10 =	vadd.f32 v61, v10;
	v40 =	vmul.f32 v36, v36  }
0x9c: {  	v49 =	vld [tilespmem:s4+$0x5850];
	[tilespmem:s4+$0x1440] =	vst v37;
	v26 =	vadd.f32 v62, v60;
	v8 =	vadd.f32 v36, v8  }
0x9d: {  	v46 =	vmul.f32 v9, v9;
	v55 =	vld [tilespmem:s4+$0x5870];
	v13 =	vadd.f32 v53, v13;
	[tilespmem:s4+$0x1460] =	vst v6;
	v10 =	vadd.f32 v40, v10  }
0x9e: {  	v63 =	vld [tilespmem:s4+$0x1830];
	[tilespmem:s4+$0x1050] =	vst v12;
	v33 =	vadd.f32 v43, v41;
	v8 =	vadd.f32 v9, v8  }
0x9f: {  	[tilespmem:s4+$0x1070] =	vst v28;
	v43 =	vld [tilespmem:s4+$0x5830];
	v9 =	vadd.f32 v50, v24;
	v10 =	vadd.f32 v46, v10;
	v50 =	vmul.f32 v39, v39  }
0xa0: {  	v44 =	vld [tilespmem:s4+$0x1840];
	[tilespmem:s4+$0x1820] =	vst v26;
	v8 =	vadd.f32 v39, v8  }
0xa1: {  	v51 =	vld [tilespmem:s4+$0x1860];
	v53 =	vmul.f32 v21, v21;
	[tilespmem:s4+$0x1470] =	vst v13;
	v14 =	vadd.f32 v49, v48;
	v10 =	vadd.f32 v50, v10  }
0xa2: {  	v52 =	vld [tilespmem:s4+$0x5860];
	[tilespmem:s4+$0x1420] =	vst v33;
	v16 =	vadd.f32 v55, v54;
	v8 =	vadd.f32 v21, v8  }
0xa3: {  	v56 =	vmul.f32 v42, v42;
	[tilespmem:s4+$0x1850] =	vst v14;
	v21 =	vadd.f32 v59, v57;
	v10 =	vadd.f32 v53, v10;
	v57 =	vld [tilespmem:s4+$0x5840]  }
0xa4: {  	[tilespmem:s4+$0x1410] =	vst v18;
	v31 =	vadd.f32 v43, v63;
	v8 =	vadd.f32 v42, v8  }
0xa5: {  	v58 =	vmul.f32 v11, v11;
	[tilespmem:s4+$0x1870] =	vst v16;
	v10 =	vadd.f32 v56, v10  }
0xa6: {  	s16 =	sand.u32 $0x7, s29;
	[tilespmem:s4+$0x1830] =	vst v31;
	v8 =	vadd.f32 v11, v8  }
0xa7: {  	s2 =	sshll.u32 s16, $0x7;
	[tilespmem:s4+$0x1450] =	vst v9;
	v59 =	vmul.f32 v45, v45;
	v11 =	vadd.f32 v52, v51;
	v10 =	vadd.f32 v58, v10  }
0xa8: {  	s10 =	sadd.s32 s2, s31;
	[tilespmem:s4+$0x1810] =	vst v21;
	v23 =	vadd.f32 v57, v44;
	v8 =	vadd.f32 v45, v8  }
0xa9: {  	s2 =	sor.u32 $0x1C00, s10;
	v60 =	vmul.f32 v3, v3;
	[tilespmem:s4+$0x1860] =	vst v11;
	v10 =	vadd.f32 v59, v10  }
0xaa: {  	[tilespmem:s4+$0x1840] =	vst v23;
	v61 =	vld [tilespmem:s2+$0x0];
	v3 =	vadd.f32 v3, v8  }
0xab: {  	v62 =	vmul.f32 v2, v2;
	v10 =	vadd.f32 v60, v10;
	v63 =	vld [tilespmem:s2+$0x4000]  }
0xac: {  	v2 =	vadd.f32 v2, v3  }
0xad: {  	v32 =	vmul.f32 v4, v4;
	v29 =	vadd.f32 v62, v10  }
0xae: {  	v2 =	vadd.f32 v4, v2  }
0xaf: {  	v34 =	vmul.f32 v5, v5;
	v3 =	vadd.f32 v32, v29  }
0xb0: {  	v36 =	vadd.f32 v63, v61;
	v2 =	vadd.f32 v5, v2  }
0xb1: {  	v38 =	vmul.f32 v7, v7;
	v3 =	vadd.f32 v34, v3  }
0xb2: {  	s17 =	sor.u32 $0x1C10, s10;
	[tilespmem:s2+$0x0] =	vst v36;
	v2 =	vadd.f32 v7, v2  }
0xb3: {  	v39 =	vmul.f32 v0, v0;
	v3 =	vadd.f32 v38, v3;
	v40 =	vld [tilespmem:s17+$0x0]  }
0xb4: {  	v41 =	vld [tilespmem:s17+$0x4000];
	v0 =	vadd.f32 v0, v2  }
0xb5: {  	v42 =	vmul.f32 v1, v1;
	v3 =	vadd.f32 v39, v3  }
0xb6: {  	v0 =	vadd.f32 v1, v0  }
0xb7: {  	v44 =	vmul.f32 v15, v15;
	v43 =	vadd.f32 v42, v3  }
0xb8: {  	v0 =	vadd.f32 v15, v0  }
0xb9: {  	v45 =	vmul.f32 v17, v17;
	v2 =	vadd.f32 v41, v40;
	v1 =	vadd.f32 v44, v43  }
0xba: {  	v0 =	vadd.f32 v17, v0  }
0xbb: {  	s16 =	sor.u32 $0x1C20, s10;
	v46 =	vmul.f32 v20, v20;
	[tilespmem:s17+$0x0] =	vst v2;
	v1 =	vadd.f32 v45, v1  }
0xbc: {  	v47 =	vld [tilespmem:s16+$0x0];
	v0 =	vadd.f32 v20, v0  }
0xbd: {  	v48 =	vmul.f32 v12, v12;
	v49 =	vld [tilespmem:s16+$0x4000];
	v1 =	vadd.f32 v46, v1  }
0xbe: {  	v0 =	vadd.f32 v12, v0  }
0xbf: {  	v50 =	vmul.f32 v25, v25;
	v1 =	vadd.f32 v48, v1  }
0xc0: {  	v0 =	vadd.f32 v25, v0  }
0xc1: {  	v51 =	vmul.f32 v28, v28;
	v1 =	vadd.f32 v50, v1  }
0xc2: {  	v4 =	vadd.f32 v49, v47;
	v0 =	vadd.f32 v28, v0  }
0xc3: {  	v52 =	vmul.f32 v30, v30;
	v1 =	vadd.f32 v51, v1  }
0xc4: {  	s18 =	sor.u32 $0x1C30, s10;
	[tilespmem:s16+$0x0] =	vst v4;
	v0 =	vadd.f32 v30, v0  }
0xc5: {  	v53 =	vmul.f32 v18, v18;
	v54 =	vld [tilespmem:s18+$0x0];
	v1 =	vadd.f32 v52, v1  }
0xc6: {  	v55 =	vld [tilespmem:s18+$0x4000];
	v0 =	vadd.f32 v18, v0  }
0xc7: {  	v56 =	vmul.f32 v33, v33;
	v1 =	vadd.f32 v53, v1  }
0xc8: {  	v0 =	vadd.f32 v33, v0  }
0xc9: {  	v57 =	vmul.f32 v35, v35;
	v1 =	vadd.f32 v56, v1  }
0xca: {  	v0 =	vadd.f32 v35, v0  }
0xcb: {  	v59 =	vmul.f32 v37, v37;
	v58 =	vadd.f32 v55, v54;
	v1 =	vadd.f32 v57, v1  }
0xcc: {  	v0 =	vadd.f32 v37, v0  }
0xcd: {  	s19 =	sor.u32 $0x1C40, s10;
	v60 =	vmul.f32 v9, v9;
	[tilespmem:s18+$0x0] =	vst v58;
	v1 =	vadd.f32 v59, v1  }
0xce: {  	v61 =	vld [tilespmem:s19+$0x0];
	v0 =	vadd.f32 v9, v0  }
0xcf: {  	v62 =	vmul.f32 v6, v6;
	v63 =	vld [tilespmem:s19+$0x4000];
	v1 =	vadd.f32 v60, v1  }
0xd0: {  	v0 =	vadd.f32 v6, v0  }
0xd1: {  	v12 =	vmul.f32 v13, v13;
	v1 =	vadd.f32 v62, v1  }
0xd2: {  	v0 =	vadd.f32 v13, v0  }
0xd3: {  	v1 =	vadd.f32 v12, v1;
	v13 =	vmul.f32 v19, v19  }
0xd4: {  	v15 =	vadd.f32 v63, v61;
	v0 =	vadd.f32 v19, v0  }
0xd5: {  	v17 =	vmul.f32 v21, v21;
	v1 =	vadd.f32 v13, v1  }
0xd6: {  	s12 =	sor.u32 $0x1C50, s10;
	[tilespmem:s19+$0x0] =	vst v15;
	v0 =	vadd.f32 v21, v0  }
0xd7: {  	v18 =	vmul.f32 v26, v26;
	v20 =	vld [tilespmem:s12+$0x4000];
	v1 =	vadd.f32 v17, v1  }
0xd8: {  	v19 =	vld [tilespmem:s12+$0x0];
	v0 =	vadd.f32 v26, v0  }
0xd9: {  	v21 =	vmul.f32 v31, v31;
	v1 =	vadd.f32 v18, v1  }
0xda: {  	v0 =	vadd.f32 v31, v0  }
0xdb: {  	v22 =	vmul.f32 v23, v23;
	v1 =	vadd.f32 v21, v1  }
0xdc: {  	v0 =	vadd.f32 v23, v0  }
0xdd: {  	v25 =	vmul.f32 v14, v14;
	v24 =	vadd.f32 v20, v19;
	v1 =	vadd.f32 v22, v1  }
0xde: {  	v0 =	vadd.f32 v14, v0  }
0xdf: {  	s13 =	sor.u32 $0x1C60, s10;
	v26 =	vmul.f32 v11, v11;
	[tilespmem:s12+$0x0] =	vst v24;
	v1 =	vadd.f32 v25, v1  }
0xe0: {  	v27 =	vld [tilespmem:s13+$0x0];
	v0 =	vadd.f32 v11, v0  }
0xe1: {  	v28 =	vmul.f32 v16, v16;
	v29 =	vld [tilespmem:s13+$0x4000];
	v1 =	vadd.f32 v26, v1  }
0xe2: {  	v0 =	vadd.f32 v16, v0  }
0xe3: {  	v30 =	vmul.f32 v36, v36;
	v1 =	vadd.f32 v28, v1  }
0xe4: {  	v0 =	vadd.f32 v36, v0  }
0xe5: {  	v31 =	vmul.f32 v2, v2;
	v1 =	vadd.f32 v30, v1  }
0xe6: {  	v32 =	vadd.f32 v29, v27;
	v0 =	vadd.f32 v2, v0  }
0xe7: {  	v33 =	vmul.f32 v4, v4;
	v1 =	vadd.f32 v31, v1  }
0xe8: {  	s15 =	sor.u32 $0x1C70, s10;
	[tilespmem:s13+$0x0] =	vst v32;
	v0 =	vadd.f32 v4, v0  }
0xe9: {  	v34 =	vmul.f32 v58, v58;
	v35 =	vld [tilespmem:s15+$0x0];
	v1 =	vadd.f32 v33, v1  }
0xea: {  	v36 =	vld [tilespmem:s15+$0x4000];
	v0 =	vadd.f32 v58, v0  }
0xeb: {  	v37 =	vmul.f32 v15, v15;
	v1 =	vadd.f32 v34, v1  }
0xec: {  	v0 =	vadd.f32 v15, v0  }
0xed: {  	v38 =	vmul.f32 v24, v24;
	v1 =	vadd.f32 v37, v1  }
0xee: {  	v0 =	vadd.f32 v24, v0  }
0xef: {  	v39 =	vmul.f32 v32, v32;
	v3 =	vadd.f32 v36, v35;
	v1 =	vadd.f32 v38, v1  }
0xf0: {  	v0 =	vadd.f32 v32, v0  }
0xf1: {  	v40 =	vmul.f32 v3, v3;
	v1 =	vadd.f32 v39, v1  }
0xf2: {  	v0 =	vadd.f32 v3, v0  }
0xf3: {  	v1 =	vadd.f32 v40, v1  }
0xf4: {  	(xrf2) =	vadd.scan.msk.f32 $0xffff, v0  }
0xf5: {  	(xrf2) =	vadd.scan.msk.f32 $0xffff, v1;
	_ =	sdelay $0x8  }
0xf6: {  	v0, _, _ =	vpop (xrf2)  }
0xf7: {  	(v2sf) =	vpush v0, $0xF;
	v41, _, _ =	vpop (xrf2)  }
0xf8: {  	(v2sf) =	vpush v41, $0xF;
	_ =	sdelay $0xd  }
0xf9: {  	s24 =	spop (v2sf)  }
0xfa: {  	s10 =	smul.f32 $9.765625000e-04, s24;
	s11 =	spop (v2sf)  }
0xfb: {  	s11 =	smul.f32 $9.765625000e-04, s11  }
0xfc: {  	s24 =	smul.f32 s10, s10;
	_ =	sdelay $0x1  }
0xfd: {  	s11 =	ssub.f32 s11, s24;
	_ =	sdelay $0x1  }
0xfe: {  	s11 =	sadd.f32 $9.999999970e-07, s11;
	_ =	sdelay $0x1  }
0xff: {  	v42 =	vmov s11  }
0x100: {  	v43 =	vshra.s32 v42, $0x1;
	v0 =	vmul.f32 $5.000000000e-01, v42  }
0x101: {  	v1 =	vsub.s32 $0x5F3759DF, v43  }
0x102: {  	v44 =	vmul.f32 v1, v0;
	_ =	sdelay $0x1  }
0x103: {  	v2 =	vmul.f32 v1, v44;
	_ =	sdelay $0x1  }
0x104: {  	v2 =	vsub.f32 $1.500000000e+00, v2;
	_ =	sdelay $0x1  }
0x105: {  	v1 =	vmul.f32 v1, v2;
	_ =	sdelay $0x1  }
0x106: {  	v2 =	vmul.f32 v1, v0;
	_ =	sdelay $0x1  }
0x107: {  	v2 =	vmul.f32 v2, v1;
	_ =	sdelay $0x1  }
0x108: {  	v2 =	vsub.f32 $1.500000000e+00, v2;
	_ =	sdelay $0x1  }
0x109: {  	v1 =	vmul.f32 v2, v1;
	_ =	sdelay $0x1  }
0x10a: {  	[tilespmem:s15+$0x0] =	vst v3;
	v0 =	vmul.f32 v1, v0  }
0x10b: {  	v45 =	vld [tilespmem:s4+$0x0]  }
0x10c: {  	v0 =	vmul.f32 v0, v1;
	_ =	sdelay $0x1  }
0x10d: {  	v46 =	vsub.f32 $1.500000000e+00, v0  }
0x10e: {  	v47 =	vld [tilespmem:$0x10000];
	v0 =	vmov s10  }
0x10f: {  	v2 =	vsub.f32 v45, v0;
	v1 =	vmul.f32 v46, v1  }
0x110: {  	v48 =	vld [tilespmem:$0x10400]  }
0x111: {  	v2 =	vmul.f32 v1, v2;
	_ =	sdelay $0x1  }
0x112: {  	v2 =	vmul.f32 v2, v47  }
0x113: {  	v49 =	vld [tilespmem:s4+$0x10]  }
0x114: {  	v2 =	vadd.f32 v2, v48;
	_ =	sdelay $0x1  }
0x115: {  	[tilespmem:s4+$0x0] =	vst v2  }
0x116: {  	v2 =	vld [tilespmem:$0x10010]  }
0x117: {  	v50 =	vsub.f32 v49, v0  }
0x118: {  	v51 =	vld [tilespmem:$0x10410]  }
0x119: {  	v3 =	vmul.f32 v1, v50;
	_ =	sdelay $0x1  }
0x11a: {  	v2 =	vmul.f32 v3, v2  }
0x11b: {  	v52 =	vld [tilespmem:s4+$0x20]  }
0x11c: {  	v2 =	vadd.f32 v2, v51;
	_ =	sdelay $0x1  }
0x11d: {  	[tilespmem:s4+$0x10] =	vst v2  }
0x11e: {  	v2 =	vld [tilespmem:$0x10020]  }
0x11f: {  	v3 =	vsub.f32 v52, v0  }
0x120: {  	v53 =	vld [tilespmem:$0x10420]  }
0x121: {  	v3 =	vmul.f32 v1, v3;
	_ =	sdelay $0x1  }
0x122: {  	v2 =	vmul.f32 v3, v2  }
0x123: {  	v54 =	vld [tilespmem:s4+$0x30]  }
0x124: {  	v2 =	vadd.f32 v2, v53;
	_ =	sdelay $0x1  }
0x125: {  	[tilespmem:s4+$0x20] =	vst v2  }
0x126: {  	v2 =	vld [tilespmem:$0x10030]  }
0x127: {  	v3 =	vsub.f32 v54, v0  }
0x128: {  	v55 =	vld [tilespmem:$0x10430]  }
0x129: {  	v3 =	vmul.f32 v1, v3;
	_ =	sdelay $0x1  }
0x12a: {  	v2 =	vmul.f32 v3, v2  }
0x12b: {  	v56 =	vld [tilespmem:s4+$0x40]  }
0x12c: {  	v2 =	vadd.f32 v2, v55;
	_ =	sdelay $0x1  }
0x12d: {  	[tilespmem:s4+$0x30] =	vst v2  }
0x12e: {  	v2 =	vld [tilespmem:$0x10040]  }
0x12f: {  	v3 =	vsub.f32 v56, v0  }
0x130: {  	v57 =	vld [tilespmem:$0x10440]  }
0x131: {  	v3 =	vmul.f32 v1, v3;
	_ =	sdelay $0x1  }
0x132: {  	v2 =	vmul.f32 v3, v2  }
0x133: {  	v58 =	vld [tilespmem:s4+$0x50]  }
0x134: {  	v2 =	vadd.f32 v2, v57;
	_ =	sdelay $0x1  }
0x135: {  	[tilespmem:s4+$0x40] =	vst v2  }
0x136: {  	v2 =	vld [tilespmem:$0x10050]  }
0x137: {  	v3 =	vsub.f32 v58, v0  }
0x138: {  	v59 =	vld [tilespmem:$0x10450]  }
0x139: {  	v3 =	vmul.f32 v1, v3;
	_ =	sdelay $0x1  }
0x13a: {  	v2 =	vmul.f32 v3, v2  }
0x13b: {  	v60 =	vld [tilespmem:s4+$0x60]  }
0x13c: {  	v2 =	vadd.f32 v2, v59;
	_ =	sdelay $0x1  }
0x13d: {  	[tilespmem:s4+$0x50] =	vst v2  }
0x13e: {  	v2 =	vld [tilespmem:$0x10060]  }
0x13f: {  	v3 =	vsub.f32 v60, v0  }
0x140: {  	v61 =	vld [tilespmem:$0x10460]  }
0x141: {  	v3 =	vmul.f32 v1, v3;
	_ =	sdelay $0x1  }
0x142: {  	v2 =	vmul.f32 v3, v2  }
0x143: {  	v62 =	vld [tilespmem:s4+$0x70]  }
0x144: {  	v2 =	vadd.f32 v2, v61;
	_ =	sdelay $0x1  }
0x145: {  	[tilespmem:s4+$0x60] =	vst v2  }
0x146: {  	v2 =	vld [tilespmem:$0x10070]  }
0x147: {  	v3 =	vsub.f32 v62, v0  }
0x148: {  	v63 =	vld [tilespmem:$0x10470]  }
0x149: {  	v3 =	vmul.f32 v3, v1;
	_ =	sdelay $0x1  }
0x14a: {  	v2 =	vmul.f32 v3, v2  }
0x14b: {  	v8 =	vld [tilespmem:s4+$0x400]  }
0x14c: {  	v2 =	vadd.f32 v2, v63;
	_ =	sdelay $0x1  }
0x14d: {  	[tilespmem:s4+$0x70] =	vst v2  }
0x14e: {  	v2 =	vld [tilespmem:$0x10080]  }
0x14f: {  	v3 =	vsub.f32 v8, v0  }
0x150: {  	v9 =	vld [tilespmem:$0x10480]  }
0x151: {  	v3 =	vmul.f32 v3, v1;
	_ =	sdelay $0x1  }
0x152: {  	v2 =	vmul.f32 v3, v2  }
0x153: {  	v10 =	vld [tilespmem:s4+$0x410]  }
0x154: {  	v2 =	vadd.f32 v2, v9;
	_ =	sdelay $0x1  }
0x155: {  	[tilespmem:s4+$0x400] =	vst v2  }
0x156: {  	v2 =	vld [tilespmem:$0x10090]  }
0x157: {  	v3 =	vsub.f32 v10, v0  }
0x158: {  	v11 =	vld [tilespmem:$0x10490]  }
0x159: {  	v3 =	vmul.f32 v3, v1;
	_ =	sdelay $0x1  }
0x15a: {  	v2 =	vmul.f32 v3, v2  }
0x15b: {  	v12 =	vld [tilespmem:s4+$0x420]  }
0x15c: {  	v2 =	vadd.f32 v2, v11;
	_ =	sdelay $0x1  }
0x15d: {  	[tilespmem:s4+$0x410] =	vst v2  }
0x15e: {  	v2 =	vld [tilespmem:$0x100A0]  }
0x15f: {  	v3 =	vsub.f32 v12, v0  }
0x160: {  	v13 =	vld [tilespmem:$0x104A0]  }
0x161: {  	v3 =	vmul.f32 v3, v1;
	_ =	sdelay $0x1  }
0x162: {  	v2 =	vmul.f32 v3, v2  }
0x163: {  	v14 =	vld [tilespmem:s4+$0x430]  }
0x164: {  	v2 =	vadd.f32 v2, v13;
	_ =	sdelay $0x1  }
0x165: {  	[tilespmem:s4+$0x420] =	vst v2  }
0x166: {  	v2 =	vld [tilespmem:$0x100B0]  }
0x167: {  	v3 =	vsub.f32 v14, v0  }
0x168: {  	v15 =	vld [tilespmem:$0x104B0]  }
0x169: {  	v3 =	vmul.f32 v3, v1;
	_ =	sdelay $0x1  }
0x16a: {  	v2 =	vmul.f32 v3, v2  }
0x16b: {  	v16 =	vld [tilespmem:s4+$0x440]  }
0x16c: {  	v2 =	vadd.f32 v2, v15;
	_ =	sdelay $0x1  }
0x16d: {  	[tilespmem:s4+$0x430] =	vst v2  }
0x16e: {  	v2 =	vld [tilespmem:$0x100C0]  }
0x16f: {  	v3 =	vsub.f32 v16, v0  }
0x170: {  	v17 =	vld [tilespmem:$0x104C0]  }
0x171: {  	v3 =	vmul.f32 v3, v1;
	_ =	sdelay $0x1  }
0x172: {  	v2 =	vmul.f32 v3, v2  }
0x173: {  	v18 =	vld [tilespmem:s4+$0x450]  }
0x174: {  	v2 =	vadd.f32 v2, v17;
	_ =	sdelay $0x1  }
0x175: {  	[tilespmem:s4+$0x440] =	vst v2  }
0x176: {  	v2 =	vld [tilespmem:$0x100D0]  }
0x177: {  	v3 =	vsub.f32 v18, v0  }
0x178: {  	v19 =	vld [tilespmem:$0x104D0]  }
0x179: {  	v3 =	vmul.f32 v3, v1;
	_ =	sdelay $0x1  }
0x17a: {  	v2 =	vmul.f32 v3, v2  }
0x17b: {  	v20 =	vld [tilespmem:s4+$0x460]  }
0x17c: {  	v2 =	vadd.f32 v2, v19;
	_ =	sdelay $0x1  }
0x17d: {  	[tilespmem:s4+$0x450] =	vst v2  }
0x17e: {  	v2 =	vld [tilespmem:$0x100E0]  }
0x17f: {  	v3 =	vsub.f32 v20, v0  }
0x180: {  	v21 =	vld [tilespmem:$0x104E0]  }
0x181: {  	v3 =	vmul.f32 v3, v1;
	_ =	sdelay $0x1  }
0x182: {  	v2 =	vmul.f32 v3, v2  }
0x183: {  	v22 =	vld [tilespmem:s4+$0x470]  }
0x184: {  	v2 =	vadd.f32 v2, v21;
	_ =	sdelay $0x1  }
0x185: {  	[tilespmem:s4+$0x460] =	vst v2  }
0x186: {  	v2 =	vld [tilespmem:$0x100F0]  }
0x187: {  	v3 =	vsub.f32 v22, v0  }
0x188: {  	v23 =	vld [tilespmem:$0x104F0]  }
0x189: {  	v3 =	vmul.f32 v3, v1;
	_ =	sdelay $0x1  }
0x18a: {  	v2 =	vmul.f32 v3, v2  }
0x18b: {  	v24 =	vld [tilespmem:s4+$0x800]  }
0x18c: {  	v2 =	vadd.f32 v2, v23;
	_ =	sdelay $0x1  }
0x18d: {  	[tilespmem:s4+$0x470] =	vst v2  }
0x18e: {  	v2 =	vld [tilespmem:$0x10100]  }
0x18f: {  	v3 =	vsub.f32 v24, v0  }
0x190: {  	v25 =	vld [tilespmem:$0x10500]  }
0x191: {  	v3 =	vmul.f32 v3, v1;
	_ =	sdelay $0x1  }
0x192: {  	v2 =	vmul.f32 v3, v2  }
0x193: {  	v26 =	vld [tilespmem:s4+$0x810]  }
0x194: {  	v2 =	vadd.f32 v2, v25;
	_ =	sdelay $0x1  }
0x195: {  	[tilespmem:s4+$0x800] =	vst v2  }
0x196: {  	v2 =	vld [tilespmem:$0x10110]  }
0x197: {  	v3 =	vsub.f32 v26, v0  }
0x198: {  	v27 =	vld [tilespmem:$0x10510]  }
0x199: {  	v3 =	vmul.f32 v3, v1;
	_ =	sdelay $0x1  }
0x19a: {  	v2 =	vmul.f32 v3, v2  }
0x19b: {  	v28 =	vld [tilespmem:s4+$0x820]  }
0x19c: {  	v2 =	vadd.f32 v2, v27;
	_ =	sdelay $0x1  }
0x19d: {  	[tilespmem:s4+$0x810] =	vst v2  }
0x19e: {  	v2 =	vld [tilespmem:$0x10120]  }
0x19f: {  	v3 =	vsub.f32 v28, v0  }
0x1a0: {  	v29 =	vld [tilespmem:$0x10520]  }
0x1a1: {  	v3 =	vmul.f32 v3, v1;
	_ =	sdelay $0x1  }
0x1a2: {  	v2 =	vmul.f32 v3, v2  }
0x1a3: {  	v30 =	vld [tilespmem:s4+$0x830]  }
0x1a4: {  	v2 =	vadd.f32 v2, v29;
	_ =	sdelay $0x1  }
0x1a5: {  	[tilespmem:s4+$0x820] =	vst v2  }
0x1a6: {  	v2 =	vld [tilespmem:$0x10130]  }
0x1a7: {  	v3 =	vsub.f32 v30, v0  }
0x1a8: {  	v31 =	vld [tilespmem:$0x10530]  }
0x1a9: {  	v3 =	vmul.f32 v3, v1;
	_ =	sdelay $0x1  }
0x1aa: {  	v2 =	vmul.f32 v3, v2  }
0x1ab: {  	v32 =	vld [tilespmem:s4+$0x840]  }
0x1ac: {  	v2 =	vadd.f32 v2, v31;
	_ =	sdelay $0x1  }
0x1ad: {  	[tilespmem:s4+$0x830] =	vst v2  }
0x1ae: {  	v2 =	vld [tilespmem:$0x10140]  }
0x1af: {  	v3 =	vsub.f32 v32, v0  }
0x1b0: {  	v33 =	vld [tilespmem:$0x10540]  }
0x1b1: {  	v3 =	vmul.f32 v3, v1;
	_ =	sdelay $0x1  }
0x1b2: {  	v2 =	vmul.f32 v3, v2  }
0x1b3: {  	v34 =	vld [tilespmem:s4+$0x850]  }
0x1b4: {  	v2 =	vadd.f32 v2, v33;
	_ =	sdelay $0x1  }
0x1b5: {  	[tilespmem:s4+$0x840] =	vst v2  }
0x1b6: {  	v2 =	vld [tilespmem:$0x10150]  }
0x1b7: {  	v3 =	vsub.f32 v34, v0  }
0x1b8: {  	v35 =	vld [tilespmem:$0x10550]  }
0x1b9: {  	v3 =	vmul.f32 v3, v1;
	_ =	sdelay $0x1  }
0x1ba: {  	v2 =	vmul.f32 v3, v2  }
0x1bb: {  	v36 =	vld [tilespmem:s4+$0x860]  }
0x1bc: {  	v2 =	vadd.f32 v2, v35;
	_ =	sdelay $0x1  }
0x1bd: {  	[tilespmem:s4+$0x850] =	vst v2  }
0x1be: {  	v2 =	vld [tilespmem:$0x10160]  }
0x1bf: {  	v3 =	vsub.f32 v36, v0  }
0x1c0: {  	v37 =	vld [tilespmem:$0x10560]  }
0x1c1: {  	v3 =	vmul.f32 v3, v1;
	_ =	sdelay $0x1  }
0x1c2: {  	v2 =	vmul.f32 v3, v2  }
0x1c3: {  	v38 =	vld [tilespmem:s4+$0x870]  }
0x1c4: {  	v2 =	vadd.f32 v2, v37;
	_ =	sdelay $0x1  }
0x1c5: {  	[tilespmem:s4+$0x860] =	vst v2  }
0x1c6: {  	v2 =	vld [tilespmem:$0x10170]  }
0x1c7: {  	v3 =	vsub.f32 v38, v0  }
0x1c8: {  	v39 =	vld [tilespmem:$0x10570]  }
0x1c9: {  	v3 =	vmul.f32 v3, v1;
	_ =	sdelay $0x1  }
0x1ca: {  	v2 =	vmul.f32 v3, v2  }
0x1cb: {  	v40 =	vld [tilespmem:s4+$0xC00]  }
0x1cc: {  	v2 =	vadd.f32 v2, v39;
	_ =	sdelay $0x1  }
0x1cd: {  	[tilespmem:s4+$0x870] =	vst v2  }
0x1ce: {  	v2 =	vld [tilespmem:$0x10180]  }
0x1cf: {  	v3 =	vsub.f32 v40, v0  }
0x1d0: {  	v41 =	vld [tilespmem:$0x10580]  }
0x1d1: {  	v3 =	vmul.f32 v3, v1;
	_ =	sdelay $0x1  }
0x1d2: {  	v2 =	vmul.f32 v3, v2  }
0x1d3: {  	v42 =	vld [tilespmem:s4+$0xC10]  }
0x1d4: {  	v2 =	vadd.f32 v2, v41;
	_ =	sdelay $0x1  }
0x1d5: {  	[tilespmem:s4+$0xC00] =	vst v2  }
0x1d6: {  	v2 =	vld [tilespmem:$0x10190]  }
0x1d7: {  	v3 =	vsub.f32 v42, v0  }
0x1d8: {  	v43 =	vld [tilespmem:$0x10590]  }
0x1d9: {  	v3 =	vmul.f32 v3, v1;
	_ =	sdelay $0x1  }
0x1da: {  	v2 =	vmul.f32 v3, v2  }
0x1db: {  	v44 =	vld [tilespmem:s4+$0xC20]  }
0x1dc: {  	v2 =	vadd.f32 v2, v43;
	_ =	sdelay $0x1  }
0x1dd: {  	[tilespmem:s4+$0xC10] =	vst v2  }
0x1de: {  	v2 =	vld [tilespmem:$0x101A0]  }
0x1df: {  	v3 =	vsub.f32 v44, v0  }
0x1e0: {  	v45 =	vld [tilespmem:$0x105A0]  }
0x1e1: {  	v3 =	vmul.f32 v3, v1;
	_ =	sdelay $0x1  }
0x1e2: {  	v2 =	vmul.f32 v3, v2  }
0x1e3: {  	v46 =	vld [tilespmem:s4+$0xC30]  }
0x1e4: {  	v2 =	vadd.f32 v2, v45;
	_ =	sdelay $0x1  }
0x1e5: {  	[tilespmem:s4+$0xC20] =	vst v2  }
0x1e6: {  	v2 =	vld [tilespmem:$0x101B0]  }
0x1e7: {  	v3 =	vsub.f32 v46, v0  }
0x1e8: {  	v47 =	vld [tilespmem:$0x105B0]  }
0x1e9: {  	v3 =	vmul.f32 v3, v1;
	_ =	sdelay $0x1  }
0x1ea: {  	v2 =	vmul.f32 v3, v2  }
0x1eb: {  	v48 =	vld [tilespmem:s4+$0xC40]  }
0x1ec: {  	v2 =	vadd.f32 v2, v47;
	_ =	sdelay $0x1  }
0x1ed: {  	[tilespmem:s4+$0xC30] =	vst v2  }
0x1ee: {  	v2 =	vld [tilespmem:$0x101C0]  }
0x1ef: {  	v3 =	vsub.f32 v48, v0  }
0x1f0: {  	v49 =	vld [tilespmem:$0x105C0]  }
0x1f1: {  	v3 =	vmul.f32 v3, v1;
	_ =	sdelay $0x1  }
0x1f2: {  	v2 =	vmul.f32 v3, v2  }
0x1f3: {  	v50 =	vld [tilespmem:s4+$0xC50]  }
0x1f4: {  	v2 =	vadd.f32 v2, v49;
	_ =	sdelay $0x1  }
0x1f5: {  	[tilespmem:s4+$0xC40] =	vst v2  }
0x1f6: {  	v2 =	vld [tilespmem:$0x101D0]  }
0x1f7: {  	v3 =	vsub.f32 v50, v0  }
0x1f8: {  	v51 =	vld [tilespmem:$0x105D0]  }
0x1f9: {  	v3 =	vmul.f32 v3, v1;
	_ =	sdelay $0x1  }
0x1fa: {  	v2 =	vmul.f32 v3, v2  }
0x1fb: {  	v52 =	vld [tilespmem:s4+$0xC60]  }
0x1fc: {  	v2 =	vadd.f32 v2, v51;
	_ =	sdelay $0x1  }
0x1fd: {  	[tilespmem:s4+$0xC50] =	vst v2  }
0x1fe: {  	v2 =	vld [tilespmem:$0x101E0]  }
0x1ff: {  	v3 =	vsub.f32 v52, v0  }
0x200: {  	v53 =	vld [tilespmem:$0x105E0]  }
0x201: {  	v3 =	vmul.f32 v3, v1;
	_ =	sdelay $0x1  }
0x202: {  	v2 =	vmul.f32 v3, v2  }
0x203: {  	v54 =	vld [tilespmem:s4+$0xC70]  }
0x204: {  	v2 =	vadd.f32 v2, v53;
	_ =	sdelay $0x1  }
0x205: {  	[tilespmem:s4+$0xC60] =	vst v2  }
0x206: {  	v2 =	vld [tilespmem:$0x101F0]  }
0x207: {  	v3 =	vsub.f32 v54, v0  }
0x208: {  	v55 =	vld [tilespmem:$0x105F0]  }
0x209: {  	v3 =	vmul.f32 v3, v1;
	_ =	sdelay $0x1  }
0x20a: {  	v2 =	vmul.f32 v3, v2  }
0x20b: {  	v56 =	vld [tilespmem:s4+$0x1000]  }
0x20c: {  	v2 =	vadd.f32 v2, v55;
	_ =	sdelay $0x1  }
0x20d: {  	[tilespmem:s4+$0xC70] =	vst v2  }
0x20e: {  	v2 =	vld [tilespmem:$0x10200]  }
0x20f: {  	v3 =	vsub.f32 v56, v0  }
0x210: {  	v57 =	vld [tilespmem:$0x10600]  }
0x211: {  	v3 =	vmul.f32 v3, v1;
	_ =	sdelay $0x1  }
0x212: {  	v2 =	vmul.f32 v3, v2  }
0x213: {  	v58 =	vld [tilespmem:s4+$0x1010]  }
0x214: {  	v2 =	vadd.f32 v2, v57;
	_ =	sdelay $0x1  }
0x215: {  	[tilespmem:s4+$0x1000] =	vst v2  }
0x216: {  	v2 =	vld [tilespmem:$0x10210]  }
0x217: {  	v3 =	vsub.f32 v58, v0  }
0x218: {  	v59 =	vld [tilespmem:$0x10610]  }
0x219: {  	v3 =	vmul.f32 v3, v1;
	_ =	sdelay $0x1  }
0x21a: {  	v2 =	vmul.f32 v3, v2  }
0x21b: {  	v60 =	vld [tilespmem:s4+$0x1020]  }
0x21c: {  	v2 =	vadd.f32 v2, v59;
	_ =	sdelay $0x1  }
0x21d: {  	[tilespmem:s4+$0x1010] =	vst v2  }
0x21e: {  	v2 =	vld [tilespmem:$0x10220]  }
0x21f: {  	v3 =	vsub.f32 v60, v0  }
0x220: {  	v61 =	vld [tilespmem:$0x10620]  }
0x221: {  	v3 =	vmul.f32 v3, v1;
	_ =	sdelay $0x1  }
0x222: {  	v2 =	vmul.f32 v3, v2  }
0x223: {  	v62 =	vld [tilespmem:s4+$0x1030]  }
0x224: {  	v2 =	vadd.f32 v2, v61;
	_ =	sdelay $0x1  }
0x225: {  	[tilespmem:s4+$0x1020] =	vst v2  }
0x226: {  	v2 =	vld [tilespmem:$0x10230]  }
0x227: {  	v3 =	vsub.f32 v62, v0  }
0x228: {  	v63 =	vld [tilespmem:$0x10630]  }
0x229: {  	v3 =	vmul.f32 v3, v1;
	_ =	sdelay $0x1  }
0x22a: {  	v2 =	vmul.f32 v3, v2  }
0x22b: {  	v8 =	vld [tilespmem:s4+$0x1040]  }
0x22c: {  	v2 =	vadd.f32 v2, v63;
	_ =	sdelay $0x1  }
0x22d: {  	[tilespmem:s4+$0x1030] =	vst v2  }
0x22e: {  	v2 =	vld [tilespmem:$0x10240]  }
0x22f: {  	v3 =	vsub.f32 v8, v0  }
0x230: {  	v9 =	vld [tilespmem:$0x10640]  }
0x231: {  	v3 =	vmul.f32 v3, v1;
	_ =	sdelay $0x1  }
0x232: {  	v2 =	vmul.f32 v3, v2  }
0x233: {  	v10 =	vld [tilespmem:s4+$0x1050]  }
0x234: {  	v2 =	vadd.f32 v2, v9;
	_ =	sdelay $0x1  }
0x235: {  	[tilespmem:s4+$0x1040] =	vst v2  }
0x236: {  	v2 =	vld [tilespmem:$0x10250]  }
0x237: {  	v3 =	vsub.f32 v10, v0  }
0x238: {  	v11 =	vld [tilespmem:$0x10650]  }
0x239: {  	v3 =	vmul.f32 v3, v1;
	_ =	sdelay $0x1  }
0x23a: {  	v2 =	vmul.f32 v3, v2  }
0x23b: {  	v12 =	vld [tilespmem:s4+$0x1060]  }
0x23c: {  	v2 =	vadd.f32 v2, v11;
	_ =	sdelay $0x1  }
0x23d: {  	[tilespmem:s4+$0x1050] =	vst v2  }
0x23e: {  	v2 =	vld [tilespmem:$0x10260]  }
0x23f: {  	v3 =	vsub.f32 v12, v0  }
0x240: {  	v13 =	vld [tilespmem:$0x10660]  }
0x241: {  	v3 =	vmul.f32 v3, v1;
	_ =	sdelay $0x1  }
0x242: {  	v2 =	vmul.f32 v3, v2  }
0x243: {  	v14 =	vld [tilespmem:s4+$0x1070]  }
0x244: {  	v2 =	vadd.f32 v2, v13;
	_ =	sdelay $0x1  }
0x245: {  	[tilespmem:s4+$0x1060] =	vst v2  }
0x246: {  	v2 =	vld [tilespmem:$0x10270]  }
0x247: {  	v3 =	vsub.f32 v14, v0  }
0x248: {  	v15 =	vld [tilespmem:$0x10670]  }
0x249: {  	v3 =	vmul.f32 v3, v1;
	_ =	sdelay $0x1  }
0x24a: {  	v2 =	vmul.f32 v3, v2  }
0x24b: {  	v16 =	vld [tilespmem:s4+$0x1400]  }
0x24c: {  	v2 =	vadd.f32 v2, v15;
	_ =	sdelay $0x1  }
0x24d: {  	[tilespmem:s4+$0x1070] =	vst v2  }
0x24e: {  	v2 =	vld [tilespmem:$0x10280]  }
0x24f: {  	v3 =	vsub.f32 v16, v0  }
0x250: {  	v17 =	vld [tilespmem:$0x10680]  }
0x251: {  	v3 =	vmul.f32 v3, v1;
	_ =	sdelay $0x1  }
0x252: {  	v2 =	vmul.f32 v3, v2  }
0x253: {  	v18 =	vld [tilespmem:s4+$0x1410]  }
0x254: {  	v2 =	vadd.f32 v2, v17;
	_ =	sdelay $0x1  }
0x255: {  	[tilespmem:s4+$0x1400] =	vst v2  }
0x256: {  	v2 =	vld [tilespmem:$0x10290]  }
0x257: {  	v3 =	vsub.f32 v18, v0  }
0x258: {  	v19 =	vld [tilespmem:$0x10690]  }
0x259: {  	v3 =	vmul.f32 v3, v1;
	_ =	sdelay $0x1  }
0x25a: {  	v2 =	vmul.f32 v3, v2  }
0x25b: {  	v20 =	vld [tilespmem:s4+$0x1420]  }
0x25c: {  	v2 =	vadd.f32 v2, v19;
	_ =	sdelay $0x1  }
0x25d: {  	[tilespmem:s4+$0x1410] =	vst v2  }
0x25e: {  	v2 =	vld [tilespmem:$0x102A0]  }
0x25f: {  	v3 =	vsub.f32 v20, v0  }
0x260: {  	v21 =	vld [tilespmem:$0x106A0]  }
0x261: {  	v3 =	vmul.f32 v3, v1;
	_ =	sdelay $0x1  }
0x262: {  	v2 =	vmul.f32 v3, v2  }
0x263: {  	v22 =	vld [tilespmem:s4+$0x1430]  }
0x264: {  	v2 =	vadd.f32 v2, v21;
	_ =	sdelay $0x1  }
0x265: {  	[tilespmem:s4+$0x1420] =	vst v2  }
0x266: {  	v2 =	vld [tilespmem:$0x102B0]  }
0x267: {  	v3 =	vsub.f32 v22, v0  }
0x268: {  	v23 =	vld [tilespmem:$0x106B0]  }
0x269: {  	v3 =	vmul.f32 v3, v1;
	_ =	sdelay $0x1  }
0x26a: {  	v2 =	vmul.f32 v3, v2  }
0x26b: {  	v24 =	vld [tilespmem:s4+$0x1440]  }
0x26c: {  	v2 =	vadd.f32 v2, v23;
	_ =	sdelay $0x1  }
0x26d: {  	[tilespmem:s4+$0x1430] =	vst v2  }
0x26e: {  	v2 =	vld [tilespmem:$0x102C0]  }
0x26f: {  	v3 =	vsub.f32 v24, v0  }
0x270: {  	v25 =	vld [tilespmem:$0x106C0]  }
0x271: {  	v3 =	vmul.f32 v3, v1;
	_ =	sdelay $0x1  }
0x272: {  	v2 =	vmul.f32 v3, v2  }
0x273: {  	v26 =	vld [tilespmem:s4+$0x1450]  }
0x274: {  	v2 =	vadd.f32 v2, v25;
	_ =	sdelay $0x1  }
0x275: {  	[tilespmem:s4+$0x1440] =	vst v2  }
0x276: {  	v2 =	vld [tilespmem:$0x102D0]  }
0x277: {  	v3 =	vsub.f32 v26, v0  }
0x278: {  	v27 =	vld [tilespmem:$0x106D0]  }
0x279: {  	v3 =	vmul.f32 v3, v1;
	_ =	sdelay $0x1  }
0x27a: {  	v2 =	vmul.f32 v3, v2  }
0x27b: {  	v28 =	vld [tilespmem:s4+$0x1460]  }
0x27c: {  	v2 =	vadd.f32 v2, v27;
	_ =	sdelay $0x1  }
0x27d: {  	[tilespmem:s4+$0x1450] =	vst v2  }
0x27e: {  	v2 =	vld [tilespmem:$0x102E0]  }
0x27f: {  	v3 =	vsub.f32 v28, v0  }
0x280: {  	v29 =	vld [tilespmem:$0x106E0]  }
0x281: {  	v3 =	vmul.f32 v3, v1;
	_ =	sdelay $0x1  }
0x282: {  	v2 =	vmul.f32 v3, v2  }
0x283: {  	v30 =	vld [tilespmem:s4+$0x1470]  }
0x284: {  	v2 =	vadd.f32 v2, v29;
	_ =	sdelay $0x1  }
0x285: {  	[tilespmem:s4+$0x1460] =	vst v2  }
0x286: {  	v2 =	vld [tilespmem:$0x102F0]  }
0x287: {  	v3 =	vsub.f32 v30, v0  }
0x288: {  	v31 =	vld [tilespmem:$0x106F0]  }
0x289: {  	v3 =	vmul.f32 v3, v1;
	_ =	sdelay $0x1  }
0x28a: {  	v2 =	vmul.f32 v3, v2  }
0x28b: {  	v32 =	vld [tilespmem:s4+$0x1800]  }
0x28c: {  	v2 =	vadd.f32 v2, v31;
	_ =	sdelay $0x1  }
0x28d: {  	[tilespmem:s4+$0x1470] =	vst v2  }
0x28e: {  	v2 =	vld [tilespmem:$0x10300]  }
0x28f: {  	v3 =	vsub.f32 v32, v0  }
0x290: {  	v33 =	vld [tilespmem:$0x10700]  }
0x291: {  	v3 =	vmul.f32 v3, v1;
	_ =	sdelay $0x1  }
0x292: {  	v2 =	vmul.f32 v3, v2  }
0x293: {  	v34 =	vld [tilespmem:s4+$0x1810]  }
0x294: {  	v2 =	vadd.f32 v2, v33;
	_ =	sdelay $0x1  }
0x295: {  	[tilespmem:s4+$0x1800] =	vst v2  }
0x296: {  	v2 =	vld [tilespmem:$0x10310]  }
0x297: {  	v3 =	vsub.f32 v34, v0  }
0x298: {  	v35 =	vld [tilespmem:$0x10710]  }
0x299: {  	v3 =	vmul.f32 v3, v1;
	_ =	sdelay $0x1  }
0x29a: {  	v2 =	vmul.f32 v3, v2  }
0x29b: {  	v36 =	vld [tilespmem:s4+$0x1820]  }
0x29c: {  	v2 =	vadd.f32 v2, v35;
	_ =	sdelay $0x1  }
0x29d: {  	[tilespmem:s4+$0x1810] =	vst v2  }
0x29e: {  	v2 =	vld [tilespmem:$0x10320]  }
0x29f: {  	v3 =	vsub.f32 v36, v0  }
0x2a0: {  	v37 =	vld [tilespmem:$0x10720]  }
0x2a1: {  	v3 =	vmul.f32 v3, v1;
	_ =	sdelay $0x1  }
0x2a2: {  	v2 =	vmul.f32 v3, v2  }
0x2a3: {  	v38 =	vld [tilespmem:s4+$0x1830]  }
0x2a4: {  	v2 =	vadd.f32 v2, v37;
	_ =	sdelay $0x1  }
0x2a5: {  	[tilespmem:s4+$0x1820] =	vst v2  }
0x2a6: {  	v2 =	vld [tilespmem:$0x10330]  }
0x2a7: {  	v3 =	vsub.f32 v38, v0  }
0x2a8: {  	v39 =	vld [tilespmem:$0x10730]  }
0x2a9: {  	v3 =	vmul.f32 v3, v1;
	_ =	sdelay $0x1  }
0x2aa: {  	v2 =	vmul.f32 v3, v2  }
0x2ab: {  	v40 =	vld [tilespmem:s4+$0x1840]  }
0x2ac: {  	v2 =	vadd.f32 v2, v39;
	_ =	sdelay $0x1  }
0x2ad: {  	[tilespmem:s4+$0x1830] =	vst v2  }
0x2ae: {  	v2 =	vld [tilespmem:$0x10340]  }
0x2af: {  	v3 =	vsub.f32 v40, v0  }
0x2b0: {  	v41 =	vld [tilespmem:$0x10740]  }
0x2b1: {  	v3 =	vmul.f32 v3, v1;
	_ =	sdelay $0x1  }
0x2b2: {  	v2 =	vmul.f32 v3, v2  }
0x2b3: {  	v42 =	vld [tilespmem:s4+$0x1850]  }
0x2b4: {  	v2 =	vadd.f32 v2, v41;
	_ =	sdelay $0x1  }
0x2b5: {  	[tilespmem:s4+$0x1840] =	vst v2  }
0x2b6: {  	v2 =	vld [tilespmem:$0x10350]  }
0x2b7: {  	v3 =	vsub.f32 v42, v0  }
0x2b8: {  	v43 =	vld [tilespmem:$0x10750]  }
0x2b9: {  	v3 =	vmul.f32 v3, v1;
	_ =	sdelay $0x1  }
0x2ba: {  	v2 =	vmul.f32 v3, v2  }
0x2bb: {  	v44 =	vld [tilespmem:s4+$0x1860]  }
0x2bc: {  	v2 =	vadd.f32 v2, v43;
	_ =	sdelay $0x1  }
0x2bd: {  	[tilespmem:s4+$0x1850] =	vst v2  }
0x2be: {  	v2 =	vld [tilespmem:$0x10360]  }
0x2bf: {  	v3 =	vsub.f32 v44, v0  }
0x2c0: {  	v45 =	vld [tilespmem:$0x10760]  }
0x2c1: {  	v3 =	vmul.f32 v3, v1;
	_ =	sdelay $0x1  }
0x2c2: {  	v2 =	vmul.f32 v3, v2  }
0x2c3: {  	v46 =	vld [tilespmem:s4+$0x1870]  }
0x2c4: {  	v2 =	vadd.f32 v2, v45;
	_ =	sdelay $0x1  }
0x2c5: {  	[tilespmem:s4+$0x1860] =	vst v2  }
0x2c6: {  	v2 =	vld [tilespmem:$0x10370]  }
0x2c7: {  	v3 =	vsub.f32 v46, v0  }
0x2c8: {  	v47 =	vld [tilespmem:$0x10770]  }
0x2c9: {  	v3 =	vmul.f32 v3, v1;
	_ =	sdelay $0x1  }
0x2ca: {  	v2 =	vmul.f32 v3, v2;
	_ =	sdelay $0x1  }
0x2cb: {  	v2 =	vadd.f32 v2, v47;
	_ =	sdelay $0x1  }
0x2cc: {  	[tilespmem:s4+$0x1870] =	vst v2  }
0x2cd: {  	v2 =	vld [tilespmem:s2+$0x0];
	_ =	sdelay $0x3  }
0x2ce: {  	v48 =	vld [tilespmem:$0x10380]  }
0x2cf: {  	v2 =	vsub.f32 v2, v0  }
0x2d0: {  	v49 =	vld [tilespmem:$0x10780]  }
0x2d1: {  	v2 =	vmul.f32 v2, v1;
	_ =	sdelay $0x1  }
0x2d2: {  	v2 =	vmul.f32 v2, v48;
	_ =	sdelay $0x1  }
0x2d3: {  	v2 =	vadd.f32 v2, v49;
	_ =	sdelay $0x1  }
0x2d4: {  	[tilespmem:s2+$0x0] =	vst v2  }
0x2d5: {  	v2 =	vld [tilespmem:s17+$0x0];
	_ =	sdelay $0x3  }
0x2d6: {  	v50 =	vld [tilespmem:$0x10390]  }
0x2d7: {  	v2 =	vsub.f32 v2, v0  }
0x2d8: {  	v51 =	vld [tilespmem:$0x10790]  }
0x2d9: {  	v2 =	vmul.f32 v2, v1;
	_ =	sdelay $0x1  }
0x2da: {  	v2 =	vmul.f32 v2, v50;
	_ =	sdelay $0x1  }
0x2db: {  	v2 =	vadd.f32 v2, v51;
	_ =	sdelay $0x1  }
0x2dc: {  	[tilespmem:s17+$0x0] =	vst v2  }
0x2dd: {  	v2 =	vld [tilespmem:s16+$0x0];
	_ =	sdelay $0x3  }
0x2de: {  	v52 =	vld [tilespmem:$0x103A0]  }
0x2df: {  	v2 =	vsub.f32 v2, v0  }
0x2e0: {  	v53 =	vld [tilespmem:$0x107A0]  }
0x2e1: {  	v2 =	vmul.f32 v2, v1;
	_ =	sdelay $0x1  }
0x2e2: {  	v2 =	vmul.f32 v2, v52;
	_ =	sdelay $0x1  }
0x2e3: {  	v2 =	vadd.f32 v2, v53;
	_ =	sdelay $0x1  }
0x2e4: {  	[tilespmem:s16+$0x0] =	vst v2  }
0x2e5: {  	v2 =	vld [tilespmem:s18+$0x0];
	_ =	sdelay $0x3  }
0x2e6: {  	v54 =	vld [tilespmem:$0x103B0]  }
0x2e7: {  	v2 =	vsub.f32 v2, v0  }
0x2e8: {  	v55 =	vld [tilespmem:$0x107B0]  }
0x2e9: {  	v2 =	vmul.f32 v2, v1;
	_ =	sdelay $0x1  }
0x2ea: {  	v2 =	vmul.f32 v2, v54;
	_ =	sdelay $0x1  }
0x2eb: {  	v2 =	vadd.f32 v2, v55;
	_ =	sdelay $0x1  }
0x2ec: {  	[tilespmem:s18+$0x0] =	vst v2  }
0x2ed: {  	v2 =	vld [tilespmem:s19+$0x0];
	_ =	sdelay $0x3  }
0x2ee: {  	v56 =	vld [tilespmem:$0x103C0]  }
0x2ef: {  	v2 =	vsub.f32 v2, v0  }
0x2f0: {  	v57 =	vld [tilespmem:$0x107C0]  }
0x2f1: {  	v2 =	vmul.f32 v2, v1;
	_ =	sdelay $0x1  }
0x2f2: {  	v2 =	vmul.f32 v2, v56;
	_ =	sdelay $0x1  }
0x2f3: {  	v2 =	vadd.f32 v2, v57;
	_ =	sdelay $0x1  }
0x2f4: {  	[tilespmem:s19+$0x0] =	vst v2  }
0x2f5: {  	v2 =	vld [tilespmem:s12+$0x0];
	_ =	sdelay $0x3  }
0x2f6: {  	v58 =	vld [tilespmem:$0x103D0]  }
0x2f7: {  	v2 =	vsub.f32 v2, v0  }
0x2f8: {  	v59 =	vld [tilespmem:$0x107D0]  }
0x2f9: {  	v2 =	vmul.f32 v2, v1;
	_ =	sdelay $0x1  }
0x2fa: {  	v2 =	vmul.f32 v2, v58;
	_ =	sdelay $0x1  }
0x2fb: {  	v2 =	vadd.f32 v2, v59;
	_ =	sdelay $0x1  }
0x2fc: {  	[tilespmem:s12+$0x0] =	vst v2  }
0x2fd: {  	v2 =	vld [tilespmem:s13+$0x0];
	_ =	sdelay $0x3  }
0x2fe: {  	v60 =	vld [tilespmem:$0x103E0]  }
0x2ff: {  	v2 =	vsub.f32 v2, v0  }
0x300: {  	v61 =	vld [tilespmem:$0x107E0]  }
0x301: {  	v2 =	vmul.f32 v2, v1;
	_ =	sdelay $0x1  }
0x302: {  	v2 =	vmul.f32 v2, v60;
	_ =	sdelay $0x1  }
0x303: {  	v2 =	vadd.f32 v2, v61;
	_ =	sdelay $0x1  }
0x304: {  	[tilespmem:s13+$0x0] =	vst v2  }
0x305: {  	v2 =	vld [tilespmem:s15+$0x0];
	_ =	sdelay $0x3  }
0x306: {  	v62 =	vld [tilespmem:$0x103F0]  }
0x307: {  	v0 =	vsub.f32 v2, v0  }
0x308: {  	v63 =	vld [tilespmem:$0x107F0]  }
0x309: {  	v0 =	vmul.f32 v0, v1  }
0x30a: {  	p0 =	sne.s32 s0, $0x780  }
.Ltmp2:
0x30b: {  	v0 =	vmul.f32 v0, v62;
	(pc) =	sbr.rel @p0 .LBB2_3-.Ltmp2, $4  }
0x30c: {  	_ = 	snop  }
0x30d: {  	v0 =	vadd.f32 v0, v63  }
0x30e: {  	s29 =	sadd.s32 $0x1, s29  }
0x30f: {  	s30 =	sadd.s32 $0x400, s30;
	s0 =	sadd.s32 $0x80, s0;
	s31 =	sadd.s32 $0x400, s31;
	[tilespmem:s15+$0x0] =	vst v0  }
0x310: {  	s0 =	sshll.u32 s28, $0xC  }
0x311: {  	p0 =	seq.s32 s28, $0x1F;
	s0 =	sadd.s32 s0, s14  }
0x312: {  	[hbm4b:s0+s6] =	stream.linear.scatter [tilespmem:s6], [sflag:$0x3], $0x4000, $0x38;
	[tilespmem:$0x10800] =	vst v63  }
0x313: {  	s29 =	sshll.u32 s28, $0x5;
	s0 =	simm.s32 @!p0 $0x3  }
0x314: {  	s2 =	sadd.s32 @!p0 $0x20, s29;
	_ =	swait.ge @!p0 [sflag:s0], $0x4000  }
0x315: {  	s3 =	sadd.s32 @!p0 s7, s2;
	[sflag:s0] =	ssyncset.done @!p0 $0x0  }
0x316: {  	[sflag:s0] =	ssyncadd.s32 @!p0 $0xFFFFC000;
	s0 =	sshll.u32 @!p0 s3, $0x7  }
0x317: {  	s2 =	sadd.s32 @!p0 s9, s2;
	s3 =	simm.s32 @!p0 $0x0;
	s0 =	sadd.s32 @!p0 s1, s0  }
0x318: {  	[tilespmem:s3], [sflag:$0x1] =	stream.linear.gather @!p0 [hbm4b:s0+s3], $0x4000, $0x38;
	[tilespmem:$0x10800] =	vst v63  }
0x319: {  	s0 =	sshll.u32 @!p0 s2, $0x7  }
0x31a: {  	s2 =	simm.s32 @!p0 $0x4000;
	s0 =	sadd.s32 @!p0 s8, s0  }
0x31b: {  	[tilespmem:s2], [sflag:$0x1] =	stream.linear.gather @!p0 [hbm4b:s0+s3], $0x4000, $0x38;
	[tilespmem:$0x10800] =	vst v63  }
0x31c: {  	_ =	swait.ge [sflag:s23], $0x4000  }
0x31d: {  	[sflag:s23] =	ssyncset.done $0x0  }
0x31e: {  	[sflag:s23] =	ssyncadd.s32 $0xFFFFC000  }
0x31f: {  	_ =	swait.ge [sflag:s23], $0x4000  }
0x320: {  	s30 =	simm.s32 $0x0;
	s31 =	simm.s32 $0xFFFFC000;
	[sflag:s23] =	ssyncset.done $0x0  }
0x321: {  	s4 =	simm.s32 $0x0;
	s0 =	simm.s32 $0x0;
	[sflag:s23] =	ssyncadd.s32 $0xFFFFC000  }
.LBB2_5:
0x322: {  	s2 =	sadd.s32 $0x4000, s31  }
0x323: {  	s3 =	sand.u32 $0x380, s4;
	s2 =	sand.u32 $0x2000, s2  }
0x324: {  	s2 =	sor.u32 s3, s2  }
0x325: {  	v1 =	vld [tilespmem:s2+$0x8000]  }
0x326: {  	v2 =	vld [tilespmem:s2+$0xC000]  }
0x327: {  	v3 =	vld [tilespmem:s2+$0x8010]  }
0x328: {  	v6 =	vld [tilespmem:s2+$0xC010]  }
0x329: {  	v7 =	vld [tilespmem:s2+$0x8020]  }
0x32a: {  	v8 =	vld [tilespmem:s2+$0xC020]  }
0x32b: {  	v9 =	vld [tilespmem:s2+$0x8030]  }
0x32c: {  	v10 =	vld [tilespmem:s2+$0xC030]  }
0x32d: {  	v11 =	vld [tilespmem:s2+$0x8040]  }
0x32e: {  	v12 =	vld [tilespmem:s2+$0xC040]  }
0x32f: {  	v13 =	vld [tilespmem:s2+$0x8050]  }
0x330: {  	v14 =	vld [tilespmem:s2+$0xC050]  }
0x331: {  	v15 =	vld [tilespmem:s2+$0x8060]  }
0x332: {  	v16 =	vld [tilespmem:s2+$0xC060]  }
0x333: {  	v17 =	vld [tilespmem:s2+$0x8070]  }
0x334: {  	v18 =	vld [tilespmem:s2+$0xC070]  }
0x335: {  	v19 =	vld [tilespmem:s2+$0x8400]  }
0x336: {  	v20 =	vld [tilespmem:s2+$0xC400]  }
0x337: {  	v21 =	vld [tilespmem:s2+$0x8410]  }
0x338: {  	v22 =	vld [tilespmem:s2+$0xC410]  }
0x339: {  	v23 =	vld [tilespmem:s2+$0x8420]  }
0x33a: {  	v24 =	vld [tilespmem:s2+$0xC420]  }
0x33b: {  	v25 =	vld [tilespmem:s2+$0x8430]  }
0x33c: {  	v26 =	vld [tilespmem:s2+$0xC430]  }
0x33d: {  	v27 =	vld [tilespmem:s2+$0x8440]  }
0x33e: {  	v28 =	vld [tilespmem:s2+$0xC440]  }
0x33f: {  	v29 =	vld [tilespmem:s2+$0x8450]  }
0x340: {  	v30 =	vld [tilespmem:s2+$0xC450]  }
0x341: {  	v31 =	vld [tilespmem:s2+$0x8460]  }
0x342: {  	v32 =	vld [tilespmem:s2+$0xC460]  }
0x343: {  	v33 =	vld [tilespmem:s2+$0x8470]  }
0x344: {  	v34 =	vld [tilespmem:s2+$0xC470]  }
0x345: {  	v35 =	vld [tilespmem:s2+$0x8800]  }
0x346: {  	v36 =	vld [tilespmem:s2+$0xC800]  }
0x347: {  	v37 =	vld [tilespmem:s2+$0x8810]  }
0x348: {  	v38 =	vld [tilespmem:s2+$0xC810]  }
0x349: {  	v39 =	vld [tilespmem:s2+$0x8820]  }
0x34a: {  	v40 =	vld [tilespmem:s2+$0xC820]  }
0x34b: {  	v41 =	vld [tilespmem:s2+$0x8830]  }
0x34c: {  	v42 =	vld [tilespmem:s2+$0xC830]  }
0x34d: {  	v43 =	vld [tilespmem:s2+$0x8840]  }
0x34e: {  	v44 =	vld [tilespmem:s2+$0xC840]  }
0x34f: {  	v45 =	vld [tilespmem:s2+$0x8850]  }
0x350: {  	v46 =	vld [tilespmem:s2+$0xC850]  }
0x351: {  	v47 =	vld [tilespmem:s2+$0x8860]  }
0x352: {  	v48 =	vld [tilespmem:s2+$0xC860]  }
0x353: {  	v49 =	vld [tilespmem:s2+$0x8870]  }
0x354: {  	v50 =	vld [tilespmem:s2+$0xC870]  }
0x355: {  	v51 =	vld [tilespmem:s2+$0x8C00]  }
0x356: {  	v52 =	vld [tilespmem:s2+$0xCC00]  }
0x357: {  	v53 =	vld [tilespmem:s2+$0x8C10]  }
0x358: {  	v54 =	vld [tilespmem:s2+$0xCC10]  }
0x359: {  	v55 =	vld [tilespmem:s2+$0x8C20]  }
0x35a: {  	v4 =	vld [tilespmem:s2+$0x8C50]  }
0x35b: {  	v61 =	vld [tilespmem:s2+$0xCC50]  }
0x35c: {  	v0 =	vld [tilespmem:s2+$0x8C60]  }
0x35d: {  	v5 =	vld [tilespmem:s2+$0xCC60]  }
0x35e: {  	v2 =	vadd.f32 v2, v1;
	v1 =	vld [tilespmem:s2+$0x8C70]  }
0x35f: {  	v8 =	vadd.f32 v8, v7;
	v7 =	vld [tilespmem:s2+$0xCC70]  }
0x360: {  	v3 =	vadd.f32 v6, v3;
	v6 =	vld [tilespmem:s2+$0x9000]  }
0x361: {  	v11 =	vadd.f32 v12, v11;
	v12 =	vld [tilespmem:s2+$0xD000]  }
0x362: {  	v9 =	vadd.f32 v10, v9;
	v13 =	vadd.f32 v14, v13;
	v14 =	vld [tilespmem:s2+$0x9010]  }
0x363: {  	v15 =	vadd.f32 v16, v15;
	v16 =	vld [tilespmem:s2+$0xD010];
	v62 =	vadd.f32 $0.0e+00, v2  }
0x364: {  	v56 =	vld [tilespmem:s2+$0xCC20];
	v4 =	vadd.f32 v61, v4;
	[tilespmem:s2+$0x8000] =	vst v2;
	v2 =	vmul.f32 v2, v2;
	v63 =	vmul.f32 v3, v3  }
0x365: {  	v57 =	vld [tilespmem:s2+$0x8C30];
	v5 =	vadd.f32 v5, v0;
	[tilespmem:s2+$0x8010] =	vst v3;
	v3 =	vadd.f32 v3, v62  }
0x366: {  	v58 =	vld [tilespmem:s2+$0xCC30];
	[tilespmem:s2+$0x8020] =	vst v8;
	v2 =	vadd.f32 v63, v2;
	v62 =	vmul.f32 v8, v8;
	v7 =	vadd.f32 v7, v1  }
0x367: {  	v59 =	vld [tilespmem:s2+$0x8C40];
	[tilespmem:s2+$0x8030] =	vst v9;
	v0 =	vadd.f32 v12, v6;
	v3 =	vadd.f32 v8, v3  }
0x368: {  	v60 =	vld [tilespmem:s2+$0xCC40];
	[tilespmem:s2+$0x8040] =	vst v11;
	v63 =	vmul.f32 v9, v9;
	v1 =	vadd.f32 v16, v14;
	v2 =	vadd.f32 v62, v2  }
0x369: {  	[tilespmem:s2+$0x8050] =	vst v13;
	v6 =	vld [tilespmem:s2+$0xD460];
	v8 =	vadd.f32 v18, v17;
	v3 =	vadd.f32 v9, v3  }
0x36a: {  	[tilespmem:s2+$0x8060] =	vst v15;
	v17 =	vld [tilespmem:s2+$0x9020];
	v18 =	vadd.f32 v20, v19;
	v62 =	vmul.f32 v11, v11;
	v2 =	vadd.f32 v63, v2  }
0x36b: {  	[tilespmem:s2+$0x8C50] =	vst v4;
	v19 =	vld [tilespmem:s2+$0xD020];
	v9 =	vadd.f32 v22, v21;
	v3 =	vadd.f32 v11, v3  }
0x36c: {  	[tilespmem:s2+$0x8C60] =	vst v5;
	v20 =	vld [tilespmem:s2+$0x9030];
	v21 =	vadd.f32 v24, v23;
	v63 =	vmul.f32 v13, v13;
	v2 =	vadd.f32 v62, v2  }
0x36d: {  	[tilespmem:s2+$0x8C70] =	vst v7;
	v22 =	vld [tilespmem:s2+$0xD030];
	v24 =	vadd.f32 v28, v27;
	v3 =	vadd.f32 v13, v3  }
0x36e: {  	[tilespmem:s2+$0x9000] =	vst v0;
	v23 =	vld [tilespmem:s2+$0x9040];
	v27 =	vadd.f32 v32, v31;
	v62 =	vmul.f32 v15, v15;
	v2 =	vadd.f32 v63, v2  }
0x36f: {  	[tilespmem:s2+$0x9010] =	vst v1;
	v28 =	vld [tilespmem:s2+$0xD050];
	v11 =	vadd.f32 v26, v25;
	v3 =	vadd.f32 v15, v3  }
0x370: {  	[tilespmem:s2+$0x8070] =	vst v8;
	v31 =	vld [tilespmem:s2+$0xD060];
	v13 =	vadd.f32 v30, v29;
	v63 =	vmul.f32 v8, v8;
	v2 =	vadd.f32 v62, v2  }
0x371: {  	[tilespmem:s2+$0x8400] =	vst v18;
	v32 =	vld [tilespmem:s2+$0x9070];
	v30 =	vadd.f32 v36, v35;
	v3 =	vadd.f32 v8, v3  }
0x372: {  	[tilespmem:s2+$0x8410] =	vst v9;
	v25 =	vld [tilespmem:s2+$0xD040];
	v8 =	vadd.f32 v38, v37;
	v2 =	vadd.f32 v63, v2;
	v38 =	vmul.f32 v18, v18  }
0x373: {  	[tilespmem:s2+$0x8420] =	vst v21;
	v26 =	vld [tilespmem:s2+$0x9050];
	v36 =	vadd.f32 v44, v43;
	v3 =	vadd.f32 v18, v3  }
0x374: {  	[tilespmem:s2+$0x8440] =	vst v24;
	v29 =	vld [tilespmem:s2+$0x9060];
	v18 =	vadd.f32 v42, v41;
	v2 =	vadd.f32 v38, v2;
	v42 =	vmul.f32 v9, v9  }
0x375: {  	[tilespmem:s2+$0x8460] =	vst v27;
	v35 =	vld [tilespmem:s2+$0x9400];
	v15 =	vadd.f32 v34, v33;
	v3 =	vadd.f32 v9, v3  }
0x376: {  	[tilespmem:s2+$0x8430] =	vst v11;
	v43 =	vld [tilespmem:s2+$0xD420];
	v9 =	vadd.f32 v46, v45;
	v2 =	vadd.f32 v42, v2;
	v46 =	vmul.f32 v21, v21  }
0x377: {  	v44 =	vld [tilespmem:s2+$0x9430];
	[tilespmem:s2+$0x8450] =	vst v13;
	v33 =	vadd.f32 v40, v39;
	v3 =	vadd.f32 v21, v3  }
0x378: {  	[tilespmem:s2+$0x8800] =	vst v30;
	v34 =	vld [tilespmem:s2+$0xD070];
	v21 =	vadd.f32 v50, v49;
	v2 =	vadd.f32 v46, v2;
	v50 =	vmul.f32 v11, v11  }
0x379: {  	[tilespmem:s2+$0x8840] =	vst v36;
	v39 =	vadd.f32 v48, v47;
	v40 =	vld [tilespmem:s2+$0xD410];
	v3 =	vadd.f32 v11, v3  }
0x37a: {  	v47 =	vld [tilespmem:s2+$0x9440];
	[tilespmem:s2+$0x8470] =	vst v15;
	v11 =	vadd.f32 v54, v53;
	v2 =	vadd.f32 v50, v2;
	v54 =	vmul.f32 v24, v24  }
0x37b: {  	v48 =	vld [tilespmem:s2+$0x9850];
	[tilespmem:s2+$0x8820] =	vst v33;
	v24 =	vadd.f32 v24, v3  }
0x37c: {  	v37 =	vld [tilespmem:s2+$0xD400];
	[tilespmem:s2+$0x8860] =	vst v39;
	v3 =	vadd.f32 v58, v57;
	v10 =	vadd.f32 v54, v2;
	v58 =	vmul.f32 v13, v13  }
0x37d: {  	[tilespmem:s2+$0x8810] =	vst v8;
	v38 =	vld [tilespmem:s2+$0x9410];
	v42 =	vadd.f32 v52, v51  }
0x37e: {  	v62 =	vmul.f32 v27, v27;
	v41 =	vld [tilespmem:s2+$0x9420];
	[tilespmem:s2+$0x8830] =	vst v18;
	v13 =	vadd.f32 v13, v24;
	v10 =	vadd.f32 v58, v10  }
0x37f: {  	v45 =	vadd.f32 v56, v55;
	v56 =	vld [tilespmem:s2+$0xD800];
	[tilespmem:s2+$0x8850] =	vst v9  }
0x380: {  	v63 =	vmul.f32 v15, v15;
	[tilespmem:s2+$0x8C00] =	vst v42;
	v54 =	vld [tilespmem:s2+$0x9800];
	v13 =	vadd.f32 v27, v13;
	v10 =	vadd.f32 v62, v10  }
0x381: {  	v46 =	vld [tilespmem:s2+$0xD430];
	[tilespmem:s2+$0x8C20] =	vst v45;
	v2 =	vadd.f32 v60, v59  }
0x382: {  	v49 =	vld [tilespmem:s2+$0xD440];
	[tilespmem:s2+$0x8870] =	vst v21;
	v51 =	vadd.f32 v15, v13;
	v10 =	vadd.f32 v63, v10  }
0x383: {  	v50 =	vld [tilespmem:s2+$0xD450];
	[tilespmem:s2+$0x8C10] =	vst v11;
	v15 =	vadd.f32 v19, v17;
	v17 =	vadd.f32 v22, v20  }
0x384: {  	v52 =	vmul.f32 v30, v30;
	[tilespmem:s2+$0x8C30] =	vst v3;
	v27 =	vld [tilespmem:s2+$0x9460];
	v20 =	vadd.f32 v25, v23;
	v25 =	vadd.f32 v31, v29  }
0x385: {  	v53 =	vld [tilespmem:s2+$0xD470];
	[tilespmem:s2+$0x8C40] =	vst v2;
	v19 =	vadd.f32 v56, v54;
	v12 =	vadd.f32 v30, v51  }
0x386: {  	v55 =	vmul.f32 v8, v8;
	v57 =	vld [tilespmem:s2+$0x9810];
	v10 =	vadd.f32 v52, v10;
	[tilespmem:s2+$0x9020] =	vst v15;
	v30 =	vadd.f32 v37, v35  }
0x387: {  	v60 =	vld [tilespmem:s2+$0x9820];
	[tilespmem:s2+$0x9030] =	vst v17;
	v35 =	vadd.f32 v46, v44;
	v8 =	vadd.f32 v8, v12  }
0x388: {  	v58 =	vmul.f32 v33, v33;
	v62 =	vld [tilespmem:s2+$0xD820];
	[tilespmem:s2+$0x9040] =	vst v20;
	v37 =	vadd.f32 v49, v47;
	v10 =	vadd.f32 v55, v10  }
0x389: {  	v13 =	vld [tilespmem:s2+$0x9470];
	[tilespmem:s2+$0x9060] =	vst v25;
	v6 =	vadd.f32 v6, v27;
	v8 =	vadd.f32 v33, v8  }
0x38a: {  	v61 =	vmul.f32 v18, v18;
	v59 =	vld [tilespmem:s2+$0xD810];
	[tilespmem:s2+$0x9800] =	vst v19;
	v12 =	vadd.f32 v28, v26;
	v10 =	vadd.f32 v58, v10  }
0x38b: {  	v24 =	vld [tilespmem:s2+$0x9450];
	v28 =	vadd.f32 v34, v32;
	[tilespmem:s2+$0x9400] =	vst v30;
	v8 =	vadd.f32 v18, v8  }
0x38c: {  	v54 =	vld [tilespmem:s2+$0x9870];
	[tilespmem:s2+$0x9430] =	vst v35;
	v18 =	vadd.f32 v40, v38;
	v10 =	vadd.f32 v61, v10;
	v40 =	vmul.f32 v36, v36  }
0x38d: {  	v49 =	vld [tilespmem:s2+$0xD850];
	[tilespmem:s2+$0x9440] =	vst v37;
	v26 =	vadd.f32 v62, v60;
	v8 =	vadd.f32 v36, v8  }
0x38e: {  	v46 =	vmul.f32 v9, v9;
	v55 =	vld [tilespmem:s2+$0xD870];
	v13 =	vadd.f32 v53, v13;
	[tilespmem:s2+$0x9460] =	vst v6;
	v10 =	vadd.f32 v40, v10  }
0x38f: {  	v63 =	vld [tilespmem:s2+$0x9830];
	[tilespmem:s2+$0x9050] =	vst v12;
	v33 =	vadd.f32 v43, v41;
	v8 =	vadd.f32 v9, v8  }
0x390: {  	[tilespmem:s2+$0x9070] =	vst v28;
	v43 =	vld [tilespmem:s2+$0xD830];
	v9 =	vadd.f32 v50, v24;
	v10 =	vadd.f32 v46, v10;
	v50 =	vmul.f32 v39, v39  }
0x391: {  	v44 =	vld [tilespmem:s2+$0x9840];
	[tilespmem:s2+$0x9820] =	vst v26;
	v8 =	vadd.f32 v39, v8  }
0x392: {  	v51 =	vld [tilespmem:s2+$0x9860];
	v53 =	vmul.f32 v21, v21;
	[tilespmem:s2+$0x9470] =	vst v13;
	v14 =	vadd.f32 v49, v48;
	v10 =	vadd.f32 v50, v10  }
0x393: {  	v52 =	vld [tilespmem:s2+$0xD860];
	[tilespmem:s2+$0x9420] =	vst v33;
	v16 =	vadd.f32 v55, v54;
	v8 =	vadd.f32 v21, v8  }
0x394: {  	v56 =	vmul.f32 v42, v42;
	[tilespmem:s2+$0x9850] =	vst v14;
	v21 =	vadd.f32 v59, v57;
	v10 =	vadd.f32 v53, v10;
	v57 =	vld [tilespmem:s2+$0xD840]  }
0x395: {  	[tilespmem:s2+$0x9410] =	vst v18;
	v31 =	vadd.f32 v43, v63;
	v8 =	vadd.f32 v42, v8  }
0x396: {  	v58 =	vmul.f32 v11, v11;
	[tilespmem:s2+$0x9870] =	vst v16;
	v10 =	vadd.f32 v56, v10  }
0x397: {  	s24 =	sand.u32 $0x7, s30;
	[tilespmem:s2+$0x9830] =	vst v31;
	v8 =	vadd.f32 v11, v8  }
0x398: {  	s3 =	sshll.u32 s24, $0x7;
	[tilespmem:s2+$0x9450] =	vst v9;
	v59 =	vmul.f32 v45, v45;
	v11 =	vadd.f32 v52, v51;
	v10 =	vadd.f32 v58, v10  }
0x399: {  	s10 =	sadd.s32 s3, s0;
	[tilespmem:s2+$0x9810] =	vst v21;
	v23 =	vadd.f32 v57, v44;
	v8 =	vadd.f32 v45, v8  }
0x39a: {  	s3 =	sor.u32 $0x1C00, s10;
	v60 =	vmul.f32 v3, v3;
	[tilespmem:s2+$0x9860] =	vst v11;
	v10 =	vadd.f32 v59, v10  }
0x39b: {  	[tilespmem:s2+$0x9840] =	vst v23;
	v61 =	vld [tilespmem:s3+$0x8000];
	v3 =	vadd.f32 v3, v8  }
0x39c: {  	v62 =	vmul.f32 v2, v2;
	v10 =	vadd.f32 v60, v10;
	v63 =	vld [tilespmem:s3+$0xC000]  }
0x39d: {  	v2 =	vadd.f32 v2, v3  }
0x39e: {  	v32 =	vmul.f32 v4, v4;
	v29 =	vadd.f32 v62, v10  }
0x39f: {  	v2 =	vadd.f32 v4, v2  }
0x3a0: {  	v34 =	vmul.f32 v5, v5;
	v3 =	vadd.f32 v32, v29  }
0x3a1: {  	v36 =	vadd.f32 v63, v61;
	v2 =	vadd.f32 v5, v2  }
0x3a2: {  	v38 =	vmul.f32 v7, v7;
	v3 =	vadd.f32 v34, v3  }
0x3a3: {  	s16 =	sor.u32 $0x1C10, s10;
	[tilespmem:s3+$0x8000] =	vst v36;
	v2 =	vadd.f32 v7, v2  }
0x3a4: {  	v39 =	vmul.f32 v0, v0;
	v3 =	vadd.f32 v38, v3;
	v40 =	vld [tilespmem:s16+$0x8000]  }
0x3a5: {  	v41 =	vld [tilespmem:s16+$0xC000];
	v0 =	vadd.f32 v0, v2  }
0x3a6: {  	v42 =	vmul.f32 v1, v1;
	v3 =	vadd.f32 v39, v3  }
0x3a7: {  	v0 =	vadd.f32 v1, v0  }
0x3a8: {  	v44 =	vmul.f32 v15, v15;
	v43 =	vadd.f32 v42, v3  }
0x3a9: {  	v0 =	vadd.f32 v15, v0  }
0x3aa: {  	v45 =	vmul.f32 v17, v17;
	v2 =	vadd.f32 v41, v40;
	v1 =	vadd.f32 v44, v43  }
0x3ab: {  	v0 =	vadd.f32 v17, v0  }
0x3ac: {  	s18 =	sor.u32 $0x1C20, s10;
	v46 =	vmul.f32 v20, v20;
	[tilespmem:s16+$0x8000] =	vst v2;
	v1 =	vadd.f32 v45, v1  }
0x3ad: {  	v47 =	vld [tilespmem:s18+$0x8000];
	v0 =	vadd.f32 v20, v0  }
0x3ae: {  	v48 =	vmul.f32 v12, v12;
	v49 =	vld [tilespmem:s18+$0xC000];
	v1 =	vadd.f32 v46, v1  }
0x3af: {  	v0 =	vadd.f32 v12, v0  }
0x3b0: {  	v50 =	vmul.f32 v25, v25;
	v1 =	vadd.f32 v48, v1  }
0x3b1: {  	v0 =	vadd.f32 v25, v0  }
0x3b2: {  	v51 =	vmul.f32 v28, v28;
	v1 =	vadd.f32 v50, v1  }
0x3b3: {  	v4 =	vadd.f32 v49, v47;
	v0 =	vadd.f32 v28, v0  }
0x3b4: {  	v52 =	vmul.f32 v30, v30;
	v1 =	vadd.f32 v51, v1  }
0x3b5: {  	s19 =	sor.u32 $0x1C30, s10;
	[tilespmem:s18+$0x8000] =	vst v4;
	v0 =	vadd.f32 v30, v0  }
0x3b6: {  	v53 =	vmul.f32 v18, v18;
	v54 =	vld [tilespmem:s19+$0x8000];
	v1 =	vadd.f32 v52, v1  }
0x3b7: {  	v55 =	vld [tilespmem:s19+$0xC000];
	v0 =	vadd.f32 v18, v0  }
0x3b8: {  	v56 =	vmul.f32 v33, v33;
	v1 =	vadd.f32 v53, v1  }
0x3b9: {  	v0 =	vadd.f32 v33, v0  }
0x3ba: {  	v57 =	vmul.f32 v35, v35;
	v1 =	vadd.f32 v56, v1  }
0x3bb: {  	v0 =	vadd.f32 v35, v0  }
0x3bc: {  	v59 =	vmul.f32 v37, v37;
	v58 =	vadd.f32 v55, v54;
	v1 =	vadd.f32 v57, v1  }
0x3bd: {  	v0 =	vadd.f32 v37, v0  }
0x3be: {  	s12 =	sor.u32 $0x1C40, s10;
	v60 =	vmul.f32 v9, v9;
	[tilespmem:s19+$0x8000] =	vst v58;
	v1 =	vadd.f32 v59, v1  }
0x3bf: {  	v61 =	vld [tilespmem:s12+$0x8000];
	v0 =	vadd.f32 v9, v0  }
0x3c0: {  	v62 =	vmul.f32 v6, v6;
	v63 =	vld [tilespmem:s12+$0xC000];
	v1 =	vadd.f32 v60, v1  }
0x3c1: {  	v0 =	vadd.f32 v6, v0  }
0x3c2: {  	v12 =	vmul.f32 v13, v13;
	v1 =	vadd.f32 v62, v1  }
0x3c3: {  	v0 =	vadd.f32 v13, v0  }
0x3c4: {  	v1 =	vadd.f32 v12, v1;
	v13 =	vmul.f32 v19, v19  }
0x3c5: {  	v15 =	vadd.f32 v63, v61;
	v0 =	vadd.f32 v19, v0  }
0x3c6: {  	v17 =	vmul.f32 v21, v21;
	v1 =	vadd.f32 v13, v1  }
0x3c7: {  	s13 =	sor.u32 $0x1C50, s10;
	[tilespmem:s12+$0x8000] =	vst v15;
	v0 =	vadd.f32 v21, v0  }
0x3c8: {  	v18 =	vmul.f32 v26, v26;
	v20 =	vld [tilespmem:s13+$0xC000];
	v1 =	vadd.f32 v17, v1  }
0x3c9: {  	v19 =	vld [tilespmem:s13+$0x8000];
	v0 =	vadd.f32 v26, v0  }
0x3ca: {  	v21 =	vmul.f32 v31, v31;
	v1 =	vadd.f32 v18, v1  }
0x3cb: {  	v0 =	vadd.f32 v31, v0  }
0x3cc: {  	v22 =	vmul.f32 v23, v23;
	v1 =	vadd.f32 v21, v1  }
0x3cd: {  	v0 =	vadd.f32 v23, v0  }
0x3ce: {  	v25 =	vmul.f32 v14, v14;
	v24 =	vadd.f32 v20, v19;
	v1 =	vadd.f32 v22, v1  }
0x3cf: {  	v0 =	vadd.f32 v14, v0  }
0x3d0: {  	s15 =	sor.u32 $0x1C60, s10;
	v26 =	vmul.f32 v11, v11;
	[tilespmem:s13+$0x8000] =	vst v24;
	v1 =	vadd.f32 v25, v1  }
0x3d1: {  	v27 =	vld [tilespmem:s15+$0x8000];
	v0 =	vadd.f32 v11, v0  }
0x3d2: {  	v28 =	vmul.f32 v16, v16;
	v29 =	vld [tilespmem:s15+$0xC000];
	v1 =	vadd.f32 v26, v1  }
0x3d3: {  	v0 =	vadd.f32 v16, v0  }
0x3d4: {  	v30 =	vmul.f32 v36, v36;
	v1 =	vadd.f32 v28, v1  }
0x3d5: {  	v0 =	vadd.f32 v36, v0  }
0x3d6: {  	v31 =	vmul.f32 v2, v2;
	v1 =	vadd.f32 v30, v1  }
0x3d7: {  	v32 =	vadd.f32 v29, v27;
	v0 =	vadd.f32 v2, v0  }
0x3d8: {  	v33 =	vmul.f32 v4, v4;
	v1 =	vadd.f32 v31, v1  }
0x3d9: {  	s10 =	sor.u32 $0x1C70, s10;
	[tilespmem:s15+$0x8000] =	vst v32;
	v0 =	vadd.f32 v4, v0  }
0x3da: {  	v34 =	vmul.f32 v58, v58;
	v35 =	vld [tilespmem:s10+$0x8000];
	v1 =	vadd.f32 v33, v1  }
0x3db: {  	v36 =	vld [tilespmem:s10+$0xC000];
	v0 =	vadd.f32 v58, v0  }
0x3dc: {  	v37 =	vmul.f32 v15, v15;
	v1 =	vadd.f32 v34, v1  }
0x3dd: {  	v0 =	vadd.f32 v15, v0  }
0x3de: {  	v38 =	vmul.f32 v24, v24;
	v1 =	vadd.f32 v37, v1  }
0x3df: {  	v0 =	vadd.f32 v24, v0  }
0x3e0: {  	v39 =	vmul.f32 v32, v32;
	v3 =	vadd.f32 v36, v35;
	v1 =	vadd.f32 v38, v1  }
0x3e1: {  	v0 =	vadd.f32 v32, v0  }
0x3e2: {  	v40 =	vmul.f32 v3, v3;
	v1 =	vadd.f32 v39, v1  }
0x3e3: {  	v0 =	vadd.f32 v3, v0  }
0x3e4: {  	v1 =	vadd.f32 v40, v1  }
0x3e5: {  	(xrf2) =	vadd.scan.msk.f32 $0xffff, v0  }
0x3e6: {  	(xrf2) =	vadd.scan.msk.f32 $0xffff, v1;
	_ =	sdelay $0x8  }
0x3e7: {  	v0, _, _ =	vpop (xrf2)  }
0x3e8: {  	(v2sf) =	vpush v0, $0xF;
	v41, _, _ =	vpop (xrf2)  }
0x3e9: {  	(v2sf) =	vpush v41, $0xF;
	_ =	sdelay $0xd  }
0x3ea: {  	s11 =	spop (v2sf)  }
0x3eb: {  	s11 =	smul.f32 $9.765625000e-04, s11;
	s24 =	spop (v2sf)  }
0x3ec: {  	s24 =	smul.f32 $9.765625000e-04, s24  }
0x3ed: {  	s17 =	smul.f32 s11, s11;
	_ =	sdelay $0x1  }
0x3ee: {  	s17 =	ssub.f32 s24, s17;
	_ =	sdelay $0x1  }
0x3ef: {  	s17 =	sadd.f32 $9.999999970e-07, s17;
	_ =	sdelay $0x1  }
0x3f0: {  	v42 =	vmov s17  }
0x3f1: {  	v43 =	vshra.s32 v42, $0x1;
	v0 =	vmul.f32 $5.000000000e-01, v42  }
0x3f2: {  	v1 =	vsub.s32 $0x5F3759DF, v43  }
0x3f3: {  	v44 =	vmul.f32 v1, v0;
	_ =	sdelay $0x1  }
0x3f4: {  	v2 =	vmul.f32 v1, v44;
	_ =	sdelay $0x1  }
0x3f5: {  	v2 =	vsub.f32 $1.500000000e+00, v2;
	_ =	sdelay $0x1  }
0x3f6: {  	v1 =	vmul.f32 v1, v2;
	_ =	sdelay $0x1  }
0x3f7: {  	v2 =	vmul.f32 v1, v0;
	_ =	sdelay $0x1  }
0x3f8: {  	v2 =	vmul.f32 v2, v1;
	_ =	sdelay $0x1  }
0x3f9: {  	v2 =	vsub.f32 $1.500000000e+00, v2;
	_ =	sdelay $0x1  }
0x3fa: {  	v1 =	vmul.f32 v2, v1;
	_ =	sdelay $0x1  }
0x3fb: {  	[tilespmem:s10+$0x8000] =	vst v3;
	v0 =	vmul.f32 v1, v0  }
0x3fc: {  	v45 =	vld [tilespmem:s2+$0x8000]  }
0x3fd: {  	v0 =	vmul.f32 v0, v1;
	_ =	sdelay $0x1  }
0x3fe: {  	v46 =	vsub.f32 $1.500000000e+00, v0  }
0x3ff: {  	v47 =	vld [tilespmem:$0x10000];
	v0 =	vmov s11  }
0x400: {  	v2 =	vsub.f32 v45, v0;
	v1 =	vmul.f32 v46, v1  }
0x401: {  	v48 =	vld [tilespmem:$0x10400]  }
0x402: {  	v2 =	vmul.f32 v1, v2;
	_ =	sdelay $0x1  }
0x403: {  	v2 =	vmul.f32 v2, v47  }
0x404: {  	v49 =	vld [tilespmem:s2+$0x8010]  }
0x405: {  	v2 =	vadd.f32 v2, v48;
	_ =	sdelay $0x1  }
0x406: {  	[tilespmem:s2+$0x8000] =	vst v2  }
0x407: {  	v2 =	vld [tilespmem:$0x10010]  }
0x408: {  	v50 =	vsub.f32 v49, v0  }
0x409: {  	v51 =	vld [tilespmem:$0x10410]  }
0x40a: {  	v3 =	vmul.f32 v1, v50;
	_ =	sdelay $0x1  }
0x40b: {  	v2 =	vmul.f32 v3, v2  }
0x40c: {  	v52 =	vld [tilespmem:s2+$0x8020]  }
0x40d: {  	v2 =	vadd.f32 v2, v51;
	_ =	sdelay $0x1  }
0x40e: {  	[tilespmem:s2+$0x8010] =	vst v2  }
0x40f: {  	v2 =	vld [tilespmem:$0x10020]  }
0x410: {  	v3 =	vsub.f32 v52, v0  }
0x411: {  	v53 =	vld [tilespmem:$0x10420]  }
0x412: {  	v3 =	vmul.f32 v1, v3;
	_ =	sdelay $0x1  }
0x413: {  	v2 =	vmul.f32 v3, v2  }
0x414: {  	v54 =	vld [tilespmem:s2+$0x8030]  }
0x415: {  	v2 =	vadd.f32 v2, v53;
	_ =	sdelay $0x1  }
0x416: {  	[tilespmem:s2+$0x8020] =	vst v2  }
0x417: {  	v2 =	vld [tilespmem:$0x10030]  }
0x418: {  	v3 =	vsub.f32 v54, v0  }
0x419: {  	v55 =	vld [tilespmem:$0x10430]  }
0x41a: {  	v3 =	vmul.f32 v1, v3;
	_ =	sdelay $0x1  }
0x41b: {  	v2 =	vmul.f32 v3, v2  }
0x41c: {  	v56 =	vld [tilespmem:s2+$0x8040]  }
0x41d: {  	v2 =	vadd.f32 v2, v55;
	_ =	sdelay $0x1  }
0x41e: {  	[tilespmem:s2+$0x8030] =	vst v2  }
0x41f: {  	v2 =	vld [tilespmem:$0x10040]  }
0x420: {  	v3 =	vsub.f32 v56, v0  }
0x421: {  	v57 =	vld [tilespmem:$0x10440]  }
0x422: {  	v3 =	vmul.f32 v1, v3;
	_ =	sdelay $0x1  }
0x423: {  	v2 =	vmul.f32 v3, v2  }
0x424: {  	v58 =	vld [tilespmem:s2+$0x8050]  }
0x425: {  	v2 =	vadd.f32 v2, v57;
	_ =	sdelay $0x1  }
0x426: {  	[tilespmem:s2+$0x8040] =	vst v2  }
0x427: {  	v2 =	vld [tilespmem:$0x10050]  }
0x428: {  	v3 =	vsub.f32 v58, v0  }
0x429: {  	v59 =	vld [tilespmem:$0x10450]  }
0x42a: {  	v3 =	vmul.f32 v1, v3;
	_ =	sdelay $0x1  }
0x42b: {  	v2 =	vmul.f32 v3, v2  }
0x42c: {  	v60 =	vld [tilespmem:s2+$0x8060]  }
0x42d: {  	v2 =	vadd.f32 v2, v59;
	_ =	sdelay $0x1  }
0x42e: {  	[tilespmem:s2+$0x8050] =	vst v2  }
0x42f: {  	v2 =	vld [tilespmem:$0x10060]  }
0x430: {  	v3 =	vsub.f32 v60, v0  }
0x431: {  	v61 =	vld [tilespmem:$0x10460]  }
0x432: {  	v3 =	vmul.f32 v1, v3;
	_ =	sdelay $0x1  }
0x433: {  	v2 =	vmul.f32 v3, v2  }
0x434: {  	v62 =	vld [tilespmem:s2+$0x8070]  }
0x435: {  	v2 =	vadd.f32 v2, v61;
	_ =	sdelay $0x1  }
0x436: {  	[tilespmem:s2+$0x8060] =	vst v2  }
0x437: {  	v2 =	vld [tilespmem:$0x10070]  }
0x438: {  	v3 =	vsub.f32 v62, v0  }
0x439: {  	v63 =	vld [tilespmem:$0x10470]  }
0x43a: {  	v3 =	vmul.f32 v3, v1;
	_ =	sdelay $0x1  }
0x43b: {  	v2 =	vmul.f32 v3, v2  }
0x43c: {  	v8 =	vld [tilespmem:s2+$0x8400]  }
0x43d: {  	v2 =	vadd.f32 v2, v63;
	_ =	sdelay $0x1  }
0x43e: {  	[tilespmem:s2+$0x8070] =	vst v2  }
0x43f: {  	v2 =	vld [tilespmem:$0x10080]  }
0x440: {  	v3 =	vsub.f32 v8, v0  }
0x441: {  	v9 =	vld [tilespmem:$0x10480]  }
0x442: {  	v3 =	vmul.f32 v3, v1;
	_ =	sdelay $0x1  }
0x443: {  	v2 =	vmul.f32 v3, v2  }
0x444: {  	v10 =	vld [tilespmem:s2+$0x8410]  }
0x445: {  	v2 =	vadd.f32 v2, v9;
	_ =	sdelay $0x1  }
0x446: {  	[tilespmem:s2+$0x8400] =	vst v2  }
0x447: {  	v2 =	vld [tilespmem:$0x10090]  }
0x448: {  	v3 =	vsub.f32 v10, v0  }
0x449: {  	v11 =	vld [tilespmem:$0x10490]  }
0x44a: {  	v3 =	vmul.f32 v3, v1;
	_ =	sdelay $0x1  }
0x44b: {  	v2 =	vmul.f32 v3, v2  }
0x44c: {  	v12 =	vld [tilespmem:s2+$0x8420]  }
0x44d: {  	v2 =	vadd.f32 v2, v11;
	_ =	sdelay $0x1  }
0x44e: {  	[tilespmem:s2+$0x8410] =	vst v2  }
0x44f: {  	v2 =	vld [tilespmem:$0x100A0]  }
0x450: {  	v3 =	vsub.f32 v12, v0  }
0x451: {  	v13 =	vld [tilespmem:$0x104A0]  }
0x452: {  	v3 =	vmul.f32 v3, v1;
	_ =	sdelay $0x1  }
0x453: {  	v2 =	vmul.f32 v3, v2  }
0x454: {  	v14 =	vld [tilespmem:s2+$0x8430]  }
0x455: {  	v2 =	vadd.f32 v2, v13;
	_ =	sdelay $0x1  }
0x456: {  	[tilespmem:s2+$0x8420] =	vst v2  }
0x457: {  	v2 =	vld [tilespmem:$0x100B0]  }
0x458: {  	v3 =	vsub.f32 v14, v0  }
0x459: {  	v15 =	vld [tilespmem:$0x104B0]  }
0x45a: {  	v3 =	vmul.f32 v3, v1;
	_ =	sdelay $0x1  }
0x45b: {  	v2 =	vmul.f32 v3, v2  }
0x45c: {  	v16 =	vld [tilespmem:s2+$0x8440]  }
0x45d: {  	v2 =	vadd.f32 v2, v15;
	_ =	sdelay $0x1  }
0x45e: {  	[tilespmem:s2+$0x8430] =	vst v2  }
0x45f: {  	v2 =	vld [tilespmem:$0x100C0]  }
0x460: {  	v3 =	vsub.f32 v16, v0  }
0x461: {  	v17 =	vld [tilespmem:$0x104C0]  }
0x462: {  	v3 =	vmul.f32 v3, v1;
	_ =	sdelay $0x1  }
0x463: {  	v2 =	vmul.f32 v3, v2  }
0x464: {  	v18 =	vld [tilespmem:s2+$0x8450]  }
0x465: {  	v2 =	vadd.f32 v2, v17;
	_ =	sdelay $0x1  }
0x466: {  	[tilespmem:s2+$0x8440] =	vst v2  }
0x467: {  	v2 =	vld [tilespmem:$0x100D0]  }
0x468: {  	v3 =	vsub.f32 v18, v0  }
0x469: {  	v19 =	vld [tilespmem:$0x104D0]  }
0x46a: {  	v3 =	vmul.f32 v3, v1;
	_ =	sdelay $0x1  }
0x46b: {  	v2 =	vmul.f32 v3, v2  }
0x46c: {  	v20 =	vld [tilespmem:s2+$0x8460]  }
0x46d: {  	v2 =	vadd.f32 v2, v19;
	_ =	sdelay $0x1  }
0x46e: {  	[tilespmem:s2+$0x8450] =	vst v2  }
0x46f: {  	v2 =	vld [tilespmem:$0x100E0]  }
0x470: {  	v3 =	vsub.f32 v20, v0  }
0x471: {  	v21 =	vld [tilespmem:$0x104E0]  }
0x472: {  	v3 =	vmul.f32 v3, v1;
	_ =	sdelay $0x1  }
0x473: {  	v2 =	vmul.f32 v3, v2  }
0x474: {  	v22 =	vld [tilespmem:s2+$0x8470]  }
0x475: {  	v2 =	vadd.f32 v2, v21;
	_ =	sdelay $0x1  }
0x476: {  	[tilespmem:s2+$0x8460] =	vst v2  }
0x477: {  	v2 =	vld [tilespmem:$0x100F0]  }
0x478: {  	v3 =	vsub.f32 v22, v0  }
0x479: {  	v23 =	vld [tilespmem:$0x104F0]  }
0x47a: {  	v3 =	vmul.f32 v3, v1;
	_ =	sdelay $0x1  }
0x47b: {  	v2 =	vmul.f32 v3, v2  }
0x47c: {  	v24 =	vld [tilespmem:s2+$0x8800]  }
0x47d: {  	v2 =	vadd.f32 v2, v23;
	_ =	sdelay $0x1  }
0x47e: {  	[tilespmem:s2+$0x8470] =	vst v2  }
0x47f: {  	v2 =	vld [tilespmem:$0x10100]  }
0x480: {  	v3 =	vsub.f32 v24, v0  }
0x481: {  	v25 =	vld [tilespmem:$0x10500]  }
0x482: {  	v3 =	vmul.f32 v3, v1;
	_ =	sdelay $0x1  }
0x483: {  	v2 =	vmul.f32 v3, v2  }
0x484: {  	v26 =	vld [tilespmem:s2+$0x8810]  }
0x485: {  	v2 =	vadd.f32 v2, v25;
	_ =	sdelay $0x1  }
0x486: {  	[tilespmem:s2+$0x8800] =	vst v2  }
0x487: {  	v2 =	vld [tilespmem:$0x10110]  }
0x488: {  	v3 =	vsub.f32 v26, v0  }
0x489: {  	v27 =	vld [tilespmem:$0x10510]  }
0x48a: {  	v3 =	vmul.f32 v3, v1;
	_ =	sdelay $0x1  }
0x48b: {  	v2 =	vmul.f32 v3, v2  }
0x48c: {  	v28 =	vld [tilespmem:s2+$0x8820]  }
0x48d: {  	v2 =	vadd.f32 v2, v27;
	_ =	sdelay $0x1  }
0x48e: {  	[tilespmem:s2+$0x8810] =	vst v2  }
0x48f: {  	v2 =	vld [tilespmem:$0x10120]  }
0x490: {  	v3 =	vsub.f32 v28, v0  }
0x491: {  	v29 =	vld [tilespmem:$0x10520]  }
0x492: {  	v3 =	vmul.f32 v3, v1;
	_ =	sdelay $0x1  }
0x493: {  	v2 =	vmul.f32 v3, v2  }
0x494: {  	v30 =	vld [tilespmem:s2+$0x8830]  }
0x495: {  	v2 =	vadd.f32 v2, v29;
	_ =	sdelay $0x1  }
0x496: {  	[tilespmem:s2+$0x8820] =	vst v2  }
0x497: {  	v2 =	vld [tilespmem:$0x10130]  }
0x498: {  	v3 =	vsub.f32 v30, v0  }
0x499: {  	v31 =	vld [tilespmem:$0x10530]  }
0x49a: {  	v3 =	vmul.f32 v3, v1;
	_ =	sdelay $0x1  }
0x49b: {  	v2 =	vmul.f32 v3, v2  }
0x49c: {  	v32 =	vld [tilespmem:s2+$0x8840]  }
0x49d: {  	v2 =	vadd.f32 v2, v31;
	_ =	sdelay $0x1  }
0x49e: {  	[tilespmem:s2+$0x8830] =	vst v2  }
0x49f: {  	v2 =	vld [tilespmem:$0x10140]  }
0x4a0: {  	v3 =	vsub.f32 v32, v0  }
0x4a1: {  	v33 =	vld [tilespmem:$0x10540]  }
0x4a2: {  	v3 =	vmul.f32 v3, v1;
	_ =	sdelay $0x1  }
0x4a3: {  	v2 =	vmul.f32 v3, v2  }
0x4a4: {  	v34 =	vld [tilespmem:s2+$0x8850]  }
0x4a5: {  	v2 =	vadd.f32 v2, v33;
	_ =	sdelay $0x1  }
0x4a6: {  	[tilespmem:s2+$0x8840] =	vst v2  }
0x4a7: {  	v2 =	vld [tilespmem:$0x10150]  }
0x4a8: {  	v3 =	vsub.f32 v34, v0  }
0x4a9: {  	v35 =	vld [tilespmem:$0x10550]  }
0x4aa: {  	v3 =	vmul.f32 v3, v1;
	_ =	sdelay $0x1  }
0x4ab: {  	v2 =	vmul.f32 v3, v2  }
0x4ac: {  	v36 =	vld [tilespmem:s2+$0x8860]  }
0x4ad: {  	v2 =	vadd.f32 v2, v35;
	_ =	sdelay $0x1  }
0x4ae: {  	[tilespmem:s2+$0x8850] =	vst v2  }
0x4af: {  	v2 =	vld [tilespmem:$0x10160]  }
0x4b0: {  	v3 =	vsub.f32 v36, v0  }
0x4b1: {  	v37 =	vld [tilespmem:$0x10560]  }
0x4b2: {  	v3 =	vmul.f32 v3, v1;
	_ =	sdelay $0x1  }
0x4b3: {  	v2 =	vmul.f32 v3, v2  }
0x4b4: {  	v38 =	vld [tilespmem:s2+$0x8870]  }
0x4b5: {  	v2 =	vadd.f32 v2, v37;
	_ =	sdelay $0x1  }
0x4b6: {  	[tilespmem:s2+$0x8860] =	vst v2  }
0x4b7: {  	v2 =	vld [tilespmem:$0x10170]  }
0x4b8: {  	v3 =	vsub.f32 v38, v0  }
0x4b9: {  	v39 =	vld [tilespmem:$0x10570]  }
0x4ba: {  	v3 =	vmul.f32 v3, v1;
	_ =	sdelay $0x1  }
0x4bb: {  	v2 =	vmul.f32 v3, v2  }
0x4bc: {  	v40 =	vld [tilespmem:s2+$0x8C00]  }
0x4bd: {  	v2 =	vadd.f32 v2, v39;
	_ =	sdelay $0x1  }
0x4be: {  	[tilespmem:s2+$0x8870] =	vst v2  }
0x4bf: {  	v2 =	vld [tilespmem:$0x10180]  }
0x4c0: {  	v3 =	vsub.f32 v40, v0  }
0x4c1: {  	v41 =	vld [tilespmem:$0x10580]  }
0x4c2: {  	v3 =	vmul.f32 v3, v1;
	_ =	sdelay $0x1  }
0x4c3: {  	v2 =	vmul.f32 v3, v2  }
0x4c4: {  	v42 =	vld [tilespmem:s2+$0x8C10]  }
0x4c5: {  	v2 =	vadd.f32 v2, v41;
	_ =	sdelay $0x1  }
0x4c6: {  	[tilespmem:s2+$0x8C00] =	vst v2  }
0x4c7: {  	v2 =	vld [tilespmem:$0x10190]  }
0x4c8: {  	v3 =	vsub.f32 v42, v0  }
0x4c9: {  	v43 =	vld [tilespmem:$0x10590]  }
0x4ca: {  	v3 =	vmul.f32 v3, v1;
	_ =	sdelay $0x1  }
0x4cb: {  	v2 =	vmul.f32 v3, v2  }
0x4cc: {  	v44 =	vld [tilespmem:s2+$0x8C20]  }
0x4cd: {  	v2 =	vadd.f32 v2, v43;
	_ =	sdelay $0x1  }
0x4ce: {  	[tilespmem:s2+$0x8C10] =	vst v2  }
0x4cf: {  	v2 =	vld [tilespmem:$0x101A0]  }
0x4d0: {  	v3 =	vsub.f32 v44, v0  }
0x4d1: {  	v45 =	vld [tilespmem:$0x105A0]  }
0x4d2: {  	v3 =	vmul.f32 v3, v1;
	_ =	sdelay $0x1  }
0x4d3: {  	v2 =	vmul.f32 v3, v2  }
0x4d4: {  	v46 =	vld [tilespmem:s2+$0x8C30]  }
0x4d5: {  	v2 =	vadd.f32 v2, v45;
	_ =	sdelay $0x1  }
0x4d6: {  	[tilespmem:s2+$0x8C20] =	vst v2  }
0x4d7: {  	v2 =	vld [tilespmem:$0x101B0]  }
0x4d8: {  	v3 =	vsub.f32 v46, v0  }
0x4d9: {  	v47 =	vld [tilespmem:$0x105B0]  }
0x4da: {  	v3 =	vmul.f32 v3, v1;
	_ =	sdelay $0x1  }
0x4db: {  	v2 =	vmul.f32 v3, v2  }
0x4dc: {  	v48 =	vld [tilespmem:s2+$0x8C40]  }
0x4dd: {  	v2 =	vadd.f32 v2, v47;
	_ =	sdelay $0x1  }
0x4de: {  	[tilespmem:s2+$0x8C30] =	vst v2  }
0x4df: {  	v2 =	vld [tilespmem:$0x101C0]  }
0x4e0: {  	v3 =	vsub.f32 v48, v0  }
0x4e1: {  	v49 =	vld [tilespmem:$0x105C0]  }
0x4e2: {  	v3 =	vmul.f32 v3, v1;
	_ =	sdelay $0x1  }
0x4e3: {  	v2 =	vmul.f32 v3, v2  }
0x4e4: {  	v50 =	vld [tilespmem:s2+$0x8C50]  }
0x4e5: {  	v2 =	vadd.f32 v2, v49;
	_ =	sdelay $0x1  }
0x4e6: {  	[tilespmem:s2+$0x8C40] =	vst v2  }
0x4e7: {  	v2 =	vld [tilespmem:$0x101D0]  }
0x4e8: {  	v3 =	vsub.f32 v50, v0  }
0x4e9: {  	v51 =	vld [tilespmem:$0x105D0]  }
0x4ea: {  	v3 =	vmul.f32 v3, v1;
	_ =	sdelay $0x1  }
0x4eb: {  	v2 =	vmul.f32 v3, v2  }
0x4ec: {  	v52 =	vld [tilespmem:s2+$0x8C60]  }
0x4ed: {  	v2 =	vadd.f32 v2, v51;
	_ =	sdelay $0x1  }
0x4ee: {  	[tilespmem:s2+$0x8C50] =	vst v2  }
0x4ef: {  	v2 =	vld [tilespmem:$0x101E0]  }
0x4f0: {  	v3 =	vsub.f32 v52, v0  }
0x4f1: {  	v53 =	vld [tilespmem:$0x105E0]  }
0x4f2: {  	v3 =	vmul.f32 v3, v1;
	_ =	sdelay $0x1  }
0x4f3: {  	v2 =	vmul.f32 v3, v2  }
0x4f4: {  	v54 =	vld [tilespmem:s2+$0x8C70]  }
0x4f5: {  	v2 =	vadd.f32 v2, v53;
	_ =	sdelay $0x1  }
0x4f6: {  	[tilespmem:s2+$0x8C60] =	vst v2  }
0x4f7: {  	v2 =	vld [tilespmem:$0x101F0]  }
0x4f8: {  	v3 =	vsub.f32 v54, v0  }
0x4f9: {  	v55 =	vld [tilespmem:$0x105F0]  }
0x4fa: {  	v3 =	vmul.f32 v3, v1;
	_ =	sdelay $0x1  }
0x4fb: {  	v2 =	vmul.f32 v3, v2  }
0x4fc: {  	v56 =	vld [tilespmem:s2+$0x9000]  }
0x4fd: {  	v2 =	vadd.f32 v2, v55;
	_ =	sdelay $0x1  }
0x4fe: {  	[tilespmem:s2+$0x8C70] =	vst v2  }
0x4ff: {  	v2 =	vld [tilespmem:$0x10200]  }
0x500: {  	v3 =	vsub.f32 v56, v0  }
0x501: {  	v57 =	vld [tilespmem:$0x10600]  }
0x502: {  	v3 =	vmul.f32 v3, v1;
	_ =	sdelay $0x1  }
0x503: {  	v2 =	vmul.f32 v3, v2  }
0x504: {  	v58 =	vld [tilespmem:s2+$0x9010]  }
0x505: {  	v2 =	vadd.f32 v2, v57;
	_ =	sdelay $0x1  }
0x506: {  	[tilespmem:s2+$0x9000] =	vst v2  }
0x507: {  	v2 =	vld [tilespmem:$0x10210]  }
0x508: {  	v3 =	vsub.f32 v58, v0  }
0x509: {  	v59 =	vld [tilespmem:$0x10610]  }
0x50a: {  	v3 =	vmul.f32 v3, v1;
	_ =	sdelay $0x1  }
0x50b: {  	v2 =	vmul.f32 v3, v2  }
0x50c: {  	v60 =	vld [tilespmem:s2+$0x9020]  }
0x50d: {  	v2 =	vadd.f32 v2, v59;
	_ =	sdelay $0x1  }
0x50e: {  	[tilespmem:s2+$0x9010] =	vst v2  }
0x50f: {  	v2 =	vld [tilespmem:$0x10220]  }
0x510: {  	v3 =	vsub.f32 v60, v0  }
0x511: {  	v61 =	vld [tilespmem:$0x10620]  }
0x512: {  	v3 =	vmul.f32 v3, v1;
	_ =	sdelay $0x1  }
0x513: {  	v2 =	vmul.f32 v3, v2  }
0x514: {  	v62 =	vld [tilespmem:s2+$0x9030]  }
0x515: {  	v2 =	vadd.f32 v2, v61;
	_ =	sdelay $0x1  }
0x516: {  	[tilespmem:s2+$0x9020] =	vst v2  }
0x517: {  	v2 =	vld [tilespmem:$0x10230]  }
0x518: {  	v3 =	vsub.f32 v62, v0  }
0x519: {  	v63 =	vld [tilespmem:$0x10630]  }
0x51a: {  	v3 =	vmul.f32 v3, v1;
	_ =	sdelay $0x1  }
0x51b: {  	v2 =	vmul.f32 v3, v2  }
0x51c: {  	v8 =	vld [tilespmem:s2+$0x9040]  }
0x51d: {  	v2 =	vadd.f32 v2, v63;
	_ =	sdelay $0x1  }
0x51e: {  	[tilespmem:s2+$0x9030] =	vst v2  }
0x51f: {  	v2 =	vld [tilespmem:$0x10240]  }
0x520: {  	v3 =	vsub.f32 v8, v0  }
0x521: {  	v9 =	vld [tilespmem:$0x10640]  }
0x522: {  	v3 =	vmul.f32 v3, v1;
	_ =	sdelay $0x1  }
0x523: {  	v2 =	vmul.f32 v3, v2  }
0x524: {  	v10 =	vld [tilespmem:s2+$0x9050]  }
0x525: {  	v2 =	vadd.f32 v2, v9;
	_ =	sdelay $0x1  }
0x526: {  	[tilespmem:s2+$0x9040] =	vst v2  }
0x527: {  	v2 =	vld [tilespmem:$0x10250]  }
0x528: {  	v3 =	vsub.f32 v10, v0  }
0x529: {  	v11 =	vld [tilespmem:$0x10650]  }
0x52a: {  	v3 =	vmul.f32 v3, v1;
	_ =	sdelay $0x1  }
0x52b: {  	v2 =	vmul.f32 v3, v2  }
0x52c: {  	v12 =	vld [tilespmem:s2+$0x9060]  }
0x52d: {  	v2 =	vadd.f32 v2, v11;
	_ =	sdelay $0x1  }
0x52e: {  	[tilespmem:s2+$0x9050] =	vst v2  }
0x52f: {  	v2 =	vld [tilespmem:$0x10260]  }
0x530: {  	v3 =	vsub.f32 v12, v0  }
0x531: {  	v13 =	vld [tilespmem:$0x10660]  }
0x532: {  	v3 =	vmul.f32 v3, v1;
	_ =	sdelay $0x1  }
0x533: {  	v2 =	vmul.f32 v3, v2  }
0x534: {  	v14 =	vld [tilespmem:s2+$0x9070]  }
0x535: {  	v2 =	vadd.f32 v2, v13;
	_ =	sdelay $0x1  }
0x536: {  	[tilespmem:s2+$0x9060] =	vst v2  }
0x537: {  	v2 =	vld [tilespmem:$0x10270]  }
0x538: {  	v3 =	vsub.f32 v14, v0  }
0x539: {  	v15 =	vld [tilespmem:$0x10670]  }
0x53a: {  	v3 =	vmul.f32 v3, v1;
	_ =	sdelay $0x1  }
0x53b: {  	v2 =	vmul.f32 v3, v2  }
0x53c: {  	v16 =	vld [tilespmem:s2+$0x9400]  }
0x53d: {  	v2 =	vadd.f32 v2, v15;
	_ =	sdelay $0x1  }
0x53e: {  	[tilespmem:s2+$0x9070] =	vst v2  }
0x53f: {  	v2 =	vld [tilespmem:$0x10280]  }
0x540: {  	v3 =	vsub.f32 v16, v0  }
0x541: {  	v17 =	vld [tilespmem:$0x10680]  }
0x542: {  	v3 =	vmul.f32 v3, v1;
	_ =	sdelay $0x1  }
0x543: {  	v2 =	vmul.f32 v3, v2  }
0x544: {  	v18 =	vld [tilespmem:s2+$0x9410]  }
0x545: {  	v2 =	vadd.f32 v2, v17;
	_ =	sdelay $0x1  }
0x546: {  	[tilespmem:s2+$0x9400] =	vst v2  }
0x547: {  	v2 =	vld [tilespmem:$0x10290]  }
0x548: {  	v3 =	vsub.f32 v18, v0  }
0x549: {  	v19 =	vld [tilespmem:$0x10690]  }
0x54a: {  	v3 =	vmul.f32 v3, v1;
	_ =	sdelay $0x1  }
0x54b: {  	v2 =	vmul.f32 v3, v2  }
0x54c: {  	v20 =	vld [tilespmem:s2+$0x9420]  }
0x54d: {  	v2 =	vadd.f32 v2, v19;
	_ =	sdelay $0x1  }
0x54e: {  	[tilespmem:s2+$0x9410] =	vst v2  }
0x54f: {  	v2 =	vld [tilespmem:$0x102A0]  }
0x550: {  	v3 =	vsub.f32 v20, v0  }
0x551: {  	v21 =	vld [tilespmem:$0x106A0]  }
0x552: {  	v3 =	vmul.f32 v3, v1;
	_ =	sdelay $0x1  }
0x553: {  	v2 =	vmul.f32 v3, v2  }
0x554: {  	v22 =	vld [tilespmem:s2+$0x9430]  }
0x555: {  	v2 =	vadd.f32 v2, v21;
	_ =	sdelay $0x1  }
0x556: {  	[tilespmem:s2+$0x9420] =	vst v2  }
0x557: {  	v2 =	vld [tilespmem:$0x102B0]  }
0x558: {  	v3 =	vsub.f32 v22, v0  }
0x559: {  	v23 =	vld [tilespmem:$0x106B0]  }
0x55a: {  	v3 =	vmul.f32 v3, v1;
	_ =	sdelay $0x1  }
0x55b: {  	v2 =	vmul.f32 v3, v2  }
0x55c: {  	v24 =	vld [tilespmem:s2+$0x9440]  }
0x55d: {  	v2 =	vadd.f32 v2, v23;
	_ =	sdelay $0x1  }
0x55e: {  	[tilespmem:s2+$0x9430] =	vst v2  }
0x55f: {  	v2 =	vld [tilespmem:$0x102C0]  }
0x560: {  	v3 =	vsub.f32 v24, v0  }
0x561: {  	v25 =	vld [tilespmem:$0x106C0]  }
0x562: {  	v3 =	vmul.f32 v3, v1;
	_ =	sdelay $0x1  }
0x563: {  	v2 =	vmul.f32 v3, v2  }
0x564: {  	v26 =	vld [tilespmem:s2+$0x9450]  }
0x565: {  	v2 =	vadd.f32 v2, v25;
	_ =	sdelay $0x1  }
0x566: {  	[tilespmem:s2+$0x9440] =	vst v2  }
0x567: {  	v2 =	vld [tilespmem:$0x102D0]  }
0x568: {  	v3 =	vsub.f32 v26, v0  }
0x569: {  	v27 =	vld [tilespmem:$0x106D0]  }
0x56a: {  	v3 =	vmul.f32 v3, v1;
	_ =	sdelay $0x1  }
0x56b: {  	v2 =	vmul.f32 v3, v2  }
0x56c: {  	v28 =	vld [tilespmem:s2+$0x9460]  }
0x56d: {  	v2 =	vadd.f32 v2, v27;
	_ =	sdelay $0x1  }
0x56e: {  	[tilespmem:s2+$0x9450] =	vst v2  }
0x56f: {  	v2 =	vld [tilespmem:$0x102E0]  }
0x570: {  	v3 =	vsub.f32 v28, v0  }
0x571: {  	v29 =	vld [tilespmem:$0x106E0]  }
0x572: {  	v3 =	vmul.f32 v3, v1;
	_ =	sdelay $0x1  }
0x573: {  	v2 =	vmul.f32 v3, v2  }
0x574: {  	v30 =	vld [tilespmem:s2+$0x9470]  }
0x575: {  	v2 =	vadd.f32 v2, v29;
	_ =	sdelay $0x1  }
0x576: {  	[tilespmem:s2+$0x9460] =	vst v2  }
0x577: {  	v2 =	vld [tilespmem:$0x102F0]  }
0x578: {  	v3 =	vsub.f32 v30, v0  }
0x579: {  	v31 =	vld [tilespmem:$0x106F0]  }
0x57a: {  	v3 =	vmul.f32 v3, v1;
	_ =	sdelay $0x1  }
0x57b: {  	v2 =	vmul.f32 v3, v2  }
0x57c: {  	v32 =	vld [tilespmem:s2+$0x9800]  }
0x57d: {  	v2 =	vadd.f32 v2, v31;
	_ =	sdelay $0x1  }
0x57e: {  	[tilespmem:s2+$0x9470] =	vst v2  }
0x57f: {  	v2 =	vld [tilespmem:$0x10300]  }
0x580: {  	v3 =	vsub.f32 v32, v0  }
0x581: {  	v33 =	vld [tilespmem:$0x10700]  }
0x582: {  	v3 =	vmul.f32 v3, v1;
	_ =	sdelay $0x1  }
0x583: {  	v2 =	vmul.f32 v3, v2  }
0x584: {  	v34 =	vld [tilespmem:s2+$0x9810]  }
0x585: {  	v2 =	vadd.f32 v2, v33;
	_ =	sdelay $0x1  }
0x586: {  	[tilespmem:s2+$0x9800] =	vst v2  }
0x587: {  	v2 =	vld [tilespmem:$0x10310]  }
0x588: {  	v3 =	vsub.f32 v34, v0  }
0x589: {  	v35 =	vld [tilespmem:$0x10710]  }
0x58a: {  	v3 =	vmul.f32 v3, v1;
	_ =	sdelay $0x1  }
0x58b: {  	v2 =	vmul.f32 v3, v2  }
0x58c: {  	v36 =	vld [tilespmem:s2+$0x9820]  }
0x58d: {  	v2 =	vadd.f32 v2, v35;
	_ =	sdelay $0x1  }
0x58e: {  	[tilespmem:s2+$0x9810] =	vst v2  }
0x58f: {  	v2 =	vld [tilespmem:$0x10320]  }
0x590: {  	v3 =	vsub.f32 v36, v0  }
0x591: {  	v37 =	vld [tilespmem:$0x10720]  }
0x592: {  	v3 =	vmul.f32 v3, v1;
	_ =	sdelay $0x1  }
0x593: {  	v2 =	vmul.f32 v3, v2  }
0x594: {  	v38 =	vld [tilespmem:s2+$0x9830]  }
0x595: {  	v2 =	vadd.f32 v2, v37;
	_ =	sdelay $0x1  }
0x596: {  	[tilespmem:s2+$0x9820] =	vst v2  }
0x597: {  	v2 =	vld [tilespmem:$0x10330]  }
0x598: {  	v3 =	vsub.f32 v38, v0  }
0x599: {  	v39 =	vld [tilespmem:$0x10730]  }
0x59a: {  	v3 =	vmul.f32 v3, v1;
	_ =	sdelay $0x1  }
0x59b: {  	v2 =	vmul.f32 v3, v2  }
0x59c: {  	v40 =	vld [tilespmem:s2+$0x9840]  }
0x59d: {  	v2 =	vadd.f32 v2, v39;
	_ =	sdelay $0x1  }
0x59e: {  	[tilespmem:s2+$0x9830] =	vst v2  }
0x59f: {  	v2 =	vld [tilespmem:$0x10340]  }
0x5a0: {  	v3 =	vsub.f32 v40, v0  }
0x5a1: {  	v41 =	vld [tilespmem:$0x10740]  }
0x5a2: {  	v3 =	vmul.f32 v3, v1;
	_ =	sdelay $0x1  }
0x5a3: {  	v2 =	vmul.f32 v3, v2  }
0x5a4: {  	v42 =	vld [tilespmem:s2+$0x9850]  }
0x5a5: {  	v2 =	vadd.f32 v2, v41;
	_ =	sdelay $0x1  }
0x5a6: {  	[tilespmem:s2+$0x9840] =	vst v2  }
0x5a7: {  	v2 =	vld [tilespmem:$0x10350]  }
0x5a8: {  	v3 =	vsub.f32 v42, v0  }
0x5a9: {  	v43 =	vld [tilespmem:$0x10750]  }
0x5aa: {  	v3 =	vmul.f32 v3, v1;
	_ =	sdelay $0x1  }
0x5ab: {  	v2 =	vmul.f32 v3, v2  }
0x5ac: {  	v44 =	vld [tilespmem:s2+$0x9860]  }
0x5ad: {  	v2 =	vadd.f32 v2, v43;
	_ =	sdelay $0x1  }
0x5ae: {  	[tilespmem:s2+$0x9850] =	vst v2  }
0x5af: {  	v2 =	vld [tilespmem:$0x10360]  }
0x5b0: {  	v3 =	vsub.f32 v44, v0  }
0x5b1: {  	v45 =	vld [tilespmem:$0x10760]  }
0x5b2: {  	v3 =	vmul.f32 v3, v1;
	_ =	sdelay $0x1  }
0x5b3: {  	v2 =	vmul.f32 v3, v2  }
0x5b4: {  	v46 =	vld [tilespmem:s2+$0x9870]  }
0x5b5: {  	v2 =	vadd.f32 v2, v45;
	_ =	sdelay $0x1  }
0x5b6: {  	[tilespmem:s2+$0x9860] =	vst v2  }
0x5b7: {  	v2 =	vld [tilespmem:$0x10370]  }
0x5b8: {  	v3 =	vsub.f32 v46, v0  }
0x5b9: {  	v47 =	vld [tilespmem:$0x10770]  }
0x5ba: {  	v3 =	vmul.f32 v3, v1;
	_ =	sdelay $0x1  }
0x5bb: {  	v2 =	vmul.f32 v3, v2;
	_ =	sdelay $0x1  }
0x5bc: {  	v2 =	vadd.f32 v2, v47;
	_ =	sdelay $0x1  }
0x5bd: {  	[tilespmem:s2+$0x9870] =	vst v2  }
0x5be: {  	v2 =	vld [tilespmem:s3+$0x8000];
	_ =	sdelay $0x3  }
0x5bf: {  	v48 =	vld [tilespmem:$0x10380]  }
0x5c0: {  	v2 =	vsub.f32 v2, v0  }
0x5c1: {  	v49 =	vld [tilespmem:$0x10780]  }
0x5c2: {  	v2 =	vmul.f32 v2, v1;
	_ =	sdelay $0x1  }
0x5c3: {  	v2 =	vmul.f32 v2, v48;
	_ =	sdelay $0x1  }
0x5c4: {  	v2 =	vadd.f32 v2, v49;
	_ =	sdelay $0x1  }
0x5c5: {  	[tilespmem:s3+$0x8000] =	vst v2  }
0x5c6: {  	v2 =	vld [tilespmem:s16+$0x8000];
	_ =	sdelay $0x3  }
0x5c7: {  	v50 =	vld [tilespmem:$0x10390]  }
0x5c8: {  	v2 =	vsub.f32 v2, v0  }
0x5c9: {  	v51 =	vld [tilespmem:$0x10790]  }
0x5ca: {  	v2 =	vmul.f32 v2, v1;
	_ =	sdelay $0x1  }
0x5cb: {  	v2 =	vmul.f32 v2, v50;
	_ =	sdelay $0x1  }
0x5cc: {  	v2 =	vadd.f32 v2, v51;
	_ =	sdelay $0x1  }
0x5cd: {  	[tilespmem:s16+$0x8000] =	vst v2  }
0x5ce: {  	v2 =	vld [tilespmem:s18+$0x8000];
	_ =	sdelay $0x3  }
0x5cf: {  	v52 =	vld [tilespmem:$0x103A0]  }
0x5d0: {  	v2 =	vsub.f32 v2, v0  }
0x5d1: {  	v53 =	vld [tilespmem:$0x107A0]  }
0x5d2: {  	v2 =	vmul.f32 v2, v1;
	_ =	sdelay $0x1  }
0x5d3: {  	v2 =	vmul.f32 v2, v52;
	_ =	sdelay $0x1  }
0x5d4: {  	v2 =	vadd.f32 v2, v53;
	_ =	sdelay $0x1  }
0x5d5: {  	[tilespmem:s18+$0x8000] =	vst v2  }
0x5d6: {  	v2 =	vld [tilespmem:s19+$0x8000];
	_ =	sdelay $0x3  }
0x5d7: {  	v54 =	vld [tilespmem:$0x103B0]  }
0x5d8: {  	v2 =	vsub.f32 v2, v0  }
0x5d9: {  	v55 =	vld [tilespmem:$0x107B0]  }
0x5da: {  	v2 =	vmul.f32 v2, v1;
	_ =	sdelay $0x1  }
0x5db: {  	v2 =	vmul.f32 v2, v54;
	_ =	sdelay $0x1  }
0x5dc: {  	v2 =	vadd.f32 v2, v55;
	_ =	sdelay $0x1  }
0x5dd: {  	[tilespmem:s19+$0x8000] =	vst v2  }
0x5de: {  	v2 =	vld [tilespmem:s12+$0x8000];
	_ =	sdelay $0x3  }
0x5df: {  	v56 =	vld [tilespmem:$0x103C0]  }
0x5e0: {  	v2 =	vsub.f32 v2, v0  }
0x5e1: {  	v57 =	vld [tilespmem:$0x107C0]  }
0x5e2: {  	v2 =	vmul.f32 v2, v1;
	_ =	sdelay $0x1  }
0x5e3: {  	v2 =	vmul.f32 v2, v56;
	_ =	sdelay $0x1  }
0x5e4: {  	v2 =	vadd.f32 v2, v57;
	_ =	sdelay $0x1  }
0x5e5: {  	[tilespmem:s12+$0x8000] =	vst v2  }
0x5e6: {  	v2 =	vld [tilespmem:s13+$0x8000];
	_ =	sdelay $0x3  }
0x5e7: {  	v58 =	vld [tilespmem:$0x103D0]  }
0x5e8: {  	v2 =	vsub.f32 v2, v0  }
0x5e9: {  	v59 =	vld [tilespmem:$0x107D0]  }
0x5ea: {  	v2 =	vmul.f32 v2, v1;
	_ =	sdelay $0x1  }
0x5eb: {  	v2 =	vmul.f32 v2, v58;
	_ =	sdelay $0x1  }
0x5ec: {  	v2 =	vadd.f32 v2, v59;
	_ =	sdelay $0x1  }
0x5ed: {  	[tilespmem:s13+$0x8000] =	vst v2  }
0x5ee: {  	v2 =	vld [tilespmem:s15+$0x8000];
	_ =	sdelay $0x3  }
0x5ef: {  	v60 =	vld [tilespmem:$0x103E0]  }
0x5f0: {  	v2 =	vsub.f32 v2, v0  }
0x5f1: {  	v61 =	vld [tilespmem:$0x107E0]  }
0x5f2: {  	v2 =	vmul.f32 v2, v1;
	_ =	sdelay $0x1  }
0x5f3: {  	v2 =	vmul.f32 v2, v60;
	_ =	sdelay $0x1  }
0x5f4: {  	v2 =	vadd.f32 v2, v61;
	_ =	sdelay $0x1  }
0x5f5: {  	[tilespmem:s15+$0x8000] =	vst v2  }
0x5f6: {  	v2 =	vld [tilespmem:s10+$0x8000];
	_ =	sdelay $0x3  }
0x5f7: {  	v62 =	vld [tilespmem:$0x103F0]  }
0x5f8: {  	v0 =	vsub.f32 v2, v0  }
0x5f9: {  	v63 =	vld [tilespmem:$0x107F0]  }
0x5fa: {  	v0 =	vmul.f32 v0, v1  }
0x5fb: {  	p1 =	sne.s32 s4, $0x780  }
.Ltmp3:
0x5fc: {  	v0 =	vmul.f32 v0, v62;
	(pc) =	sbr.rel @p1 .LBB2_5-.Ltmp3, $4  }
0x5fd: {  	_ = 	snop  }
0x5fe: {  	v0 =	vadd.f32 v0, v63  }
0x5ff: {  	s30 =	sadd.s32 $0x1, s30  }
0x600: {  	s31 =	sadd.s32 $0x400, s31;
	s4 =	sadd.s32 $0x80, s4;
	s0 =	sadd.s32 $0x400, s0;
	[tilespmem:s10+$0x8000] =	vst v0  }
.Ltmp4:
0x601: {  	s0 =	sadd.s32 s29, s7;
	(pc) =	sbr.rel @p0 .LBB2_8-.Ltmp4, $4  }
0x602: {  	s0 =	sshll.u32 s0, $0x7  }
0x603: {  	s0 =	sadd.s32 s5, s0  }
0x604: {  	s0 =	sadd.s32 $0x800, s0  }
0x605: {  	[hbm4b:s0+s6] =	stream.linear.scatter [tilespmem:s20], [sflag:$0x4], $0x4000, $0x38;
	[tilespmem:$0x10800] =	vst v63  }
0x606: {  	s0 =	sadd.s32 $0x30, s29;
	_ =	swait.ge [sflag:s25], $0x4000  }
0x607: {  	s2 =	sadd.s32 s7, s0;
	[sflag:s25] =	ssyncset.done $0x0  }
.Ltmp5:
0x608: {  	s0 =	sadd.s32 s9, s0;
	s2 =	sshll.u32 s2, $0x7;
	(pc) =	sbr.rel .LBB2_2-.Ltmp5, $4  }
0x609: {  	[sflag:s25] =	ssyncadd.s32 $0xFFFFC000;
	s0 =	sshll.u32 s0, $0x7;
	s2 =	sadd.s32 s1, s2  }
0x60a: {  	[tilespmem:s20], [sflag:$0x2] =	stream.linear.gather [hbm4b:s2+s6], $0x4000, $0x38;
	[tilespmem:$0x10800] =	vst v63  }
0x60b: {  	s28 =	sadd.s32 $0x1, s28;
	s0 =	sadd.s32 s8, s0  }
0x60c: {  	[tilespmem:s21], [sflag:$0x2] =	stream.linear.gather [hbm4b:s0+s6], $0x4000, $0x38;
	[tilespmem:$0x10800] =	vst v63  }
.LBB2_9:
0x60d: {  	_ =	sfence.sel $0x180000  }
0x60e: {  	[bflag:$0x0] =	sbarrier.arrive $0xFFFF  }
0x60f: {  	_ =	strace $0x90000047  }
0x610: {  	s0 =	stileid.u32;
	[bflag:$0x2] =	sbarrier.arrive $0xFFFF  }
0x611: {  	p0 =	sne.s32 s0, $0x0;
	s0 =	rddreg [dreg:$0x5]  }
0x612: {  	s0 =	sadd.s32 @!p0 $0x100000, s0  }
0x613: {  	[sflag:s0] =	ssyncadd.tile.s32 @!p0 $0x1;
	_ =	shalt  }
.Lfunc_end2:
_tile_overlayer_lowered:
.L_overlay_start_2:
0x614: {  	(tag) =	ssettag $0x2  }
0x615: {  	s0 =	rddreg [dreg:$0x0];
	s2 =	stileid.u32  }
0x616: {  	s1 =	rddreg [dreg:$0x1];
	p0 =	sne.s32 s2, $0x0  }
0x617: {  	s3 =	rddreg [dreg:$0x2];
	[bflag:$0x3] =	sbarrier.arrive $0xFFFF;
	s2 =	simm.s32 @!p0 $0x1C05  }
0x618: {  	[timem:s3], [sflag:s2] =	dma.local @!p0 [hbm:s0], s1  }
0x619: {  	s0 =	simm.s32 @!p0 $0x5  }
0x61a: {  	_ =	swait.ge @!p0 [sflag:s0], s1  }
0x61b: {  	s1 =	ssub.s32 @!p0 $0x0, s1;
	[sflag:s0] =	ssyncset.done @!p0 $0x0  }
0x61c: {  	[sflag:s0] =	ssyncadd.s32 @!p0 s1  }
0x61d: {  	[bflag:$0x3] =	sbarrier.arrive $0xFFFF  }
0x61e: {  	_ =	shalt  }

</sc_bundles>
